<compile_context>
chip_gen: v7x
topology: tpu7x:2x2x1
jax: 0.10.2.dev20260603
libtpu: 0.0.44.dev20260713+nightly
codegen_flags: <defaults>
</compile_context>

<pallas_src>
import jax
import jax.numpy as jnp
from jax import lax
from jax.experimental import pallas as pl
from jax.experimental.pallas import tpu as pltpu
from jax.experimental.pallas import tpu_sc as plsc

N_NODE = 10000
D = 128
E = 320000
NEG_SLOPE = 0.2

NW = 32
K = 64
NCHUNK = 162
EPW = NCHUNK * K
EPAD = NW * EPW
NPAD = 10240
RPT = NPAD // 16


def _k1_body(xa_ref, xl_ref, wsrc_ref, wdst_ref, attS_ref, attD_ref,
             h_ref, as_ref, ad_ref):
    h = jnp.dot(xa_ref[...], wsrc_ref[...], preferred_element_type=jnp.float32)
    h_ref[...] = h
    as_ref[...] = jnp.sum(h * attS_ref[...], axis=1, keepdims=True)
    hd = jnp.dot(xl_ref[...], wdst_ref[...], preferred_element_type=jnp.float32)
    ad_ref[...] = jnp.sum(hd * attD_ref[...], axis=1, keepdims=True)


def _dense_pre(x_attr, x_label, W_src, W_dst, att_src, att_dst):
    blk = 1000
    grid = N_NODE // blk
    return pl.pallas_call(
        _k1_body,
        grid=(grid,),
        in_specs=[
            pl.BlockSpec((blk, D), lambda i: (i, 0)),
            pl.BlockSpec((blk, D), lambda i: (i, 0)),
            pl.BlockSpec((D, D), lambda i: (0, 0)),
            pl.BlockSpec((D, D), lambda i: (0, 0)),
            pl.BlockSpec((1, D), lambda i: (0, 0)),
            pl.BlockSpec((1, D), lambda i: (0, 0)),
        ],
        out_specs=[
            pl.BlockSpec((blk, D), lambda i: (i, 0)),
            pl.BlockSpec((blk, 1), lambda i: (i, 0)),
            pl.BlockSpec((blk, 1), lambda i: (i, 0)),
        ],
        out_shape=[
            jax.ShapeDtypeStruct((N_NODE, D), jnp.float32),
            jax.ShapeDtypeStruct((N_NODE, 1), jnp.float32),
            jax.ShapeDtypeStruct((N_NODE, 1), jnp.float32),
        ],
    )(x_attr, x_label, W_src, W_dst,
      att_src.reshape(1, D), att_dst.reshape(1, D))


def _sc_body(h_hbm, srcs_hbm, dsts_hbm, asrc_hbm, adst_hbm,
             out_hbm, den_hbm,
             src_ch, dst_ch, dst_sc, asrc_v, adst_v, e_buf, rows,
             den_stage, out_acc, den_acc, sem_i,
             sem_g0, sem_g1, sem_g2, sem_s0, sem_s1, sem_s2,
             sem_e0, sem_e1, sem_e2):
    cid = lax.axis_index("c")
    sid = lax.axis_index("s")
    wid = sid * 2 + cid
    z16 = jnp.zeros((16,), jnp.float32)
    sems_g = [sem_g0, sem_g1, sem_g2]
    sems_s = [sem_s0, sem_s1, sem_s2]
    sems_e = [sem_e0, sem_e1, sem_e2]

    pltpu.async_copy(asrc_hbm, asrc_v, sem_g0)
    pltpu.async_copy(adst_hbm, adst_v, sem_g0)

    @plsc.parallel_loop(0, K)
    def _zrow(r):
        for j in range(8):
            rows[0, r, pl.ds(j * 16, 16)] = z16

    @plsc.parallel_loop(0, RPT // 16)
    def _zden(i):
        den_stage[pl.ds(i * 16, 16)] = z16

    for k in range(RPT // K):
        pltpu.sync_copy(rows.at[0], out_acc.at[pl.ds(sid * RPT + k * K, K)])
    pltpu.sync_copy(den_stage, den_acc.at[pl.ds(sid * RPT, RPT)])
    pltpu.make_async_copy(asrc_hbm, asrc_v, sem_g0).wait()
    pltpu.make_async_copy(adst_hbm, adst_v, sem_g0).wait()
    plsc.subcore_barrier()

    def _stage_idx(c, p):
        pltpu.async_copy(srcs_hbm.at[wid, c], src_ch.at[p], sem_i)
        pltpu.async_copy(dsts_hbm.at[wid, c], dst_ch.at[p], sem_i)

    def _wait_idx(c, p):
        pltpu.make_async_copy(srcs_hbm.at[wid, c], src_ch.at[p], sem_i).wait()
        pltpu.make_async_copy(dsts_hbm.at[wid, c], dst_ch.at[p], sem_i).wait()

    def _start_gather(p):
        pltpu.async_copy(h_hbm.at[src_ch.at[p]], rows.at[p], sems_g[p])

    def _wait_gather(p):
        pltpu.make_async_copy(
            h_hbm.at[src_ch.at[p]], rows.at[p], sems_g[p]).wait()

    def _wait_scatter(p):
        pltpu.make_async_copy(
            rows.at[p], out_acc.at[dst_sc.at[p]], sems_s[p]).wait()

    def _wait_escatter(p):
        pltpu.make_async_copy(
            e_buf.at[p], den_acc.at[dst_sc.at[p]], sems_e[p]).wait()

    _stage_idx(0, 0)
    _wait_idx(0, 0)
    _start_gather(0)
    _stage_idx(1, 1)
    _wait_idx(1, 1)
    _start_gather(1)

    def _chunk(c, p):
        r2 = (p + 2) % 3

        @pl.when(c < NCHUNK - 2)
        def _():
            _stage_idx(c + 2, r2)

        @pl.when(c >= 3)
        def _():
            _wait_escatter(p)

        for j in range(K // 16):
            sv = src_ch[p, pl.ds(j * 16, 16)]
            dv = dst_ch[p, pl.ds(j * 16, 16)]
            a_s = plsc.load_gather(asrc_v, [sv])
            a_d = plsc.load_gather(adst_v, [dv])
            t = a_s + a_d
            alpha = jnp.where(t > 0, t, NEG_SLOPE * t)
            ev = jnp.exp(alpha)
            gid = (wid * EPW + c * K + j * 16) + lax.iota(jnp.int32, 16)
            ev = jnp.where(gid < E, ev, 0.0)
            e_buf[p, pl.ds(j * 16, 16)] = ev
            dst_sc[p, pl.ds(j * 16, 16)] = dv

        pltpu.async_copy(e_buf.at[p], den_acc.at[dst_sc.at[p]], sems_e[p],
                         add=True)
        _wait_gather(p)

        @plsc.parallel_loop(0, K, unroll=4)
        def _row(r):
            eb = plsc.load_gather(e_buf.at[p], [jnp.full((16,), r, jnp.int32)])
            for f in range(8):
                rows[p, r, pl.ds(f * 16, 16)] = (
                    rows[p, r, pl.ds(f * 16, 16)] * eb)

        @pl.when(c >= 1)
        def _():
            _wait_scatter(r2)

        @pl.when(c < NCHUNK - 2)
        def _():
            _wait_idx(c + 2, r2)
            _start_gather(r2)

        pltpu.async_copy(rows.at[p], out_acc.at[dst_sc.at[p]], sems_s[p],
                         add=True)

    def _triple(i, carry):
        c0 = i * 3
        _chunk(c0, 0)
        _chunk(c0 + 1, 1)
        _chunk(c0 + 2, 2)
        return carry
    lax.fori_loop(0, NCHUNK // 3, _triple, 0)

    _wait_scatter((NCHUNK - 1) % 3)
    for p in range(3):
        _wait_escatter(p)

    plsc.subcore_barrier()
    for k in range(RPT // K):
        r0 = sid * RPT + k * K
        pltpu.sync_copy(out_acc.at[pl.ds(r0, K)], rows.at[0])
        pltpu.sync_copy(rows.at[0], out_hbm.at[cid, pl.ds(r0, K)])
    pltpu.sync_copy(den_acc.at[pl.ds(sid * RPT, RPT)], den_stage)
    pltpu.sync_copy(den_stage, den_hbm.at[cid, pl.ds(sid * RPT, RPT)])


def _sc_aggregate(h_src, srcs, dsts, a_src, a_dst):
    mesh = plsc.VectorSubcoreMesh(core_axis_name="c", subcore_axis_name="s")
    fn = pl.kernel(
        _sc_body,
        out_type=[
            jax.ShapeDtypeStruct((2, NPAD, D), jnp.float32),
            jax.ShapeDtypeStruct((2, NPAD), jnp.float32),
        ],
        mesh=mesh,
        compiler_params=pltpu.CompilerParams(needs_layout_passes=False),
        scratch_types=[
            pltpu.VMEM((3, K), jnp.int32),
            pltpu.VMEM((3, K), jnp.int32),
            pltpu.VMEM((3, K), jnp.int32),
            pltpu.VMEM((N_NODE,), jnp.float32),
            pltpu.VMEM((N_NODE,), jnp.float32),
            pltpu.VMEM((3, K), jnp.float32),
            pltpu.VMEM((3, K, D), jnp.float32),
            pltpu.VMEM((RPT,), jnp.float32),
            pltpu.VMEM_SHARED((NPAD, D), jnp.float32),
            pltpu.VMEM_SHARED((NPAD,), jnp.float32),
        ] + [pltpu.SemaphoreType.DMA] * 10,
    )
    return fn(h_src, srcs, dsts, a_src, a_dst)


def _k3_body(p_ref, d_ref, bias_ref, wlin_ref, blin_ref, out_ref):
    d = d_ref[0] + d_ref[1] + 1e-16
    h = jnp.maximum((p_ref[0] + p_ref[1]) / d + bias_ref[...], 0.0)
    out_ref[...] = (
        jnp.dot(h, wlin_ref[...], preferred_element_type=jnp.float32)
        + blin_ref[...])


def _dense_post(parts, dens, bias, W_lin, b_lin):
    blk = 1000
    grid = N_NODE // blk
    return pl.pallas_call(
        _k3_body,
        grid=(grid,),
        in_specs=[
            pl.BlockSpec((2, blk, D), lambda i: (0, i, 0)),
            pl.BlockSpec((2, blk, 1), lambda i: (0, i, 0)),
            pl.BlockSpec((1, D), lambda i: (0, 0)),
            pl.BlockSpec((D, D), lambda i: (0, 0)),
            pl.BlockSpec((1, D), lambda i: (0, 0)),
        ],
        out_specs=pl.BlockSpec((blk, D), lambda i: (i, 0)),
        out_shape=jax.ShapeDtypeStruct((N_NODE, D), jnp.float32),
    )(parts, dens, bias, W_lin, b_lin)


def kernel(x_label, x_attr, edge_index_l2a, edge_index_a2l,
           W_src_l2a, W_dst_l2a, att_src_l2a, att_dst_l2a, bias_l2a,
           W_src_a2l, W_dst_a2l, att_src_a2l, att_dst_a2l, bias_a2l,
           W_lin, b_lin):
    h_src, a_src, a_dst = _dense_pre(
        x_attr, x_label, W_src_a2l, W_dst_a2l, att_src_a2l, att_dst_a2l)

    src = edge_index_a2l[0]
    dst = edge_index_a2l[1]
    pad = (jnp.arange(EPAD - E, dtype=jnp.int32) * 37) % N_NODE
    srcs = jnp.concatenate([src, pad]).reshape(NW, NCHUNK, K)
    dsts = jnp.concatenate([dst, pad]).reshape(NW, NCHUNK, K)

    out_part, den_part = _sc_aggregate(
        h_src, srcs, dsts, a_src.reshape(-1), a_dst.reshape(-1))

    return _dense_post(
        out_part, den_part.reshape(2, NPAD, 1),
        bias_a2l.reshape(1, D), W_lin, b_lin.reshape(1, D))

# --- scband reference (transcript-rebuilt; emitter-appended) ---
"""Pipeline reference for scband-hetero-gnn-4707284157148 (READ-ONLY COPY).

The authoritative reference and input builder live on the scoring server;
editing this copy changes nothing except your own understanding.
"""

import jax, jax.numpy as jnp
import numpy as np

N_LABEL = 10000
N_ATTR = 10000
D_FEAT = 128
HIDDEN = 128
OUT_DIM = 128
N_EDGES = 320000
NEG_SLOPE = 0.2


def _gat_conv(x_src, x_dst, edge_index, W_src, W_dst, att_src, att_dst, bias, num_dst):
    # PyG GATConv((-1,-1), hidden, heads=1, add_self_loops=False)
    h_src = x_src @ W_src
    h_dst = x_dst @ W_dst
    src = edge_index[0]
    dst = edge_index[1]
    a_src = (h_src * att_src).sum(axis=-1)
    a_dst = (h_dst * att_dst).sum(axis=-1)
    alpha = a_src[src] + a_dst[dst]
    alpha = jnp.where(alpha > 0, alpha, NEG_SLOPE * alpha)  # leaky_relu
    # softmax over incoming edges of each dst node
    amax = jax.ops.segment_max(alpha, dst, num_segments=num_dst)
    amax = jnp.where(jnp.isfinite(amax), amax, 0.0)
    e = jnp.exp(alpha - amax[dst])
    denom = jax.ops.segment_sum(e, dst, num_segments=num_dst)
    coef = e / (denom[dst] + 1e-16)
    msg = h_src[src] * coef[:, None]
    out = jax.ops.segment_sum(msg, dst, num_segments=num_dst)
    return out + bias


def setup_inputs(seed: int = 0):
    key = jax.random.key(seed)
    ks = jax.random.split(key, 20)
    s = 0.1
    inp = {}
    inp["x_label"] = jax.random.normal(ks[0], (N_LABEL, D_FEAT), dtype=jnp.float32)
    inp["x_attr"] = jax.random.normal(ks[1], (N_ATTR, D_FEAT), dtype=jnp.float32)
    inp["edge_index_l2a"] = jnp.stack([
        jax.random.randint(ks[2], (N_EDGES,), 0, N_LABEL, dtype=jnp.int32),
        jax.random.randint(ks[3], (N_EDGES,), 0, N_ATTR, dtype=jnp.int32)])
    inp["edge_index_a2l"] = jnp.stack([
        jax.random.randint(ks[4], (N_EDGES,), 0, N_ATTR, dtype=jnp.int32),
        jax.random.randint(ks[5], (N_EDGES,), 0, N_LABEL, dtype=jnp.int32)])
    inp["W_src_l2a"] = s * jax.random.normal(ks[6], (D_FEAT, HIDDEN), dtype=jnp.float32)
    inp["W_dst_l2a"] = s * jax.random.normal(ks[7], (D_FEAT, HIDDEN), dtype=jnp.float32)
    inp["att_src_l2a"] = s * jax.random.normal(ks[8], (HIDDEN,), dtype=jnp.float32)
    inp["att_dst_l2a"] = s * jax.random.normal(ks[9], (HIDDEN,), dtype=jnp.float32)
    inp["bias_l2a"] = jnp.zeros((HIDDEN,), dtype=jnp.float32)
    inp["W_src_a2l"] = s * jax.random.normal(ks[10], (D_FEAT, HIDDEN), dtype=jnp.float32)
    inp["W_dst_a2l"] = s * jax.random.normal(ks[11], (D_FEAT, HIDDEN), dtype=jnp.float32)
    inp["att_src_a2l"] = s * jax.random.normal(ks[12], (HIDDEN,), dtype=jnp.float32)
    inp["att_dst_a2l"] = s * jax.random.normal(ks[13], (HIDDEN,), dtype=jnp.float32)
    inp["bias_a2l"] = jnp.zeros((HIDDEN,), dtype=jnp.float32)
    inp["W_lin"] = s * jax.random.normal(ks[14], (HIDDEN, OUT_DIM), dtype=jnp.float32)
    inp["b_lin"] = jnp.zeros((OUT_DIM,), dtype=jnp.float32)
    return inp


def reference(x_label, x_attr, edge_index_l2a, edge_index_a2l,
              W_src_l2a, W_dst_l2a, att_src_l2a, att_dst_l2a, bias_l2a,
              W_src_a2l, W_dst_a2l, att_src_a2l, att_dst_a2l, bias_a2l,
              W_lin, b_lin):
    # HeteroConv with aggr='sum': each node type receives exactly one relation here
    h_attr = _gat_conv(x_label, x_attr, edge_index_l2a,
                       W_src_l2a, W_dst_l2a, att_src_l2a, att_dst_l2a, bias_l2a, N_ATTR)
    h_label = _gat_conv(x_attr, x_label, edge_index_a2l,
                        W_src_a2l, W_dst_a2l, att_src_a2l, att_dst_a2l, bias_a2l, N_LABEL)
    h_attr = jax.nn.relu(h_attr)
    h_label = jax.nn.relu(h_label)
    out = h_label @ W_lin + b_lin
    return out

if __name__ == "__main__":
    import jax
    _d = setup_inputs()
    print(jax.jit(kernel)(*tuple(_d.values())))

</pallas_src>

<mosaic_0001>
#map = affine_map<(d0, d1) -> (0, 0)>
#map1 = affine_map<(d0, d1) -> (0, 0, 0)>
#map2 = affine_map<(d0, d1) -> (0)>
module attributes {stable_mosaic.version = 14 : i64} {
  func.func @_sc_body(%arg0: i32, %arg1: i32, %arg2: memref<10000x128xf32, #tpu.memory_space<hbm>>, %arg3: memref<32x162x64xi32, #tpu.memory_space<hbm>>, %arg4: memref<32x162x64xi32, #tpu.memory_space<hbm>>, %arg5: memref<10000xf32, #tpu.memory_space<hbm>>, %arg6: memref<10000xf32, #tpu.memory_space<hbm>>, %arg7: memref<2x10240x128xf32, #tpu.memory_space<hbm>>, %arg8: memref<2x10240xf32, #tpu.memory_space<hbm>>, %arg9: memref<3x64xi32, #tpu.memory_space<vmem>>, %arg10: memref<3x64xi32, #tpu.memory_space<vmem>>, %arg11: memref<3x64xi32, #tpu.memory_space<vmem>>, %arg12: memref<10000xf32, #tpu.memory_space<vmem>>, %arg13: memref<10000xf32, #tpu.memory_space<vmem>>, %arg14: memref<3x64xf32, #tpu.memory_space<vmem>>, %arg15: memref<3x64x128xf32, #tpu.memory_space<vmem>>, %arg16: memref<640xf32, #tpu.memory_space<vmem>>, %arg17: memref<10240x128xf32, #tpu.memory_space<vmem_shared>>, %arg18: memref<10240xf32, #tpu.memory_space<vmem_shared>>, %arg19: memref<!tpu.dma_semaphore, #tpu.memory_space<semaphore_mem>>, %arg20: memref<!tpu.dma_semaphore, #tpu.memory_space<semaphore_mem>>, %arg21: memref<!tpu.dma_semaphore, #tpu.memory_space<semaphore_mem>>, %arg22: memref<!tpu.dma_semaphore, #tpu.memory_space<semaphore_mem>>, %arg23: memref<!tpu.dma_semaphore, #tpu.memory_space<semaphore_mem>>, %arg24: memref<!tpu.dma_semaphore, #tpu.memory_space<semaphore_mem>>, %arg25: memref<!tpu.dma_semaphore, #tpu.memory_space<semaphore_mem>>, %arg26: memref<!tpu.dma_semaphore, #tpu.memory_space<semaphore_mem>>, %arg27: memref<!tpu.dma_semaphore, #tpu.memory_space<semaphore_mem>>, %arg28: memref<!tpu.dma_semaphore, #tpu.memory_space<semaphore_mem>>) attributes {dimension_semantics = [#tpu.dimension_semantics<core_parallel>, #tpu.dimension_semantics<subcore_parallel>], iteration_bounds = array<i64: 2, 16>, scalar_prefetch = 0 : i64, scratch_operands = 20 : i64, tpu.core_type = #tpu.core_type<sc_vector_subcore>, window_params = [{transform_indices = #map}, {transform_indices = #map1}, {transform_indices = #map1}, {transform_indices = #map2}, {transform_indices = #map2}, {transform_indices = #map1}, {transform_indices = #map}]} {
    %mul3A = arith.constant 2 : i32
    %mul3A_0 = arith.muli %arg1, %mul3A : i32
    %add3A = arith.addi %mul3A_0, %arg0 : i32
    %broadcast_in_dim3A = arith.constant 0.000000e+00 : f32
    %broadcast_in_dim3A_1 = vector.broadcast %broadcast_in_dim3A : f32 to vector<16xf32>
    tpu.enqueue_dma source(%arg5 : memref<10000xf32, #tpu.memory_space<hbm>>) target(%arg12 : memref<10000xf32, #tpu.memory_space<vmem>>) target_semaphore(%arg20 : memref<!tpu.dma_semaphore, #tpu.memory_space<semaphore_mem>>)
    tpu.enqueue_dma source(%arg6 : memref<10000xf32, #tpu.memory_space<hbm>>) target(%arg13 : memref<10000xf32, #tpu.memory_space<vmem>>) target_semaphore(%arg20 : memref<!tpu.dma_semaphore, #tpu.memory_space<semaphore_mem>>)
    %parallel_loop3A = arith.constant 0 : i32
    %parallel_loop3A_2 = arith.constant 64 : i32
    %parallel_loop3A_3 = arith.constant 1 : i32
    scf.for %parallel_loop3A_304 = %parallel_loop3A to %parallel_loop3A_2 step %parallel_loop3A_3  : i32 {
      %parallel_loop3A_305 = arith.constant 0 : i32
      %parallel_loop3A_306 = arith.index_cast %parallel_loop3A_305 : i32 to index
      %parallel_loop3A_307 = arith.index_cast %parallel_loop3A_304 : i32 to index
      %parallel_loop3A_308 = arith.constant 0 : index
      %parallel_loop3A_309 = tpu.vector_load %arg15[%parallel_loop3A_306, %parallel_loop3A_307, %parallel_loop3A_308] {strides = array<i32>} : memref<3x64x128xf32, #tpu.memory_space<vmem>>, vector<16xf32>,
      tpu.vector_store %arg15[%parallel_loop3A_306, %parallel_loop3A_307, %parallel_loop3A_308], %broadcast_in_dim3A_1 {strides = array<i32>} : memref<3x64x128xf32, #tpu.memory_space<vmem>>, vector<16xf32>,
      %parallel_loop3A_310 = arith.constant 0 : i32
      %parallel_loop3A_311 = arith.index_cast %parallel_loop3A_310 : i32 to index
      %parallel_loop3A_312 = arith.index_cast %parallel_loop3A_304 : i32 to index
      %parallel_loop3A_313 = arith.constant 16 : index
      %parallel_loop3A_314 = tpu.vector_load %arg15[%parallel_loop3A_311, %parallel_loop3A_312, %parallel_loop3A_313] {strides = array<i32>} : memref<3x64x128xf32, #tpu.memory_space<vmem>>, vector<16xf32>,
      tpu.vector_store %arg15[%parallel_loop3A_311, %parallel_loop3A_312, %parallel_loop3A_313], %broadcast_in_dim3A_1 {strides = array<i32>} : memref<3x64x128xf32, #tpu.memory_space<vmem>>, vector<16xf32>,
      %parallel_loop3A_315 = arith.constant 0 : i32
      %parallel_loop3A_316 = arith.index_cast %parallel_loop3A_315 : i32 to index
      %parallel_loop3A_317 = arith.index_cast %parallel_loop3A_304 : i32 to index
      %parallel_loop3A_318 = arith.constant 32 : index
      %parallel_loop3A_319 = tpu.vector_load %arg15[%parallel_loop3A_316, %parallel_loop3A_317, %parallel_loop3A_318] {strides = array<i32>} : memref<3x64x128xf32, #tpu.memory_space<vmem>>, vector<16xf32>,
      tpu.vector_store %arg15[%parallel_loop3A_316, %parallel_loop3A_317, %parallel_loop3A_318], %broadcast_in_dim3A_1 {strides = array<i32>} : memref<3x64x128xf32, #tpu.memory_space<vmem>>, vector<16xf32>,
      %parallel_loop3A_320 = arith.constant 0 : i32
      %parallel_loop3A_321 = arith.index_cast %parallel_loop3A_320 : i32 to index
      %parallel_loop3A_322 = arith.index_cast %parallel_loop3A_304 : i32 to index
      %parallel_loop3A_323 = arith.constant 48 : index
      %parallel_loop3A_324 = tpu.vector_load %arg15[%parallel_loop3A_321, %parallel_loop3A_322, %parallel_loop3A_323] {strides = array<i32>} : memref<3x64x128xf32, #tpu.memory_space<vmem>>, vector<16xf32>,
      tpu.vector_store %arg15[%parallel_loop3A_321, %parallel_loop3A_322, %parallel_loop3A_323], %broadcast_in_dim3A_1 {strides = array<i32>} : memref<3x64x128xf32, #tpu.memory_space<vmem>>, vector<16xf32>,
      %parallel_loop3A_325 = arith.constant 0 : i32
      %parallel_loop3A_326 = arith.index_cast %parallel_loop3A_325 : i32 to index
      %parallel_loop3A_327 = arith.index_cast %parallel_loop3A_304 : i32 to index
      %parallel_loop3A_328 = arith.constant 64 : index
      %parallel_loop3A_329 = tpu.vector_load %arg15[%parallel_loop3A_326, %parallel_loop3A_327, %parallel_loop3A_328] {strides = array<i32>} : memref<3x64x128xf32, #tpu.memory_space<vmem>>, vector<16xf32>,
      tpu.vector_store %arg15[%parallel_loop3A_326, %parallel_loop3A_327, %parallel_loop3A_328], %broadcast_in_dim3A_1 {strides = array<i32>} : memref<3x64x128xf32, #tpu.memory_space<vmem>>, vector<16xf32>,
      %parallel_loop3A_330 = arith.constant 0 : i32
      %parallel_loop3A_331 = arith.index_cast %parallel_loop3A_330 : i32 to index
      %parallel_loop3A_332 = arith.index_cast %parallel_loop3A_304 : i32 to index
      %parallel_loop3A_333 = arith.constant 80 : index
      %parallel_loop3A_334 = tpu.vector_load %arg15[%parallel_loop3A_331, %parallel_loop3A_332, %parallel_loop3A_333] {strides = array<i32>} : memref<3x64x128xf32, #tpu.memory_space<vmem>>, vector<16xf32>,
      tpu.vector_store %arg15[%parallel_loop3A_331, %parallel_loop3A_332, %parallel_loop3A_333], %broadcast_in_dim3A_1 {strides = array<i32>} : memref<3x64x128xf32, #tpu.memory_space<vmem>>, vector<16xf32>,
      %parallel_loop3A_335 = arith.constant 0 : i32
      %parallel_loop3A_336 = arith.index_cast %parallel_loop3A_335 : i32 to index
      %parallel_loop3A_337 = arith.index_cast %parallel_loop3A_304 : i32 to index
      %parallel_loop3A_338 = arith.constant 96 : index
      %parallel_loop3A_339 = tpu.vector_load %arg15[%parallel_loop3A_336, %parallel_loop3A_337, %parallel_loop3A_338] {strides = array<i32>} : memref<3x64x128xf32, #tpu.memory_space<vmem>>, vector<16xf32>,
      tpu.vector_store %arg15[%parallel_loop3A_336, %parallel_loop3A_337, %parallel_loop3A_338], %broadcast_in_dim3A_1 {strides = array<i32>} : memref<3x64x128xf32, #tpu.memory_space<vmem>>, vector<16xf32>,
      %parallel_loop3A_340 = arith.constant 0 : i32
      %parallel_loop3A_341 = arith.index_cast %parallel_loop3A_340 : i32 to index
      %parallel_loop3A_342 = arith.index_cast %parallel_loop3A_304 : i32 to index
      %parallel_loop3A_343 = arith.constant 112 : index
      %parallel_loop3A_344 = tpu.vector_load %arg15[%parallel_loop3A_341, %parallel_loop3A_342, %parallel_loop3A_343] {strides = array<i32>} : memref<3x64x128xf32, #tpu.memory_space<vmem>>, vector<16xf32>,
      tpu.vector_store %arg15[%parallel_loop3A_341, %parallel_loop3A_342, %parallel_loop3A_343], %broadcast_in_dim3A_1 {strides = array<i32>} : memref<3x64x128xf32, #tpu.memory_space<vmem>>, vector<16xf32>,
    } {sc.loop_unroll_factor = 1 : i64, sc.parallel_access}
    %parallel_loop3A_4 = arith.constant 0 : i32
    %parallel_loop3A_5 = arith.constant 40 : i32
    %parallel_loop3A_6 = arith.constant 1 : i32
    scf.for %parallel_loop3A_304 = %parallel_loop3A_4 to %parallel_loop3A_5 step %parallel_loop3A_6  : i32 {
      %parallel_loop3A_305 = arith.constant 16 : i32
      %parallel_loop3A_306 = arith.muli %parallel_loop3A_304, %parallel_loop3A_305 : i32
      %parallel_loop3A_307 = arith.index_cast %parallel_loop3A_306 : i32 to index
      %parallel_loop3A_308 = tpu.vector_load %arg16[%parallel_loop3A_307] {strides = array<i32>} : memref<640xf32, #tpu.memory_space<vmem>>, vector<16xf32>,
      tpu.vector_store %arg16[%parallel_loop3A_307], %broadcast_in_dim3A_1 {strides = array<i32>} : memref<640xf32, #tpu.memory_space<vmem>>, vector<16xf32>,
    } {sc.loop_unroll_factor = 1 : i64, sc.parallel_access}
    %mul3A_7 = arith.constant 640 : i32
    %mul3A_8 = arith.muli %arg1, %mul3A_7 : i32
    %add3A_9 = arith.constant 0 : i32
    %add3A_10 = arith.addi %mul3A_8, %add3A_9 : i32
    %run_scoped3A = arith.constant 0 : i32
    "tpu.region"() ({
      %run_scoped3A_304 = tpu.sem_alloc : memref<!tpu.dma_semaphore, #tpu.memory_space<semaphore_mem>>
      %dma_start3A_305 = arith.constant 0 : i32
      %dma_start3A_306 = arith.constant 0 : i32
      %dma_start3A_307 = tpu.memref_slice %arg15[%run_scoped3A, %dma_start3A_305, %dma_start3A_306] : memref<3x64x128xf32, #tpu.memory_space<vmem>> -> memref<1x64x128xf32, #tpu.memory_space<vmem>>
      %dma_start3A_308 = tpu.memref_squeeze %dma_start3A_307 : memref<1x64x128xf32, #tpu.memory_space<vmem>> -> memref<64x128xf32, #tpu.memory_space<vmem>>
      %dma_start3A_309 = arith.constant 0 : i32
      %dma_start3A_310 = tpu.memref_slice %arg17[%add3A_10, %dma_start3A_309] : memref<10240x128xf32, #tpu.memory_space<vmem_shared>> -> memref<64x128xf32, #tpu.memory_space<vmem_shared>>
      %dma_start3A_311 = arith.constant 0 : i32
      %dma_start3A_312 = tpu.memref_slice %arg17[%add3A_10, %dma_start3A_311] : memref<10240x128xf32, #tpu.memory_space<vmem_shared>> -> memref<64x128xf32, #tpu.memory_space<vmem_shared>>
      %dma_start3A_313 = arith.constant 0 : i32
      %dma_start3A_314 = arith.constant 0 : i32
      %dma_start3A_315 = tpu.memref_slice %arg15[%run_scoped3A, %dma_start3A_313, %dma_start3A_314] : memref<3x64x128xf32, #tpu.memory_space<vmem>> -> memref<1x64x128xf32, #tpu.memory_space<vmem>>
      %dma_start3A_316 = tpu.memref_squeeze %dma_start3A_315 : memref<1x64x128xf32, #tpu.memory_space<vmem>> -> memref<64x128xf32, #tpu.memory_space<vmem>>
      tpu.enqueue_dma source(%dma_start3A_316 : memref<64x128xf32, #tpu.memory_space<vmem>>) target(%dma_start3A_312 : memref<64x128xf32, #tpu.memory_space<vmem_shared>>) target_semaphore(%run_scoped3A_304 : memref<!tpu.dma_semaphore, #tpu.memory_space<semaphore_mem>>)
      %dma_wait3A_317 = arith.constant 0 : i32
      %dma_wait3A_318 = arith.constant 0 : i32
      %dma_wait3A_319 = tpu.memref_slice %arg15[%run_scoped3A, %dma_wait3A_317, %dma_wait3A_318] : memref<3x64x128xf32, #tpu.memory_space<vmem>> -> memref<1x64x128xf32, #tpu.memory_space<vmem>>
      %dma_wait3A_320 = tpu.memref_squeeze %dma_wait3A_319 : memref<1x64x128xf32, #tpu.memory_space<vmem>> -> memref<64x128xf32, #tpu.memory_space<vmem>>
      %dma_wait3A_321 = arith.constant 0 : i32
      %dma_wait3A_322 = tpu.memref_slice %arg17[%add3A_10, %dma_wait3A_321] : memref<10240x128xf32, #tpu.memory_space<vmem_shared>> -> memref<64x128xf32, #tpu.memory_space<vmem_shared>>
      %dma_wait3A_323 = arith.constant 0 : i32
      %dma_wait3A_324 = tpu.memref_slice %arg17[%add3A_10, %dma_wait3A_323] : memref<10240x128xf32, #tpu.memory_space<vmem_shared>> -> memref<64x128xf32, #tpu.memory_space<vmem_shared>>
      %dma_wait3A_325 = arith.constant 0 : i32
      %dma_wait3A_326 = arith.constant 0 : i32
      %dma_wait3A_327 = tpu.memref_slice %arg15[%run_scoped3A, %dma_wait3A_325, %dma_wait3A_326] : memref<3x64x128xf32, #tpu.memory_space<vmem>> -> memref<1x64x128xf32, #tpu.memory_space<vmem>>
      %dma_wait3A_328 = tpu.memref_squeeze %dma_wait3A_327 : memref<1x64x128xf32, #tpu.memory_space<vmem>> -> memref<64x128xf32, #tpu.memory_space<vmem>>
      tpu.wait_dma2 semaphore(%run_scoped3A_304 : memref<!tpu.dma_semaphore, #tpu.memory_space<semaphore_mem>>) src(%dma_wait3A_328 : memref<64x128xf32, #tpu.memory_space<vmem>>) dst(%dma_wait3A_324 : memref<64x128xf32, #tpu.memory_space<vmem_shared>>)
      tpu.yield
    }) : () -> ()
    %mul3A_11 = arith.constant 640 : i32
    %mul3A_12 = arith.muli %arg1, %mul3A_11 : i32
    %add3A_13 = arith.constant 64 : i32
    %add3A_14 = arith.addi %mul3A_12, %add3A_13 : i32
    %run_scoped3A_15 = arith.constant 0 : i32
    "tpu.region"() ({
      %run_scoped3A_304 = tpu.sem_alloc : memref<!tpu.dma_semaphore, #tpu.memory_space<semaphore_mem>>
      %dma_start3A_305 = arith.constant 0 : i32
      %dma_start3A_306 = arith.constant 0 : i32
      %dma_start3A_307 = tpu.memref_slice %arg15[%run_scoped3A_15, %dma_start3A_305, %dma_start3A_306] : memref<3x64x128xf32, #tpu.memory_space<vmem>> -> memref<1x64x128xf32, #tpu.memory_space<vmem>>
      %dma_start3A_308 = tpu.memref_squeeze %dma_start3A_307 : memref<1x64x128xf32, #tpu.memory_space<vmem>> -> memref<64x128xf32, #tpu.memory_space<vmem>>
      %dma_start3A_309 = arith.constant 0 : i32
      %dma_start3A_310 = tpu.memref_slice %arg17[%add3A_14, %dma_start3A_309] : memref<10240x128xf32, #tpu.memory_space<vmem_shared>> -> memref<64x128xf32, #tpu.memory_space<vmem_shared>>
      %dma_start3A_311 = arith.constant 0 : i32
      %dma_start3A_312 = tpu.memref_slice %arg17[%add3A_14, %dma_start3A_311] : memref<10240x128xf32, #tpu.memory_space<vmem_shared>> -> memref<64x128xf32, #tpu.memory_space<vmem_shared>>
      %dma_start3A_313 = arith.constant 0 : i32
      %dma_start3A_314 = arith.constant 0 : i32
      %dma_start3A_315 = tpu.memref_slice %arg15[%run_scoped3A_15, %dma_start3A_313, %dma_start3A_314] : memref<3x64x128xf32, #tpu.memory_space<vmem>> -> memref<1x64x128xf32, #tpu.memory_space<vmem>>
      %dma_start3A_316 = tpu.memref_squeeze %dma_start3A_315 : memref<1x64x128xf32, #tpu.memory_space<vmem>> -> memref<64x128xf32, #tpu.memory_space<vmem>>
      tpu.enqueue_dma source(%dma_start3A_316 : memref<64x128xf32, #tpu.memory_space<vmem>>) target(%dma_start3A_312 : memref<64x128xf32, #tpu.memory_space<vmem_shared>>) target_semaphore(%run_scoped3A_304 : memref<!tpu.dma_semaphore, #tpu.memory_space<semaphore_mem>>)
      %dma_wait3A_317 = arith.constant 0 : i32
      %dma_wait3A_318 = arith.constant 0 : i32
      %dma_wait3A_319 = tpu.memref_slice %arg15[%run_scoped3A_15, %dma_wait3A_317, %dma_wait3A_318] : memref<3x64x128xf32, #tpu.memory_space<vmem>> -> memref<1x64x128xf32, #tpu.memory_space<vmem>>
      %dma_wait3A_320 = tpu.memref_squeeze %dma_wait3A_319 : memref<1x64x128xf32, #tpu.memory_space<vmem>> -> memref<64x128xf32, #tpu.memory_space<vmem>>
      %dma_wait3A_321 = arith.constant 0 : i32
      %dma_wait3A_322 = tpu.memref_slice %arg17[%add3A_14, %dma_wait3A_321] : memref<10240x128xf32, #tpu.memory_space<vmem_shared>> -> memref<64x128xf32, #tpu.memory_space<vmem_shared>>
      %dma_wait3A_323 = arith.constant 0 : i32
      %dma_wait3A_324 = tpu.memref_slice %arg17[%add3A_14, %dma_wait3A_323] : memref<10240x128xf32, #tpu.memory_space<vmem_shared>> -> memref<64x128xf32, #tpu.memory_space<vmem_shared>>
      %dma_wait3A_325 = arith.constant 0 : i32
      %dma_wait3A_326 = arith.constant 0 : i32
      %dma_wait3A_327 = tpu.memref_slice %arg15[%run_scoped3A_15, %dma_wait3A_325, %dma_wait3A_326] : memref<3x64x128xf32, #tpu.memory_space<vmem>> -> memref<1x64x128xf32, #tpu.memory_space<vmem>>
      %dma_wait3A_328 = tpu.memref_squeeze %dma_wait3A_327 : memref<1x64x128xf32, #tpu.memory_space<vmem>> -> memref<64x128xf32, #tpu.memory_space<vmem>>
      tpu.wait_dma2 semaphore(%run_scoped3A_304 : memref<!tpu.dma_semaphore, #tpu.memory_space<semaphore_mem>>) src(%dma_wait3A_328 : memref<64x128xf32, #tpu.memory_space<vmem>>) dst(%dma_wait3A_324 : memref<64x128xf32, #tpu.memory_space<vmem_shared>>)
      tpu.yield
    }) : () -> ()
    %mul3A_16 = arith.constant 640 : i32
    %mul3A_17 = arith.muli %arg1, %mul3A_16 : i32
    %add3A_18 = arith.constant 128 : i32
    %add3A_19 = arith.addi %mul3A_17, %add3A_18 : i32
    %run_scoped3A_20 = arith.constant 0 : i32
    "tpu.region"() ({
      %run_scoped3A_304 = tpu.sem_alloc : memref<!tpu.dma_semaphore, #tpu.memory_space<semaphore_mem>>
      %dma_start3A_305 = arith.constant 0 : i32
      %dma_start3A_306 = arith.constant 0 : i32
      %dma_start3A_307 = tpu.memref_slice %arg15[%run_scoped3A_20, %dma_start3A_305, %dma_start3A_306] : memref<3x64x128xf32, #tpu.memory_space<vmem>> -> memref<1x64x128xf32, #tpu.memory_space<vmem>>
      %dma_start3A_308 = tpu.memref_squeeze %dma_start3A_307 : memref<1x64x128xf32, #tpu.memory_space<vmem>> -> memref<64x128xf32, #tpu.memory_space<vmem>>
      %dma_start3A_309 = arith.constant 0 : i32
      %dma_start3A_310 = tpu.memref_slice %arg17[%add3A_19, %dma_start3A_309] : memref<10240x128xf32, #tpu.memory_space<vmem_shared>> -> memref<64x128xf32, #tpu.memory_space<vmem_shared>>
      %dma_start3A_311 = arith.constant 0 : i32
      %dma_start3A_312 = tpu.memref_slice %arg17[%add3A_19, %dma_start3A_311] : memref<10240x128xf32, #tpu.memory_space<vmem_shared>> -> memref<64x128xf32, #tpu.memory_space<vmem_shared>>
      %dma_start3A_313 = arith.constant 0 : i32
      %dma_start3A_314 = arith.constant 0 : i32
      %dma_start3A_315 = tpu.memref_slice %arg15[%run_scoped3A_20, %dma_start3A_313, %dma_start3A_314] : memref<3x64x128xf32, #tpu.memory_space<vmem>> -> memref<1x64x128xf32, #tpu.memory_space<vmem>>
      %dma_start3A_316 = tpu.memref_squeeze %dma_start3A_315 : memref<1x64x128xf32, #tpu.memory_space<vmem>> -> memref<64x128xf32, #tpu.memory_space<vmem>>
      tpu.enqueue_dma source(%dma_start3A_316 : memref<64x128xf32, #tpu.memory_space<vmem>>) target(%dma_start3A_312 : memref<64x128xf32, #tpu.memory_space<vmem_shared>>) target_semaphore(%run_scoped3A_304 : memref<!tpu.dma_semaphore, #tpu.memory_space<semaphore_mem>>)
      %dma_wait3A_317 = arith.constant 0 : i32
      %dma_wait3A_318 = arith.constant 0 : i32
      %dma_wait3A_319 = tpu.memref_slice %arg15[%run_scoped3A_20, %dma_wait3A_317, %dma_wait3A_318] : memref<3x64x128xf32, #tpu.memory_space<vmem>> -> memref<1x64x128xf32, #tpu.memory_space<vmem>>
      %dma_wait3A_320 = tpu.memref_squeeze %dma_wait3A_319 : memref<1x64x128xf32, #tpu.memory_space<vmem>> -> memref<64x128xf32, #tpu.memory_space<vmem>>
      %dma_wait3A_321 = arith.constant 0 : i32
      %dma_wait3A_322 = tpu.memref_slice %arg17[%add3A_19, %dma_wait3A_321] : memref<10240x128xf32, #tpu.memory_space<vmem_shared>> -> memref<64x128xf32, #tpu.memory_space<vmem_shared>>
      %dma_wait3A_323 = arith.constant 0 : i32
      %dma_wait3A_324 = tpu.memref_slice %arg17[%add3A_19, %dma_wait3A_323] : memref<10240x128xf32, #tpu.memory_space<vmem_shared>> -> memref<64x128xf32, #tpu.memory_space<vmem_shared>>
      %dma_wait3A_325 = arith.constant 0 : i32
      %dma_wait3A_326 = arith.constant 0 : i32
      %dma_wait3A_327 = tpu.memref_slice %arg15[%run_scoped3A_20, %dma_wait3A_325, %dma_wait3A_326] : memref<3x64x128xf32, #tpu.memory_space<vmem>> -> memref<1x64x128xf32, #tpu.memory_space<vmem>>
      %dma_wait3A_328 = tpu.memref_squeeze %dma_wait3A_327 : memref<1x64x128xf32, #tpu.memory_space<vmem>> -> memref<64x128xf32, #tpu.memory_space<vmem>>
      tpu.wait_dma2 semaphore(%run_scoped3A_304 : memref<!tpu.dma_semaphore, #tpu.memory_space<semaphore_mem>>) src(%dma_wait3A_328 : memref<64x128xf32, #tpu.memory_space<vmem>>) dst(%dma_wait3A_324 : memref<64x128xf32, #tpu.memory_space<vmem_shared>>)
      tpu.yield
    }) : () -> ()
    %mul3A_21 = arith.constant 640 : i32
    %mul3A_22 = arith.muli %arg1, %mul3A_21 : i32
    %add3A_23 = arith.constant 192 : i32
    %add3A_24 = arith.addi %mul3A_22, %add3A_23 : i32
    %run_scoped3A_25 = arith.constant 0 : i32
    "tpu.region"() ({
      %run_scoped3A_304 = tpu.sem_alloc : memref<!tpu.dma_semaphore, #tpu.memory_space<semaphore_mem>>
      %dma_start3A_305 = arith.constant 0 : i32
      %dma_start3A_306 = arith.constant 0 : i32
      %dma_start3A_307 = tpu.memref_slice %arg15[%run_scoped3A_25, %dma_start3A_305, %dma_start3A_306] : memref<3x64x128xf32, #tpu.memory_space<vmem>> -> memref<1x64x128xf32, #tpu.memory_space<vmem>>
      %dma_start3A_308 = tpu.memref_squeeze %dma_start3A_307 : memref<1x64x128xf32, #tpu.memory_space<vmem>> -> memref<64x128xf32, #tpu.memory_space<vmem>>
      %dma_start3A_309 = arith.constant 0 : i32
      %dma_start3A_310 = tpu.memref_slice %arg17[%add3A_24, %dma_start3A_309] : memref<10240x128xf32, #tpu.memory_space<vmem_shared>> -> memref<64x128xf32, #tpu.memory_space<vmem_shared>>
      %dma_start3A_311 = arith.constant 0 : i32
      %dma_start3A_312 = tpu.memref_slice %arg17[%add3A_24, %dma_start3A_311] : memref<10240x128xf32, #tpu.memory_space<vmem_shared>> -> memref<64x128xf32, #tpu.memory_space<vmem_shared>>
      %dma_start3A_313 = arith.constant 0 : i32
      %dma_start3A_314 = arith.constant 0 : i32
      %dma_start3A_315 = tpu.memref_slice %arg15[%run_scoped3A_25, %dma_start3A_313, %dma_start3A_314] : memref<3x64x128xf32, #tpu.memory_space<vmem>> -> memref<1x64x128xf32, #tpu.memory_space<vmem>>
      %dma_start3A_316 = tpu.memref_squeeze %dma_start3A_315 : memref<1x64x128xf32, #tpu.memory_space<vmem>> -> memref<64x128xf32, #tpu.memory_space<vmem>>
      tpu.enqueue_dma source(%dma_start3A_316 : memref<64x128xf32, #tpu.memory_space<vmem>>) target(%dma_start3A_312 : memref<64x128xf32, #tpu.memory_space<vmem_shared>>) target_semaphore(%run_scoped3A_304 : memref<!tpu.dma_semaphore, #tpu.memory_space<semaphore_mem>>)
      %dma_wait3A_317 = arith.constant 0 : i32
      %dma_wait3A_318 = arith.constant 0 : i32
      %dma_wait3A_319 = tpu.memref_slice %arg15[%run_scoped3A_25, %dma_wait3A_317, %dma_wait3A_318] : memref<3x64x128xf32, #tpu.memory_space<vmem>> -> memref<1x64x128xf32, #tpu.memory_space<vmem>>
      %dma_wait3A_320 = tpu.memref_squeeze %dma_wait3A_319 : memref<1x64x128xf32, #tpu.memory_space<vmem>> -> memref<64x128xf32, #tpu.memory_space<vmem>>
      %dma_wait3A_321 = arith.constant 0 : i32
      %dma_wait3A_322 = tpu.memref_slice %arg17[%add3A_24, %dma_wait3A_321] : memref<10240x128xf32, #tpu.memory_space<vmem_shared>> -> memref<64x128xf32, #tpu.memory_space<vmem_shared>>
      %dma_wait3A_323 = arith.constant 0 : i32
      %dma_wait3A_324 = tpu.memref_slice %arg17[%add3A_24, %dma_wait3A_323] : memref<10240x128xf32, #tpu.memory_space<vmem_shared>> -> memref<64x128xf32, #tpu.memory_space<vmem_shared>>
      %dma_wait3A_325 = arith.constant 0 : i32
      %dma_wait3A_326 = arith.constant 0 : i32
      %dma_wait3A_327 = tpu.memref_slice %arg15[%run_scoped3A_25, %dma_wait3A_325, %dma_wait3A_326] : memref<3x64x128xf32, #tpu.memory_space<vmem>> -> memref<1x64x128xf32, #tpu.memory_space<vmem>>
      %dma_wait3A_328 = tpu.memref_squeeze %dma_wait3A_327 : memref<1x64x128xf32, #tpu.memory_space<vmem>> -> memref<64x128xf32, #tpu.memory_space<vmem>>
      tpu.wait_dma2 semaphore(%run_scoped3A_304 : memref<!tpu.dma_semaphore, #tpu.memory_space<semaphore_mem>>) src(%dma_wait3A_328 : memref<64x128xf32, #tpu.memory_space<vmem>>) dst(%dma_wait3A_324 : memref<64x128xf32, #tpu.memory_space<vmem_shared>>)
      tpu.yield
    }) : () -> ()
    %mul3A_26 = arith.constant 640 : i32
    %mul3A_27 = arith.muli %arg1, %mul3A_26 : i32
    %add3A_28 = arith.constant 256 : i32
    %add3A_29 = arith.addi %mul3A_27, %add3A_28 : i32
    %run_scoped3A_30 = arith.constant 0 : i32
    "tpu.region"() ({
      %run_scoped3A_304 = tpu.sem_alloc : memref<!tpu.dma_semaphore, #tpu.memory_space<semaphore_mem>>
      %dma_start3A_305 = arith.constant 0 : i32
      %dma_start3A_306 = arith.constant 0 : i32
      %dma_start3A_307 = tpu.memref_slice %arg15[%run_scoped3A_30, %dma_start3A_305, %dma_start3A_306] : memref<3x64x128xf32, #tpu.memory_space<vmem>> -> memref<1x64x128xf32, #tpu.memory_space<vmem>>
      %dma_start3A_308 = tpu.memref_squeeze %dma_start3A_307 : memref<1x64x128xf32, #tpu.memory_space<vmem>> -> memref<64x128xf32, #tpu.memory_space<vmem>>
      %dma_start3A_309 = arith.constant 0 : i32
      %dma_start3A_310 = tpu.memref_slice %arg17[%add3A_29, %dma_start3A_309] : memref<10240x128xf32, #tpu.memory_space<vmem_shared>> -> memref<64x128xf32, #tpu.memory_space<vmem_shared>>
      %dma_start3A_311 = arith.constant 0 : i32
      %dma_start3A_312 = tpu.memref_slice %arg17[%add3A_29, %dma_start3A_311] : memref<10240x128xf32, #tpu.memory_space<vmem_shared>> -> memref<64x128xf32, #tpu.memory_space<vmem_shared>>
      %dma_start3A_313 = arith.constant 0 : i32
      %dma_start3A_314 = arith.constant 0 : i32
      %dma_start3A_315 = tpu.memref_slice %arg15[%run_scoped3A_30, %dma_start3A_313, %dma_start3A_314] : memref<3x64x128xf32, #tpu.memory_space<vmem>> -> memref<1x64x128xf32, #tpu.memory_space<vmem>>
      %dma_start3A_316 = tpu.memref_squeeze %dma_start3A_315 : memref<1x64x128xf32, #tpu.memory_space<vmem>> -> memref<64x128xf32, #tpu.memory_space<vmem>>
      tpu.enqueue_dma source(%dma_start3A_316 : memref<64x128xf32, #tpu.memory_space<vmem>>) target(%dma_start3A_312 : memref<64x128xf32, #tpu.memory_space<vmem_shared>>) target_semaphore(%run_scoped3A_304 : memref<!tpu.dma_semaphore, #tpu.memory_space<semaphore_mem>>)
      %dma_wait3A_317 = arith.constant 0 : i32
      %dma_wait3A_318 = arith.constant 0 : i32
      %dma_wait3A_319 = tpu.memref_slice %arg15[%run_scoped3A_30, %dma_wait3A_317, %dma_wait3A_318] : memref<3x64x128xf32, #tpu.memory_space<vmem>> -> memref<1x64x128xf32, #tpu.memory_space<vmem>>
      %dma_wait3A_320 = tpu.memref_squeeze %dma_wait3A_319 : memref<1x64x128xf32, #tpu.memory_space<vmem>> -> memref<64x128xf32, #tpu.memory_space<vmem>>
      %dma_wait3A_321 = arith.constant 0 : i32
      %dma_wait3A_322 = tpu.memref_slice %arg17[%add3A_29, %dma_wait3A_321] : memref<10240x128xf32, #tpu.memory_space<vmem_shared>> -> memref<64x128xf32, #tpu.memory_space<vmem_shared>>
      %dma_wait3A_323 = arith.constant 0 : i32
      %dma_wait3A_324 = tpu.memref_slice %arg17[%add3A_29, %dma_wait3A_323] : memref<10240x128xf32, #tpu.memory_space<vmem_shared>> -> memref<64x128xf32, #tpu.memory_space<vmem_shared>>
      %dma_wait3A_325 = arith.constant 0 : i32
      %dma_wait3A_326 = arith.constant 0 : i32
      %dma_wait3A_327 = tpu.memref_slice %arg15[%run_scoped3A_30, %dma_wait3A_325, %dma_wait3A_326] : memref<3x64x128xf32, #tpu.memory_space<vmem>> -> memref<1x64x128xf32, #tpu.memory_space<vmem>>
      %dma_wait3A_328 = tpu.memref_squeeze %dma_wait3A_327 : memref<1x64x128xf32, #tpu.memory_space<vmem>> -> memref<64x128xf32, #tpu.memory_space<vmem>>
      tpu.wait_dma2 semaphore(%run_scoped3A_304 : memref<!tpu.dma_semaphore, #tpu.memory_space<semaphore_mem>>) src(%dma_wait3A_328 : memref<64x128xf32, #tpu.memory_space<vmem>>) dst(%dma_wait3A_324 : memref<64x128xf32, #tpu.memory_space<vmem_shared>>)
      tpu.yield
    }) : () -> ()
    %mul3A_31 = arith.constant 640 : i32
    %mul3A_32 = arith.muli %arg1, %mul3A_31 : i32
    %add3A_33 = arith.constant 320 : i32
    %add3A_34 = arith.addi %mul3A_32, %add3A_33 : i32
    %run_scoped3A_35 = arith.constant 0 : i32
    "tpu.region"() ({
      %run_scoped3A_304 = tpu.sem_alloc : memref<!tpu.dma_semaphore, #tpu.memory_space<semaphore_mem>>
      %dma_start3A_305 = arith.constant 0 : i32
      %dma_start3A_306 = arith.constant 0 : i32
      %dma_start3A_307 = tpu.memref_slice %arg15[%run_scoped3A_35, %dma_start3A_305, %dma_start3A_306] : memref<3x64x128xf32, #tpu.memory_space<vmem>> -> memref<1x64x128xf32, #tpu.memory_space<vmem>>
      %dma_start3A_308 = tpu.memref_squeeze %dma_start3A_307 : memref<1x64x128xf32, #tpu.memory_space<vmem>> -> memref<64x128xf32, #tpu.memory_space<vmem>>
      %dma_start3A_309 = arith.constant 0 : i32
      %dma_start3A_310 = tpu.memref_slice %arg17[%add3A_34, %dma_start3A_309] : memref<10240x128xf32, #tpu.memory_space<vmem_shared>> -> memref<64x128xf32, #tpu.memory_space<vmem_shared>>
      %dma_start3A_311 = arith.constant 0 : i32
      %dma_start3A_312 = tpu.memref_slice %arg17[%add3A_34, %dma_start3A_311] : memref<10240x128xf32, #tpu.memory_space<vmem_shared>> -> memref<64x128xf32, #tpu.memory_space<vmem_shared>>
      %dma_start3A_313 = arith.constant 0 : i32
      %dma_start3A_314 = arith.constant 0 : i32
      %dma_start3A_315 = tpu.memref_slice %arg15[%run_scoped3A_35, %dma_start3A_313, %dma_start3A_314] : memref<3x64x128xf32, #tpu.memory_space<vmem>> -> memref<1x64x128xf32, #tpu.memory_space<vmem>>
      %dma_start3A_316 = tpu.memref_squeeze %dma_start3A_315 : memref<1x64x128xf32, #tpu.memory_space<vmem>> -> memref<64x128xf32, #tpu.memory_space<vmem>>
      tpu.enqueue_dma source(%dma_start3A_316 : memref<64x128xf32, #tpu.memory_space<vmem>>) target(%dma_start3A_312 : memref<64x128xf32, #tpu.memory_space<vmem_shared>>) target_semaphore(%run_scoped3A_304 : memref<!tpu.dma_semaphore, #tpu.memory_space<semaphore_mem>>)
      %dma_wait3A_317 = arith.constant 0 : i32
      %dma_wait3A_318 = arith.constant 0 : i32
      %dma_wait3A_319 = tpu.memref_slice %arg15[%run_scoped3A_35, %dma_wait3A_317, %dma_wait3A_318] : memref<3x64x128xf32, #tpu.memory_space<vmem>> -> memref<1x64x128xf32, #tpu.memory_space<vmem>>
      %dma_wait3A_320 = tpu.memref_squeeze %dma_wait3A_319 : memref<1x64x128xf32, #tpu.memory_space<vmem>> -> memref<64x128xf32, #tpu.memory_space<vmem>>
      %dma_wait3A_321 = arith.constant 0 : i32
      %dma_wait3A_322 = tpu.memref_slice %arg17[%add3A_34, %dma_wait3A_321] : memref<10240x128xf32, #tpu.memory_space<vmem_shared>> -> memref<64x128xf32, #tpu.memory_space<vmem_shared>>
      %dma_wait3A_323 = arith.constant 0 : i32
      %dma_wait3A_324 = tpu.memref_slice %arg17[%add3A_34, %dma_wait3A_323] : memref<10240x128xf32, #tpu.memory_space<vmem_shared>> -> memref<64x128xf32, #tpu.memory_space<vmem_shared>>
      %dma_wait3A_325 = arith.constant 0 : i32
      %dma_wait3A_326 = arith.constant 0 : i32
      %dma_wait3A_327 = tpu.memref_slice %arg15[%run_scoped3A_35, %dma_wait3A_325, %dma_wait3A_326] : memref<3x64x128xf32, #tpu.memory_space<vmem>> -> memref<1x64x128xf32, #tpu.memory_space<vmem>>
      %dma_wait3A_328 = tpu.memref_squeeze %dma_wait3A_327 : memref<1x64x128xf32, #tpu.memory_space<vmem>> -> memref<64x128xf32, #tpu.memory_space<vmem>>
      tpu.wait_dma2 semaphore(%run_scoped3A_304 : memref<!tpu.dma_semaphore, #tpu.memory_space<semaphore_mem>>) src(%dma_wait3A_328 : memref<64x128xf32, #tpu.memory_space<vmem>>) dst(%dma_wait3A_324 : memref<64x128xf32, #tpu.memory_space<vmem_shared>>)
      tpu.yield
    }) : () -> ()
    %mul3A_36 = arith.constant 640 : i32
    %mul3A_37 = arith.muli %arg1, %mul3A_36 : i32
    %add3A_38 = arith.constant 384 : i32
    %add3A_39 = arith.addi %mul3A_37, %add3A_38 : i32
    %run_scoped3A_40 = arith.constant 0 : i32
    "tpu.region"() ({
      %run_scoped3A_304 = tpu.sem_alloc : memref<!tpu.dma_semaphore, #tpu.memory_space<semaphore_mem>>
      %dma_start3A_305 = arith.constant 0 : i32
      %dma_start3A_306 = arith.constant 0 : i32
      %dma_start3A_307 = tpu.memref_slice %arg15[%run_scoped3A_40, %dma_start3A_305, %dma_start3A_306] : memref<3x64x128xf32, #tpu.memory_space<vmem>> -> memref<1x64x128xf32, #tpu.memory_space<vmem>>
      %dma_start3A_308 = tpu.memref_squeeze %dma_start3A_307 : memref<1x64x128xf32, #tpu.memory_space<vmem>> -> memref<64x128xf32, #tpu.memory_space<vmem>>
      %dma_start3A_309 = arith.constant 0 : i32
      %dma_start3A_310 = tpu.memref_slice %arg17[%add3A_39, %dma_start3A_309] : memref<10240x128xf32, #tpu.memory_space<vmem_shared>> -> memref<64x128xf32, #tpu.memory_space<vmem_shared>>
      %dma_start3A_311 = arith.constant 0 : i32
      %dma_start3A_312 = tpu.memref_slice %arg17[%add3A_39, %dma_start3A_311] : memref<10240x128xf32, #tpu.memory_space<vmem_shared>> -> memref<64x128xf32, #tpu.memory_space<vmem_shared>>
      %dma_start3A_313 = arith.constant 0 : i32
      %dma_start3A_314 = arith.constant 0 : i32
      %dma_start3A_315 = tpu.memref_slice %arg15[%run_scoped3A_40, %dma_start3A_313, %dma_start3A_314] : memref<3x64x128xf32, #tpu.memory_space<vmem>> -> memref<1x64x128xf32, #tpu.memory_space<vmem>>
      %dma_start3A_316 = tpu.memref_squeeze %dma_start3A_315 : memref<1x64x128xf32, #tpu.memory_space<vmem>> -> memref<64x128xf32, #tpu.memory_space<vmem>>
      tpu.enqueue_dma source(%dma_start3A_316 : memref<64x128xf32, #tpu.memory_space<vmem>>) target(%dma_start3A_312 : memref<64x128xf32, #tpu.memory_space<vmem_shared>>) target_semaphore(%run_scoped3A_304 : memref<!tpu.dma_semaphore, #tpu.memory_space<semaphore_mem>>)
      %dma_wait3A_317 = arith.constant 0 : i32
      %dma_wait3A_318 = arith.constant 0 : i32
      %dma_wait3A_319 = tpu.memref_slice %arg15[%run_scoped3A_40, %dma_wait3A_317, %dma_wait3A_318] : memref<3x64x128xf32, #tpu.memory_space<vmem>> -> memref<1x64x128xf32, #tpu.memory_space<vmem>>
      %dma_wait3A_320 = tpu.memref_squeeze %dma_wait3A_319 : memref<1x64x128xf32, #tpu.memory_space<vmem>> -> memref<64x128xf32, #tpu.memory_space<vmem>>
      %dma_wait3A_321 = arith.constant 0 : i32
      %dma_wait3A_322 = tpu.memref_slice %arg17[%add3A_39, %dma_wait3A_321] : memref<10240x128xf32, #tpu.memory_space<vmem_shared>> -> memref<64x128xf32, #tpu.memory_space<vmem_shared>>
      %dma_wait3A_323 = arith.constant 0 : i32
      %dma_wait3A_324 = tpu.memref_slice %arg17[%add3A_39, %dma_wait3A_323] : memref<10240x128xf32, #tpu.memory_space<vmem_shared>> -> memref<64x128xf32, #tpu.memory_space<vmem_shared>>
      %dma_wait3A_325 = arith.constant 0 : i32
      %dma_wait3A_326 = arith.constant 0 : i32
      %dma_wait3A_327 = tpu.memref_slice %arg15[%run_scoped3A_40, %dma_wait3A_325, %dma_wait3A_326] : memref<3x64x128xf32, #tpu.memory_space<vmem>> -> memref<1x64x128xf32, #tpu.memory_space<vmem>>
      %dma_wait3A_328 = tpu.memref_squeeze %dma_wait3A_327 : memref<1x64x128xf32, #tpu.memory_space<vmem>> -> memref<64x128xf32, #tpu.memory_space<vmem>>
      tpu.wait_dma2 semaphore(%run_scoped3A_304 : memref<!tpu.dma_semaphore, #tpu.memory_space<semaphore_mem>>) src(%dma_wait3A_328 : memref<64x128xf32, #tpu.memory_space<vmem>>) dst(%dma_wait3A_324 : memref<64x128xf32, #tpu.memory_space<vmem_shared>>)
      tpu.yield
    }) : () -> ()
    %mul3A_41 = arith.constant 640 : i32
    %mul3A_42 = arith.muli %arg1, %mul3A_41 : i32
    %add3A_43 = arith.constant 448 : i32
    %add3A_44 = arith.addi %mul3A_42, %add3A_43 : i32
    %run_scoped3A_45 = arith.constant 0 : i32
    "tpu.region"() ({
      %run_scoped3A_304 = tpu.sem_alloc : memref<!tpu.dma_semaphore, #tpu.memory_space<semaphore_mem>>
      %dma_start3A_305 = arith.constant 0 : i32
      %dma_start3A_306 = arith.constant 0 : i32
      %dma_start3A_307 = tpu.memref_slice %arg15[%run_scoped3A_45, %dma_start3A_305, %dma_start3A_306] : memref<3x64x128xf32, #tpu.memory_space<vmem>> -> memref<1x64x128xf32, #tpu.memory_space<vmem>>
      %dma_start3A_308 = tpu.memref_squeeze %dma_start3A_307 : memref<1x64x128xf32, #tpu.memory_space<vmem>> -> memref<64x128xf32, #tpu.memory_space<vmem>>
      %dma_start3A_309 = arith.constant 0 : i32
      %dma_start3A_310 = tpu.memref_slice %arg17[%add3A_44, %dma_start3A_309] : memref<10240x128xf32, #tpu.memory_space<vmem_shared>> -> memref<64x128xf32, #tpu.memory_space<vmem_shared>>
      %dma_start3A_311 = arith.constant 0 : i32
      %dma_start3A_312 = tpu.memref_slice %arg17[%add3A_44, %dma_start3A_311] : memref<10240x128xf32, #tpu.memory_space<vmem_shared>> -> memref<64x128xf32, #tpu.memory_space<vmem_shared>>
      %dma_start3A_313 = arith.constant 0 : i32
      %dma_start3A_314 = arith.constant 0 : i32
      %dma_start3A_315 = tpu.memref_slice %arg15[%run_scoped3A_45, %dma_start3A_313, %dma_start3A_314] : memref<3x64x128xf32, #tpu.memory_space<vmem>> -> memref<1x64x128xf32, #tpu.memory_space<vmem>>
      %dma_start3A_316 = tpu.memref_squeeze %dma_start3A_315 : memref<1x64x128xf32, #tpu.memory_space<vmem>> -> memref<64x128xf32, #tpu.memory_space<vmem>>
      tpu.enqueue_dma source(%dma_start3A_316 : memref<64x128xf32, #tpu.memory_space<vmem>>) target(%dma_start3A_312 : memref<64x128xf32, #tpu.memory_space<vmem_shared>>) target_semaphore(%run_scoped3A_304 : memref<!tpu.dma_semaphore, #tpu.memory_space<semaphore_mem>>)
      %dma_wait3A_317 = arith.constant 0 : i32
      %dma_wait3A_318 = arith.constant 0 : i32
      %dma_wait3A_319 = tpu.memref_slice %arg15[%run_scoped3A_45, %dma_wait3A_317, %dma_wait3A_318] : memref<3x64x128xf32, #tpu.memory_space<vmem>> -> memref<1x64x128xf32, #tpu.memory_space<vmem>>
      %dma_wait3A_320 = tpu.memref_squeeze %dma_wait3A_319 : memref<1x64x128xf32, #tpu.memory_space<vmem>> -> memref<64x128xf32, #tpu.memory_space<vmem>>
      %dma_wait3A_321 = arith.constant 0 : i32
      %dma_wait3A_322 = tpu.memref_slice %arg17[%add3A_44, %dma_wait3A_321] : memref<10240x128xf32, #tpu.memory_space<vmem_shared>> -> memref<64x128xf32, #tpu.memory_space<vmem_shared>>
      %dma_wait3A_323 = arith.constant 0 : i32
      %dma_wait3A_324 = tpu.memref_slice %arg17[%add3A_44, %dma_wait3A_323] : memref<10240x128xf32, #tpu.memory_space<vmem_shared>> -> memref<64x128xf32, #tpu.memory_space<vmem_shared>>
      %dma_wait3A_325 = arith.constant 0 : i32
      %dma_wait3A_326 = arith.constant 0 : i32
      %dma_wait3A_327 = tpu.memref_slice %arg15[%run_scoped3A_45, %dma_wait3A_325, %dma_wait3A_326] : memref<3x64x128xf32, #tpu.memory_space<vmem>> -> memref<1x64x128xf32, #tpu.memory_space<vmem>>
      %dma_wait3A_328 = tpu.memref_squeeze %dma_wait3A_327 : memref<1x64x128xf32, #tpu.memory_space<vmem>> -> memref<64x128xf32, #tpu.memory_space<vmem>>
      tpu.wait_dma2 semaphore(%run_scoped3A_304 : memref<!tpu.dma_semaphore, #tpu.memory_space<semaphore_mem>>) src(%dma_wait3A_328 : memref<64x128xf32, #tpu.memory_space<vmem>>) dst(%dma_wait3A_324 : memref<64x128xf32, #tpu.memory_space<vmem_shared>>)
      tpu.yield
    }) : () -> ()
    %mul3A_46 = arith.constant 640 : i32
    %mul3A_47 = arith.muli %arg1, %mul3A_46 : i32
    %add3A_48 = arith.constant 512 : i32
    %add3A_49 = arith.addi %mul3A_47, %add3A_48 : i32
    %run_scoped3A_50 = arith.constant 0 : i32
    "tpu.region"() ({
      %run_scoped3A_304 = tpu.sem_alloc : memref<!tpu.dma_semaphore, #tpu.memory_space<semaphore_mem>>
      %dma_start3A_305 = arith.constant 0 : i32
      %dma_start3A_306 = arith.constant 0 : i32
      %dma_start3A_307 = tpu.memref_slice %arg15[%run_scoped3A_50, %dma_start3A_305, %dma_start3A_306] : memref<3x64x128xf32, #tpu.memory_space<vmem>> -> memref<1x64x128xf32, #tpu.memory_space<vmem>>
      %dma_start3A_308 = tpu.memref_squeeze %dma_start3A_307 : memref<1x64x128xf32, #tpu.memory_space<vmem>> -> memref<64x128xf32, #tpu.memory_space<vmem>>
      %dma_start3A_309 = arith.constant 0 : i32
      %dma_start3A_310 = tpu.memref_slice %arg17[%add3A_49, %dma_start3A_309] : memref<10240x128xf32, #tpu.memory_space<vmem_shared>> -> memref<64x128xf32, #tpu.memory_space<vmem_shared>>
      %dma_start3A_311 = arith.constant 0 : i32
      %dma_start3A_312 = tpu.memref_slice %arg17[%add3A_49, %dma_start3A_311] : memref<10240x128xf32, #tpu.memory_space<vmem_shared>> -> memref<64x128xf32, #tpu.memory_space<vmem_shared>>
      %dma_start3A_313 = arith.constant 0 : i32
      %dma_start3A_314 = arith.constant 0 : i32
      %dma_start3A_315 = tpu.memref_slice %arg15[%run_scoped3A_50, %dma_start3A_313, %dma_start3A_314] : memref<3x64x128xf32, #tpu.memory_space<vmem>> -> memref<1x64x128xf32, #tpu.memory_space<vmem>>
      %dma_start3A_316 = tpu.memref_squeeze %dma_start3A_315 : memref<1x64x128xf32, #tpu.memory_space<vmem>> -> memref<64x128xf32, #tpu.memory_space<vmem>>
      tpu.enqueue_dma source(%dma_start3A_316 : memref<64x128xf32, #tpu.memory_space<vmem>>) target(%dma_start3A_312 : memref<64x128xf32, #tpu.memory_space<vmem_shared>>) target_semaphore(%run_scoped3A_304 : memref<!tpu.dma_semaphore, #tpu.memory_space<semaphore_mem>>)
      %dma_wait3A_317 = arith.constant 0 : i32
      %dma_wait3A_318 = arith.constant 0 : i32
      %dma_wait3A_319 = tpu.memref_slice %arg15[%run_scoped3A_50, %dma_wait3A_317, %dma_wait3A_318] : memref<3x64x128xf32, #tpu.memory_space<vmem>> -> memref<1x64x128xf32, #tpu.memory_space<vmem>>
      %dma_wait3A_320 = tpu.memref_squeeze %dma_wait3A_319 : memref<1x64x128xf32, #tpu.memory_space<vmem>> -> memref<64x128xf32, #tpu.memory_space<vmem>>
      %dma_wait3A_321 = arith.constant 0 : i32
      %dma_wait3A_322 = tpu.memref_slice %arg17[%add3A_49, %dma_wait3A_321] : memref<10240x128xf32, #tpu.memory_space<vmem_shared>> -> memref<64x128xf32, #tpu.memory_space<vmem_shared>>
      %dma_wait3A_323 = arith.constant 0 : i32
      %dma_wait3A_324 = tpu.memref_slice %arg17[%add3A_49, %dma_wait3A_323] : memref<10240x128xf32, #tpu.memory_space<vmem_shared>> -> memref<64x128xf32, #tpu.memory_space<vmem_shared>>
      %dma_wait3A_325 = arith.constant 0 : i32
      %dma_wait3A_326 = arith.constant 0 : i32
      %dma_wait3A_327 = tpu.memref_slice %arg15[%run_scoped3A_50, %dma_wait3A_325, %dma_wait3A_326] : memref<3x64x128xf32, #tpu.memory_space<vmem>> -> memref<1x64x128xf32, #tpu.memory_space<vmem>>
      %dma_wait3A_328 = tpu.memref_squeeze %dma_wait3A_327 : memref<1x64x128xf32, #tpu.memory_space<vmem>> -> memref<64x128xf32, #tpu.memory_space<vmem>>
      tpu.wait_dma2 semaphore(%run_scoped3A_304 : memref<!tpu.dma_semaphore, #tpu.memory_space<semaphore_mem>>) src(%dma_wait3A_328 : memref<64x128xf32, #tpu.memory_space<vmem>>) dst(%dma_wait3A_324 : memref<64x128xf32, #tpu.memory_space<vmem_shared>>)
      tpu.yield
    }) : () -> ()
    %mul3A_51 = arith.constant 640 : i32
    %mul3A_52 = arith.muli %arg1, %mul3A_51 : i32
    %add3A_53 = arith.constant 576 : i32
    %add3A_54 = arith.addi %mul3A_52, %add3A_53 : i32
    %run_scoped3A_55 = arith.constant 0 : i32
    "tpu.region"() ({
      %run_scoped3A_304 = tpu.sem_alloc : memref<!tpu.dma_semaphore, #tpu.memory_space<semaphore_mem>>
      %dma_start3A_305 = arith.constant 0 : i32
      %dma_start3A_306 = arith.constant 0 : i32
      %dma_start3A_307 = tpu.memref_slice %arg15[%run_scoped3A_55, %dma_start3A_305, %dma_start3A_306] : memref<3x64x128xf32, #tpu.memory_space<vmem>> -> memref<1x64x128xf32, #tpu.memory_space<vmem>>
      %dma_start3A_308 = tpu.memref_squeeze %dma_start3A_307 : memref<1x64x128xf32, #tpu.memory_space<vmem>> -> memref<64x128xf32, #tpu.memory_space<vmem>>
      %dma_start3A_309 = arith.constant 0 : i32
      %dma_start3A_310 = tpu.memref_slice %arg17[%add3A_54, %dma_start3A_309] : memref<10240x128xf32, #tpu.memory_space<vmem_shared>> -> memref<64x128xf32, #tpu.memory_space<vmem_shared>>
      %dma_start3A_311 = arith.constant 0 : i32
      %dma_start3A_312 = tpu.memref_slice %arg17[%add3A_54, %dma_start3A_311] : memref<10240x128xf32, #tpu.memory_space<vmem_shared>> -> memref<64x128xf32, #tpu.memory_space<vmem_shared>>
      %dma_start3A_313 = arith.constant 0 : i32
      %dma_start3A_314 = arith.constant 0 : i32
      %dma_start3A_315 = tpu.memref_slice %arg15[%run_scoped3A_55, %dma_start3A_313, %dma_start3A_314] : memref<3x64x128xf32, #tpu.memory_space<vmem>> -> memref<1x64x128xf32, #tpu.memory_space<vmem>>
      %dma_start3A_316 = tpu.memref_squeeze %dma_start3A_315 : memref<1x64x128xf32, #tpu.memory_space<vmem>> -> memref<64x128xf32, #tpu.memory_space<vmem>>
      tpu.enqueue_dma source(%dma_start3A_316 : memref<64x128xf32, #tpu.memory_space<vmem>>) target(%dma_start3A_312 : memref<64x128xf32, #tpu.memory_space<vmem_shared>>) target_semaphore(%run_scoped3A_304 : memref<!tpu.dma_semaphore, #tpu.memory_space<semaphore_mem>>)
      %dma_wait3A_317 = arith.constant 0 : i32
      %dma_wait3A_318 = arith.constant 0 : i32
      %dma_wait3A_319 = tpu.memref_slice %arg15[%run_scoped3A_55, %dma_wait3A_317, %dma_wait3A_318] : memref<3x64x128xf32, #tpu.memory_space<vmem>> -> memref<1x64x128xf32, #tpu.memory_space<vmem>>
      %dma_wait3A_320 = tpu.memref_squeeze %dma_wait3A_319 : memref<1x64x128xf32, #tpu.memory_space<vmem>> -> memref<64x128xf32, #tpu.memory_space<vmem>>
      %dma_wait3A_321 = arith.constant 0 : i32
      %dma_wait3A_322 = tpu.memref_slice %arg17[%add3A_54, %dma_wait3A_321] : memref<10240x128xf32, #tpu.memory_space<vmem_shared>> -> memref<64x128xf32, #tpu.memory_space<vmem_shared>>
      %dma_wait3A_323 = arith.constant 0 : i32
      %dma_wait3A_324 = tpu.memref_slice %arg17[%add3A_54, %dma_wait3A_323] : memref<10240x128xf32, #tpu.memory_space<vmem_shared>> -> memref<64x128xf32, #tpu.memory_space<vmem_shared>>
      %dma_wait3A_325 = arith.constant 0 : i32
      %dma_wait3A_326 = arith.constant 0 : i32
      %dma_wait3A_327 = tpu.memref_slice %arg15[%run_scoped3A_55, %dma_wait3A_325, %dma_wait3A_326] : memref<3x64x128xf32, #tpu.memory_space<vmem>> -> memref<1x64x128xf32, #tpu.memory_space<vmem>>
      %dma_wait3A_328 = tpu.memref_squeeze %dma_wait3A_327 : memref<1x64x128xf32, #tpu.memory_space<vmem>> -> memref<64x128xf32, #tpu.memory_space<vmem>>
      tpu.wait_dma2 semaphore(%run_scoped3A_304 : memref<!tpu.dma_semaphore, #tpu.memory_space<semaphore_mem>>) src(%dma_wait3A_328 : memref<64x128xf32, #tpu.memory_space<vmem>>) dst(%dma_wait3A_324 : memref<64x128xf32, #tpu.memory_space<vmem_shared>>)
      tpu.yield
    }) : () -> ()
    %mul3A_56 = arith.constant 640 : i32
    %mul3A_57 = arith.muli %arg1, %mul3A_56 : i32
    "tpu.region"() ({
      %run_scoped3A_304 = tpu.sem_alloc : memref<!tpu.dma_semaphore, #tpu.memory_space<semaphore_mem>>
      %dma_start3A_305 = tpu.memref_slice %arg18[%mul3A_57] : memref<10240xf32, #tpu.memory_space<vmem_shared>> -> memref<640xf32, #tpu.memory_space<vmem_shared>>
      %dma_start3A_306 = tpu.memref_slice %arg18[%mul3A_57] : memref<10240xf32, #tpu.memory_space<vmem_shared>> -> memref<640xf32, #tpu.memory_space<vmem_shared>>
      tpu.enqueue_dma source(%arg16 : memref<640xf32, #tpu.memory_space<vmem>>) target(%dma_start3A_306 : memref<640xf32, #tpu.memory_space<vmem_shared>>) target_semaphore(%run_scoped3A_304 : memref<!tpu.dma_semaphore, #tpu.memory_space<semaphore_mem>>)
      %dma_wait3A_307 = tpu.memref_slice %arg18[%mul3A_57] : memref<10240xf32, #tpu.memory_space<vmem_shared>> -> memref<640xf32, #tpu.memory_space<vmem_shared>>
      %dma_wait3A_308 = tpu.memref_slice %arg18[%mul3A_57] : memref<10240xf32, #tpu.memory_space<vmem_shared>> -> memref<640xf32, #tpu.memory_space<vmem_shared>>
      tpu.wait_dma2 semaphore(%run_scoped3A_304 : memref<!tpu.dma_semaphore, #tpu.memory_space<semaphore_mem>>) src(%arg16 : memref<640xf32, #tpu.memory_space<vmem>>) dst(%dma_wait3A_308 : memref<640xf32, #tpu.memory_space<vmem_shared>>)
      tpu.yield
    }) : () -> ()
    tpu.wait_dma2 semaphore(%arg20 : memref<!tpu.dma_semaphore, #tpu.memory_space<semaphore_mem>>) src(%arg5 : memref<10000xf32, #tpu.memory_space<hbm>>) dst(%arg12 : memref<10000xf32, #tpu.memory_space<vmem>>)
    tpu.wait_dma2 semaphore(%arg20 : memref<!tpu.dma_semaphore, #tpu.memory_space<semaphore_mem>>) src(%arg6 : memref<10000xf32, #tpu.memory_space<hbm>>) dst(%arg13 : memref<10000xf32, #tpu.memory_space<vmem>>)
    %barrier3A = arith.constant 0 : index
    tpu.barrier barrier_id(%barrier3A)
    %dma_start3A = arith.constant 0 : i32
    %dma_start3A_58 = arith.constant 0 : i32
    %dma_start3A_59 = arith.constant 0 : i32
    %dma_start3A_60 = tpu.memref_slice %arg9[%dma_start3A_58, %dma_start3A_59] : memref<3x64xi32, #tpu.memory_space<vmem>> -> memref<1x64xi32, #tpu.memory_space<vmem>>
    %dma_start3A_61 = tpu.memref_squeeze %dma_start3A_60 : memref<1x64xi32, #tpu.memory_space<vmem>> -> memref<64xi32, #tpu.memory_space<vmem>>
    %dma_start3A_62 = arith.constant 0 : i32
    %dma_start3A_63 = tpu.memref_slice %arg3[%add3A, %dma_start3A, %dma_start3A_62] : memref<32x162x64xi32, #tpu.memory_space<hbm>> -> memref<1x1x64xi32, #tpu.memory_space<hbm>>
    %dma_start3A_64 = tpu.memref_squeeze %dma_start3A_63 : memref<1x1x64xi32, #tpu.memory_space<hbm>> -> memref<64xi32, #tpu.memory_space<hbm>>
    %dma_start3A_65 = arith.constant 0 : i32
    %dma_start3A_66 = tpu.memref_slice %arg9[%dma_start3A_58, %dma_start3A_65] : memref<3x64xi32, #tpu.memory_space<vmem>> -> memref<1x64xi32, #tpu.memory_space<vmem>>
    %dma_start3A_67 = tpu.memref_squeeze %dma_start3A_66 : memref<1x64xi32, #tpu.memory_space<vmem>> -> memref<64xi32, #tpu.memory_space<vmem>>
    %dma_start3A_68 = arith.constant 0 : i32
    %dma_start3A_69 = tpu.memref_slice %arg3[%add3A, %dma_start3A, %dma_start3A_68] : memref<32x162x64xi32, #tpu.memory_space<hbm>> -> memref<1x1x64xi32, #tpu.memory_space<hbm>>
    %dma_start3A_70 = tpu.memref_squeeze %dma_start3A_69 : memref<1x1x64xi32, #tpu.memory_space<hbm>> -> memref<64xi32, #tpu.memory_space<hbm>>
    tpu.enqueue_dma source(%dma_start3A_70 : memref<64xi32, #tpu.memory_space<hbm>>) target(%dma_start3A_67 : memref<64xi32, #tpu.memory_space<vmem>>) target_semaphore(%arg19 : memref<!tpu.dma_semaphore, #tpu.memory_space<semaphore_mem>>)
    %dma_start3A_71 = arith.constant 0 : i32
    %dma_start3A_72 = arith.constant 0 : i32
    %dma_start3A_73 = arith.constant 0 : i32
    %dma_start3A_74 = tpu.memref_slice %arg10[%dma_start3A_72, %dma_start3A_73] : memref<3x64xi32, #tpu.memory_space<vmem>> -> memref<1x64xi32, #tpu.memory_space<vmem>>
    %dma_start3A_75 = tpu.memref_squeeze %dma_start3A_74 : memref<1x64xi32, #tpu.memory_space<vmem>> -> memref<64xi32, #tpu.memory_space<vmem>>
    %dma_start3A_76 = arith.constant 0 : i32
    %dma_start3A_77 = tpu.memref_slice %arg4[%add3A, %dma_start3A_71, %dma_start3A_76] : memref<32x162x64xi32, #tpu.memory_space<hbm>> -> memref<1x1x64xi32, #tpu.memory_space<hbm>>
    %dma_start3A_78 = tpu.memref_squeeze %dma_start3A_77 : memref<1x1x64xi32, #tpu.memory_space<hbm>> -> memref<64xi32, #tpu.memory_space<hbm>>
    %dma_start3A_79 = arith.constant 0 : i32
    %dma_start3A_80 = tpu.memref_slice %arg10[%dma_start3A_72, %dma_start3A_79] : memref<3x64xi32, #tpu.memory_space<vmem>> -> memref<1x64xi32, #tpu.memory_space<vmem>>
    %dma_start3A_81 = tpu.memref_squeeze %dma_start3A_80 : memref<1x64xi32, #tpu.memory_space<vmem>> -> memref<64xi32, #tpu.memory_space<vmem>>
    %dma_start3A_82 = arith.constant 0 : i32
    %dma_start3A_83 = tpu.memref_slice %arg4[%add3A, %dma_start3A_71, %dma_start3A_82] : memref<32x162x64xi32, #tpu.memory_space<hbm>> -> memref<1x1x64xi32, #tpu.memory_space<hbm>>
    %dma_start3A_84 = tpu.memref_squeeze %dma_start3A_83 : memref<1x1x64xi32, #tpu.memory_space<hbm>> -> memref<64xi32, #tpu.memory_space<hbm>>
    tpu.enqueue_dma source(%dma_start3A_84 : memref<64xi32, #tpu.memory_space<hbm>>) target(%dma_start3A_81 : memref<64xi32, #tpu.memory_space<vmem>>) target_semaphore(%arg19 : memref<!tpu.dma_semaphore, #tpu.memory_space<semaphore_mem>>)
    %dma_wait3A = arith.constant 0 : i32
    %dma_wait3A_85 = arith.constant 0 : i32
    %dma_wait3A_86 = arith.constant 0 : i32
    %dma_wait3A_87 = tpu.memref_slice %arg9[%dma_wait3A_85, %dma_wait3A_86] : memref<3x64xi32, #tpu.memory_space<vmem>> -> memref<1x64xi32, #tpu.memory_space<vmem>>
    %dma_wait3A_88 = tpu.memref_squeeze %dma_wait3A_87 : memref<1x64xi32, #tpu.memory_space<vmem>> -> memref<64xi32, #tpu.memory_space<vmem>>
    %dma_wait3A_89 = arith.constant 0 : i32
    %dma_wait3A_90 = tpu.memref_slice %arg3[%add3A, %dma_wait3A, %dma_wait3A_89] : memref<32x162x64xi32, #tpu.memory_space<hbm>> -> memref<1x1x64xi32, #tpu.memory_space<hbm>>
    %dma_wait3A_91 = tpu.memref_squeeze %dma_wait3A_90 : memref<1x1x64xi32, #tpu.memory_space<hbm>> -> memref<64xi32, #tpu.memory_space<hbm>>
    %dma_wait3A_92 = arith.constant 0 : i32
    %dma_wait3A_93 = tpu.memref_slice %arg9[%dma_wait3A_85, %dma_wait3A_92] : memref<3x64xi32, #tpu.memory_space<vmem>> -> memref<1x64xi32, #tpu.memory_space<vmem>>
    %dma_wait3A_94 = tpu.memref_squeeze %dma_wait3A_93 : memref<1x64xi32, #tpu.memory_space<vmem>> -> memref<64xi32, #tpu.memory_space<vmem>>
    %dma_wait3A_95 = arith.constant 0 : i32
    %dma_wait3A_96 = tpu.memref_slice %arg3[%add3A, %dma_wait3A, %dma_wait3A_95] : memref<32x162x64xi32, #tpu.memory_space<hbm>> -> memref<1x1x64xi32, #tpu.memory_space<hbm>>
    %dma_wait3A_97 = tpu.memref_squeeze %dma_wait3A_96 : memref<1x1x64xi32, #tpu.memory_space<hbm>> -> memref<64xi32, #tpu.memory_space<hbm>>
    tpu.wait_dma2 semaphore(%arg19 : memref<!tpu.dma_semaphore, #tpu.memory_space<semaphore_mem>>) src(%dma_wait3A_97 : memref<64xi32, #tpu.memory_space<hbm>>) dst(%dma_wait3A_94 : memref<64xi32, #tpu.memory_space<vmem>>)
    %dma_wait3A_98 = arith.constant 0 : i32
    %dma_wait3A_99 = arith.constant 0 : i32
    %dma_wait3A_100 = arith.constant 0 : i32
    %dma_wait3A_101 = tpu.memref_slice %arg10[%dma_wait3A_99, %dma_wait3A_100] : memref<3x64xi32, #tpu.memory_space<vmem>> -> memref<1x64xi32, #tpu.memory_space<vmem>>
    %dma_wait3A_102 = tpu.memref_squeeze %dma_wait3A_101 : memref<1x64xi32, #tpu.memory_space<vmem>> -> memref<64xi32, #tpu.memory_space<vmem>>
    %dma_wait3A_103 = arith.constant 0 : i32
    %dma_wait3A_104 = tpu.memref_slice %arg4[%add3A, %dma_wait3A_98, %dma_wait3A_103] : memref<32x162x64xi32, #tpu.memory_space<hbm>> -> memref<1x1x64xi32, #tpu.memory_space<hbm>>
    %dma_wait3A_105 = tpu.memref_squeeze %dma_wait3A_104 : memref<1x1x64xi32, #tpu.memory_space<hbm>> -> memref<64xi32, #tpu.memory_space<hbm>>
    %dma_wait3A_106 = arith.constant 0 : i32
    %dma_wait3A_107 = tpu.memref_slice %arg10[%dma_wait3A_99, %dma_wait3A_106] : memref<3x64xi32, #tpu.memory_space<vmem>> -> memref<1x64xi32, #tpu.memory_space<vmem>>
    %dma_wait3A_108 = tpu.memref_squeeze %dma_wait3A_107 : memref<1x64xi32, #tpu.memory_space<vmem>> -> memref<64xi32, #tpu.memory_space<vmem>>
    %dma_wait3A_109 = arith.constant 0 : i32
    %dma_wait3A_110 = tpu.memref_slice %arg4[%add3A, %dma_wait3A_98, %dma_wait3A_109] : memref<32x162x64xi32, #tpu.memory_space<hbm>> -> memref<1x1x64xi32, #tpu.memory_space<hbm>>
    %dma_wait3A_111 = tpu.memref_squeeze %dma_wait3A_110 : memref<1x1x64xi32, #tpu.memory_space<hbm>> -> memref<64xi32, #tpu.memory_space<hbm>>
    tpu.wait_dma2 semaphore(%arg19 : memref<!tpu.dma_semaphore, #tpu.memory_space<semaphore_mem>>) src(%dma_wait3A_111 : memref<64xi32, #tpu.memory_space<hbm>>) dst(%dma_wait3A_108 : memref<64xi32, #tpu.memory_space<vmem>>)
    %dma_start3A_112 = arith.constant 0 : i32
    %dma_start3A_113 = arith.constant 0 : i32
    %dma_start3A_114 = arith.constant 0 : i32
    %dma_start3A_115 = arith.constant 0 : i32
    %dma_start3A_116 = tpu.memref_slice %arg15[%dma_start3A_113, %dma_start3A_114, %dma_start3A_115] : memref<3x64x128xf32, #tpu.memory_space<vmem>> -> memref<1x64x128xf32, #tpu.memory_space<vmem>>
    %dma_start3A_117 = tpu.memref_squeeze %dma_start3A_116 : memref<1x64x128xf32, #tpu.memory_space<vmem>> -> memref<64x128xf32, #tpu.memory_space<vmem>>
    %dma_start3A_118 = arith.constant 0 : i32
    %dma_start3A_119 = tpu.memref_slice %arg9[%dma_start3A_112, %dma_start3A_118] : memref<3x64xi32, #tpu.memory_space<vmem>> -> memref<1x64xi32, #tpu.memory_space<vmem>>
    %dma_start3A_120 = tpu.memref_squeeze %dma_start3A_119 : memref<1x64xi32, #tpu.memory_space<vmem>> -> memref<64xi32, #tpu.memory_space<vmem>>
    %dma_start3A_121 = arith.constant 0 : i32
    %dma_start3A_122 = arith.constant 0 : i32
    %dma_start3A_123 = tpu.memref_slice %arg2[%dma_start3A_121, %dma_start3A_122] : memref<10000x128xf32, #tpu.memory_space<hbm>> -> memref<10000x128xf32, #tpu.memory_space<hbm>>
    tpu.enqueue_indirect_dma source(%dma_start3A_123 : memref<10000x128xf32, #tpu.memory_space<hbm>>) target(%dma_start3A_117 : memref<64x128xf32, #tpu.memory_space<vmem>>) offsets(%dma_start3A_120 : memref<64xi32, #tpu.memory_space<vmem>>) semaphore(%arg20 : memref<!tpu.dma_semaphore, #tpu.memory_space<semaphore_mem>>)
    %dma_start3A_124 = arith.constant 1 : i32
    %dma_start3A_125 = arith.constant 1 : i32
    %dma_start3A_126 = arith.constant 0 : i32
    %dma_start3A_127 = tpu.memref_slice %arg9[%dma_start3A_125, %dma_start3A_126] : memref<3x64xi32, #tpu.memory_space<vmem>> -> memref<1x64xi32, #tpu.memory_space<vmem>>
    %dma_start3A_128 = tpu.memref_squeeze %dma_start3A_127 : memref<1x64xi32, #tpu.memory_space<vmem>> -> memref<64xi32, #tpu.memory_space<vmem>>
    %dma_start3A_129 = arith.constant 0 : i32
    %dma_start3A_130 = tpu.memref_slice %arg3[%add3A, %dma_start3A_124, %dma_start3A_129] : memref<32x162x64xi32, #tpu.memory_space<hbm>> -> memref<1x1x64xi32, #tpu.memory_space<hbm>>
    %dma_start3A_131 = tpu.memref_squeeze %dma_start3A_130 : memref<1x1x64xi32, #tpu.memory_space<hbm>> -> memref<64xi32, #tpu.memory_space<hbm>>
    %dma_start3A_132 = arith.constant 0 : i32
    %dma_start3A_133 = tpu.memref_slice %arg9[%dma_start3A_125, %dma_start3A_132] : memref<3x64xi32, #tpu.memory_space<vmem>> -> memref<1x64xi32, #tpu.memory_space<vmem>>
    %dma_start3A_134 = tpu.memref_squeeze %dma_start3A_133 : memref<1x64xi32, #tpu.memory_space<vmem>> -> memref<64xi32, #tpu.memory_space<vmem>>
    %dma_start3A_135 = arith.constant 0 : i32
    %dma_start3A_136 = tpu.memref_slice %arg3[%add3A, %dma_start3A_124, %dma_start3A_135] : memref<32x162x64xi32, #tpu.memory_space<hbm>> -> memref<1x1x64xi32, #tpu.memory_space<hbm>>
    %dma_start3A_137 = tpu.memref_squeeze %dma_start3A_136 : memref<1x1x64xi32, #tpu.memory_space<hbm>> -> memref<64xi32, #tpu.memory_space<hbm>>
    tpu.enqueue_dma source(%dma_start3A_137 : memref<64xi32, #tpu.memory_space<hbm>>) target(%dma_start3A_134 : memref<64xi32, #tpu.memory_space<vmem>>) target_semaphore(%arg19 : memref<!tpu.dma_semaphore, #tpu.memory_space<semaphore_mem>>)
    %dma_start3A_138 = arith.constant 1 : i32
    %dma_start3A_139 = arith.constant 1 : i32
    %dma_start3A_140 = arith.constant 0 : i32
    %dma_start3A_141 = tpu.memref_slice %arg10[%dma_start3A_139, %dma_start3A_140] : memref<3x64xi32, #tpu.memory_space<vmem>> -> memref<1x64xi32, #tpu.memory_space<vmem>>
    %dma_start3A_142 = tpu.memref_squeeze %dma_start3A_141 : memref<1x64xi32, #tpu.memory_space<vmem>> -> memref<64xi32, #tpu.memory_space<vmem>>
    %dma_start3A_143 = arith.constant 0 : i32
    %dma_start3A_144 = tpu.memref_slice %arg4[%add3A, %dma_start3A_138, %dma_start3A_143] : memref<32x162x64xi32, #tpu.memory_space<hbm>> -> memref<1x1x64xi32, #tpu.memory_space<hbm>>
    %dma_start3A_145 = tpu.memref_squeeze %dma_start3A_144 : memref<1x1x64xi32, #tpu.memory_space<hbm>> -> memref<64xi32, #tpu.memory_space<hbm>>
    %dma_start3A_146 = arith.constant 0 : i32
    %dma_start3A_147 = tpu.memref_slice %arg10[%dma_start3A_139, %dma_start3A_146] : memref<3x64xi32, #tpu.memory_space<vmem>> -> memref<1x64xi32, #tpu.memory_space<vmem>>
    %dma_start3A_148 = tpu.memref_squeeze %dma_start3A_147 : memref<1x64xi32, #tpu.memory_space<vmem>> -> memref<64xi32, #tpu.memory_space<vmem>>
    %dma_start3A_149 = arith.constant 0 : i32
    %dma_start3A_150 = tpu.memref_slice %arg4[%add3A, %dma_start3A_138, %dma_start3A_149] : memref<32x162x64xi32, #tpu.memory_space<hbm>> -> memref<1x1x64xi32, #tpu.memory_space<hbm>>
    %dma_start3A_151 = tpu.memref_squeeze %dma_start3A_150 : memref<1x1x64xi32, #tpu.memory_space<hbm>> -> memref<64xi32, #tpu.memory_space<hbm>>
    tpu.enqueue_dma source(%dma_start3A_151 : memref<64xi32, #tpu.memory_space<hbm>>) target(%dma_start3A_148 : memref<64xi32, #tpu.memory_space<vmem>>) target_semaphore(%arg19 : memref<!tpu.dma_semaphore, #tpu.memory_space<semaphore_mem>>)
    %dma_wait3A_152 = arith.constant 1 : i32
    %dma_wait3A_153 = arith.constant 1 : i32
    %dma_wait3A_154 = arith.constant 0 : i32
    %dma_wait3A_155 = tpu.memref_slice %arg9[%dma_wait3A_153, %dma_wait3A_154] : memref<3x64xi32, #tpu.memory_space<vmem>> -> memref<1x64xi32, #tpu.memory_space<vmem>>
    %dma_wait3A_156 = tpu.memref_squeeze %dma_wait3A_155 : memref<1x64xi32, #tpu.memory_space<vmem>> -> memref<64xi32, #tpu.memory_space<vmem>>
    %dma_wait3A_157 = arith.constant 0 : i32
    %dma_wait3A_158 = tpu.memref_slice %arg3[%add3A, %dma_wait3A_152, %dma_wait3A_157] : memref<32x162x64xi32, #tpu.memory_space<hbm>> -> memref<1x1x64xi32, #tpu.memory_space<hbm>>
    %dma_wait3A_159 = tpu.memref_squeeze %dma_wait3A_158 : memref<1x1x64xi32, #tpu.memory_space<hbm>> -> memref<64xi32, #tpu.memory_space<hbm>>
    %dma_wait3A_160 = arith.constant 0 : i32
    %dma_wait3A_161 = tpu.memref_slice %arg9[%dma_wait3A_153, %dma_wait3A_160] : memref<3x64xi32, #tpu.memory_space<vmem>> -> memref<1x64xi32, #tpu.memory_space<vmem>>
    %dma_wait3A_162 = tpu.memref_squeeze %dma_wait3A_161 : memref<1x64xi32, #tpu.memory_space<vmem>> -> memref<64xi32, #tpu.memory_space<vmem>>
    %dma_wait3A_163 = arith.constant 0 : i32
    %dma_wait3A_164 = tpu.memref_slice %arg3[%add3A, %dma_wait3A_152, %dma_wait3A_163] : memref<32x162x64xi32, #tpu.memory_space<hbm>> -> memref<1x1x64xi32, #tpu.memory_space<hbm>>
    %dma_wait3A_165 = tpu.memref_squeeze %dma_wait3A_164 : memref<1x1x64xi32, #tpu.memory_space<hbm>> -> memref<64xi32, #tpu.memory_space<hbm>>
    tpu.wait_dma2 semaphore(%arg19 : memref<!tpu.dma_semaphore, #tpu.memory_space<semaphore_mem>>) src(%dma_wait3A_165 : memref<64xi32, #tpu.memory_space<hbm>>) dst(%dma_wait3A_162 : memref<64xi32, #tpu.memory_space<vmem>>)
    %dma_wait3A_166 = arith.constant 1 : i32
    %dma_wait3A_167 = arith.constant 1 : i32
    %dma_wait3A_168 = arith.constant 0 : i32
    %dma_wait3A_169 = tpu.memref_slice %arg10[%dma_wait3A_167, %dma_wait3A_168] : memref<3x64xi32, #tpu.memory_space<vmem>> -> memref<1x64xi32, #tpu.memory_space<vmem>>
    %dma_wait3A_170 = tpu.memref_squeeze %dma_wait3A_169 : memref<1x64xi32, #tpu.memory_space<vmem>> -> memref<64xi32, #tpu.memory_space<vmem>>
    %dma_wait3A_171 = arith.constant 0 : i32
    %dma_wait3A_172 = tpu.memref_slice %arg4[%add3A, %dma_wait3A_166, %dma_wait3A_171] : memref<32x162x64xi32, #tpu.memory_space<hbm>> -> memref<1x1x64xi32, #tpu.memory_space<hbm>>
    %dma_wait3A_173 = tpu.memref_squeeze %dma_wait3A_172 : memref<1x1x64xi32, #tpu.memory_space<hbm>> -> memref<64xi32, #tpu.memory_space<hbm>>
    %dma_wait3A_174 = arith.constant 0 : i32
    %dma_wait3A_175 = tpu.memref_slice %arg10[%dma_wait3A_167, %dma_wait3A_174] : memref<3x64xi32, #tpu.memory_space<vmem>> -> memref<1x64xi32, #tpu.memory_space<vmem>>
    %dma_wait3A_176 = tpu.memref_squeeze %dma_wait3A_175 : memref<1x64xi32, #tpu.memory_space<vmem>> -> memref<64xi32, #tpu.memory_space<vmem>>
    %dma_wait3A_177 = arith.constant 0 : i32
    %dma_wait3A_178 = tpu.memref_slice %arg4[%add3A, %dma_wait3A_166, %dma_wait3A_177] : memref<32x162x64xi32, #tpu.memory_space<hbm>> -> memref<1x1x64xi32, #tpu.memory_space<hbm>>
    %dma_wait3A_179 = tpu.memref_squeeze %dma_wait3A_178 : memref<1x1x64xi32, #tpu.memory_space<hbm>> -> memref<64xi32, #tpu.memory_space<hbm>>
    tpu.wait_dma2 semaphore(%arg19 : memref<!tpu.dma_semaphore, #tpu.memory_space<semaphore_mem>>) src(%dma_wait3A_179 : memref<64xi32, #tpu.memory_space<hbm>>) dst(%dma_wait3A_176 : memref<64xi32, #tpu.memory_space<vmem>>)
    %dma_start3A_180 = arith.constant 1 : i32
    %dma_start3A_181 = arith.constant 1 : i32
    %dma_start3A_182 = arith.constant 0 : i32
    %dma_start3A_183 = arith.constant 0 : i32
    %dma_start3A_184 = tpu.memref_slice %arg15[%dma_start3A_181, %dma_start3A_182, %dma_start3A_183] : memref<3x64x128xf32, #tpu.memory_space<vmem>> -> memref<1x64x128xf32, #tpu.memory_space<vmem>>
    %dma_start3A_185 = tpu.memref_squeeze %dma_start3A_184 : memref<1x64x128xf32, #tpu.memory_space<vmem>> -> memref<64x128xf32, #tpu.memory_space<vmem>>
    %dma_start3A_186 = arith.constant 0 : i32
    %dma_start3A_187 = tpu.memref_slice %arg9[%dma_start3A_180, %dma_start3A_186] : memref<3x64xi32, #tpu.memory_space<vmem>> -> memref<1x64xi32, #tpu.memory_space<vmem>>
    %dma_start3A_188 = tpu.memref_squeeze %dma_start3A_187 : memref<1x64xi32, #tpu.memory_space<vmem>> -> memref<64xi32, #tpu.memory_space<vmem>>
    %dma_start3A_189 = arith.constant 0 : i32
    %dma_start3A_190 = arith.constant 0 : i32
    %dma_start3A_191 = tpu.memref_slice %arg2[%dma_start3A_189, %dma_start3A_190] : memref<10000x128xf32, #tpu.memory_space<hbm>> -> memref<10000x128xf32, #tpu.memory_space<hbm>>
    tpu.enqueue_indirect_dma source(%dma_start3A_191 : memref<10000x128xf32, #tpu.memory_space<hbm>>) target(%dma_start3A_185 : memref<64x128xf32, #tpu.memory_space<vmem>>) offsets(%dma_start3A_188 : memref<64xi32, #tpu.memory_space<vmem>>) semaphore(%arg21 : memref<!tpu.dma_semaphore, #tpu.memory_space<semaphore_mem>>)
    %scan3A = arith.constant 0 : i32
    %scan3A_192 = arith.constant 0 : i32
    %scan3A_193 = arith.constant 54 : i32
    %scan3A_194 = arith.addi %scan3A_192, %scan3A_193 : i32
    %scan3A_195 = arith.constant 1 : i32
    scf.for %scan3A_304 = %scan3A_192 to %scan3A_194 step %scan3A_195  : i32 {
      %mul3A_305 = arith.constant 3 : i32
      %mul3A_306 = arith.muli %scan3A_304, %mul3A_305 : i32
      %lt3A = arith.constant 160 : i32
      %lt3A_307 = arith.cmpi slt, %mul3A_306, %lt3A : i32
      %convert_element_type3A = arith.extui %lt3A_307 : i1 to i32
      %cond3A = arith.constant 0 : i32
      %cond3A_308 = arith.cmpi ne, %convert_element_type3A, %cond3A : i32
      scf.if %cond3A_308 {
        %add3A_986 = arith.constant 2 : i32
        %add3A_987 = arith.addi %mul3A_306, %add3A_986 : i32
        %dma_start3A_988 = arith.constant 2 : i32
        %dma_start3A_989 = arith.constant 0 : i32
        %dma_start3A_990 = tpu.memref_slice %arg9[%dma_start3A_988, %dma_start3A_989] : memref<3x64xi32, #tpu.memory_space<vmem>> -> memref<1x64xi32, #tpu.memory_space<vmem>>
        %dma_start3A_991 = tpu.memref_squeeze %dma_start3A_990 : memref<1x64xi32, #tpu.memory_space<vmem>> -> memref<64xi32, #tpu.memory_space<vmem>>
        %dma_start3A_992 = arith.constant 0 : i32
        %dma_start3A_993 = tpu.memref_slice %arg3[%add3A, %add3A_987, %dma_start3A_992] : memref<32x162x64xi32, #tpu.memory_space<hbm>> -> memref<1x1x64xi32, #tpu.memory_space<hbm>>
        %dma_start3A_994 = tpu.memref_squeeze %dma_start3A_993 : memref<1x1x64xi32, #tpu.memory_space<hbm>> -> memref<64xi32, #tpu.memory_space<hbm>>
        %dma_start3A_995 = arith.constant 0 : i32
        %dma_start3A_996 = tpu.memref_slice %arg9[%dma_start3A_988, %dma_start3A_995] : memref<3x64xi32, #tpu.memory_space<vmem>> -> memref<1x64xi32, #tpu.memory_space<vmem>>
        %dma_start3A_997 = tpu.memref_squeeze %dma_start3A_996 : memref<1x64xi32, #tpu.memory_space<vmem>> -> memref<64xi32, #tpu.memory_space<vmem>>
        %dma_start3A_998 = arith.constant 0 : i32
        %dma_start3A_999 = tpu.memref_slice %arg3[%add3A, %add3A_987, %dma_start3A_998] : memref<32x162x64xi32, #tpu.memory_space<hbm>> -> memref<1x1x64xi32, #tpu.memory_space<hbm>>
        %dma_start3A_1000 = tpu.memref_squeeze %dma_start3A_999 : memref<1x1x64xi32, #tpu.memory_space<hbm>> -> memref<64xi32, #tpu.memory_space<hbm>>
        tpu.enqueue_dma source(%dma_start3A_1000 : memref<64xi32, #tpu.memory_space<hbm>>) target(%dma_start3A_997 : memref<64xi32, #tpu.memory_space<vmem>>) target_semaphore(%arg19 : memref<!tpu.dma_semaphore, #tpu.memory_space<semaphore_mem>>)
        %dma_start3A_1001 = arith.constant 2 : i32
        %dma_start3A_1002 = arith.constant 0 : i32
        %dma_start3A_1003 = tpu.memref_slice %arg10[%dma_start3A_1001, %dma_start3A_1002] : memref<3x64xi32, #tpu.memory_space<vmem>> -> memref<1x64xi32, #tpu.memory_space<vmem>>
        %dma_start3A_1004 = tpu.memref_squeeze %dma_start3A_1003 : memref<1x64xi32, #tpu.memory_space<vmem>> -> memref<64xi32, #tpu.memory_space<vmem>>
        %dma_start3A_1005 = arith.constant 0 : i32
        %dma_start3A_1006 = tpu.memref_slice %arg4[%add3A, %add3A_987, %dma_start3A_1005] : memref<32x162x64xi32, #tpu.memory_space<hbm>> -> memref<1x1x64xi32, #tpu.memory_space<hbm>>
        %dma_start3A_1007 = tpu.memref_squeeze %dma_start3A_1006 : memref<1x1x64xi32, #tpu.memory_space<hbm>> -> memref<64xi32, #tpu.memory_space<hbm>>
        %dma_start3A_1008 = arith.constant 0 : i32
        %dma_start3A_1009 = tpu.memref_slice %arg10[%dma_start3A_1001, %dma_start3A_1008] : memref<3x64xi32, #tpu.memory_space<vmem>> -> memref<1x64xi32, #tpu.memory_space<vmem>>
        %dma_start3A_1010 = tpu.memref_squeeze %dma_start3A_1009 : memref<1x64xi32, #tpu.memory_space<vmem>> -> memref<64xi32, #tpu.memory_space<vmem>>
        %dma_start3A_1011 = arith.constant 0 : i32
        %dma_start3A_1012 = tpu.memref_slice %arg4[%add3A, %add3A_987, %dma_start3A_1011] : memref<32x162x64xi32, #tpu.memory_space<hbm>> -> memref<1x1x64xi32, #tpu.memory_space<hbm>>
        %dma_start3A_1013 = tpu.memref_squeeze %dma_start3A_1012 : memref<1x1x64xi32, #tpu.memory_space<hbm>> -> memref<64xi32, #tpu.memory_space<hbm>>
        tpu.enqueue_dma source(%dma_start3A_1013 : memref<64xi32, #tpu.memory_space<hbm>>) target(%dma_start3A_1010 : memref<64xi32, #tpu.memory_space<vmem>>) target_semaphore(%arg19 : memref<!tpu.dma_semaphore, #tpu.memory_space<semaphore_mem>>)
      } else {
      }
      %ge3A = arith.constant 3 : i32
      %ge3A_309 = arith.cmpi sge, %mul3A_306, %ge3A : i32
      %convert_element_type3A_310 = arith.extui %ge3A_309 : i1 to i32
      %cond3A_311 = arith.constant 0 : i32
      %cond3A_312 = arith.cmpi ne, %convert_element_type3A_310, %cond3A_311 : i32
      scf.if %cond3A_312 {
        %dma_wait3A_986 = arith.constant 0 : i32
        %dma_wait3A_987 = arith.constant 0 : i32
        %dma_wait3A_988 = arith.constant 0 : i32
        %dma_wait3A_989 = tpu.memref_slice %arg14[%dma_wait3A_986, %dma_wait3A_988] : memref<3x64xf32, #tpu.memory_space<vmem>> -> memref<1x64xf32, #tpu.memory_space<vmem>>
        %dma_wait3A_990 = tpu.memref_squeeze %dma_wait3A_989 : memref<1x64xf32, #tpu.memory_space<vmem>> -> memref<64xf32, #tpu.memory_space<vmem>>
        %dma_wait3A_991 = arith.constant 0 : i32
        %dma_wait3A_992 = tpu.memref_slice %arg11[%dma_wait3A_987, %dma_wait3A_991] : memref<3x64xi32, #tpu.memory_space<vmem>> -> memref<1x64xi32, #tpu.memory_space<vmem>>
        %dma_wait3A_993 = tpu.memref_squeeze %dma_wait3A_992 : memref<1x64xi32, #tpu.memory_space<vmem>> -> memref<64xi32, #tpu.memory_space<vmem>>
        %dma_wait3A_994 = arith.constant 0 : i32
        %dma_wait3A_995 = tpu.memref_slice %arg18[%dma_wait3A_994] : memref<10240xf32, #tpu.memory_space<vmem_shared>> -> memref<10240xf32, #tpu.memory_space<vmem_shared>>
        tpu.wait_indirect_dma semaphore(%arg26 : memref<!tpu.dma_semaphore, #tpu.memory_space<semaphore_mem>>) src(%dma_wait3A_990 : memref<64xf32, #tpu.memory_space<vmem>>) dst(%dma_wait3A_995 : memref<10240xf32, #tpu.memory_space<vmem_shared>>)
      } else {
      }
      %get3A = arith.constant 0 : i32
      %get3A_313 = arith.index_cast %get3A : i32 to index
      %get3A_314 = arith.constant 0 : index
      %get3A_315 = tpu.vector_load %arg9[%get3A_313, %get3A_314] {strides = array<i32>} : memref<3x64xi32, #tpu.memory_space<vmem>>, vector<16xi32>,
      %get3A_316 = arith.constant 0 : i32
      %get3A_317 = arith.index_cast %get3A_316 : i32 to index
      %get3A_318 = arith.constant 0 : index
      %get3A_319 = tpu.vector_load %arg10[%get3A_317, %get3A_318] {strides = array<i32>} : memref<3x64xi32, #tpu.memory_space<vmem>>, vector<16xi32>,
      %gather3A = tpu.vector_load_idx %arg12[%get3A_315] : memref<10000xf32, #tpu.memory_space<vmem>>[vector<16xi32>], vector<16xf32>,
      %gather3A_320 = tpu.vector_load_idx %arg13[%get3A_319] : memref<10000xf32, #tpu.memory_space<vmem>>[vector<16xi32>], vector<16xf32>,
      %add3A_321 = arith.addf %gather3A, %gather3A_320 : vector<16xf32>
      %gt3A = arith.constant 0.000000e+00 : f32
      %gt3A_322 = vector.broadcast %gt3A : f32 to vector<16xf32>
      %gt3A_323 = arith.cmpf ogt, %add3A_321, %gt3A_322 : vector<16xf32>
      %mul3A_324 = arith.constant 2.000000e-01 : f32
      %mul3A_325 = vector.broadcast %mul3A_324 : f32 to vector<16xf32>
      %mul3A_326 = arith.mulf %mul3A_325, %add3A_321 : vector<16xf32>
      %select_n3A = arith.select %gt3A_323, %add3A_321, %mul3A_326 : vector<16xi1>, vector<16xf32>
      %exp3A = math.exp %select_n3A : vector<16xf32>
      %mul3A_327 = arith.constant 10368 : i32
      %mul3A_328 = arith.muli %add3A, %mul3A_327 : i32
      %mul3A_329 = arith.constant 64 : i32
      %mul3A_330 = arith.muli %mul3A_306, %mul3A_329 : i32
      %add3A_331 = arith.addi %mul3A_328, %mul3A_330 : i32
      %add3A_332 = arith.constant 0 : i32
      %add3A_333 = arith.addi %add3A_331, %add3A_332 : i32
      %iota3A = tpu.iota {dimensions = array<i32: 0>} : vector<16xi32>
      %add3A_334 = vector.broadcast %add3A_333 : i32 to vector<16xi32>
      %add3A_335 = arith.addi %add3A_334, %iota3A : vector<16xi32>
      %lt3A_336 = arith.constant 320000 : i32
      %lt3A_337 = vector.broadcast %lt3A_336 : i32 to vector<16xi32>
      %lt3A_338 = arith.cmpi slt, %add3A_335, %lt3A_337 : vector<16xi32>
      %jit3A = arith.constant 0.000000e+00 : f32
      %broadcast_in_dim3A_339 = vector.broadcast %jit3A : f32 to vector<16xf32>
      %select_n3A_340 = arith.select %lt3A_338, %exp3A, %broadcast_in_dim3A_339 : vector<16xi1>, vector<16xf32>
      %swap3A = arith.constant 0 : i32
      %swap3A_341 = arith.index_cast %swap3A : i32 to index
      %swap3A_342 = arith.constant 0 : index
      %swap3A_343 = tpu.vector_load %arg14[%swap3A_341, %swap3A_342] {strides = array<i32>} : memref<3x64xf32, #tpu.memory_space<vmem>>, vector<16xf32>,
      tpu.vector_store %arg14[%swap3A_341, %swap3A_342], %select_n3A_340 {strides = array<i32>} : memref<3x64xf32, #tpu.memory_space<vmem>>, vector<16xf32>,
      %swap3A_344 = arith.constant 0 : i32
      %swap3A_345 = arith.index_cast %swap3A_344 : i32 to index
      %swap3A_346 = arith.constant 0 : index
      %swap3A_347 = tpu.vector_load %arg11[%swap3A_345, %swap3A_346] {strides = array<i32>} : memref<3x64xi32, #tpu.memory_space<vmem>>, vector<16xi32>,
      tpu.vector_store %arg11[%swap3A_345, %swap3A_346], %get3A_319 {strides = array<i32>} : memref<3x64xi32, #tpu.memory_space<vmem>>, vector<16xi32>,
      %get3A_348 = arith.constant 0 : i32
      %get3A_349 = arith.index_cast %get3A_348 : i32 to index
      %get3A_350 = arith.constant 16 : index
      %get3A_351 = tpu.vector_load %arg9[%get3A_349, %get3A_350] {strides = array<i32>} : memref<3x64xi32, #tpu.memory_space<vmem>>, vector<16xi32>,
      %get3A_352 = arith.constant 0 : i32
      %get3A_353 = arith.index_cast %get3A_352 : i32 to index
      %get3A_354 = arith.constant 16 : index
      %get3A_355 = tpu.vector_load %arg10[%get3A_353, %get3A_354] {strides = array<i32>} : memref<3x64xi32, #tpu.memory_space<vmem>>, vector<16xi32>,
      %gather3A_356 = tpu.vector_load_idx %arg12[%get3A_351] : memref<10000xf32, #tpu.memory_space<vmem>>[vector<16xi32>], vector<16xf32>,
      %gather3A_357 = tpu.vector_load_idx %arg13[%get3A_355] : memref<10000xf32, #tpu.memory_space<vmem>>[vector<16xi32>], vector<16xf32>,
      %add3A_358 = arith.addf %gather3A_356, %gather3A_357 : vector<16xf32>
      %gt3A_359 = arith.constant 0.000000e+00 : f32
      %gt3A_360 = vector.broadcast %gt3A_359 : f32 to vector<16xf32>
      %gt3A_361 = arith.cmpf ogt, %add3A_358, %gt3A_360 : vector<16xf32>
      %mul3A_362 = arith.constant 2.000000e-01 : f32
      %mul3A_363 = vector.broadcast %mul3A_362 : f32 to vector<16xf32>
      %mul3A_364 = arith.mulf %mul3A_363, %add3A_358 : vector<16xf32>
      %select_n3A_365 = arith.select %gt3A_361, %add3A_358, %mul3A_364 : vector<16xi1>, vector<16xf32>
      %exp3A_366 = math.exp %select_n3A_365 : vector<16xf32>
      %mul3A_367 = arith.constant 10368 : i32
      %mul3A_368 = arith.muli %add3A, %mul3A_367 : i32
      %mul3A_369 = arith.constant 64 : i32
      %mul3A_370 = arith.muli %mul3A_306, %mul3A_369 : i32
      %add3A_371 = arith.addi %mul3A_368, %mul3A_370 : i32
      %add3A_372 = arith.constant 16 : i32
      %add3A_373 = arith.addi %add3A_371, %add3A_372 : i32
      %iota3A_374 = tpu.iota {dimensions = array<i32: 0>} : vector<16xi32>
      %add3A_375 = vector.broadcast %add3A_373 : i32 to vector<16xi32>
      %add3A_376 = arith.addi %add3A_375, %iota3A_374 : vector<16xi32>
      %lt3A_377 = arith.constant 320000 : i32
      %lt3A_378 = vector.broadcast %lt3A_377 : i32 to vector<16xi32>
      %lt3A_379 = arith.cmpi slt, %add3A_376, %lt3A_378 : vector<16xi32>
      %jit3A_380 = arith.constant 0.000000e+00 : f32
      %broadcast_in_dim3A_381 = vector.broadcast %jit3A_380 : f32 to vector<16xf32>
      %select_n3A_382 = arith.select %lt3A_379, %exp3A_366, %broadcast_in_dim3A_381 : vector<16xi1>, vector<16xf32>
      %swap3A_383 = arith.constant 0 : i32
      %swap3A_384 = arith.index_cast %swap3A_383 : i32 to index
      %swap3A_385 = arith.constant 16 : index
      %swap3A_386 = tpu.vector_load %arg14[%swap3A_384, %swap3A_385] {strides = array<i32>} : memref<3x64xf32, #tpu.memory_space<vmem>>, vector<16xf32>,
      tpu.vector_store %arg14[%swap3A_384, %swap3A_385], %select_n3A_382 {strides = array<i32>} : memref<3x64xf32, #tpu.memory_space<vmem>>, vector<16xf32>,
      %swap3A_387 = arith.constant 0 : i32
      %swap3A_388 = arith.index_cast %swap3A_387 : i32 to index
      %swap3A_389 = arith.constant 16 : index
      %swap3A_390 = tpu.vector_load %arg11[%swap3A_388, %swap3A_389] {strides = array<i32>} : memref<3x64xi32, #tpu.memory_space<vmem>>, vector<16xi32>,
      tpu.vector_store %arg11[%swap3A_388, %swap3A_389], %get3A_355 {strides = array<i32>} : memref<3x64xi32, #tpu.memory_space<vmem>>, vector<16xi32>,
      %get3A_391 = arith.constant 0 : i32
      %get3A_392 = arith.index_cast %get3A_391 : i32 to index
      %get3A_393 = arith.constant 32 : index
      %get3A_394 = tpu.vector_load %arg9[%get3A_392, %get3A_393] {strides = array<i32>} : memref<3x64xi32, #tpu.memory_space<vmem>>, vector<16xi32>,
      %get3A_395 = arith.constant 0 : i32
      %get3A_396 = arith.index_cast %get3A_395 : i32 to index
      %get3A_397 = arith.constant 32 : index
      %get3A_398 = tpu.vector_load %arg10[%get3A_396, %get3A_397] {strides = array<i32>} : memref<3x64xi32, #tpu.memory_space<vmem>>, vector<16xi32>,
      %gather3A_399 = tpu.vector_load_idx %arg12[%get3A_394] : memref<10000xf32, #tpu.memory_space<vmem>>[vector<16xi32>], vector<16xf32>,
      %gather3A_400 = tpu.vector_load_idx %arg13[%get3A_398] : memref<10000xf32, #tpu.memory_space<vmem>>[vector<16xi32>], vector<16xf32>,
      %add3A_401 = arith.addf %gather3A_399, %gather3A_400 : vector<16xf32>
      %gt3A_402 = arith.constant 0.000000e+00 : f32
      %gt3A_403 = vector.broadcast %gt3A_402 : f32 to vector<16xf32>
      %gt3A_404 = arith.cmpf ogt, %add3A_401, %gt3A_403 : vector<16xf32>
      %mul3A_405 = arith.constant 2.000000e-01 : f32
      %mul3A_406 = vector.broadcast %mul3A_405 : f32 to vector<16xf32>
      %mul3A_407 = arith.mulf %mul3A_406, %add3A_401 : vector<16xf32>
      %select_n3A_408 = arith.select %gt3A_404, %add3A_401, %mul3A_407 : vector<16xi1>, vector<16xf32>
      %exp3A_409 = math.exp %select_n3A_408 : vector<16xf32>
      %mul3A_410 = arith.constant 10368 : i32
      %mul3A_411 = arith.muli %add3A, %mul3A_410 : i32
      %mul3A_412 = arith.constant 64 : i32
      %mul3A_413 = arith.muli %mul3A_306, %mul3A_412 : i32
      %add3A_414 = arith.addi %mul3A_411, %mul3A_413 : i32
      %add3A_415 = arith.constant 32 : i32
      %add3A_416 = arith.addi %add3A_414, %add3A_415 : i32
      %iota3A_417 = tpu.iota {dimensions = array<i32: 0>} : vector<16xi32>
      %add3A_418 = vector.broadcast %add3A_416 : i32 to vector<16xi32>
      %add3A_419 = arith.addi %add3A_418, %iota3A_417 : vector<16xi32>
      %lt3A_420 = arith.constant 320000 : i32
      %lt3A_421 = vector.broadcast %lt3A_420 : i32 to vector<16xi32>
      %lt3A_422 = arith.cmpi slt, %add3A_419, %lt3A_421 : vector<16xi32>
      %jit3A_423 = arith.constant 0.000000e+00 : f32
      %broadcast_in_dim3A_424 = vector.broadcast %jit3A_423 : f32 to vector<16xf32>
      %select_n3A_425 = arith.select %lt3A_422, %exp3A_409, %broadcast_in_dim3A_424 : vector<16xi1>, vector<16xf32>
      %swap3A_426 = arith.constant 0 : i32
      %swap3A_427 = arith.index_cast %swap3A_426 : i32 to index
      %swap3A_428 = arith.constant 32 : index
      %swap3A_429 = tpu.vector_load %arg14[%swap3A_427, %swap3A_428] {strides = array<i32>} : memref<3x64xf32, #tpu.memory_space<vmem>>, vector<16xf32>,
      tpu.vector_store %arg14[%swap3A_427, %swap3A_428], %select_n3A_425 {strides = array<i32>} : memref<3x64xf32, #tpu.memory_space<vmem>>, vector<16xf32>,
      %swap3A_430 = arith.constant 0 : i32
      %swap3A_431 = arith.index_cast %swap3A_430 : i32 to index
      %swap3A_432 = arith.constant 32 : index
      %swap3A_433 = tpu.vector_load %arg11[%swap3A_431, %swap3A_432] {strides = array<i32>} : memref<3x64xi32, #tpu.memory_space<vmem>>, vector<16xi32>,
      tpu.vector_store %arg11[%swap3A_431, %swap3A_432], %get3A_398 {strides = array<i32>} : memref<3x64xi32, #tpu.memory_space<vmem>>, vector<16xi32>,
      %get3A_434 = arith.constant 0 : i32
      %get3A_435 = arith.index_cast %get3A_434 : i32 to index
      %get3A_436 = arith.constant 48 : index
      %get3A_437 = tpu.vector_load %arg9[%get3A_435, %get3A_436] {strides = array<i32>} : memref<3x64xi32, #tpu.memory_space<vmem>>, vector<16xi32>,
      %get3A_438 = arith.constant 0 : i32
      %get3A_439 = arith.index_cast %get3A_438 : i32 to index
      %get3A_440 = arith.constant 48 : index
      %get3A_441 = tpu.vector_load %arg10[%get3A_439, %get3A_440] {strides = array<i32>} : memref<3x64xi32, #tpu.memory_space<vmem>>, vector<16xi32>,
      %gather3A_442 = tpu.vector_load_idx %arg12[%get3A_437] : memref<10000xf32, #tpu.memory_space<vmem>>[vector<16xi32>], vector<16xf32>,
      %gather3A_443 = tpu.vector_load_idx %arg13[%get3A_441] : memref<10000xf32, #tpu.memory_space<vmem>>[vector<16xi32>], vector<16xf32>,
      %add3A_444 = arith.addf %gather3A_442, %gather3A_443 : vector<16xf32>
      %gt3A_445 = arith.constant 0.000000e+00 : f32
      %gt3A_446 = vector.broadcast %gt3A_445 : f32 to vector<16xf32>
      %gt3A_447 = arith.cmpf ogt, %add3A_444, %gt3A_446 : vector<16xf32>
      %mul3A_448 = arith.constant 2.000000e-01 : f32
      %mul3A_449 = vector.broadcast %mul3A_448 : f32 to vector<16xf32>
      %mul3A_450 = arith.mulf %mul3A_449, %add3A_444 : vector<16xf32>
      %select_n3A_451 = arith.select %gt3A_447, %add3A_444, %mul3A_450 : vector<16xi1>, vector<16xf32>
      %exp3A_452 = math.exp %select_n3A_451 : vector<16xf32>
      %mul3A_453 = arith.constant 10368 : i32
      %mul3A_454 = arith.muli %add3A, %mul3A_453 : i32
      %mul3A_455 = arith.constant 64 : i32
      %mul3A_456 = arith.muli %mul3A_306, %mul3A_455 : i32
      %add3A_457 = arith.addi %mul3A_454, %mul3A_456 : i32
      %add3A_458 = arith.constant 48 : i32
      %add3A_459 = arith.addi %add3A_457, %add3A_458 : i32
      %iota3A_460 = tpu.iota {dimensions = array<i32: 0>} : vector<16xi32>
      %add3A_461 = vector.broadcast %add3A_459 : i32 to vector<16xi32>
      %add3A_462 = arith.addi %add3A_461, %iota3A_460 : vector<16xi32>
      %lt3A_463 = arith.constant 320000 : i32
      %lt3A_464 = vector.broadcast %lt3A_463 : i32 to vector<16xi32>
      %lt3A_465 = arith.cmpi slt, %add3A_462, %lt3A_464 : vector<16xi32>
      %jit3A_466 = arith.constant 0.000000e+00 : f32
      %broadcast_in_dim3A_467 = vector.broadcast %jit3A_466 : f32 to vector<16xf32>
      %select_n3A_468 = arith.select %lt3A_465, %exp3A_452, %broadcast_in_dim3A_467 : vector<16xi1>, vector<16xf32>
      %swap3A_469 = arith.constant 0 : i32
      %swap3A_470 = arith.index_cast %swap3A_469 : i32 to index
      %swap3A_471 = arith.constant 48 : index
      %swap3A_472 = tpu.vector_load %arg14[%swap3A_470, %swap3A_471] {strides = array<i32>} : memref<3x64xf32, #tpu.memory_space<vmem>>, vector<16xf32>,
      tpu.vector_store %arg14[%swap3A_470, %swap3A_471], %select_n3A_468 {strides = array<i32>} : memref<3x64xf32, #tpu.memory_space<vmem>>, vector<16xf32>,
      %swap3A_473 = arith.constant 0 : i32
      %swap3A_474 = arith.index_cast %swap3A_473 : i32 to index
      %swap3A_475 = arith.constant 48 : index
      %swap3A_476 = tpu.vector_load %arg11[%swap3A_474, %swap3A_475] {strides = array<i32>} : memref<3x64xi32, #tpu.memory_space<vmem>>, vector<16xi32>,
      tpu.vector_store %arg11[%swap3A_474, %swap3A_475], %get3A_441 {strides = array<i32>} : memref<3x64xi32, #tpu.memory_space<vmem>>, vector<16xi32>,
      %dma_start3A_477 = arith.constant 0 : i32
      %dma_start3A_478 = arith.constant 0 : i32
      %dma_start3A_479 = arith.constant 0 : i32
      %dma_start3A_480 = tpu.memref_slice %arg14[%dma_start3A_477, %dma_start3A_479] : memref<3x64xf32, #tpu.memory_space<vmem>> -> memref<1x64xf32, #tpu.memory_space<vmem>>
      %dma_start3A_481 = tpu.memref_squeeze %dma_start3A_480 : memref<1x64xf32, #tpu.memory_space<vmem>> -> memref<64xf32, #tpu.memory_space<vmem>>
      %dma_start3A_482 = arith.constant 0 : i32
      %dma_start3A_483 = tpu.memref_slice %arg11[%dma_start3A_478, %dma_start3A_482] : memref<3x64xi32, #tpu.memory_space<vmem>> -> memref<1x64xi32, #tpu.memory_space<vmem>>
      %dma_start3A_484 = tpu.memref_squeeze %dma_start3A_483 : memref<1x64xi32, #tpu.memory_space<vmem>> -> memref<64xi32, #tpu.memory_space<vmem>>
      %dma_start3A_485 = arith.constant 0 : i32
      %dma_start3A_486 = tpu.memref_slice %arg18[%dma_start3A_485] : memref<10240xf32, #tpu.memory_space<vmem_shared>> -> memref<10240xf32, #tpu.memory_space<vmem_shared>>
      tpu.enqueue_indirect_dma source(%dma_start3A_481 : memref<64xf32, #tpu.memory_space<vmem>>) target(%dma_start3A_486 : memref<10240xf32, #tpu.memory_space<vmem_shared>>) offsets(%dma_start3A_484 : memref<64xi32, #tpu.memory_space<vmem>>) semaphore(%arg26 : memref<!tpu.dma_semaphore, #tpu.memory_space<semaphore_mem>>) {add = true}
      %dma_wait3A_487 = arith.constant 0 : i32
      %dma_wait3A_488 = arith.constant 0 : i32
      %dma_wait3A_489 = arith.constant 0 : i32
      %dma_wait3A_490 = arith.constant 0 : i32
      %dma_wait3A_491 = tpu.memref_slice %arg15[%dma_wait3A_488, %dma_wait3A_489, %dma_wait3A_490] : memref<3x64x128xf32, #tpu.memory_space<vmem>> -> memref<1x64x128xf32, #tpu.memory_space<vmem>>
      %dma_wait3A_492 = tpu.memref_squeeze %dma_wait3A_491 : memref<1x64x128xf32, #tpu.memory_space<vmem>> -> memref<64x128xf32, #tpu.memory_space<vmem>>
      %dma_wait3A_493 = arith.constant 0 : i32
      %dma_wait3A_494 = tpu.memref_slice %arg9[%dma_wait3A_487, %dma_wait3A_493] : memref<3x64xi32, #tpu.memory_space<vmem>> -> memref<1x64xi32, #tpu.memory_space<vmem>>
      %dma_wait3A_495 = tpu.memref_squeeze %dma_wait3A_494 : memref<1x64xi32, #tpu.memory_space<vmem>> -> memref<64xi32, #tpu.memory_space<vmem>>
      %dma_wait3A_496 = arith.constant 0 : i32
      %dma_wait3A_497 = arith.constant 0 : i32
      %dma_wait3A_498 = tpu.memref_slice %arg2[%dma_wait3A_496, %dma_wait3A_497] : memref<10000x128xf32, #tpu.memory_space<hbm>> -> memref<10000x128xf32, #tpu.memory_space<hbm>>
      tpu.wait_indirect_dma semaphore(%arg20 : memref<!tpu.dma_semaphore, #tpu.memory_space<semaphore_mem>>) src(%dma_wait3A_498 : memref<10000x128xf32, #tpu.memory_space<hbm>>) dst(%dma_wait3A_492 : memref<64x128xf32, #tpu.memory_space<vmem>>)
      %parallel_loop3A_499 = arith.constant 0 : i32
      %parallel_loop3A_500 = arith.constant 64 : i32
      %parallel_loop3A_501 = arith.constant 1 : i32
      scf.for %parallel_loop3A_986 = %parallel_loop3A_499 to %parallel_loop3A_500 step %parallel_loop3A_501  : i32 {
        %parallel_loop3A_987 = vector.broadcast %parallel_loop3A_986 : i32 to vector<16xi32>
        %parallel_loop3A_988 = arith.constant 0 : i32
        %parallel_loop3A_989 = arith.constant 0 : i32
        %parallel_loop3A_990 = tpu.memref_slice %arg14[%parallel_loop3A_988, %parallel_loop3A_989] : memref<3x64xf32, #tpu.memory_space<vmem>> -> memref<1x64xf32, #tpu.memory_space<vmem>>
        %parallel_loop3A_991 = tpu.memref_squeeze %parallel_loop3A_990 : memref<1x64xf32, #tpu.memory_space<vmem>> -> memref<64xf32, #tpu.memory_space<vmem>>
        %parallel_loop3A_992 = tpu.vector_load_idx %parallel_loop3A_991[%parallel_loop3A_987] : memref<64xf32, #tpu.memory_space<vmem>>[vector<16xi32>], vector<16xf32>,
        %parallel_loop3A_993 = arith.constant 0 : i32
        %parallel_loop3A_994 = arith.index_cast %parallel_loop3A_993 : i32 to index
        %parallel_loop3A_995 = arith.index_cast %parallel_loop3A_986 : i32 to index
        %parallel_loop3A_996 = arith.constant 0 : index
        %parallel_loop3A_997 = tpu.vector_load %arg15[%parallel_loop3A_994, %parallel_loop3A_995, %parallel_loop3A_996] {strides = array<i32>} : memref<3x64x128xf32, #tpu.memory_space<vmem>>, vector<16xf32>,
        %parallel_loop3A_998 = arith.mulf %parallel_loop3A_997, %parallel_loop3A_992 : vector<16xf32>
        %parallel_loop3A_999 = arith.constant 0 : i32
        %parallel_loop3A_1000 = arith.index_cast %parallel_loop3A_999 : i32 to index
        %parallel_loop3A_1001 = arith.index_cast %parallel_loop3A_986 : i32 to index
        %parallel_loop3A_1002 = arith.constant 0 : index
        %parallel_loop3A_1003 = tpu.vector_load %arg15[%parallel_loop3A_1000, %parallel_loop3A_1001, %parallel_loop3A_1002] {strides = array<i32>} : memref<3x64x128xf32, #tpu.memory_space<vmem>>, vector<16xf32>,
        tpu.vector_store %arg15[%parallel_loop3A_1000, %parallel_loop3A_1001, %parallel_loop3A_1002], %parallel_loop3A_998 {strides = array<i32>} : memref<3x64x128xf32, #tpu.memory_space<vmem>>, vector<16xf32>,
        %parallel_loop3A_1004 = arith.constant 0 : i32
        %parallel_loop3A_1005 = arith.index_cast %parallel_loop3A_1004 : i32 to index
        %parallel_loop3A_1006 = arith.index_cast %parallel_loop3A_986 : i32 to index
        %parallel_loop3A_1007 = arith.constant 16 : index
        %parallel_loop3A_1008 = tpu.vector_load %arg15[%parallel_loop3A_1005, %parallel_loop3A_1006, %parallel_loop3A_1007] {strides = array<i32>} : memref<3x64x128xf32, #tpu.memory_space<vmem>>, vector<16xf32>,
        %parallel_loop3A_1009 = arith.mulf %parallel_loop3A_1008, %parallel_loop3A_992 : vector<16xf32>
        %parallel_loop3A_1010 = arith.constant 0 : i32
        %parallel_loop3A_1011 = arith.index_cast %parallel_loop3A_1010 : i32 to index
        %parallel_loop3A_1012 = arith.index_cast %parallel_loop3A_986 : i32 to index
        %parallel_loop3A_1013 = arith.constant 16 : index
        %parallel_loop3A_1014 = tpu.vector_load %arg15[%parallel_loop3A_1011, %parallel_loop3A_1012, %parallel_loop3A_1013] {strides = array<i32>} : memref<3x64x128xf32, #tpu.memory_space<vmem>>, vector<16xf32>,
        tpu.vector_store %arg15[%parallel_loop3A_1011, %parallel_loop3A_1012, %parallel_loop3A_1013], %parallel_loop3A_1009 {strides = array<i32>} : memref<3x64x128xf32, #tpu.memory_space<vmem>>, vector<16xf32>,
        %parallel_loop3A_1015 = arith.constant 0 : i32
        %parallel_loop3A_1016 = arith.index_cast %parallel_loop3A_1015 : i32 to index
        %parallel_loop3A_1017 = arith.index_cast %parallel_loop3A_986 : i32 to index
        %parallel_loop3A_1018 = arith.constant 32 : index
        %parallel_loop3A_1019 = tpu.vector_load %arg15[%parallel_loop3A_1016, %parallel_loop3A_1017, %parallel_loop3A_1018] {strides = array<i32>} : memref<3x64x128xf32, #tpu.memory_space<vmem>>, vector<16xf32>,
        %parallel_loop3A_1020 = arith.mulf %parallel_loop3A_1019, %parallel_loop3A_992 : vector<16xf32>
        %parallel_loop3A_1021 = arith.constant 0 : i32
        %parallel_loop3A_1022 = arith.index_cast %parallel_loop3A_1021 : i32 to index
        %parallel_loop3A_1023 = arith.index_cast %parallel_loop3A_986 : i32 to index
        %parallel_loop3A_1024 = arith.constant 32 : index
        %parallel_loop3A_1025 = tpu.vector_load %arg15[%parallel_loop3A_1022, %parallel_loop3A_1023, %parallel_loop3A_1024] {strides = array<i32>} : memref<3x64x128xf32, #tpu.memory_space<vmem>>, vector<16xf32>,
        tpu.vector_store %arg15[%parallel_loop3A_1022, %parallel_loop3A_1023, %parallel_loop3A_1024], %parallel_loop3A_1020 {strides = array<i32>} : memref<3x64x128xf32, #tpu.memory_space<vmem>>, vector<16xf32>,
        %parallel_loop3A_1026 = arith.constant 0 : i32
        %parallel_loop3A_1027 = arith.index_cast %parallel_loop3A_1026 : i32 to index
        %parallel_loop3A_1028 = arith.index_cast %parallel_loop3A_986 : i32 to index
        %parallel_loop3A_1029 = arith.constant 48 : index
        %parallel_loop3A_1030 = tpu.vector_load %arg15[%parallel_loop3A_1027, %parallel_loop3A_1028, %parallel_loop3A_1029] {strides = array<i32>} : memref<3x64x128xf32, #tpu.memory_space<vmem>>, vector<16xf32>,
        %parallel_loop3A_1031 = arith.mulf %parallel_loop3A_1030, %parallel_loop3A_992 : vector<16xf32>
        %parallel_loop3A_1032 = arith.constant 0 : i32
        %parallel_loop3A_1033 = arith.index_cast %parallel_loop3A_1032 : i32 to index
        %parallel_loop3A_1034 = arith.index_cast %parallel_loop3A_986 : i32 to index
        %parallel_loop3A_1035 = arith.constant 48 : index
        %parallel_loop3A_1036 = tpu.vector_load %arg15[%parallel_loop3A_1033, %parallel_loop3A_1034, %parallel_loop3A_1035] {strides = array<i32>} : memref<3x64x128xf32, #tpu.memory_space<vmem>>, vector<16xf32>,
        tpu.vector_store %arg15[%parallel_loop3A_1033, %parallel_loop3A_1034, %parallel_loop3A_1035], %parallel_loop3A_1031 {strides = array<i32>} : memref<3x64x128xf32, #tpu.memory_space<vmem>>, vector<16xf32>,
        %parallel_loop3A_1037 = arith.constant 0 : i32
        %parallel_loop3A_1038 = arith.index_cast %parallel_loop3A_1037 : i32 to index
        %parallel_loop3A_1039 = arith.index_cast %parallel_loop3A_986 : i32 to index
        %parallel_loop3A_1040 = arith.constant 64 : index
        %parallel_loop3A_1041 = tpu.vector_load %arg15[%parallel_loop3A_1038, %parallel_loop3A_1039, %parallel_loop3A_1040] {strides = array<i32>} : memref<3x64x128xf32, #tpu.memory_space<vmem>>, vector<16xf32>,
        %parallel_loop3A_1042 = arith.mulf %parallel_loop3A_1041, %parallel_loop3A_992 : vector<16xf32>
        %parallel_loop3A_1043 = arith.constant 0 : i32
        %parallel_loop3A_1044 = arith.index_cast %parallel_loop3A_1043 : i32 to index
        %parallel_loop3A_1045 = arith.index_cast %parallel_loop3A_986 : i32 to index
        %parallel_loop3A_1046 = arith.constant 64 : index
        %parallel_loop3A_1047 = tpu.vector_load %arg15[%parallel_loop3A_1044, %parallel_loop3A_1045, %parallel_loop3A_1046] {strides = array<i32>} : memref<3x64x128xf32, #tpu.memory_space<vmem>>, vector<16xf32>,
        tpu.vector_store %arg15[%parallel_loop3A_1044, %parallel_loop3A_1045, %parallel_loop3A_1046], %parallel_loop3A_1042 {strides = array<i32>} : memref<3x64x128xf32, #tpu.memory_space<vmem>>, vector<16xf32>,
        %parallel_loop3A_1048 = arith.constant 0 : i32
        %parallel_loop3A_1049 = arith.index_cast %parallel_loop3A_1048 : i32 to index
        %parallel_loop3A_1050 = arith.index_cast %parallel_loop3A_986 : i32 to index
        %parallel_loop3A_1051 = arith.constant 80 : index
        %parallel_loop3A_1052 = tpu.vector_load %arg15[%parallel_loop3A_1049, %parallel_loop3A_1050, %parallel_loop3A_1051] {strides = array<i32>} : memref<3x64x128xf32, #tpu.memory_space<vmem>>, vector<16xf32>,
        %parallel_loop3A_1053 = arith.mulf %parallel_loop3A_1052, %parallel_loop3A_992 : vector<16xf32>
        %parallel_loop3A_1054 = arith.constant 0 : i32
        %parallel_loop3A_1055 = arith.index_cast %parallel_loop3A_1054 : i32 to index
        %parallel_loop3A_1056 = arith.index_cast %parallel_loop3A_986 : i32 to index
        %parallel_loop3A_1057 = arith.constant 80 : index
        %parallel_loop3A_1058 = tpu.vector_load %arg15[%parallel_loop3A_1055, %parallel_loop3A_1056, %parallel_loop3A_1057] {strides = array<i32>} : memref<3x64x128xf32, #tpu.memory_space<vmem>>, vector<16xf32>,
        tpu.vector_store %arg15[%parallel_loop3A_1055, %parallel_loop3A_1056, %parallel_loop3A_1057], %parallel_loop3A_1053 {strides = array<i32>} : memref<3x64x128xf32, #tpu.memory_space<vmem>>, vector<16xf32>,
        %parallel_loop3A_1059 = arith.constant 0 : i32
        %parallel_loop3A_1060 = arith.index_cast %parallel_loop3A_1059 : i32 to index
        %parallel_loop3A_1061 = arith.index_cast %parallel_loop3A_986 : i32 to index
        %parallel_loop3A_1062 = arith.constant 96 : index
        %parallel_loop3A_1063 = tpu.vector_load %arg15[%parallel_loop3A_1060, %parallel_loop3A_1061, %parallel_loop3A_1062] {strides = array<i32>} : memref<3x64x128xf32, #tpu.memory_space<vmem>>, vector<16xf32>,
        %parallel_loop3A_1064 = arith.mulf %parallel_loop3A_1063, %parallel_loop3A_992 : vector<16xf32>
        %parallel_loop3A_1065 = arith.constant 0 : i32
        %parallel_loop3A_1066 = arith.index_cast %parallel_loop3A_1065 : i32 to index
        %parallel_loop3A_1067 = arith.index_cast %parallel_loop3A_986 : i32 to index
        %parallel_loop3A_1068 = arith.constant 96 : index
        %parallel_loop3A_1069 = tpu.vector_load %arg15[%parallel_loop3A_1066, %parallel_loop3A_1067, %parallel_loop3A_1068] {strides = array<i32>} : memref<3x64x128xf32, #tpu.memory_space<vmem>>, vector<16xf32>,
        tpu.vector_store %arg15[%parallel_loop3A_1066, %parallel_loop3A_1067, %parallel_loop3A_1068], %parallel_loop3A_1064 {strides = array<i32>} : memref<3x64x128xf32, #tpu.memory_space<vmem>>, vector<16xf32>,
        %parallel_loop3A_1070 = arith.constant 0 : i32
        %parallel_loop3A_1071 = arith.index_cast %parallel_loop3A_1070 : i32 to index
        %parallel_loop3A_1072 = arith.index_cast %parallel_loop3A_986 : i32 to index
        %parallel_loop3A_1073 = arith.constant 112 : index
        %parallel_loop3A_1074 = tpu.vector_load %arg15[%parallel_loop3A_1071, %parallel_loop3A_1072, %parallel_loop3A_1073] {strides = array<i32>} : memref<3x64x128xf32, #tpu.memory_space<vmem>>, vector<16xf32>,
        %parallel_loop3A_1075 = arith.mulf %parallel_loop3A_1074, %parallel_loop3A_992 : vector<16xf32>
        %parallel_loop3A_1076 = arith.constant 0 : i32
        %parallel_loop3A_1077 = arith.index_cast %parallel_loop3A_1076 : i32 to index
        %parallel_loop3A_1078 = arith.index_cast %parallel_loop3A_986 : i32 to index
        %parallel_loop3A_1079 = arith.constant 112 : index
        %parallel_loop3A_1080 = tpu.vector_load %arg15[%parallel_loop3A_1077, %parallel_loop3A_1078, %parallel_loop3A_1079] {strides = array<i32>} : memref<3x64x128xf32, #tpu.memory_space<vmem>>, vector<16xf32>,
        tpu.vector_store %arg15[%parallel_loop3A_1077, %parallel_loop3A_1078, %parallel_loop3A_1079], %parallel_loop3A_1075 {strides = array<i32>} : memref<3x64x128xf32, #tpu.memory_space<vmem>>, vector<16xf32>,
      } {sc.loop_unroll_factor = 4 : i64, sc.parallel_access}
      %ge3A_502 = arith.constant 1 : i32
      %ge3A_503 = arith.cmpi sge, %mul3A_306, %ge3A_502 : i32
      %convert_element_type3A_504 = arith.extui %ge3A_503 : i1 to i32
      %cond3A_505 = arith.constant 0 : i32
      %cond3A_506 = arith.cmpi ne, %convert_element_type3A_504, %cond3A_505 : i32
      scf.if %cond3A_506 {
        %dma_wait3A_986 = arith.constant 2 : i32
        %dma_wait3A_987 = arith.constant 2 : i32
        %dma_wait3A_988 = arith.constant 0 : i32
        %dma_wait3A_989 = arith.constant 0 : i32
        %dma_wait3A_990 = tpu.memref_slice %arg15[%dma_wait3A_986, %dma_wait3A_988, %dma_wait3A_989] : memref<3x64x128xf32, #tpu.memory_space<vmem>> -> memref<1x64x128xf32, #tpu.memory_space<vmem>>
        %dma_wait3A_991 = tpu.memref_squeeze %dma_wait3A_990 : memref<1x64x128xf32, #tpu.memory_space<vmem>> -> memref<64x128xf32, #tpu.memory_space<vmem>>
        %dma_wait3A_992 = arith.constant 0 : i32
        %dma_wait3A_993 = tpu.memref_slice %arg11[%dma_wait3A_987, %dma_wait3A_992] : memref<3x64xi32, #tpu.memory_space<vmem>> -> memref<1x64xi32, #tpu.memory_space<vmem>>
        %dma_wait3A_994 = tpu.memref_squeeze %dma_wait3A_993 : memref<1x64xi32, #tpu.memory_space<vmem>> -> memref<64xi32, #tpu.memory_space<vmem>>
        %dma_wait3A_995 = arith.constant 0 : i32
        %dma_wait3A_996 = arith.constant 0 : i32
        %dma_wait3A_997 = tpu.memref_slice %arg17[%dma_wait3A_995, %dma_wait3A_996] : memref<10240x128xf32, #tpu.memory_space<vmem_shared>> -> memref<10240x128xf32, #tpu.memory_space<vmem_shared>>
        tpu.wait_indirect_dma semaphore(%arg25 : memref<!tpu.dma_semaphore, #tpu.memory_space<semaphore_mem>>) src(%dma_wait3A_991 : memref<64x128xf32, #tpu.memory_space<vmem>>) dst(%dma_wait3A_997 : memref<10240x128xf32, #tpu.memory_space<vmem_shared>>)
      } else {
      }
      %lt3A_507 = arith.constant 160 : i32
      %lt3A_508 = arith.cmpi slt, %mul3A_306, %lt3A_507 : i32
      %convert_element_type3A_509 = arith.extui %lt3A_508 : i1 to i32
      %cond3A_510 = arith.constant 0 : i32
      %cond3A_511 = arith.cmpi ne, %convert_element_type3A_509, %cond3A_510 : i32
      scf.if %cond3A_511 {
        %add3A_986 = arith.constant 2 : i32
        %add3A_987 = arith.addi %mul3A_306, %add3A_986 : i32
        %dma_wait3A_988 = arith.constant 2 : i32
        %dma_wait3A_989 = arith.constant 0 : i32
        %dma_wait3A_990 = tpu.memref_slice %arg9[%dma_wait3A_988, %dma_wait3A_989] : memref<3x64xi32, #tpu.memory_space<vmem>> -> memref<1x64xi32, #tpu.memory_space<vmem>>
        %dma_wait3A_991 = tpu.memref_squeeze %dma_wait3A_990 : memref<1x64xi32, #tpu.memory_space<vmem>> -> memref<64xi32, #tpu.memory_space<vmem>>
        %dma_wait3A_992 = arith.constant 0 : i32
        %dma_wait3A_993 = tpu.memref_slice %arg3[%add3A, %add3A_987, %dma_wait3A_992] : memref<32x162x64xi32, #tpu.memory_space<hbm>> -> memref<1x1x64xi32, #tpu.memory_space<hbm>>
        %dma_wait3A_994 = tpu.memref_squeeze %dma_wait3A_993 : memref<1x1x64xi32, #tpu.memory_space<hbm>> -> memref<64xi32, #tpu.memory_space<hbm>>
        %dma_wait3A_995 = arith.constant 0 : i32
        %dma_wait3A_996 = tpu.memref_slice %arg9[%dma_wait3A_988, %dma_wait3A_995] : memref<3x64xi32, #tpu.memory_space<vmem>> -> memref<1x64xi32, #tpu.memory_space<vmem>>
        %dma_wait3A_997 = tpu.memref_squeeze %dma_wait3A_996 : memref<1x64xi32, #tpu.memory_space<vmem>> -> memref<64xi32, #tpu.memory_space<vmem>>
        %dma_wait3A_998 = arith.constant 0 : i32
        %dma_wait3A_999 = tpu.memref_slice %arg3[%add3A, %add3A_987, %dma_wait3A_998] : memref<32x162x64xi32, #tpu.memory_space<hbm>> -> memref<1x1x64xi32, #tpu.memory_space<hbm>>
        %dma_wait3A_1000 = tpu.memref_squeeze %dma_wait3A_999 : memref<1x1x64xi32, #tpu.memory_space<hbm>> -> memref<64xi32, #tpu.memory_space<hbm>>
        tpu.wait_dma2 semaphore(%arg19 : memref<!tpu.dma_semaphore, #tpu.memory_space<semaphore_mem>>) src(%dma_wait3A_1000 : memref<64xi32, #tpu.memory_space<hbm>>) dst(%dma_wait3A_997 : memref<64xi32, #tpu.memory_space<vmem>>)
        %dma_wait3A_1001 = arith.constant 2 : i32
        %dma_wait3A_1002 = arith.constant 0 : i32
        %dma_wait3A_1003 = tpu.memref_slice %arg10[%dma_wait3A_1001, %dma_wait3A_1002] : memref<3x64xi32, #tpu.memory_space<vmem>> -> memref<1x64xi32, #tpu.memory_space<vmem>>
        %dma_wait3A_1004 = tpu.memref_squeeze %dma_wait3A_1003 : memref<1x64xi32, #tpu.memory_space<vmem>> -> memref<64xi32, #tpu.memory_space<vmem>>
        %dma_wait3A_1005 = arith.constant 0 : i32
        %dma_wait3A_1006 = tpu.memref_slice %arg4[%add3A, %add3A_987, %dma_wait3A_1005] : memref<32x162x64xi32, #tpu.memory_space<hbm>> -> memref<1x1x64xi32, #tpu.memory_space<hbm>>
        %dma_wait3A_1007 = tpu.memref_squeeze %dma_wait3A_1006 : memref<1x1x64xi32, #tpu.memory_space<hbm>> -> memref<64xi32, #tpu.memory_space<hbm>>
        %dma_wait3A_1008 = arith.constant 0 : i32
        %dma_wait3A_1009 = tpu.memref_slice %arg10[%dma_wait3A_1001, %dma_wait3A_1008] : memref<3x64xi32, #tpu.memory_space<vmem>> -> memref<1x64xi32, #tpu.memory_space<vmem>>
        %dma_wait3A_1010 = tpu.memref_squeeze %dma_wait3A_1009 : memref<1x64xi32, #tpu.memory_space<vmem>> -> memref<64xi32, #tpu.memory_space<vmem>>
        %dma_wait3A_1011 = arith.constant 0 : i32
        %dma_wait3A_1012 = tpu.memref_slice %arg4[%add3A, %add3A_987, %dma_wait3A_1011] : memref<32x162x64xi32, #tpu.memory_space<hbm>> -> memref<1x1x64xi32, #tpu.memory_space<hbm>>
        %dma_wait3A_1013 = tpu.memref_squeeze %dma_wait3A_1012 : memref<1x1x64xi32, #tpu.memory_space<hbm>> -> memref<64xi32, #tpu.memory_space<hbm>>
        tpu.wait_dma2 semaphore(%arg19 : memref<!tpu.dma_semaphore, #tpu.memory_space<semaphore_mem>>) src(%dma_wait3A_1013 : memref<64xi32, #tpu.memory_space<hbm>>) dst(%dma_wait3A_1010 : memref<64xi32, #tpu.memory_space<vmem>>)
        %dma_start3A_1014 = arith.constant 2 : i32
        %dma_start3A_1015 = arith.constant 2 : i32
        %dma_start3A_1016 = arith.constant 0 : i32
        %dma_start3A_1017 = arith.constant 0 : i32
        %dma_start3A_1018 = tpu.memref_slice %arg15[%dma_start3A_1015, %dma_start3A_1016, %dma_start3A_1017] : memref<3x64x128xf32, #tpu.memory_space<vmem>> -> memref<1x64x128xf32, #tpu.memory_space<vmem>>
        %dma_start3A_1019 = tpu.memref_squeeze %dma_start3A_1018 : memref<1x64x128xf32, #tpu.memory_space<vmem>> -> memref<64x128xf32, #tpu.memory_space<vmem>>
        %dma_start3A_1020 = arith.constant 0 : i32
        %dma_start3A_1021 = tpu.memref_slice %arg9[%dma_start3A_1014, %dma_start3A_1020] : memref<3x64xi32, #tpu.memory_space<vmem>> -> memref<1x64xi32, #tpu.memory_space<vmem>>
        %dma_start3A_1022 = tpu.memref_squeeze %dma_start3A_1021 : memref<1x64xi32, #tpu.memory_space<vmem>> -> memref<64xi32, #tpu.memory_space<vmem>>
        %dma_start3A_1023 = arith.constant 0 : i32
        %dma_start3A_1024 = arith.constant 0 : i32
        %dma_start3A_1025 = tpu.memref_slice %arg2[%dma_start3A_1023, %dma_start3A_1024] : memref<10000x128xf32, #tpu.memory_space<hbm>> -> memref<10000x128xf32, #tpu.memory_space<hbm>>
        tpu.enqueue_indirect_dma source(%dma_start3A_1025 : memref<10000x128xf32, #tpu.memory_space<hbm>>) target(%dma_start3A_1019 : memref<64x128xf32, #tpu.memory_space<vmem>>) offsets(%dma_start3A_1022 : memref<64xi32, #tpu.memory_space<vmem>>) semaphore(%arg22 : memref<!tpu.dma_semaphore, #tpu.memory_space<semaphore_mem>>)
      } else {
      }
      %dma_start3A_512 = arith.constant 0 : i32
      %dma_start3A_513 = arith.constant 0 : i32
      %dma_start3A_514 = arith.constant 0 : i32
      %dma_start3A_515 = arith.constant 0 : i32
      %dma_start3A_516 = tpu.memref_slice %arg15[%dma_start3A_512, %dma_start3A_514, %dma_start3A_515] : memref<3x64x128xf32, #tpu.memory_space<vmem>> -> memref<1x64x128xf32, #tpu.memory_space<vmem>>
      %dma_start3A_517 = tpu.memref_squeeze %dma_start3A_516 : memref<1x64x128xf32, #tpu.memory_space<vmem>> -> memref<64x128xf32, #tpu.memory_space<vmem>>
      %dma_start3A_518 = arith.constant 0 : i32
      %dma_start3A_519 = tpu.memref_slice %arg11[%dma_start3A_513, %dma_start3A_518] : memref<3x64xi32, #tpu.memory_space<vmem>> -> memref<1x64xi32, #tpu.memory_space<vmem>>
      %dma_start3A_520 = tpu.memref_squeeze %dma_start3A_519 : memref<1x64xi32, #tpu.memory_space<vmem>> -> memref<64xi32, #tpu.memory_space<vmem>>
      %dma_start3A_521 = arith.constant 0 : i32
      %dma_start3A_522 = arith.constant 0 : i32
      %dma_start3A_523 = tpu.memref_slice %arg17[%dma_start3A_521, %dma_start3A_522] : memref<10240x128xf32, #tpu.memory_space<vmem_shared>> -> memref<10240x128xf32, #tpu.memory_space<vmem_shared>>
      tpu.enqueue_indirect_dma source(%dma_start3A_517 : memref<64x128xf32, #tpu.memory_space<vmem>>) target(%dma_start3A_523 : memref<10240x128xf32, #tpu.memory_space<vmem_shared>>) offsets(%dma_start3A_520 : memref<64xi32, #tpu.memory_space<vmem>>) semaphore(%arg23 : memref<!tpu.dma_semaphore, #tpu.memory_space<semaphore_mem>>) {add = true}
      %add3A_524 = arith.constant 1 : i32
      %add3A_525 = arith.addi %mul3A_306, %add3A_524 : i32
      %lt3A_526 = arith.constant 160 : i32
      %lt3A_527 = arith.cmpi slt, %add3A_525, %lt3A_526 : i32
      %convert_element_type3A_528 = arith.extui %lt3A_527 : i1 to i32
      %cond3A_529 = arith.constant 0 : i32
      %cond3A_530 = arith.cmpi ne, %convert_element_type3A_528, %cond3A_529 : i32
      scf.if %cond3A_530 {
        %add3A_986 = arith.constant 2 : i32
        %add3A_987 = arith.addi %add3A_525, %add3A_986 : i32
        %dma_start3A_988 = arith.constant 0 : i32
        %dma_start3A_989 = arith.constant 0 : i32
        %dma_start3A_990 = tpu.memref_slice %arg9[%dma_start3A_988, %dma_start3A_989] : memref<3x64xi32, #tpu.memory_space<vmem>> -> memref<1x64xi32, #tpu.memory_space<vmem>>
        %dma_start3A_991 = tpu.memref_squeeze %dma_start3A_990 : memref<1x64xi32, #tpu.memory_space<vmem>> -> memref<64xi32, #tpu.memory_space<vmem>>
        %dma_start3A_992 = arith.constant 0 : i32
        %dma_start3A_993 = tpu.memref_slice %arg3[%add3A, %add3A_987, %dma_start3A_992] : memref<32x162x64xi32, #tpu.memory_space<hbm>> -> memref<1x1x64xi32, #tpu.memory_space<hbm>>
        %dma_start3A_994 = tpu.memref_squeeze %dma_start3A_993 : memref<1x1x64xi32, #tpu.memory_space<hbm>> -> memref<64xi32, #tpu.memory_space<hbm>>
        %dma_start3A_995 = arith.constant 0 : i32
        %dma_start3A_996 = tpu.memref_slice %arg9[%dma_start3A_988, %dma_start3A_995] : memref<3x64xi32, #tpu.memory_space<vmem>> -> memref<1x64xi32, #tpu.memory_space<vmem>>
        %dma_start3A_997 = tpu.memref_squeeze %dma_start3A_996 : memref<1x64xi32, #tpu.memory_space<vmem>> -> memref<64xi32, #tpu.memory_space<vmem>>
        %dma_start3A_998 = arith.constant 0 : i32
        %dma_start3A_999 = tpu.memref_slice %arg3[%add3A, %add3A_987, %dma_start3A_998] : memref<32x162x64xi32, #tpu.memory_space<hbm>> -> memref<1x1x64xi32, #tpu.memory_space<hbm>>
        %dma_start3A_1000 = tpu.memref_squeeze %dma_start3A_999 : memref<1x1x64xi32, #tpu.memory_space<hbm>> -> memref<64xi32, #tpu.memory_space<hbm>>
        tpu.enqueue_dma source(%dma_start3A_1000 : memref<64xi32, #tpu.memory_space<hbm>>) target(%dma_start3A_997 : memref<64xi32, #tpu.memory_space<vmem>>) target_semaphore(%arg19 : memref<!tpu.dma_semaphore, #tpu.memory_space<semaphore_mem>>)
        %dma_start3A_1001 = arith.constant 0 : i32
        %dma_start3A_1002 = arith.constant 0 : i32
        %dma_start3A_1003 = tpu.memref_slice %arg10[%dma_start3A_1001, %dma_start3A_1002] : memref<3x64xi32, #tpu.memory_space<vmem>> -> memref<1x64xi32, #tpu.memory_space<vmem>>
        %dma_start3A_1004 = tpu.memref_squeeze %dma_start3A_1003 : memref<1x64xi32, #tpu.memory_space<vmem>> -> memref<64xi32, #tpu.memory_space<vmem>>
        %dma_start3A_1005 = arith.constant 0 : i32
        %dma_start3A_1006 = tpu.memref_slice %arg4[%add3A, %add3A_987, %dma_start3A_1005] : memref<32x162x64xi32, #tpu.memory_space<hbm>> -> memref<1x1x64xi32, #tpu.memory_space<hbm>>
        %dma_start3A_1007 = tpu.memref_squeeze %dma_start3A_1006 : memref<1x1x64xi32, #tpu.memory_space<hbm>> -> memref<64xi32, #tpu.memory_space<hbm>>
        %dma_start3A_1008 = arith.constant 0 : i32
        %dma_start3A_1009 = tpu.memref_slice %arg10[%dma_start3A_1001, %dma_start3A_1008] : memref<3x64xi32, #tpu.memory_space<vmem>> -> memref<1x64xi32, #tpu.memory_space<vmem>>
        %dma_start3A_1010 = tpu.memref_squeeze %dma_start3A_1009 : memref<1x64xi32, #tpu.memory_space<vmem>> -> memref<64xi32, #tpu.memory_space<vmem>>
        %dma_start3A_1011 = arith.constant 0 : i32
        %dma_start3A_1012 = tpu.memref_slice %arg4[%add3A, %add3A_987, %dma_start3A_1011] : memref<32x162x64xi32, #tpu.memory_space<hbm>> -> memref<1x1x64xi32, #tpu.memory_space<hbm>>
        %dma_start3A_1013 = tpu.memref_squeeze %dma_start3A_1012 : memref<1x1x64xi32, #tpu.memory_space<hbm>> -> memref<64xi32, #tpu.memory_space<hbm>>
        tpu.enqueue_dma source(%dma_start3A_1013 : memref<64xi32, #tpu.memory_space<hbm>>) target(%dma_start3A_1010 : memref<64xi32, #tpu.memory_space<vmem>>) target_semaphore(%arg19 : memref<!tpu.dma_semaphore, #tpu.memory_space<semaphore_mem>>)
      } else {
      }
      %ge3A_531 = arith.constant 3 : i32
      %ge3A_532 = arith.cmpi sge, %add3A_525, %ge3A_531 : i32
      %convert_element_type3A_533 = arith.extui %ge3A_532 : i1 to i32
      %cond3A_534 = arith.constant 0 : i32
      %cond3A_535 = arith.cmpi ne, %convert_element_type3A_533, %cond3A_534 : i32
      scf.if %cond3A_535 {
        %dma_wait3A_986 = arith.constant 1 : i32
        %dma_wait3A_987 = arith.constant 1 : i32
        %dma_wait3A_988 = arith.constant 0 : i32
        %dma_wait3A_989 = tpu.memref_slice %arg14[%dma_wait3A_986, %dma_wait3A_988] : memref<3x64xf32, #tpu.memory_space<vmem>> -> memref<1x64xf32, #tpu.memory_space<vmem>>
        %dma_wait3A_990 = tpu.memref_squeeze %dma_wait3A_989 : memref<1x64xf32, #tpu.memory_space<vmem>> -> memref<64xf32, #tpu.memory_space<vmem>>
        %dma_wait3A_991 = arith.constant 0 : i32
        %dma_wait3A_992 = tpu.memref_slice %arg11[%dma_wait3A_987, %dma_wait3A_991] : memref<3x64xi32, #tpu.memory_space<vmem>> -> memref<1x64xi32, #tpu.memory_space<vmem>>
        %dma_wait3A_993 = tpu.memref_squeeze %dma_wait3A_992 : memref<1x64xi32, #tpu.memory_space<vmem>> -> memref<64xi32, #tpu.memory_space<vmem>>
        %dma_wait3A_994 = arith.constant 0 : i32
        %dma_wait3A_995 = tpu.memref_slice %arg18[%dma_wait3A_994] : memref<10240xf32, #tpu.memory_space<vmem_shared>> -> memref<10240xf32, #tpu.memory_space<vmem_shared>>
        tpu.wait_indirect_dma semaphore(%arg27 : memref<!tpu.dma_semaphore, #tpu.memory_space<semaphore_mem>>) src(%dma_wait3A_990 : memref<64xf32, #tpu.memory_space<vmem>>) dst(%dma_wait3A_995 : memref<10240xf32, #tpu.memory_space<vmem_shared>>)
      } else {
      }
      %get3A_536 = arith.constant 1 : i32
      %get3A_537 = arith.index_cast %get3A_536 : i32 to index
      %get3A_538 = arith.constant 0 : index
      %get3A_539 = tpu.vector_load %arg9[%get3A_537, %get3A_538] {strides = array<i32>} : memref<3x64xi32, #tpu.memory_space<vmem>>, vector<16xi32>,
      %get3A_540 = arith.constant 1 : i32
      %get3A_541 = arith.index_cast %get3A_540 : i32 to index
      %get3A_542 = arith.constant 0 : index
      %get3A_543 = tpu.vector_load %arg10[%get3A_541, %get3A_542] {strides = array<i32>} : memref<3x64xi32, #tpu.memory_space<vmem>>, vector<16xi32>,
      %gather3A_544 = tpu.vector_load_idx %arg12[%get3A_539] : memref<10000xf32, #tpu.memory_space<vmem>>[vector<16xi32>], vector<16xf32>,
      %gather3A_545 = tpu.vector_load_idx %arg13[%get3A_543] : memref<10000xf32, #tpu.memory_space<vmem>>[vector<16xi32>], vector<16xf32>,
      %add3A_546 = arith.addf %gather3A_544, %gather3A_545 : vector<16xf32>
      %gt3A_547 = arith.constant 0.000000e+00 : f32
      %gt3A_548 = vector.broadcast %gt3A_547 : f32 to vector<16xf32>
      %gt3A_549 = arith.cmpf ogt, %add3A_546, %gt3A_548 : vector<16xf32>
      %mul3A_550 = arith.constant 2.000000e-01 : f32
      %mul3A_551 = vector.broadcast %mul3A_550 : f32 to vector<16xf32>
      %mul3A_552 = arith.mulf %mul3A_551, %add3A_546 : vector<16xf32>
      %select_n3A_553 = arith.select %gt3A_549, %add3A_546, %mul3A_552 : vector<16xi1>, vector<16xf32>
      %exp3A_554 = math.exp %select_n3A_553 : vector<16xf32>
      %mul3A_555 = arith.constant 10368 : i32
      %mul3A_556 = arith.muli %add3A, %mul3A_555 : i32
      %mul3A_557 = arith.constant 64 : i32
      %mul3A_558 = arith.muli %add3A_525, %mul3A_557 : i32
      %add3A_559 = arith.addi %mul3A_556, %mul3A_558 : i32
      %add3A_560 = arith.constant 0 : i32
      %add3A_561 = arith.addi %add3A_559, %add3A_560 : i32
      %iota3A_562 = tpu.iota {dimensions = array<i32: 0>} : vector<16xi32>
      %add3A_563 = vector.broadcast %add3A_561 : i32 to vector<16xi32>
      %add3A_564 = arith.addi %add3A_563, %iota3A_562 : vector<16xi32>
      %lt3A_565 = arith.constant 320000 : i32
      %lt3A_566 = vector.broadcast %lt3A_565 : i32 to vector<16xi32>
      %lt3A_567 = arith.cmpi slt, %add3A_564, %lt3A_566 : vector<16xi32>
      %jit3A_568 = arith.constant 0.000000e+00 : f32
      %broadcast_in_dim3A_569 = vector.broadcast %jit3A_568 : f32 to vector<16xf32>
      %select_n3A_570 = arith.select %lt3A_567, %exp3A_554, %broadcast_in_dim3A_569 : vector<16xi1>, vector<16xf32>
      %swap3A_571 = arith.constant 1 : i32
      %swap3A_572 = arith.index_cast %swap3A_571 : i32 to index
      %swap3A_573 = arith.constant 0 : index
      %swap3A_574 = tpu.vector_load %arg14[%swap3A_572, %swap3A_573] {strides = array<i32>} : memref<3x64xf32, #tpu.memory_space<vmem>>, vector<16xf32>,
      tpu.vector_store %arg14[%swap3A_572, %swap3A_573], %select_n3A_570 {strides = array<i32>} : memref<3x64xf32, #tpu.memory_space<vmem>>, vector<16xf32>,
      %swap3A_575 = arith.constant 1 : i32
      %swap3A_576 = arith.index_cast %swap3A_575 : i32 to index
      %swap3A_577 = arith.constant 0 : index
      %swap3A_578 = tpu.vector_load %arg11[%swap3A_576, %swap3A_577] {strides = array<i32>} : memref<3x64xi32, #tpu.memory_space<vmem>>, vector<16xi32>,
      tpu.vector_store %arg11[%swap3A_576, %swap3A_577], %get3A_543 {strides = array<i32>} : memref<3x64xi32, #tpu.memory_space<vmem>>, vector<16xi32>,
      %get3A_579 = arith.constant 1 : i32
      %get3A_580 = arith.index_cast %get3A_579 : i32 to index
      %get3A_581 = arith.constant 16 : index
      %get3A_582 = tpu.vector_load %arg9[%get3A_580, %get3A_581] {strides = array<i32>} : memref<3x64xi32, #tpu.memory_space<vmem>>, vector<16xi32>,
      %get3A_583 = arith.constant 1 : i32
      %get3A_584 = arith.index_cast %get3A_583 : i32 to index
      %get3A_585 = arith.constant 16 : index
      %get3A_586 = tpu.vector_load %arg10[%get3A_584, %get3A_585] {strides = array<i32>} : memref<3x64xi32, #tpu.memory_space<vmem>>, vector<16xi32>,
      %gather3A_587 = tpu.vector_load_idx %arg12[%get3A_582] : memref<10000xf32, #tpu.memory_space<vmem>>[vector<16xi32>], vector<16xf32>,
      %gather3A_588 = tpu.vector_load_idx %arg13[%get3A_586] : memref<10000xf32, #tpu.memory_space<vmem>>[vector<16xi32>], vector<16xf32>,
      %add3A_589 = arith.addf %gather3A_587, %gather3A_588 : vector<16xf32>
      %gt3A_590 = arith.constant 0.000000e+00 : f32
      %gt3A_591 = vector.broadcast %gt3A_590 : f32 to vector<16xf32>
      %gt3A_592 = arith.cmpf ogt, %add3A_589, %gt3A_591 : vector<16xf32>
      %mul3A_593 = arith.constant 2.000000e-01 : f32
      %mul3A_594 = vector.broadcast %mul3A_593 : f32 to vector<16xf32>
      %mul3A_595 = arith.mulf %mul3A_594, %add3A_589 : vector<16xf32>
      %select_n3A_596 = arith.select %gt3A_592, %add3A_589, %mul3A_595 : vector<16xi1>, vector<16xf32>
      %exp3A_597 = math.exp %select_n3A_596 : vector<16xf32>
      %mul3A_598 = arith.constant 10368 : i32
      %mul3A_599 = arith.muli %add3A, %mul3A_598 : i32
      %mul3A_600 = arith.constant 64 : i32
      %mul3A_601 = arith.muli %add3A_525, %mul3A_600 : i32
      %add3A_602 = arith.addi %mul3A_599, %mul3A_601 : i32
      %add3A_603 = arith.constant 16 : i32
      %add3A_604 = arith.addi %add3A_602, %add3A_603 : i32
      %iota3A_605 = tpu.iota {dimensions = array<i32: 0>} : vector<16xi32>
      %add3A_606 = vector.broadcast %add3A_604 : i32 to vector<16xi32>
      %add3A_607 = arith.addi %add3A_606, %iota3A_605 : vector<16xi32>
      %lt3A_608 = arith.constant 320000 : i32
      %lt3A_609 = vector.broadcast %lt3A_608 : i32 to vector<16xi32>
      %lt3A_610 = arith.cmpi slt, %add3A_607, %lt3A_609 : vector<16xi32>
      %jit3A_611 = arith.constant 0.000000e+00 : f32
      %broadcast_in_dim3A_612 = vector.broadcast %jit3A_611 : f32 to vector<16xf32>
      %select_n3A_613 = arith.select %lt3A_610, %exp3A_597, %broadcast_in_dim3A_612 : vector<16xi1>, vector<16xf32>
      %swap3A_614 = arith.constant 1 : i32
      %swap3A_615 = arith.index_cast %swap3A_614 : i32 to index
      %swap3A_616 = arith.constant 16 : index
      %swap3A_617 = tpu.vector_load %arg14[%swap3A_615, %swap3A_616] {strides = array<i32>} : memref<3x64xf32, #tpu.memory_space<vmem>>, vector<16xf32>,
      tpu.vector_store %arg14[%swap3A_615, %swap3A_616], %select_n3A_613 {strides = array<i32>} : memref<3x64xf32, #tpu.memory_space<vmem>>, vector<16xf32>,
      %swap3A_618 = arith.constant 1 : i32
      %swap3A_619 = arith.index_cast %swap3A_618 : i32 to index
      %swap3A_620 = arith.constant 16 : index
      %swap3A_621 = tpu.vector_load %arg11[%swap3A_619, %swap3A_620] {strides = array<i32>} : memref<3x64xi32, #tpu.memory_space<vmem>>, vector<16xi32>,
      tpu.vector_store %arg11[%swap3A_619, %swap3A_620], %get3A_586 {strides = array<i32>} : memref<3x64xi32, #tpu.memory_space<vmem>>, vector<16xi32>,
      %get3A_622 = arith.constant 1 : i32
      %get3A_623 = arith.index_cast %get3A_622 : i32 to index
      %get3A_624 = arith.constant 32 : index
      %get3A_625 = tpu.vector_load %arg9[%get3A_623, %get3A_624] {strides = array<i32>} : memref<3x64xi32, #tpu.memory_space<vmem>>, vector<16xi32>,
      %get3A_626 = arith.constant 1 : i32
      %get3A_627 = arith.index_cast %get3A_626 : i32 to index
      %get3A_628 = arith.constant 32 : index
      %get3A_629 = tpu.vector_load %arg10[%get3A_627, %get3A_628] {strides = array<i32>} : memref<3x64xi32, #tpu.memory_space<vmem>>, vector<16xi32>,
      %gather3A_630 = tpu.vector_load_idx %arg12[%get3A_625] : memref<10000xf32, #tpu.memory_space<vmem>>[vector<16xi32>], vector<16xf32>,
      %gather3A_631 = tpu.vector_load_idx %arg13[%get3A_629] : memref<10000xf32, #tpu.memory_space<vmem>>[vector<16xi32>], vector<16xf32>,
      %add3A_632 = arith.addf %gather3A_630, %gather3A_631 : vector<16xf32>
      %gt3A_633 = arith.constant 0.000000e+00 : f32
      %gt3A_634 = vector.broadcast %gt3A_633 : f32 to vector<16xf32>
      %gt3A_635 = arith.cmpf ogt, %add3A_632, %gt3A_634 : vector<16xf32>
      %mul3A_636 = arith.constant 2.000000e-01 : f32
      %mul3A_637 = vector.broadcast %mul3A_636 : f32 to vector<16xf32>
      %mul3A_638 = arith.mulf %mul3A_637, %add3A_632 : vector<16xf32>
      %select_n3A_639 = arith.select %gt3A_635, %add3A_632, %mul3A_638 : vector<16xi1>, vector<16xf32>
      %exp3A_640 = math.exp %select_n3A_639 : vector<16xf32>
      %mul3A_641 = arith.constant 10368 : i32
      %mul3A_642 = arith.muli %add3A, %mul3A_641 : i32
      %mul3A_643 = arith.constant 64 : i32
      %mul3A_644 = arith.muli %add3A_525, %mul3A_643 : i32
      %add3A_645 = arith.addi %mul3A_642, %mul3A_644 : i32
      %add3A_646 = arith.constant 32 : i32
      %add3A_647 = arith.addi %add3A_645, %add3A_646 : i32
      %iota3A_648 = tpu.iota {dimensions = array<i32: 0>} : vector<16xi32>
      %add3A_649 = vector.broadcast %add3A_647 : i32 to vector<16xi32>
      %add3A_650 = arith.addi %add3A_649, %iota3A_648 : vector<16xi32>
      %lt3A_651 = arith.constant 320000 : i32
      %lt3A_652 = vector.broadcast %lt3A_651 : i32 to vector<16xi32>
      %lt3A_653 = arith.cmpi slt, %add3A_650, %lt3A_652 : vector<16xi32>
      %jit3A_654 = arith.constant 0.000000e+00 : f32
      %broadcast_in_dim3A_655 = vector.broadcast %jit3A_654 : f32 to vector<16xf32>
      %select_n3A_656 = arith.select %lt3A_653, %exp3A_640, %broadcast_in_dim3A_655 : vector<16xi1>, vector<16xf32>
      %swap3A_657 = arith.constant 1 : i32
      %swap3A_658 = arith.index_cast %swap3A_657 : i32 to index
      %swap3A_659 = arith.constant 32 : index
      %swap3A_660 = tpu.vector_load %arg14[%swap3A_658, %swap3A_659] {strides = array<i32>} : memref<3x64xf32, #tpu.memory_space<vmem>>, vector<16xf32>,
      tpu.vector_store %arg14[%swap3A_658, %swap3A_659], %select_n3A_656 {strides = array<i32>} : memref<3x64xf32, #tpu.memory_space<vmem>>, vector<16xf32>,
      %swap3A_661 = arith.constant 1 : i32
      %swap3A_662 = arith.index_cast %swap3A_661 : i32 to index
      %swap3A_663 = arith.constant 32 : index
      %swap3A_664 = tpu.vector_load %arg11[%swap3A_662, %swap3A_663] {strides = array<i32>} : memref<3x64xi32, #tpu.memory_space<vmem>>, vector<16xi32>,
      tpu.vector_store %arg11[%swap3A_662, %swap3A_663], %get3A_629 {strides = array<i32>} : memref<3x64xi32, #tpu.memory_space<vmem>>, vector<16xi32>,
      %get3A_665 = arith.constant 1 : i32
      %get3A_666 = arith.index_cast %get3A_665 : i32 to index
      %get3A_667 = arith.constant 48 : index
      %get3A_668 = tpu.vector_load %arg9[%get3A_666, %get3A_667] {strides = array<i32>} : memref<3x64xi32, #tpu.memory_space<vmem>>, vector<16xi32>,
      %get3A_669 = arith.constant 1 : i32
      %get3A_670 = arith.index_cast %get3A_669 : i32 to index
      %get3A_671 = arith.constant 48 : index
      %get3A_672 = tpu.vector_load %arg10[%get3A_670, %get3A_671] {strides = array<i32>} : memref<3x64xi32, #tpu.memory_space<vmem>>, vector<16xi32>,
      %gather3A_673 = tpu.vector_load_idx %arg12[%get3A_668] : memref<10000xf32, #tpu.memory_space<vmem>>[vector<16xi32>], vector<16xf32>,
      %gather3A_674 = tpu.vector_load_idx %arg13[%get3A_672] : memref<10000xf32, #tpu.memory_space<vmem>>[vector<16xi32>], vector<16xf32>,
      %add3A_675 = arith.addf %gather3A_673, %gather3A_674 : vector<16xf32>
      %gt3A_676 = arith.constant 0.000000e+00 : f32
      %gt3A_677 = vector.broadcast %gt3A_676 : f32 to vector<16xf32>
      %gt3A_678 = arith.cmpf ogt, %add3A_675, %gt3A_677 : vector<16xf32>
      %mul3A_679 = arith.constant 2.000000e-01 : f32
      %mul3A_680 = vector.broadcast %mul3A_679 : f32 to vector<16xf32>
      %mul3A_681 = arith.mulf %mul3A_680, %add3A_675 : vector<16xf32>
      %select_n3A_682 = arith.select %gt3A_678, %add3A_675, %mul3A_681 : vector<16xi1>, vector<16xf32>
      %exp3A_683 = math.exp %select_n3A_682 : vector<16xf32>
      %mul3A_684 = arith.constant 10368 : i32
      %mul3A_685 = arith.muli %add3A, %mul3A_684 : i32
      %mul3A_686 = arith.constant 64 : i32
      %mul3A_687 = arith.muli %add3A_525, %mul3A_686 : i32
      %add3A_688 = arith.addi %mul3A_685, %mul3A_687 : i32
      %add3A_689 = arith.constant 48 : i32
      %add3A_690 = arith.addi %add3A_688, %add3A_689 : i32
      %iota3A_691 = tpu.iota {dimensions = array<i32: 0>} : vector<16xi32>
      %add3A_692 = vector.broadcast %add3A_690 : i32 to vector<16xi32>
      %add3A_693 = arith.addi %add3A_692, %iota3A_691 : vector<16xi32>
      %lt3A_694 = arith.constant 320000 : i32
      %lt3A_695 = vector.broadcast %lt3A_694 : i32 to vector<16xi32>
      %lt3A_696 = arith.cmpi slt, %add3A_693, %lt3A_695 : vector<16xi32>
      %jit3A_697 = arith.constant 0.000000e+00 : f32
      %broadcast_in_dim3A_698 = vector.broadcast %jit3A_697 : f32 to vector<16xf32>
      %select_n3A_699 = arith.select %lt3A_696, %exp3A_683, %broadcast_in_dim3A_698 : vector<16xi1>, vector<16xf32>
      %swap3A_700 = arith.constant 1 : i32
      %swap3A_701 = arith.index_cast %swap3A_700 : i32 to index
      %swap3A_702 = arith.constant 48 : index
      %swap3A_703 = tpu.vector_load %arg14[%swap3A_701, %swap3A_702] {strides = array<i32>} : memref<3x64xf32, #tpu.memory_space<vmem>>, vector<16xf32>,
      tpu.vector_store %arg14[%swap3A_701, %swap3A_702], %select_n3A_699 {strides = array<i32>} : memref<3x64xf32, #tpu.memory_space<vmem>>, vector<16xf32>,
      %swap3A_704 = arith.constant 1 : i32
      %swap3A_705 = arith.index_cast %swap3A_704 : i32 to index
      %swap3A_706 = arith.constant 48 : index
      %swap3A_707 = tpu.vector_load %arg11[%swap3A_705, %swap3A_706] {strides = array<i32>} : memref<3x64xi32, #tpu.memory_space<vmem>>, vector<16xi32>,
      tpu.vector_store %arg11[%swap3A_705, %swap3A_706], %get3A_672 {strides = array<i32>} : memref<3x64xi32, #tpu.memory_space<vmem>>, vector<16xi32>,
      %dma_start3A_708 = arith.constant 1 : i32
      %dma_start3A_709 = arith.constant 1 : i32
      %dma_start3A_710 = arith.constant 0 : i32
      %dma_start3A_711 = tpu.memref_slice %arg14[%dma_start3A_708, %dma_start3A_710] : memref<3x64xf32, #tpu.memory_space<vmem>> -> memref<1x64xf32, #tpu.memory_space<vmem>>
      %dma_start3A_712 = tpu.memref_squeeze %dma_start3A_711 : memref<1x64xf32, #tpu.memory_space<vmem>> -> memref<64xf32, #tpu.memory_space<vmem>>
      %dma_start3A_713 = arith.constant 0 : i32
      %dma_start3A_714 = tpu.memref_slice %arg11[%dma_start3A_709, %dma_start3A_713] : memref<3x64xi32, #tpu.memory_space<vmem>> -> memref<1x64xi32, #tpu.memory_space<vmem>>
      %dma_start3A_715 = tpu.memref_squeeze %dma_start3A_714 : memref<1x64xi32, #tpu.memory_space<vmem>> -> memref<64xi32, #tpu.memory_space<vmem>>
      %dma_start3A_716 = arith.constant 0 : i32
      %dma_start3A_717 = tpu.memref_slice %arg18[%dma_start3A_716] : memref<10240xf32, #tpu.memory_space<vmem_shared>> -> memref<10240xf32, #tpu.memory_space<vmem_shared>>
      tpu.enqueue_indirect_dma source(%dma_start3A_712 : memref<64xf32, #tpu.memory_space<vmem>>) target(%dma_start3A_717 : memref<10240xf32, #tpu.memory_space<vmem_shared>>) offsets(%dma_start3A_715 : memref<64xi32, #tpu.memory_space<vmem>>) semaphore(%arg27 : memref<!tpu.dma_semaphore, #tpu.memory_space<semaphore_mem>>) {add = true}
      %dma_wait3A_718 = arith.constant 1 : i32
      %dma_wait3A_719 = arith.constant 1 : i32
      %dma_wait3A_720 = arith.constant 0 : i32
      %dma_wait3A_721 = arith.constant 0 : i32
      %dma_wait3A_722 = tpu.memref_slice %arg15[%dma_wait3A_719, %dma_wait3A_720, %dma_wait3A_721] : memref<3x64x128xf32, #tpu.memory_space<vmem>> -> memref<1x64x128xf32, #tpu.memory_space<vmem>>
      %dma_wait3A_723 = tpu.memref_squeeze %dma_wait3A_722 : memref<1x64x128xf32, #tpu.memory_space<vmem>> -> memref<64x128xf32, #tpu.memory_space<vmem>>
      %dma_wait3A_724 = arith.constant 0 : i32
      %dma_wait3A_725 = tpu.memref_slice %arg9[%dma_wait3A_718, %dma_wait3A_724] : memref<3x64xi32, #tpu.memory_space<vmem>> -> memref<1x64xi32, #tpu.memory_space<vmem>>
      %dma_wait3A_726 = tpu.memref_squeeze %dma_wait3A_725 : memref<1x64xi32, #tpu.memory_space<vmem>> -> memref<64xi32, #tpu.memory_space<vmem>>
      %dma_wait3A_727 = arith.constant 0 : i32
      %dma_wait3A_728 = arith.constant 0 : i32
      %dma_wait3A_729 = tpu.memref_slice %arg2[%dma_wait3A_727, %dma_wait3A_728] : memref<10000x128xf32, #tpu.memory_space<hbm>> -> memref<10000x128xf32, #tpu.memory_space<hbm>>
      tpu.wait_indirect_dma semaphore(%arg21 : memref<!tpu.dma_semaphore, #tpu.memory_space<semaphore_mem>>) src(%dma_wait3A_729 : memref<10000x128xf32, #tpu.memory_space<hbm>>) dst(%dma_wait3A_723 : memref<64x128xf32, #tpu.memory_space<vmem>>)
      %parallel_loop3A_730 = arith.constant 0 : i32
      %parallel_loop3A_731 = arith.constant 64 : i32
      %parallel_loop3A_732 = arith.constant 1 : i32
      scf.for %parallel_loop3A_986 = %parallel_loop3A_730 to %parallel_loop3A_731 step %parallel_loop3A_732  : i32 {
        %parallel_loop3A_987 = vector.broadcast %parallel_loop3A_986 : i32 to vector<16xi32>
        %parallel_loop3A_988 = arith.constant 1 : i32
        %parallel_loop3A_989 = arith.constant 0 : i32
        %parallel_loop3A_990 = tpu.memref_slice %arg14[%parallel_loop3A_988, %parallel_loop3A_989] : memref<3x64xf32, #tpu.memory_space<vmem>> -> memref<1x64xf32, #tpu.memory_space<vmem>>
        %parallel_loop3A_991 = tpu.memref_squeeze %parallel_loop3A_990 : memref<1x64xf32, #tpu.memory_space<vmem>> -> memref<64xf32, #tpu.memory_space<vmem>>
        %parallel_loop3A_992 = tpu.vector_load_idx %parallel_loop3A_991[%parallel_loop3A_987] : memref<64xf32, #tpu.memory_space<vmem>>[vector<16xi32>], vector<16xf32>,
        %parallel_loop3A_993 = arith.constant 1 : i32
        %parallel_loop3A_994 = arith.index_cast %parallel_loop3A_993 : i32 to index
        %parallel_loop3A_995 = arith.index_cast %parallel_loop3A_986 : i32 to index
        %parallel_loop3A_996 = arith.constant 0 : index
        %parallel_loop3A_997 = tpu.vector_load %arg15[%parallel_loop3A_994, %parallel_loop3A_995, %parallel_loop3A_996] {strides = array<i32>} : memref<3x64x128xf32, #tpu.memory_space<vmem>>, vector<16xf32>,
        %parallel_loop3A_998 = arith.mulf %parallel_loop3A_997, %parallel_loop3A_992 : vector<16xf32>
        %parallel_loop3A_999 = arith.constant 1 : i32
        %parallel_loop3A_1000 = arith.index_cast %parallel_loop3A_999 : i32 to index
        %parallel_loop3A_1001 = arith.index_cast %parallel_loop3A_986 : i32 to index
        %parallel_loop3A_1002 = arith.constant 0 : index
        %parallel_loop3A_1003 = tpu.vector_load %arg15[%parallel_loop3A_1000, %parallel_loop3A_1001, %parallel_loop3A_1002] {strides = array<i32>} : memref<3x64x128xf32, #tpu.memory_space<vmem>>, vector<16xf32>,
        tpu.vector_store %arg15[%parallel_loop3A_1000, %parallel_loop3A_1001, %parallel_loop3A_1002], %parallel_loop3A_998 {strides = array<i32>} : memref<3x64x128xf32, #tpu.memory_space<vmem>>, vector<16xf32>,
        %parallel_loop3A_1004 = arith.constant 1 : i32
        %parallel_loop3A_1005 = arith.index_cast %parallel_loop3A_1004 : i32 to index
        %parallel_loop3A_1006 = arith.index_cast %parallel_loop3A_986 : i32 to index
        %parallel_loop3A_1007 = arith.constant 16 : index
        %parallel_loop3A_1008 = tpu.vector_load %arg15[%parallel_loop3A_1005, %parallel_loop3A_1006, %parallel_loop3A_1007] {strides = array<i32>} : memref<3x64x128xf32, #tpu.memory_space<vmem>>, vector<16xf32>,
        %parallel_loop3A_1009 = arith.mulf %parallel_loop3A_1008, %parallel_loop3A_992 : vector<16xf32>
        %parallel_loop3A_1010 = arith.constant 1 : i32
        %parallel_loop3A_1011 = arith.index_cast %parallel_loop3A_1010 : i32 to index
        %parallel_loop3A_1012 = arith.index_cast %parallel_loop3A_986 : i32 to index
        %parallel_loop3A_1013 = arith.constant 16 : index
        %parallel_loop3A_1014 = tpu.vector_load %arg15[%parallel_loop3A_1011, %parallel_loop3A_1012, %parallel_loop3A_1013] {strides = array<i32>} : memref<3x64x128xf32, #tpu.memory_space<vmem>>, vector<16xf32>,
        tpu.vector_store %arg15[%parallel_loop3A_1011, %parallel_loop3A_1012, %parallel_loop3A_1013], %parallel_loop3A_1009 {strides = array<i32>} : memref<3x64x128xf32, #tpu.memory_space<vmem>>, vector<16xf32>,
        %parallel_loop3A_1015 = arith.constant 1 : i32
        %parallel_loop3A_1016 = arith.index_cast %parallel_loop3A_1015 : i32 to index
        %parallel_loop3A_1017 = arith.index_cast %parallel_loop3A_986 : i32 to index
        %parallel_loop3A_1018 = arith.constant 32 : index
        %parallel_loop3A_1019 = tpu.vector_load %arg15[%parallel_loop3A_1016, %parallel_loop3A_1017, %parallel_loop3A_1018] {strides = array<i32>} : memref<3x64x128xf32, #tpu.memory_space<vmem>>, vector<16xf32>,
        %parallel_loop3A_1020 = arith.mulf %parallel_loop3A_1019, %parallel_loop3A_992 : vector<16xf32>
        %parallel_loop3A_1021 = arith.constant 1 : i32
        %parallel_loop3A_1022 = arith.index_cast %parallel_loop3A_1021 : i32 to index
        %parallel_loop3A_1023 = arith.index_cast %parallel_loop3A_986 : i32 to index
        %parallel_loop3A_1024 = arith.constant 32 : index
        %parallel_loop3A_1025 = tpu.vector_load %arg15[%parallel_loop3A_1022, %parallel_loop3A_1023, %parallel_loop3A_1024] {strides = array<i32>} : memref<3x64x128xf32, #tpu.memory_space<vmem>>, vector<16xf32>,
        tpu.vector_store %arg15[%parallel_loop3A_1022, %parallel_loop3A_1023, %parallel_loop3A_1024], %parallel_loop3A_1020 {strides = array<i32>} : memref<3x64x128xf32, #tpu.memory_space<vmem>>, vector<16xf32>,
        %parallel_loop3A_1026 = arith.constant 1 : i32
        %parallel_loop3A_1027 = arith.index_cast %parallel_loop3A_1026 : i32 to index
        %parallel_loop3A_1028 = arith.index_cast %parallel_loop3A_986 : i32 to index
        %parallel_loop3A_1029 = arith.constant 48 : index
        %parallel_loop3A_1030 = tpu.vector_load %arg15[%parallel_loop3A_1027, %parallel_loop3A_1028, %parallel_loop3A_1029] {strides = array<i32>} : memref<3x64x128xf32, #tpu.memory_space<vmem>>, vector<16xf32>,
        %parallel_loop3A_1031 = arith.mulf %parallel_loop3A_1030, %parallel_loop3A_992 : vector<16xf32>
        %parallel_loop3A_1032 = arith.constant 1 : i32
        %parallel_loop3A_1033 = arith.index_cast %parallel_loop3A_1032 : i32 to index
        %parallel_loop3A_1034 = arith.index_cast %parallel_loop3A_986 : i32 to index
        %parallel_loop3A_1035 = arith.constant 48 : index
        %parallel_loop3A_1036 = tpu.vector_load %arg15[%parallel_loop3A_1033, %parallel_loop3A_1034, %parallel_loop3A_1035] {strides = array<i32>} : memref<3x64x128xf32, #tpu.memory_space<vmem>>, vector<16xf32>,
        tpu.vector_store %arg15[%parallel_loop3A_1033, %parallel_loop3A_1034, %parallel_loop3A_1035], %parallel_loop3A_1031 {strides = array<i32>} : memref<3x64x128xf32, #tpu.memory_space<vmem>>, vector<16xf32>,
        %parallel_loop3A_1037 = arith.constant 1 : i32
        %parallel_loop3A_1038 = arith.index_cast %parallel_loop3A_1037 : i32 to index
        %parallel_loop3A_1039 = arith.index_cast %parallel_loop3A_986 : i32 to index
        %parallel_loop3A_1040 = arith.constant 64 : index
        %parallel_loop3A_1041 = tpu.vector_load %arg15[%parallel_loop3A_1038, %parallel_loop3A_1039, %parallel_loop3A_1040] {strides = array<i32>} : memref<3x64x128xf32, #tpu.memory_space<vmem>>, vector<16xf32>,
        %parallel_loop3A_1042 = arith.mulf %parallel_loop3A_1041, %parallel_loop3A_992 : vector<16xf32>
        %parallel_loop3A_1043 = arith.constant 1 : i32
        %parallel_loop3A_1044 = arith.index_cast %parallel_loop3A_1043 : i32 to index
        %parallel_loop3A_1045 = arith.index_cast %parallel_loop3A_986 : i32 to index
        %parallel_loop3A_1046 = arith.constant 64 : index
        %parallel_loop3A_1047 = tpu.vector_load %arg15[%parallel_loop3A_1044, %parallel_loop3A_1045, %parallel_loop3A_1046] {strides = array<i32>} : memref<3x64x128xf32, #tpu.memory_space<vmem>>, vector<16xf32>,
        tpu.vector_store %arg15[%parallel_loop3A_1044, %parallel_loop3A_1045, %parallel_loop3A_1046], %parallel_loop3A_1042 {strides = array<i32>} : memref<3x64x128xf32, #tpu.memory_space<vmem>>, vector<16xf32>,
        %parallel_loop3A_1048 = arith.constant 1 : i32
        %parallel_loop3A_1049 = arith.index_cast %parallel_loop3A_1048 : i32 to index
        %parallel_loop3A_1050 = arith.index_cast %parallel_loop3A_986 : i32 to index
        %parallel_loop3A_1051 = arith.constant 80 : index
        %parallel_loop3A_1052 = tpu.vector_load %arg15[%parallel_loop3A_1049, %parallel_loop3A_1050, %parallel_loop3A_1051] {strides = array<i32>} : memref<3x64x128xf32, #tpu.memory_space<vmem>>, vector<16xf32>,
        %parallel_loop3A_1053 = arith.mulf %parallel_loop3A_1052, %parallel_loop3A_992 : vector<16xf32>
        %parallel_loop3A_1054 = arith.constant 1 : i32
        %parallel_loop3A_1055 = arith.index_cast %parallel_loop3A_1054 : i32 to index
        %parallel_loop3A_1056 = arith.index_cast %parallel_loop3A_986 : i32 to index
        %parallel_loop3A_1057 = arith.constant 80 : index
        %parallel_loop3A_1058 = tpu.vector_load %arg15[%parallel_loop3A_1055, %parallel_loop3A_1056, %parallel_loop3A_1057] {strides = array<i32>} : memref<3x64x128xf32, #tpu.memory_space<vmem>>, vector<16xf32>,
        tpu.vector_store %arg15[%parallel_loop3A_1055, %parallel_loop3A_1056, %parallel_loop3A_1057], %parallel_loop3A_1053 {strides = array<i32>} : memref<3x64x128xf32, #tpu.memory_space<vmem>>, vector<16xf32>,
        %parallel_loop3A_1059 = arith.constant 1 : i32
        %parallel_loop3A_1060 = arith.index_cast %parallel_loop3A_1059 : i32 to index
        %parallel_loop3A_1061 = arith.index_cast %parallel_loop3A_986 : i32 to index
        %parallel_loop3A_1062 = arith.constant 96 : index
        %parallel_loop3A_1063 = tpu.vector_load %arg15[%parallel_loop3A_1060, %parallel_loop3A_1061, %parallel_loop3A_1062] {strides = array<i32>} : memref<3x64x128xf32, #tpu.memory_space<vmem>>, vector<16xf32>,
        %parallel_loop3A_1064 = arith.mulf %parallel_loop3A_1063, %parallel_loop3A_992 : vector<16xf32>
        %parallel_loop3A_1065 = arith.constant 1 : i32
        %parallel_loop3A_1066 = arith.index_cast %parallel_loop3A_1065 : i32 to index
        %parallel_loop3A_1067 = arith.index_cast %parallel_loop3A_986 : i32 to index
        %parallel_loop3A_1068 = arith.constant 96 : index
        %parallel_loop3A_1069 = tpu.vector_load %arg15[%parallel_loop3A_1066, %parallel_loop3A_1067, %parallel_loop3A_1068] {strides = array<i32>} : memref<3x64x128xf32, #tpu.memory_space<vmem>>, vector<16xf32>,
        tpu.vector_store %arg15[%parallel_loop3A_1066, %parallel_loop3A_1067, %parallel_loop3A_1068], %parallel_loop3A_1064 {strides = array<i32>} : memref<3x64x128xf32, #tpu.memory_space<vmem>>, vector<16xf32>,
        %parallel_loop3A_1070 = arith.constant 1 : i32
        %parallel_loop3A_1071 = arith.index_cast %parallel_loop3A_1070 : i32 to index
        %parallel_loop3A_1072 = arith.index_cast %parallel_loop3A_986 : i32 to index
        %parallel_loop3A_1073 = arith.constant 112 : index
        %parallel_loop3A_1074 = tpu.vector_load %arg15[%parallel_loop3A_1071, %parallel_loop3A_1072, %parallel_loop3A_1073] {strides = array<i32>} : memref<3x64x128xf32, #tpu.memory_space<vmem>>, vector<16xf32>,
        %parallel_loop3A_1075 = arith.mulf %parallel_loop3A_1074, %parallel_loop3A_992 : vector<16xf32>
        %parallel_loop3A_1076 = arith.constant 1 : i32
        %parallel_loop3A_1077 = arith.index_cast %parallel_loop3A_1076 : i32 to index
        %parallel_loop3A_1078 = arith.index_cast %parallel_loop3A_986 : i32 to index
        %parallel_loop3A_1079 = arith.constant 112 : index
        %parallel_loop3A_1080 = tpu.vector_load %arg15[%parallel_loop3A_1077, %parallel_loop3A_1078, %parallel_loop3A_1079] {strides = array<i32>} : memref<3x64x128xf32, #tpu.memory_space<vmem>>, vector<16xf32>,
        tpu.vector_store %arg15[%parallel_loop3A_1077, %parallel_loop3A_1078, %parallel_loop3A_1079], %parallel_loop3A_1075 {strides = array<i32>} : memref<3x64x128xf32, #tpu.memory_space<vmem>>, vector<16xf32>,
      } {sc.loop_unroll_factor = 4 : i64, sc.parallel_access}
      %ge3A_733 = arith.constant 1 : i32
      %ge3A_734 = arith.cmpi sge, %add3A_525, %ge3A_733 : i32
      %convert_element_type3A_735 = arith.extui %ge3A_734 : i1 to i32
      %cond3A_736 = arith.constant 0 : i32
      %cond3A_737 = arith.cmpi ne, %convert_element_type3A_735, %cond3A_736 : i32
      scf.if %cond3A_737 {
        %dma_wait3A_986 = arith.constant 0 : i32
        %dma_wait3A_987 = arith.constant 0 : i32
        %dma_wait3A_988 = arith.constant 0 : i32
        %dma_wait3A_989 = arith.constant 0 : i32
        %dma_wait3A_990 = tpu.memref_slice %arg15[%dma_wait3A_986, %dma_wait3A_988, %dma_wait3A_989] : memref<3x64x128xf32, #tpu.memory_space<vmem>> -> memref<1x64x128xf32, #tpu.memory_space<vmem>>
        %dma_wait3A_991 = tpu.memref_squeeze %dma_wait3A_990 : memref<1x64x128xf32, #tpu.memory_space<vmem>> -> memref<64x128xf32, #tpu.memory_space<vmem>>
        %dma_wait3A_992 = arith.constant 0 : i32
        %dma_wait3A_993 = tpu.memref_slice %arg11[%dma_wait3A_987, %dma_wait3A_992] : memref<3x64xi32, #tpu.memory_space<vmem>> -> memref<1x64xi32, #tpu.memory_space<vmem>>
        %dma_wait3A_994 = tpu.memref_squeeze %dma_wait3A_993 : memref<1x64xi32, #tpu.memory_space<vmem>> -> memref<64xi32, #tpu.memory_space<vmem>>
        %dma_wait3A_995 = arith.constant 0 : i32
        %dma_wait3A_996 = arith.constant 0 : i32
        %dma_wait3A_997 = tpu.memref_slice %arg17[%dma_wait3A_995, %dma_wait3A_996] : memref<10240x128xf32, #tpu.memory_space<vmem_shared>> -> memref<10240x128xf32, #tpu.memory_space<vmem_shared>>
        tpu.wait_indirect_dma semaphore(%arg23 : memref<!tpu.dma_semaphore, #tpu.memory_space<semaphore_mem>>) src(%dma_wait3A_991 : memref<64x128xf32, #tpu.memory_space<vmem>>) dst(%dma_wait3A_997 : memref<10240x128xf32, #tpu.memory_space<vmem_shared>>)
      } else {
      }
      %lt3A_738 = arith.constant 160 : i32
      %lt3A_739 = arith.cmpi slt, %add3A_525, %lt3A_738 : i32
      %convert_element_type3A_740 = arith.extui %lt3A_739 : i1 to i32
      %cond3A_741 = arith.constant 0 : i32
      %cond3A_742 = arith.cmpi ne, %convert_element_type3A_740, %cond3A_741 : i32
      scf.if %cond3A_742 {
        %add3A_986 = arith.constant 2 : i32
        %add3A_987 = arith.addi %add3A_525, %add3A_986 : i32
        %dma_wait3A_988 = arith.constant 0 : i32
        %dma_wait3A_989 = arith.constant 0 : i32
        %dma_wait3A_990 = tpu.memref_slice %arg9[%dma_wait3A_988, %dma_wait3A_989] : memref<3x64xi32, #tpu.memory_space<vmem>> -> memref<1x64xi32, #tpu.memory_space<vmem>>
        %dma_wait3A_991 = tpu.memref_squeeze %dma_wait3A_990 : memref<1x64xi32, #tpu.memory_space<vmem>> -> memref<64xi32, #tpu.memory_space<vmem>>
        %dma_wait3A_992 = arith.constant 0 : i32
        %dma_wait3A_993 = tpu.memref_slice %arg3[%add3A, %add3A_987, %dma_wait3A_992] : memref<32x162x64xi32, #tpu.memory_space<hbm>> -> memref<1x1x64xi32, #tpu.memory_space<hbm>>
        %dma_wait3A_994 = tpu.memref_squeeze %dma_wait3A_993 : memref<1x1x64xi32, #tpu.memory_space<hbm>> -> memref<64xi32, #tpu.memory_space<hbm>>
        %dma_wait3A_995 = arith.constant 0 : i32
        %dma_wait3A_996 = tpu.memref_slice %arg9[%dma_wait3A_988, %dma_wait3A_995] : memref<3x64xi32, #tpu.memory_space<vmem>> -> memref<1x64xi32, #tpu.memory_space<vmem>>
        %dma_wait3A_997 = tpu.memref_squeeze %dma_wait3A_996 : memref<1x64xi32, #tpu.memory_space<vmem>> -> memref<64xi32, #tpu.memory_space<vmem>>
        %dma_wait3A_998 = arith.constant 0 : i32
        %dma_wait3A_999 = tpu.memref_slice %arg3[%add3A, %add3A_987, %dma_wait3A_998] : memref<32x162x64xi32, #tpu.memory_space<hbm>> -> memref<1x1x64xi32, #tpu.memory_space<hbm>>
        %dma_wait3A_1000 = tpu.memref_squeeze %dma_wait3A_999 : memref<1x1x64xi32, #tpu.memory_space<hbm>> -> memref<64xi32, #tpu.memory_space<hbm>>
        tpu.wait_dma2 semaphore(%arg19 : memref<!tpu.dma_semaphore, #tpu.memory_space<semaphore_mem>>) src(%dma_wait3A_1000 : memref<64xi32, #tpu.memory_space<hbm>>) dst(%dma_wait3A_997 : memref<64xi32, #tpu.memory_space<vmem>>)
        %dma_wait3A_1001 = arith.constant 0 : i32
        %dma_wait3A_1002 = arith.constant 0 : i32
        %dma_wait3A_1003 = tpu.memref_slice %arg10[%dma_wait3A_1001, %dma_wait3A_1002] : memref<3x64xi32, #tpu.memory_space<vmem>> -> memref<1x64xi32, #tpu.memory_space<vmem>>
        %dma_wait3A_1004 = tpu.memref_squeeze %dma_wait3A_1003 : memref<1x64xi32, #tpu.memory_space<vmem>> -> memref<64xi32, #tpu.memory_space<vmem>>
        %dma_wait3A_1005 = arith.constant 0 : i32
        %dma_wait3A_1006 = tpu.memref_slice %arg4[%add3A, %add3A_987, %dma_wait3A_1005] : memref<32x162x64xi32, #tpu.memory_space<hbm>> -> memref<1x1x64xi32, #tpu.memory_space<hbm>>
        %dma_wait3A_1007 = tpu.memref_squeeze %dma_wait3A_1006 : memref<1x1x64xi32, #tpu.memory_space<hbm>> -> memref<64xi32, #tpu.memory_space<hbm>>
        %dma_wait3A_1008 = arith.constant 0 : i32
        %dma_wait3A_1009 = tpu.memref_slice %arg10[%dma_wait3A_1001, %dma_wait3A_1008] : memref<3x64xi32, #tpu.memory_space<vmem>> -> memref<1x64xi32, #tpu.memory_space<vmem>>
        %dma_wait3A_1010 = tpu.memref_squeeze %dma_wait3A_1009 : memref<1x64xi32, #tpu.memory_space<vmem>> -> memref<64xi32, #tpu.memory_space<vmem>>
        %dma_wait3A_1011 = arith.constant 0 : i32
        %dma_wait3A_1012 = tpu.memref_slice %arg4[%add3A, %add3A_987, %dma_wait3A_1011] : memref<32x162x64xi32, #tpu.memory_space<hbm>> -> memref<1x1x64xi32, #tpu.memory_space<hbm>>
        %dma_wait3A_1013 = tpu.memref_squeeze %dma_wait3A_1012 : memref<1x1x64xi32, #tpu.memory_space<hbm>> -> memref<64xi32, #tpu.memory_space<hbm>>
        tpu.wait_dma2 semaphore(%arg19 : memref<!tpu.dma_semaphore, #tpu.memory_space<semaphore_mem>>) src(%dma_wait3A_1013 : memref<64xi32, #tpu.memory_space<hbm>>) dst(%dma_wait3A_1010 : memref<64xi32, #tpu.memory_space<vmem>>)
        %dma_start3A_1014 = arith.constant 0 : i32
        %dma_start3A_1015 = arith.constant 0 : i32
        %dma_start3A_1016 = arith.constant 0 : i32
        %dma_start3A_1017 = arith.constant 0 : i32
        %dma_start3A_1018 = tpu.memref_slice %arg15[%dma_start3A_1015, %dma_start3A_1016, %dma_start3A_1017] : memref<3x64x128xf32, #tpu.memory_space<vmem>> -> memref<1x64x128xf32, #tpu.memory_space<vmem>>
        %dma_start3A_1019 = tpu.memref_squeeze %dma_start3A_1018 : memref<1x64x128xf32, #tpu.memory_space<vmem>> -> memref<64x128xf32, #tpu.memory_space<vmem>>
        %dma_start3A_1020 = arith.constant 0 : i32
        %dma_start3A_1021 = tpu.memref_slice %arg9[%dma_start3A_1014, %dma_start3A_1020] : memref<3x64xi32, #tpu.memory_space<vmem>> -> memref<1x64xi32, #tpu.memory_space<vmem>>
        %dma_start3A_1022 = tpu.memref_squeeze %dma_start3A_1021 : memref<1x64xi32, #tpu.memory_space<vmem>> -> memref<64xi32, #tpu.memory_space<vmem>>
        %dma_start3A_1023 = arith.constant 0 : i32
        %dma_start3A_1024 = arith.constant 0 : i32
        %dma_start3A_1025 = tpu.memref_slice %arg2[%dma_start3A_1023, %dma_start3A_1024] : memref<10000x128xf32, #tpu.memory_space<hbm>> -> memref<10000x128xf32, #tpu.memory_space<hbm>>
        tpu.enqueue_indirect_dma source(%dma_start3A_1025 : memref<10000x128xf32, #tpu.memory_space<hbm>>) target(%dma_start3A_1019 : memref<64x128xf32, #tpu.memory_space<vmem>>) offsets(%dma_start3A_1022 : memref<64xi32, #tpu.memory_space<vmem>>) semaphore(%arg20 : memref<!tpu.dma_semaphore, #tpu.memory_space<semaphore_mem>>)
      } else {
      }
      %dma_start3A_743 = arith.constant 1 : i32
      %dma_start3A_744 = arith.constant 1 : i32
      %dma_start3A_745 = arith.constant 0 : i32
      %dma_start3A_746 = arith.constant 0 : i32
      %dma_start3A_747 = tpu.memref_slice %arg15[%dma_start3A_743, %dma_start3A_745, %dma_start3A_746] : memref<3x64x128xf32, #tpu.memory_space<vmem>> -> memref<1x64x128xf32, #tpu.memory_space<vmem>>
      %dma_start3A_748 = tpu.memref_squeeze %dma_start3A_747 : memref<1x64x128xf32, #tpu.memory_space<vmem>> -> memref<64x128xf32, #tpu.memory_space<vmem>>
      %dma_start3A_749 = arith.constant 0 : i32
      %dma_start3A_750 = tpu.memref_slice %arg11[%dma_start3A_744, %dma_start3A_749] : memref<3x64xi32, #tpu.memory_space<vmem>> -> memref<1x64xi32, #tpu.memory_space<vmem>>
      %dma_start3A_751 = tpu.memref_squeeze %dma_start3A_750 : memref<1x64xi32, #tpu.memory_space<vmem>> -> memref<64xi32, #tpu.memory_space<vmem>>
      %dma_start3A_752 = arith.constant 0 : i32
      %dma_start3A_753 = arith.constant 0 : i32
      %dma_start3A_754 = tpu.memref_slice %arg17[%dma_start3A_752, %dma_start3A_753] : memref<10240x128xf32, #tpu.memory_space<vmem_shared>> -> memref<10240x128xf32, #tpu.memory_space<vmem_shared>>
      tpu.enqueue_indirect_dma source(%dma_start3A_748 : memref<64x128xf32, #tpu.memory_space<vmem>>) target(%dma_start3A_754 : memref<10240x128xf32, #tpu.memory_space<vmem_shared>>) offsets(%dma_start3A_751 : memref<64xi32, #tpu.memory_space<vmem>>) semaphore(%arg24 : memref<!tpu.dma_semaphore, #tpu.memory_space<semaphore_mem>>) {add = true}
      %add3A_755 = arith.constant 2 : i32
      %add3A_756 = arith.addi %mul3A_306, %add3A_755 : i32
      %lt3A_757 = arith.constant 160 : i32
      %lt3A_758 = arith.cmpi slt, %add3A_756, %lt3A_757 : i32
      %convert_element_type3A_759 = arith.extui %lt3A_758 : i1 to i32
      %cond3A_760 = arith.constant 0 : i32
      %cond3A_761 = arith.cmpi ne, %convert_element_type3A_759, %cond3A_760 : i32
      scf.if %cond3A_761 {
        %add3A_986 = arith.constant 2 : i32
        %add3A_987 = arith.addi %add3A_756, %add3A_986 : i32
        %dma_start3A_988 = arith.constant 1 : i32
        %dma_start3A_989 = arith.constant 0 : i32
        %dma_start3A_990 = tpu.memref_slice %arg9[%dma_start3A_988, %dma_start3A_989] : memref<3x64xi32, #tpu.memory_space<vmem>> -> memref<1x64xi32, #tpu.memory_space<vmem>>
        %dma_start3A_991 = tpu.memref_squeeze %dma_start3A_990 : memref<1x64xi32, #tpu.memory_space<vmem>> -> memref<64xi32, #tpu.memory_space<vmem>>
        %dma_start3A_992 = arith.constant 0 : i32
        %dma_start3A_993 = tpu.memref_slice %arg3[%add3A, %add3A_987, %dma_start3A_992] : memref<32x162x64xi32, #tpu.memory_space<hbm>> -> memref<1x1x64xi32, #tpu.memory_space<hbm>>
        %dma_start3A_994 = tpu.memref_squeeze %dma_start3A_993 : memref<1x1x64xi32, #tpu.memory_space<hbm>> -> memref<64xi32, #tpu.memory_space<hbm>>
        %dma_start3A_995 = arith.constant 0 : i32
        %dma_start3A_996 = tpu.memref_slice %arg9[%dma_start3A_988, %dma_start3A_995] : memref<3x64xi32, #tpu.memory_space<vmem>> -> memref<1x64xi32, #tpu.memory_space<vmem>>
        %dma_start3A_997 = tpu.memref_squeeze %dma_start3A_996 : memref<1x64xi32, #tpu.memory_space<vmem>> -> memref<64xi32, #tpu.memory_space<vmem>>
        %dma_start3A_998 = arith.constant 0 : i32
        %dma_start3A_999 = tpu.memref_slice %arg3[%add3A, %add3A_987, %dma_start3A_998] : memref<32x162x64xi32, #tpu.memory_space<hbm>> -> memref<1x1x64xi32, #tpu.memory_space<hbm>>
        %dma_start3A_1000 = tpu.memref_squeeze %dma_start3A_999 : memref<1x1x64xi32, #tpu.memory_space<hbm>> -> memref<64xi32, #tpu.memory_space<hbm>>
        tpu.enqueue_dma source(%dma_start3A_1000 : memref<64xi32, #tpu.memory_space<hbm>>) target(%dma_start3A_997 : memref<64xi32, #tpu.memory_space<vmem>>) target_semaphore(%arg19 : memref<!tpu.dma_semaphore, #tpu.memory_space<semaphore_mem>>)
        %dma_start3A_1001 = arith.constant 1 : i32
        %dma_start3A_1002 = arith.constant 0 : i32
        %dma_start3A_1003 = tpu.memref_slice %arg10[%dma_start3A_1001, %dma_start3A_1002] : memref<3x64xi32, #tpu.memory_space<vmem>> -> memref<1x64xi32, #tpu.memory_space<vmem>>
        %dma_start3A_1004 = tpu.memref_squeeze %dma_start3A_1003 : memref<1x64xi32, #tpu.memory_space<vmem>> -> memref<64xi32, #tpu.memory_space<vmem>>
        %dma_start3A_1005 = arith.constant 0 : i32
        %dma_start3A_1006 = tpu.memref_slice %arg4[%add3A, %add3A_987, %dma_start3A_1005] : memref<32x162x64xi32, #tpu.memory_space<hbm>> -> memref<1x1x64xi32, #tpu.memory_space<hbm>>
        %dma_start3A_1007 = tpu.memref_squeeze %dma_start3A_1006 : memref<1x1x64xi32, #tpu.memory_space<hbm>> -> memref<64xi32, #tpu.memory_space<hbm>>
        %dma_start3A_1008 = arith.constant 0 : i32
        %dma_start3A_1009 = tpu.memref_slice %arg10[%dma_start3A_1001, %dma_start3A_1008] : memref<3x64xi32, #tpu.memory_space<vmem>> -> memref<1x64xi32, #tpu.memory_space<vmem>>
        %dma_start3A_1010 = tpu.memref_squeeze %dma_start3A_1009 : memref<1x64xi32, #tpu.memory_space<vmem>> -> memref<64xi32, #tpu.memory_space<vmem>>
        %dma_start3A_1011 = arith.constant 0 : i32
        %dma_start3A_1012 = tpu.memref_slice %arg4[%add3A, %add3A_987, %dma_start3A_1011] : memref<32x162x64xi32, #tpu.memory_space<hbm>> -> memref<1x1x64xi32, #tpu.memory_space<hbm>>
        %dma_start3A_1013 = tpu.memref_squeeze %dma_start3A_1012 : memref<1x1x64xi32, #tpu.memory_space<hbm>> -> memref<64xi32, #tpu.memory_space<hbm>>
        tpu.enqueue_dma source(%dma_start3A_1013 : memref<64xi32, #tpu.memory_space<hbm>>) target(%dma_start3A_1010 : memref<64xi32, #tpu.memory_space<vmem>>) target_semaphore(%arg19 : memref<!tpu.dma_semaphore, #tpu.memory_space<semaphore_mem>>)
      } else {
      }
      %ge3A_762 = arith.constant 3 : i32
      %ge3A_763 = arith.cmpi sge, %add3A_756, %ge3A_762 : i32
      %convert_element_type3A_764 = arith.extui %ge3A_763 : i1 to i32
      %cond3A_765 = arith.constant 0 : i32
      %cond3A_766 = arith.cmpi ne, %convert_element_type3A_764, %cond3A_765 : i32
      scf.if %cond3A_766 {
        %dma_wait3A_986 = arith.constant 2 : i32
        %dma_wait3A_987 = arith.constant 2 : i32
        %dma_wait3A_988 = arith.constant 0 : i32
        %dma_wait3A_989 = tpu.memref_slice %arg14[%dma_wait3A_986, %dma_wait3A_988] : memref<3x64xf32, #tpu.memory_space<vmem>> -> memref<1x64xf32, #tpu.memory_space<vmem>>
        %dma_wait3A_990 = tpu.memref_squeeze %dma_wait3A_989 : memref<1x64xf32, #tpu.memory_space<vmem>> -> memref<64xf32, #tpu.memory_space<vmem>>
        %dma_wait3A_991 = arith.constant 0 : i32
        %dma_wait3A_992 = tpu.memref_slice %arg11[%dma_wait3A_987, %dma_wait3A_991] : memref<3x64xi32, #tpu.memory_space<vmem>> -> memref<1x64xi32, #tpu.memory_space<vmem>>
        %dma_wait3A_993 = tpu.memref_squeeze %dma_wait3A_992 : memref<1x64xi32, #tpu.memory_space<vmem>> -> memref<64xi32, #tpu.memory_space<vmem>>
        %dma_wait3A_994 = arith.constant 0 : i32
        %dma_wait3A_995 = tpu.memref_slice %arg18[%dma_wait3A_994] : memref<10240xf32, #tpu.memory_space<vmem_shared>> -> memref<10240xf32, #tpu.memory_space<vmem_shared>>
        tpu.wait_indirect_dma semaphore(%arg28 : memref<!tpu.dma_semaphore, #tpu.memory_space<semaphore_mem>>) src(%dma_wait3A_990 : memref<64xf32, #tpu.memory_space<vmem>>) dst(%dma_wait3A_995 : memref<10240xf32, #tpu.memory_space<vmem_shared>>)
      } else {
      }
      %get3A_767 = arith.constant 2 : i32
      %get3A_768 = arith.index_cast %get3A_767 : i32 to index
      %get3A_769 = arith.constant 0 : index
      %get3A_770 = tpu.vector_load %arg9[%get3A_768, %get3A_769] {strides = array<i32>} : memref<3x64xi32, #tpu.memory_space<vmem>>, vector<16xi32>,
      %get3A_771 = arith.constant 2 : i32
      %get3A_772 = arith.index_cast %get3A_771 : i32 to index
      %get3A_773 = arith.constant 0 : index
      %get3A_774 = tpu.vector_load %arg10[%get3A_772, %get3A_773] {strides = array<i32>} : memref<3x64xi32, #tpu.memory_space<vmem>>, vector<16xi32>,
      %gather3A_775 = tpu.vector_load_idx %arg12[%get3A_770] : memref<10000xf32, #tpu.memory_space<vmem>>[vector<16xi32>], vector<16xf32>,
      %gather3A_776 = tpu.vector_load_idx %arg13[%get3A_774] : memref<10000xf32, #tpu.memory_space<vmem>>[vector<16xi32>], vector<16xf32>,
      %add3A_777 = arith.addf %gather3A_775, %gather3A_776 : vector<16xf32>
      %gt3A_778 = arith.constant 0.000000e+00 : f32
      %gt3A_779 = vector.broadcast %gt3A_778 : f32 to vector<16xf32>
      %gt3A_780 = arith.cmpf ogt, %add3A_777, %gt3A_779 : vector<16xf32>
      %mul3A_781 = arith.constant 2.000000e-01 : f32
      %mul3A_782 = vector.broadcast %mul3A_781 : f32 to vector<16xf32>
      %mul3A_783 = arith.mulf %mul3A_782, %add3A_777 : vector<16xf32>
      %select_n3A_784 = arith.select %gt3A_780, %add3A_777, %mul3A_783 : vector<16xi1>, vector<16xf32>
      %exp3A_785 = math.exp %select_n3A_784 : vector<16xf32>
      %mul3A_786 = arith.constant 10368 : i32
      %mul3A_787 = arith.muli %add3A, %mul3A_786 : i32
      %mul3A_788 = arith.constant 64 : i32
      %mul3A_789 = arith.muli %add3A_756, %mul3A_788 : i32
      %add3A_790 = arith.addi %mul3A_787, %mul3A_789 : i32
      %add3A_791 = arith.constant 0 : i32
      %add3A_792 = arith.addi %add3A_790, %add3A_791 : i32
      %iota3A_793 = tpu.iota {dimensions = array<i32: 0>} : vector<16xi32>
      %add3A_794 = vector.broadcast %add3A_792 : i32 to vector<16xi32>
      %add3A_795 = arith.addi %add3A_794, %iota3A_793 : vector<16xi32>
      %lt3A_796 = arith.constant 320000 : i32
      %lt3A_797 = vector.broadcast %lt3A_796 : i32 to vector<16xi32>
      %lt3A_798 = arith.cmpi slt, %add3A_795, %lt3A_797 : vector<16xi32>
      %jit3A_799 = arith.constant 0.000000e+00 : f32
      %broadcast_in_dim3A_800 = vector.broadcast %jit3A_799 : f32 to vector<16xf32>
      %select_n3A_801 = arith.select %lt3A_798, %exp3A_785, %broadcast_in_dim3A_800 : vector<16xi1>, vector<16xf32>
      %swap3A_802 = arith.constant 2 : i32
      %swap3A_803 = arith.index_cast %swap3A_802 : i32 to index
      %swap3A_804 = arith.constant 0 : index
      %swap3A_805 = tpu.vector_load %arg14[%swap3A_803, %swap3A_804] {strides = array<i32>} : memref<3x64xf32, #tpu.memory_space<vmem>>, vector<16xf32>,
      tpu.vector_store %arg14[%swap3A_803, %swap3A_804], %select_n3A_801 {strides = array<i32>} : memref<3x64xf32, #tpu.memory_space<vmem>>, vector<16xf32>,
      %swap3A_806 = arith.constant 2 : i32
      %swap3A_807 = arith.index_cast %swap3A_806 : i32 to index
      %swap3A_808 = arith.constant 0 : index
      %swap3A_809 = tpu.vector_load %arg11[%swap3A_807, %swap3A_808] {strides = array<i32>} : memref<3x64xi32, #tpu.memory_space<vmem>>, vector<16xi32>,
      tpu.vector_store %arg11[%swap3A_807, %swap3A_808], %get3A_774 {strides = array<i32>} : memref<3x64xi32, #tpu.memory_space<vmem>>, vector<16xi32>,
      %get3A_810 = arith.constant 2 : i32
      %get3A_811 = arith.index_cast %get3A_810 : i32 to index
      %get3A_812 = arith.constant 16 : index
      %get3A_813 = tpu.vector_load %arg9[%get3A_811, %get3A_812] {strides = array<i32>} : memref<3x64xi32, #tpu.memory_space<vmem>>, vector<16xi32>,
      %get3A_814 = arith.constant 2 : i32
      %get3A_815 = arith.index_cast %get3A_814 : i32 to index
      %get3A_816 = arith.constant 16 : index
      %get3A_817 = tpu.vector_load %arg10[%get3A_815, %get3A_816] {strides = array<i32>} : memref<3x64xi32, #tpu.memory_space<vmem>>, vector<16xi32>,
      %gather3A_818 = tpu.vector_load_idx %arg12[%get3A_813] : memref<10000xf32, #tpu.memory_space<vmem>>[vector<16xi32>], vector<16xf32>,
      %gather3A_819 = tpu.vector_load_idx %arg13[%get3A_817] : memref<10000xf32, #tpu.memory_space<vmem>>[vector<16xi32>], vector<16xf32>,
      %add3A_820 = arith.addf %gather3A_818, %gather3A_819 : vector<16xf32>
      %gt3A_821 = arith.constant 0.000000e+00 : f32
      %gt3A_822 = vector.broadcast %gt3A_821 : f32 to vector<16xf32>
      %gt3A_823 = arith.cmpf ogt, %add3A_820, %gt3A_822 : vector<16xf32>
      %mul3A_824 = arith.constant 2.000000e-01 : f32
      %mul3A_825 = vector.broadcast %mul3A_824 : f32 to vector<16xf32>
      %mul3A_826 = arith.mulf %mul3A_825, %add3A_820 : vector<16xf32>
      %select_n3A_827 = arith.select %gt3A_823, %add3A_820, %mul3A_826 : vector<16xi1>, vector<16xf32>
      %exp3A_828 = math.exp %select_n3A_827 : vector<16xf32>
      %mul3A_829 = arith.constant 10368 : i32
      %mul3A_830 = arith.muli %add3A, %mul3A_829 : i32
      %mul3A_831 = arith.constant 64 : i32
      %mul3A_832 = arith.muli %add3A_756, %mul3A_831 : i32
      %add3A_833 = arith.addi %mul3A_830, %mul3A_832 : i32
      %add3A_834 = arith.constant 16 : i32
      %add3A_835 = arith.addi %add3A_833, %add3A_834 : i32
      %iota3A_836 = tpu.iota {dimensions = array<i32: 0>} : vector<16xi32>
      %add3A_837 = vector.broadcast %add3A_835 : i32 to vector<16xi32>
      %add3A_838 = arith.addi %add3A_837, %iota3A_836 : vector<16xi32>
      %lt3A_839 = arith.constant 320000 : i32
      %lt3A_840 = vector.broadcast %lt3A_839 : i32 to vector<16xi32>
      %lt3A_841 = arith.cmpi slt, %add3A_838, %lt3A_840 : vector<16xi32>
      %jit3A_842 = arith.constant 0.000000e+00 : f32
      %broadcast_in_dim3A_843 = vector.broadcast %jit3A_842 : f32 to vector<16xf32>
      %select_n3A_844 = arith.select %lt3A_841, %exp3A_828, %broadcast_in_dim3A_843 : vector<16xi1>, vector<16xf32>
      %swap3A_845 = arith.constant 2 : i32
      %swap3A_846 = arith.index_cast %swap3A_845 : i32 to index
      %swap3A_847 = arith.constant 16 : index
      %swap3A_848 = tpu.vector_load %arg14[%swap3A_846, %swap3A_847] {strides = array<i32>} : memref<3x64xf32, #tpu.memory_space<vmem>>, vector<16xf32>,
      tpu.vector_store %arg14[%swap3A_846, %swap3A_847], %select_n3A_844 {strides = array<i32>} : memref<3x64xf32, #tpu.memory_space<vmem>>, vector<16xf32>,
      %swap3A_849 = arith.constant 2 : i32
      %swap3A_850 = arith.index_cast %swap3A_849 : i32 to index
      %swap3A_851 = arith.constant 16 : index
      %swap3A_852 = tpu.vector_load %arg11[%swap3A_850, %swap3A_851] {strides = array<i32>} : memref<3x64xi32, #tpu.memory_space<vmem>>, vector<16xi32>,
      tpu.vector_store %arg11[%swap3A_850, %swap3A_851], %get3A_817 {strides = array<i32>} : memref<3x64xi32, #tpu.memory_space<vmem>>, vector<16xi32>,
      %get3A_853 = arith.constant 2 : i32
      %get3A_854 = arith.index_cast %get3A_853 : i32 to index
      %get3A_855 = arith.constant 32 : index
      %get3A_856 = tpu.vector_load %arg9[%get3A_854, %get3A_855] {strides = array<i32>} : memref<3x64xi32, #tpu.memory_space<vmem>>, vector<16xi32>,
      %get3A_857 = arith.constant 2 : i32
      %get3A_858 = arith.index_cast %get3A_857 : i32 to index
      %get3A_859 = arith.constant 32 : index
      %get3A_860 = tpu.vector_load %arg10[%get3A_858, %get3A_859] {strides = array<i32>} : memref<3x64xi32, #tpu.memory_space<vmem>>, vector<16xi32>,
      %gather3A_861 = tpu.vector_load_idx %arg12[%get3A_856] : memref<10000xf32, #tpu.memory_space<vmem>>[vector<16xi32>], vector<16xf32>,
      %gather3A_862 = tpu.vector_load_idx %arg13[%get3A_860] : memref<10000xf32, #tpu.memory_space<vmem>>[vector<16xi32>], vector<16xf32>,
      %add3A_863 = arith.addf %gather3A_861, %gather3A_862 : vector<16xf32>
      %gt3A_864 = arith.constant 0.000000e+00 : f32
      %gt3A_865 = vector.broadcast %gt3A_864 : f32 to vector<16xf32>
      %gt3A_866 = arith.cmpf ogt, %add3A_863, %gt3A_865 : vector<16xf32>
      %mul3A_867 = arith.constant 2.000000e-01 : f32
      %mul3A_868 = vector.broadcast %mul3A_867 : f32 to vector<16xf32>
      %mul3A_869 = arith.mulf %mul3A_868, %add3A_863 : vector<16xf32>
      %select_n3A_870 = arith.select %gt3A_866, %add3A_863, %mul3A_869 : vector<16xi1>, vector<16xf32>
      %exp3A_871 = math.exp %select_n3A_870 : vector<16xf32>
      %mul3A_872 = arith.constant 10368 : i32
      %mul3A_873 = arith.muli %add3A, %mul3A_872 : i32
      %mul3A_874 = arith.constant 64 : i32
      %mul3A_875 = arith.muli %add3A_756, %mul3A_874 : i32
      %add3A_876 = arith.addi %mul3A_873, %mul3A_875 : i32
      %add3A_877 = arith.constant 32 : i32
      %add3A_878 = arith.addi %add3A_876, %add3A_877 : i32
      %iota3A_879 = tpu.iota {dimensions = array<i32: 0>} : vector<16xi32>
      %add3A_880 = vector.broadcast %add3A_878 : i32 to vector<16xi32>
      %add3A_881 = arith.addi %add3A_880, %iota3A_879 : vector<16xi32>
      %lt3A_882 = arith.constant 320000 : i32
      %lt3A_883 = vector.broadcast %lt3A_882 : i32 to vector<16xi32>
      %lt3A_884 = arith.cmpi slt, %add3A_881, %lt3A_883 : vector<16xi32>
      %jit3A_885 = arith.constant 0.000000e+00 : f32
      %broadcast_in_dim3A_886 = vector.broadcast %jit3A_885 : f32 to vector<16xf32>
      %select_n3A_887 = arith.select %lt3A_884, %exp3A_871, %broadcast_in_dim3A_886 : vector<16xi1>, vector<16xf32>
      %swap3A_888 = arith.constant 2 : i32
      %swap3A_889 = arith.index_cast %swap3A_888 : i32 to index
      %swap3A_890 = arith.constant 32 : index
      %swap3A_891 = tpu.vector_load %arg14[%swap3A_889, %swap3A_890] {strides = array<i32>} : memref<3x64xf32, #tpu.memory_space<vmem>>, vector<16xf32>,
      tpu.vector_store %arg14[%swap3A_889, %swap3A_890], %select_n3A_887 {strides = array<i32>} : memref<3x64xf32, #tpu.memory_space<vmem>>, vector<16xf32>,
      %swap3A_892 = arith.constant 2 : i32
      %swap3A_893 = arith.index_cast %swap3A_892 : i32 to index
      %swap3A_894 = arith.constant 32 : index
      %swap3A_895 = tpu.vector_load %arg11[%swap3A_893, %swap3A_894] {strides = array<i32>} : memref<3x64xi32, #tpu.memory_space<vmem>>, vector<16xi32>,
      tpu.vector_store %arg11[%swap3A_893, %swap3A_894], %get3A_860 {strides = array<i32>} : memref<3x64xi32, #tpu.memory_space<vmem>>, vector<16xi32>,
      %get3A_896 = arith.constant 2 : i32
      %get3A_897 = arith.index_cast %get3A_896 : i32 to index
      %get3A_898 = arith.constant 48 : index
      %get3A_899 = tpu.vector_load %arg9[%get3A_897, %get3A_898] {strides = array<i32>} : memref<3x64xi32, #tpu.memory_space<vmem>>, vector<16xi32>,
      %get3A_900 = arith.constant 2 : i32
      %get3A_901 = arith.index_cast %get3A_900 : i32 to index
      %get3A_902 = arith.constant 48 : index
      %get3A_903 = tpu.vector_load %arg10[%get3A_901, %get3A_902] {strides = array<i32>} : memref<3x64xi32, #tpu.memory_space<vmem>>, vector<16xi32>,
      %gather3A_904 = tpu.vector_load_idx %arg12[%get3A_899] : memref<10000xf32, #tpu.memory_space<vmem>>[vector<16xi32>], vector<16xf32>,
      %gather3A_905 = tpu.vector_load_idx %arg13[%get3A_903] : memref<10000xf32, #tpu.memory_space<vmem>>[vector<16xi32>], vector<16xf32>,
      %add3A_906 = arith.addf %gather3A_904, %gather3A_905 : vector<16xf32>
      %gt3A_907 = arith.constant 0.000000e+00 : f32
      %gt3A_908 = vector.broadcast %gt3A_907 : f32 to vector<16xf32>
      %gt3A_909 = arith.cmpf ogt, %add3A_906, %gt3A_908 : vector<16xf32>
      %mul3A_910 = arith.constant 2.000000e-01 : f32
      %mul3A_911 = vector.broadcast %mul3A_910 : f32 to vector<16xf32>
      %mul3A_912 = arith.mulf %mul3A_911, %add3A_906 : vector<16xf32>
      %select_n3A_913 = arith.select %gt3A_909, %add3A_906, %mul3A_912 : vector<16xi1>, vector<16xf32>
      %exp3A_914 = math.exp %select_n3A_913 : vector<16xf32>
      %mul3A_915 = arith.constant 10368 : i32
      %mul3A_916 = arith.muli %add3A, %mul3A_915 : i32
      %mul3A_917 = arith.constant 64 : i32
      %mul3A_918 = arith.muli %add3A_756, %mul3A_917 : i32
      %add3A_919 = arith.addi %mul3A_916, %mul3A_918 : i32
      %add3A_920 = arith.constant 48 : i32
      %add3A_921 = arith.addi %add3A_919, %add3A_920 : i32
      %iota3A_922 = tpu.iota {dimensions = array<i32: 0>} : vector<16xi32>
      %add3A_923 = vector.broadcast %add3A_921 : i32 to vector<16xi32>
      %add3A_924 = arith.addi %add3A_923, %iota3A_922 : vector<16xi32>
      %lt3A_925 = arith.constant 320000 : i32
      %lt3A_926 = vector.broadcast %lt3A_925 : i32 to vector<16xi32>
      %lt3A_927 = arith.cmpi slt, %add3A_924, %lt3A_926 : vector<16xi32>
      %jit3A_928 = arith.constant 0.000000e+00 : f32
      %broadcast_in_dim3A_929 = vector.broadcast %jit3A_928 : f32 to vector<16xf32>
      %select_n3A_930 = arith.select %lt3A_927, %exp3A_914, %broadcast_in_dim3A_929 : vector<16xi1>, vector<16xf32>
      %swap3A_931 = arith.constant 2 : i32
      %swap3A_932 = arith.index_cast %swap3A_931 : i32 to index
      %swap3A_933 = arith.constant 48 : index
      %swap3A_934 = tpu.vector_load %arg14[%swap3A_932, %swap3A_933] {strides = array<i32>} : memref<3x64xf32, #tpu.memory_space<vmem>>, vector<16xf32>,
      tpu.vector_store %arg14[%swap3A_932, %swap3A_933], %select_n3A_930 {strides = array<i32>} : memref<3x64xf32, #tpu.memory_space<vmem>>, vector<16xf32>,
      %swap3A_935 = arith.constant 2 : i32
      %swap3A_936 = arith.index_cast %swap3A_935 : i32 to index
      %swap3A_937 = arith.constant 48 : index
      %swap3A_938 = tpu.vector_load %arg11[%swap3A_936, %swap3A_937] {strides = array<i32>} : memref<3x64xi32, #tpu.memory_space<vmem>>, vector<16xi32>,
      tpu.vector_store %arg11[%swap3A_936, %swap3A_937], %get3A_903 {strides = array<i32>} : memref<3x64xi32, #tpu.memory_space<vmem>>, vector<16xi32>,
      %dma_start3A_939 = arith.constant 2 : i32
      %dma_start3A_940 = arith.constant 2 : i32
      %dma_start3A_941 = arith.constant 0 : i32
      %dma_start3A_942 = tpu.memref_slice %arg14[%dma_start3A_939, %dma_start3A_941] : memref<3x64xf32, #tpu.memory_space<vmem>> -> memref<1x64xf32, #tpu.memory_space<vmem>>
      %dma_start3A_943 = tpu.memref_squeeze %dma_start3A_942 : memref<1x64xf32, #tpu.memory_space<vmem>> -> memref<64xf32, #tpu.memory_space<vmem>>
      %dma_start3A_944 = arith.constant 0 : i32
      %dma_start3A_945 = tpu.memref_slice %arg11[%dma_start3A_940, %dma_start3A_944] : memref<3x64xi32, #tpu.memory_space<vmem>> -> memref<1x64xi32, #tpu.memory_space<vmem>>
      %dma_start3A_946 = tpu.memref_squeeze %dma_start3A_945 : memref<1x64xi32, #tpu.memory_space<vmem>> -> memref<64xi32, #tpu.memory_space<vmem>>
      %dma_start3A_947 = arith.constant 0 : i32
      %dma_start3A_948 = tpu.memref_slice %arg18[%dma_start3A_947] : memref<10240xf32, #tpu.memory_space<vmem_shared>> -> memref<10240xf32, #tpu.memory_space<vmem_shared>>
      tpu.enqueue_indirect_dma source(%dma_start3A_943 : memref<64xf32, #tpu.memory_space<vmem>>) target(%dma_start3A_948 : memref<10240xf32, #tpu.memory_space<vmem_shared>>) offsets(%dma_start3A_946 : memref<64xi32, #tpu.memory_space<vmem>>) semaphore(%arg28 : memref<!tpu.dma_semaphore, #tpu.memory_space<semaphore_mem>>) {add = true}
      %dma_wait3A_949 = arith.constant 2 : i32
      %dma_wait3A_950 = arith.constant 2 : i32
      %dma_wait3A_951 = arith.constant 0 : i32
      %dma_wait3A_952 = arith.constant 0 : i32
      %dma_wait3A_953 = tpu.memref_slice %arg15[%dma_wait3A_950, %dma_wait3A_951, %dma_wait3A_952] : memref<3x64x128xf32, #tpu.memory_space<vmem>> -> memref<1x64x128xf32, #tpu.memory_space<vmem>>
      %dma_wait3A_954 = tpu.memref_squeeze %dma_wait3A_953 : memref<1x64x128xf32, #tpu.memory_space<vmem>> -> memref<64x128xf32, #tpu.memory_space<vmem>>
      %dma_wait3A_955 = arith.constant 0 : i32
      %dma_wait3A_956 = tpu.memref_slice %arg9[%dma_wait3A_949, %dma_wait3A_955] : memref<3x64xi32, #tpu.memory_space<vmem>> -> memref<1x64xi32, #tpu.memory_space<vmem>>
      %dma_wait3A_957 = tpu.memref_squeeze %dma_wait3A_956 : memref<1x64xi32, #tpu.memory_space<vmem>> -> memref<64xi32, #tpu.memory_space<vmem>>
      %dma_wait3A_958 = arith.constant 0 : i32
      %dma_wait3A_959 = arith.constant 0 : i32
      %dma_wait3A_960 = tpu.memref_slice %arg2[%dma_wait3A_958, %dma_wait3A_959] : memref<10000x128xf32, #tpu.memory_space<hbm>> -> memref<10000x128xf32, #tpu.memory_space<hbm>>
      tpu.wait_indirect_dma semaphore(%arg22 : memref<!tpu.dma_semaphore, #tpu.memory_space<semaphore_mem>>) src(%dma_wait3A_960 : memref<10000x128xf32, #tpu.memory_space<hbm>>) dst(%dma_wait3A_954 : memref<64x128xf32, #tpu.memory_space<vmem>>)
      %parallel_loop3A_961 = arith.constant 0 : i32
      %parallel_loop3A_962 = arith.constant 64 : i32
      %parallel_loop3A_963 = arith.constant 1 : i32
      scf.for %parallel_loop3A_986 = %parallel_loop3A_961 to %parallel_loop3A_962 step %parallel_loop3A_963  : i32 {
        %parallel_loop3A_987 = vector.broadcast %parallel_loop3A_986 : i32 to vector<16xi32>
        %parallel_loop3A_988 = arith.constant 2 : i32
        %parallel_loop3A_989 = arith.constant 0 : i32
        %parallel_loop3A_990 = tpu.memref_slice %arg14[%parallel_loop3A_988, %parallel_loop3A_989] : memref<3x64xf32, #tpu.memory_space<vmem>> -> memref<1x64xf32, #tpu.memory_space<vmem>>
        %parallel_loop3A_991 = tpu.memref_squeeze %parallel_loop3A_990 : memref<1x64xf32, #tpu.memory_space<vmem>> -> memref<64xf32, #tpu.memory_space<vmem>>
        %parallel_loop3A_992 = tpu.vector_load_idx %parallel_loop3A_991[%parallel_loop3A_987] : memref<64xf32, #tpu.memory_space<vmem>>[vector<16xi32>], vector<16xf32>,
        %parallel_loop3A_993 = arith.constant 2 : i32
        %parallel_loop3A_994 = arith.index_cast %parallel_loop3A_993 : i32 to index
        %parallel_loop3A_995 = arith.index_cast %parallel_loop3A_986 : i32 to index
        %parallel_loop3A_996 = arith.constant 0 : index
        %parallel_loop3A_997 = tpu.vector_load %arg15[%parallel_loop3A_994, %parallel_loop3A_995, %parallel_loop3A_996] {strides = array<i32>} : memref<3x64x128xf32, #tpu.memory_space<vmem>>, vector<16xf32>,
        %parallel_loop3A_998 = arith.mulf %parallel_loop3A_997, %parallel_loop3A_992 : vector<16xf32>
        %parallel_loop3A_999 = arith.constant 2 : i32
        %parallel_loop3A_1000 = arith.index_cast %parallel_loop3A_999 : i32 to index
        %parallel_loop3A_1001 = arith.index_cast %parallel_loop3A_986 : i32 to index
        %parallel_loop3A_1002 = arith.constant 0 : index
        %parallel_loop3A_1003 = tpu.vector_load %arg15[%parallel_loop3A_1000, %parallel_loop3A_1001, %parallel_loop3A_1002] {strides = array<i32>} : memref<3x64x128xf32, #tpu.memory_space<vmem>>, vector<16xf32>,
        tpu.vector_store %arg15[%parallel_loop3A_1000, %parallel_loop3A_1001, %parallel_loop3A_1002], %parallel_loop3A_998 {strides = array<i32>} : memref<3x64x128xf32, #tpu.memory_space<vmem>>, vector<16xf32>,
        %parallel_loop3A_1004 = arith.constant 2 : i32
        %parallel_loop3A_1005 = arith.index_cast %parallel_loop3A_1004 : i32 to index
        %parallel_loop3A_1006 = arith.index_cast %parallel_loop3A_986 : i32 to index
        %parallel_loop3A_1007 = arith.constant 16 : index
        %parallel_loop3A_1008 = tpu.vector_load %arg15[%parallel_loop3A_1005, %parallel_loop3A_1006, %parallel_loop3A_1007] {strides = array<i32>} : memref<3x64x128xf32, #tpu.memory_space<vmem>>, vector<16xf32>,
        %parallel_loop3A_1009 = arith.mulf %parallel_loop3A_1008, %parallel_loop3A_992 : vector<16xf32>
        %parallel_loop3A_1010 = arith.constant 2 : i32
        %parallel_loop3A_1011 = arith.index_cast %parallel_loop3A_1010 : i32 to index
        %parallel_loop3A_1012 = arith.index_cast %parallel_loop3A_986 : i32 to index
        %parallel_loop3A_1013 = arith.constant 16 : index
        %parallel_loop3A_1014 = tpu.vector_load %arg15[%parallel_loop3A_1011, %parallel_loop3A_1012, %parallel_loop3A_1013] {strides = array<i32>} : memref<3x64x128xf32, #tpu.memory_space<vmem>>, vector<16xf32>,
        tpu.vector_store %arg15[%parallel_loop3A_1011, %parallel_loop3A_1012, %parallel_loop3A_1013], %parallel_loop3A_1009 {strides = array<i32>} : memref<3x64x128xf32, #tpu.memory_space<vmem>>, vector<16xf32>,
        %parallel_loop3A_1015 = arith.constant 2 : i32
        %parallel_loop3A_1016 = arith.index_cast %parallel_loop3A_1015 : i32 to index
        %parallel_loop3A_1017 = arith.index_cast %parallel_loop3A_986 : i32 to index
        %parallel_loop3A_1018 = arith.constant 32 : index
        %parallel_loop3A_1019 = tpu.vector_load %arg15[%parallel_loop3A_1016, %parallel_loop3A_1017, %parallel_loop3A_1018] {strides = array<i32>} : memref<3x64x128xf32, #tpu.memory_space<vmem>>, vector<16xf32>,
        %parallel_loop3A_1020 = arith.mulf %parallel_loop3A_1019, %parallel_loop3A_992 : vector<16xf32>
        %parallel_loop3A_1021 = arith.constant 2 : i32
        %parallel_loop3A_1022 = arith.index_cast %parallel_loop3A_1021 : i32 to index
        %parallel_loop3A_1023 = arith.index_cast %parallel_loop3A_986 : i32 to index
        %parallel_loop3A_1024 = arith.constant 32 : index
        %parallel_loop3A_1025 = tpu.vector_load %arg15[%parallel_loop3A_1022, %parallel_loop3A_1023, %parallel_loop3A_1024] {strides = array<i32>} : memref<3x64x128xf32, #tpu.memory_space<vmem>>, vector<16xf32>,
        tpu.vector_store %arg15[%parallel_loop3A_1022, %parallel_loop3A_1023, %parallel_loop3A_1024], %parallel_loop3A_1020 {strides = array<i32>} : memref<3x64x128xf32, #tpu.memory_space<vmem>>, vector<16xf32>,
        %parallel_loop3A_1026 = arith.constant 2 : i32
        %parallel_loop3A_1027 = arith.index_cast %parallel_loop3A_1026 : i32 to index
        %parallel_loop3A_1028 = arith.index_cast %parallel_loop3A_986 : i32 to index
        %parallel_loop3A_1029 = arith.constant 48 : index
        %parallel_loop3A_1030 = tpu.vector_load %arg15[%parallel_loop3A_1027, %parallel_loop3A_1028, %parallel_loop3A_1029] {strides = array<i32>} : memref<3x64x128xf32, #tpu.memory_space<vmem>>, vector<16xf32>,
        %parallel_loop3A_1031 = arith.mulf %parallel_loop3A_1030, %parallel_loop3A_992 : vector<16xf32>
        %parallel_loop3A_1032 = arith.constant 2 : i32
        %parallel_loop3A_1033 = arith.index_cast %parallel_loop3A_1032 : i32 to index
        %parallel_loop3A_1034 = arith.index_cast %parallel_loop3A_986 : i32 to index
        %parallel_loop3A_1035 = arith.constant 48 : index
        %parallel_loop3A_1036 = tpu.vector_load %arg15[%parallel_loop3A_1033, %parallel_loop3A_1034, %parallel_loop3A_1035] {strides = array<i32>} : memref<3x64x128xf32, #tpu.memory_space<vmem>>, vector<16xf32>,
        tpu.vector_store %arg15[%parallel_loop3A_1033, %parallel_loop3A_1034, %parallel_loop3A_1035], %parallel_loop3A_1031 {strides = array<i32>} : memref<3x64x128xf32, #tpu.memory_space<vmem>>, vector<16xf32>,
        %parallel_loop3A_1037 = arith.constant 2 : i32
        %parallel_loop3A_1038 = arith.index_cast %parallel_loop3A_1037 : i32 to index
        %parallel_loop3A_1039 = arith.index_cast %parallel_loop3A_986 : i32 to index
        %parallel_loop3A_1040 = arith.constant 64 : index
        %parallel_loop3A_1041 = tpu.vector_load %arg15[%parallel_loop3A_1038, %parallel_loop3A_1039, %parallel_loop3A_1040] {strides = array<i32>} : memref<3x64x128xf32, #tpu.memory_space<vmem>>, vector<16xf32>,
        %parallel_loop3A_1042 = arith.mulf %parallel_loop3A_1041, %parallel_loop3A_992 : vector<16xf32>
        %parallel_loop3A_1043 = arith.constant 2 : i32
        %parallel_loop3A_1044 = arith.index_cast %parallel_loop3A_1043 : i32 to index
        %parallel_loop3A_1045 = arith.index_cast %parallel_loop3A_986 : i32 to index
        %parallel_loop3A_1046 = arith.constant 64 : index
        %parallel_loop3A_1047 = tpu.vector_load %arg15[%parallel_loop3A_1044, %parallel_loop3A_1045, %parallel_loop3A_1046] {strides = array<i32>} : memref<3x64x128xf32, #tpu.memory_space<vmem>>, vector<16xf32>,
        tpu.vector_store %arg15[%parallel_loop3A_1044, %parallel_loop3A_1045, %parallel_loop3A_1046], %parallel_loop3A_1042 {strides = array<i32>} : memref<3x64x128xf32, #tpu.memory_space<vmem>>, vector<16xf32>,
        %parallel_loop3A_1048 = arith.constant 2 : i32
        %parallel_loop3A_1049 = arith.index_cast %parallel_loop3A_1048 : i32 to index
        %parallel_loop3A_1050 = arith.index_cast %parallel_loop3A_986 : i32 to index
        %parallel_loop3A_1051 = arith.constant 80 : index
        %parallel_loop3A_1052 = tpu.vector_load %arg15[%parallel_loop3A_1049, %parallel_loop3A_1050, %parallel_loop3A_1051] {strides = array<i32>} : memref<3x64x128xf32, #tpu.memory_space<vmem>>, vector<16xf32>,
        %parallel_loop3A_1053 = arith.mulf %parallel_loop3A_1052, %parallel_loop3A_992 : vector<16xf32>
        %parallel_loop3A_1054 = arith.constant 2 : i32
        %parallel_loop3A_1055 = arith.index_cast %parallel_loop3A_1054 : i32 to index
        %parallel_loop3A_1056 = arith.index_cast %parallel_loop3A_986 : i32 to index
        %parallel_loop3A_1057 = arith.constant 80 : index
        %parallel_loop3A_1058 = tpu.vector_load %arg15[%parallel_loop3A_1055, %parallel_loop3A_1056, %parallel_loop3A_1057] {strides = array<i32>} : memref<3x64x128xf32, #tpu.memory_space<vmem>>, vector<16xf32>,
        tpu.vector_store %arg15[%parallel_loop3A_1055, %parallel_loop3A_1056, %parallel_loop3A_1057], %parallel_loop3A_1053 {strides = array<i32>} : memref<3x64x128xf32, #tpu.memory_space<vmem>>, vector<16xf32>,
        %parallel_loop3A_1059 = arith.constant 2 : i32
        %parallel_loop3A_1060 = arith.index_cast %parallel_loop3A_1059 : i32 to index
        %parallel_loop3A_1061 = arith.index_cast %parallel_loop3A_986 : i32 to index
        %parallel_loop3A_1062 = arith.constant 96 : index
        %parallel_loop3A_1063 = tpu.vector_load %arg15[%parallel_loop3A_1060, %parallel_loop3A_1061, %parallel_loop3A_1062] {strides = array<i32>} : memref<3x64x128xf32, #tpu.memory_space<vmem>>, vector<16xf32>,
        %parallel_loop3A_1064 = arith.mulf %parallel_loop3A_1063, %parallel_loop3A_992 : vector<16xf32>
        %parallel_loop3A_1065 = arith.constant 2 : i32
        %parallel_loop3A_1066 = arith.index_cast %parallel_loop3A_1065 : i32 to index
        %parallel_loop3A_1067 = arith.index_cast %parallel_loop3A_986 : i32 to index
        %parallel_loop3A_1068 = arith.constant 96 : index
        %parallel_loop3A_1069 = tpu.vector_load %arg15[%parallel_loop3A_1066, %parallel_loop3A_1067, %parallel_loop3A_1068] {strides = array<i32>} : memref<3x64x128xf32, #tpu.memory_space<vmem>>, vector<16xf32>,
        tpu.vector_store %arg15[%parallel_loop3A_1066, %parallel_loop3A_1067, %parallel_loop3A_1068], %parallel_loop3A_1064 {strides = array<i32>} : memref<3x64x128xf32, #tpu.memory_space<vmem>>, vector<16xf32>,
        %parallel_loop3A_1070 = arith.constant 2 : i32
        %parallel_loop3A_1071 = arith.index_cast %parallel_loop3A_1070 : i32 to index
        %parallel_loop3A_1072 = arith.index_cast %parallel_loop3A_986 : i32 to index
        %parallel_loop3A_1073 = arith.constant 112 : index
        %parallel_loop3A_1074 = tpu.vector_load %arg15[%parallel_loop3A_1071, %parallel_loop3A_1072, %parallel_loop3A_1073] {strides = array<i32>} : memref<3x64x128xf32, #tpu.memory_space<vmem>>, vector<16xf32>,
        %parallel_loop3A_1075 = arith.mulf %parallel_loop3A_1074, %parallel_loop3A_992 : vector<16xf32>
        %parallel_loop3A_1076 = arith.constant 2 : i32
        %parallel_loop3A_1077 = arith.index_cast %parallel_loop3A_1076 : i32 to index
        %parallel_loop3A_1078 = arith.index_cast %parallel_loop3A_986 : i32 to index
        %parallel_loop3A_1079 = arith.constant 112 : index
        %parallel_loop3A_1080 = tpu.vector_load %arg15[%parallel_loop3A_1077, %parallel_loop3A_1078, %parallel_loop3A_1079] {strides = array<i32>} : memref<3x64x128xf32, #tpu.memory_space<vmem>>, vector<16xf32>,
        tpu.vector_store %arg15[%parallel_loop3A_1077, %parallel_loop3A_1078, %parallel_loop3A_1079], %parallel_loop3A_1075 {strides = array<i32>} : memref<3x64x128xf32, #tpu.memory_space<vmem>>, vector<16xf32>,
      } {sc.loop_unroll_factor = 4 : i64, sc.parallel_access}
      %ge3A_964 = arith.constant 1 : i32
      %ge3A_965 = arith.cmpi sge, %add3A_756, %ge3A_964 : i32
      %convert_element_type3A_966 = arith.extui %ge3A_965 : i1 to i32
      %cond3A_967 = arith.constant 0 : i32
      %cond3A_968 = arith.cmpi ne, %convert_element_type3A_966, %cond3A_967 : i32
      scf.if %cond3A_968 {
        %dma_wait3A_986 = arith.constant 1 : i32
        %dma_wait3A_987 = arith.constant 1 : i32
        %dma_wait3A_988 = arith.constant 0 : i32
        %dma_wait3A_989 = arith.constant 0 : i32
        %dma_wait3A_990 = tpu.memref_slice %arg15[%dma_wait3A_986, %dma_wait3A_988, %dma_wait3A_989] : memref<3x64x128xf32, #tpu.memory_space<vmem>> -> memref<1x64x128xf32, #tpu.memory_space<vmem>>
        %dma_wait3A_991 = tpu.memref_squeeze %dma_wait3A_990 : memref<1x64x128xf32, #tpu.memory_space<vmem>> -> memref<64x128xf32, #tpu.memory_space<vmem>>
        %dma_wait3A_992 = arith.constant 0 : i32
        %dma_wait3A_993 = tpu.memref_slice %arg11[%dma_wait3A_987, %dma_wait3A_992] : memref<3x64xi32, #tpu.memory_space<vmem>> -> memref<1x64xi32, #tpu.memory_space<vmem>>
        %dma_wait3A_994 = tpu.memref_squeeze %dma_wait3A_993 : memref<1x64xi32, #tpu.memory_space<vmem>> -> memref<64xi32, #tpu.memory_space<vmem>>
        %dma_wait3A_995 = arith.constant 0 : i32
        %dma_wait3A_996 = arith.constant 0 : i32
        %dma_wait3A_997 = tpu.memref_slice %arg17[%dma_wait3A_995, %dma_wait3A_996] : memref<10240x128xf32, #tpu.memory_space<vmem_shared>> -> memref<10240x128xf32, #tpu.memory_space<vmem_shared>>
        tpu.wait_indirect_dma semaphore(%arg24 : memref<!tpu.dma_semaphore, #tpu.memory_space<semaphore_mem>>) src(%dma_wait3A_991 : memref<64x128xf32, #tpu.memory_space<vmem>>) dst(%dma_wait3A_997 : memref<10240x128xf32, #tpu.memory_space<vmem_shared>>)
      } else {
      }
      %lt3A_969 = arith.constant 160 : i32
      %lt3A_970 = arith.cmpi slt, %add3A_756, %lt3A_969 : i32
      %convert_element_type3A_971 = arith.extui %lt3A_970 : i1 to i32
      %cond3A_972 = arith.constant 0 : i32
      %cond3A_973 = arith.cmpi ne, %convert_element_type3A_971, %cond3A_972 : i32
      scf.if %cond3A_973 {
        %add3A_986 = arith.constant 2 : i32
        %add3A_987 = arith.addi %add3A_756, %add3A_986 : i32
        %dma_wait3A_988 = arith.constant 1 : i32
        %dma_wait3A_989 = arith.constant 0 : i32
        %dma_wait3A_990 = tpu.memref_slice %arg9[%dma_wait3A_988, %dma_wait3A_989] : memref<3x64xi32, #tpu.memory_space<vmem>> -> memref<1x64xi32, #tpu.memory_space<vmem>>
        %dma_wait3A_991 = tpu.memref_squeeze %dma_wait3A_990 : memref<1x64xi32, #tpu.memory_space<vmem>> -> memref<64xi32, #tpu.memory_space<vmem>>
        %dma_wait3A_992 = arith.constant 0 : i32
        %dma_wait3A_993 = tpu.memref_slice %arg3[%add3A, %add3A_987, %dma_wait3A_992] : memref<32x162x64xi32, #tpu.memory_space<hbm>> -> memref<1x1x64xi32, #tpu.memory_space<hbm>>
        %dma_wait3A_994 = tpu.memref_squeeze %dma_wait3A_993 : memref<1x1x64xi32, #tpu.memory_space<hbm>> -> memref<64xi32, #tpu.memory_space<hbm>>
        %dma_wait3A_995 = arith.constant 0 : i32
        %dma_wait3A_996 = tpu.memref_slice %arg9[%dma_wait3A_988, %dma_wait3A_995] : memref<3x64xi32, #tpu.memory_space<vmem>> -> memref<1x64xi32, #tpu.memory_space<vmem>>
        %dma_wait3A_997 = tpu.memref_squeeze %dma_wait3A_996 : memref<1x64xi32, #tpu.memory_space<vmem>> -> memref<64xi32, #tpu.memory_space<vmem>>
        %dma_wait3A_998 = arith.constant 0 : i32
        %dma_wait3A_999 = tpu.memref_slice %arg3[%add3A, %add3A_987, %dma_wait3A_998] : memref<32x162x64xi32, #tpu.memory_space<hbm>> -> memref<1x1x64xi32, #tpu.memory_space<hbm>>
        %dma_wait3A_1000 = tpu.memref_squeeze %dma_wait3A_999 : memref<1x1x64xi32, #tpu.memory_space<hbm>> -> memref<64xi32, #tpu.memory_space<hbm>>
        tpu.wait_dma2 semaphore(%arg19 : memref<!tpu.dma_semaphore, #tpu.memory_space<semaphore_mem>>) src(%dma_wait3A_1000 : memref<64xi32, #tpu.memory_space<hbm>>) dst(%dma_wait3A_997 : memref<64xi32, #tpu.memory_space<vmem>>)
        %dma_wait3A_1001 = arith.constant 1 : i32
        %dma_wait3A_1002 = arith.constant 0 : i32
        %dma_wait3A_1003 = tpu.memref_slice %arg10[%dma_wait3A_1001, %dma_wait3A_1002] : memref<3x64xi32, #tpu.memory_space<vmem>> -> memref<1x64xi32, #tpu.memory_space<vmem>>
        %dma_wait3A_1004 = tpu.memref_squeeze %dma_wait3A_1003 : memref<1x64xi32, #tpu.memory_space<vmem>> -> memref<64xi32, #tpu.memory_space<vmem>>
        %dma_wait3A_1005 = arith.constant 0 : i32
        %dma_wait3A_1006 = tpu.memref_slice %arg4[%add3A, %add3A_987, %dma_wait3A_1005] : memref<32x162x64xi32, #tpu.memory_space<hbm>> -> memref<1x1x64xi32, #tpu.memory_space<hbm>>
        %dma_wait3A_1007 = tpu.memref_squeeze %dma_wait3A_1006 : memref<1x1x64xi32, #tpu.memory_space<hbm>> -> memref<64xi32, #tpu.memory_space<hbm>>
        %dma_wait3A_1008 = arith.constant 0 : i32
        %dma_wait3A_1009 = tpu.memref_slice %arg10[%dma_wait3A_1001, %dma_wait3A_1008] : memref<3x64xi32, #tpu.memory_space<vmem>> -> memref<1x64xi32, #tpu.memory_space<vmem>>
        %dma_wait3A_1010 = tpu.memref_squeeze %dma_wait3A_1009 : memref<1x64xi32, #tpu.memory_space<vmem>> -> memref<64xi32, #tpu.memory_space<vmem>>
        %dma_wait3A_1011 = arith.constant 0 : i32
        %dma_wait3A_1012 = tpu.memref_slice %arg4[%add3A, %add3A_987, %dma_wait3A_1011] : memref<32x162x64xi32, #tpu.memory_space<hbm>> -> memref<1x1x64xi32, #tpu.memory_space<hbm>>
        %dma_wait3A_1013 = tpu.memref_squeeze %dma_wait3A_1012 : memref<1x1x64xi32, #tpu.memory_space<hbm>> -> memref<64xi32, #tpu.memory_space<hbm>>
        tpu.wait_dma2 semaphore(%arg19 : memref<!tpu.dma_semaphore, #tpu.memory_space<semaphore_mem>>) src(%dma_wait3A_1013 : memref<64xi32, #tpu.memory_space<hbm>>) dst(%dma_wait3A_1010 : memref<64xi32, #tpu.memory_space<vmem>>)
        %dma_start3A_1014 = arith.constant 1 : i32
        %dma_start3A_1015 = arith.constant 1 : i32
        %dma_start3A_1016 = arith.constant 0 : i32
        %dma_start3A_1017 = arith.constant 0 : i32
        %dma_start3A_1018 = tpu.memref_slice %arg15[%dma_start3A_1015, %dma_start3A_1016, %dma_start3A_1017] : memref<3x64x128xf32, #tpu.memory_space<vmem>> -> memref<1x64x128xf32, #tpu.memory_space<vmem>>
        %dma_start3A_1019 = tpu.memref_squeeze %dma_start3A_1018 : memref<1x64x128xf32, #tpu.memory_space<vmem>> -> memref<64x128xf32, #tpu.memory_space<vmem>>
        %dma_start3A_1020 = arith.constant 0 : i32
        %dma_start3A_1021 = tpu.memref_slice %arg9[%dma_start3A_1014, %dma_start3A_1020] : memref<3x64xi32, #tpu.memory_space<vmem>> -> memref<1x64xi32, #tpu.memory_space<vmem>>
        %dma_start3A_1022 = tpu.memref_squeeze %dma_start3A_1021 : memref<1x64xi32, #tpu.memory_space<vmem>> -> memref<64xi32, #tpu.memory_space<vmem>>
        %dma_start3A_1023 = arith.constant 0 : i32
        %dma_start3A_1024 = arith.constant 0 : i32
        %dma_start3A_1025 = tpu.memref_slice %arg2[%dma_start3A_1023, %dma_start3A_1024] : memref<10000x128xf32, #tpu.memory_space<hbm>> -> memref<10000x128xf32, #tpu.memory_space<hbm>>
        tpu.enqueue_indirect_dma source(%dma_start3A_1025 : memref<10000x128xf32, #tpu.memory_space<hbm>>) target(%dma_start3A_1019 : memref<64x128xf32, #tpu.memory_space<vmem>>) offsets(%dma_start3A_1022 : memref<64xi32, #tpu.memory_space<vmem>>) semaphore(%arg21 : memref<!tpu.dma_semaphore, #tpu.memory_space<semaphore_mem>>)
      } else {
      }
      %dma_start3A_974 = arith.constant 2 : i32
      %dma_start3A_975 = arith.constant 2 : i32
      %dma_start3A_976 = arith.constant 0 : i32
      %dma_start3A_977 = arith.constant 0 : i32
      %dma_start3A_978 = tpu.memref_slice %arg15[%dma_start3A_974, %dma_start3A_976, %dma_start3A_977] : memref<3x64x128xf32, #tpu.memory_space<vmem>> -> memref<1x64x128xf32, #tpu.memory_space<vmem>>
      %dma_start3A_979 = tpu.memref_squeeze %dma_start3A_978 : memref<1x64x128xf32, #tpu.memory_space<vmem>> -> memref<64x128xf32, #tpu.memory_space<vmem>>
      %dma_start3A_980 = arith.constant 0 : i32
      %dma_start3A_981 = tpu.memref_slice %arg11[%dma_start3A_975, %dma_start3A_980] : memref<3x64xi32, #tpu.memory_space<vmem>> -> memref<1x64xi32, #tpu.memory_space<vmem>>
      %dma_start3A_982 = tpu.memref_squeeze %dma_start3A_981 : memref<1x64xi32, #tpu.memory_space<vmem>> -> memref<64xi32, #tpu.memory_space<vmem>>
      %dma_start3A_983 = arith.constant 0 : i32
      %dma_start3A_984 = arith.constant 0 : i32
      %dma_start3A_985 = tpu.memref_slice %arg17[%dma_start3A_983, %dma_start3A_984] : memref<10240x128xf32, #tpu.memory_space<vmem_shared>> -> memref<10240x128xf32, #tpu.memory_space<vmem_shared>>
      tpu.enqueue_indirect_dma source(%dma_start3A_979 : memref<64x128xf32, #tpu.memory_space<vmem>>) target(%dma_start3A_985 : memref<10240x128xf32, #tpu.memory_space<vmem_shared>>) offsets(%dma_start3A_982 : memref<64xi32, #tpu.memory_space<vmem>>) semaphore(%arg25 : memref<!tpu.dma_semaphore, #tpu.memory_space<semaphore_mem>>) {add = true}
    }
    %scan3A_196 = arith.constant 54 : i32
    %dma_wait3A_197 = arith.constant 2 : i32
    %dma_wait3A_198 = arith.constant 2 : i32
    %dma_wait3A_199 = arith.constant 0 : i32
    %dma_wait3A_200 = arith.constant 0 : i32
    %dma_wait3A_201 = tpu.memref_slice %arg15[%dma_wait3A_197, %dma_wait3A_199, %dma_wait3A_200] : memref<3x64x128xf32, #tpu.memory_space<vmem>> -> memref<1x64x128xf32, #tpu.memory_space<vmem>>
    %dma_wait3A_202 = tpu.memref_squeeze %dma_wait3A_201 : memref<1x64x128xf32, #tpu.memory_space<vmem>> -> memref<64x128xf32, #tpu.memory_space<vmem>>
    %dma_wait3A_203 = arith.constant 0 : i32
    %dma_wait3A_204 = tpu.memref_slice %arg11[%dma_wait3A_198, %dma_wait3A_203] : memref<3x64xi32, #tpu.memory_space<vmem>> -> memref<1x64xi32, #tpu.memory_space<vmem>>
    %dma_wait3A_205 = tpu.memref_squeeze %dma_wait3A_204 : memref<1x64xi32, #tpu.memory_space<vmem>> -> memref<64xi32, #tpu.memory_space<vmem>>
    %dma_wait3A_206 = arith.constant 0 : i32
    %dma_wait3A_207 = arith.constant 0 : i32
    %dma_wait3A_208 = tpu.memref_slice %arg17[%dma_wait3A_206, %dma_wait3A_207] : memref<10240x128xf32, #tpu.memory_space<vmem_shared>> -> memref<10240x128xf32, #tpu.memory_space<vmem_shared>>
    tpu.wait_indirect_dma semaphore(%arg25 : memref<!tpu.dma_semaphore, #tpu.memory_space<semaphore_mem>>) src(%dma_wait3A_202 : memref<64x128xf32, #tpu.memory_space<vmem>>) dst(%dma_wait3A_208 : memref<10240x128xf32, #tpu.memory_space<vmem_shared>>)
    %dma_wait3A_209 = arith.constant 0 : i32
    %dma_wait3A_210 = arith.constant 0 : i32
    %dma_wait3A_211 = arith.constant 0 : i32
    %dma_wait3A_212 = tpu.memref_slice %arg14[%dma_wait3A_209, %dma_wait3A_211] : memref<3x64xf32, #tpu.memory_space<vmem>> -> memref<1x64xf32, #tpu.memory_space<vmem>>
    %dma_wait3A_213 = tpu.memref_squeeze %dma_wait3A_212 : memref<1x64xf32, #tpu.memory_space<vmem>> -> memref<64xf32, #tpu.memory_space<vmem>>
    %dma_wait3A_214 = arith.constant 0 : i32
    %dma_wait3A_215 = tpu.memref_slice %arg11[%dma_wait3A_210, %dma_wait3A_214] : memref<3x64xi32, #tpu.memory_space<vmem>> -> memref<1x64xi32, #tpu.memory_space<vmem>>
    %dma_wait3A_216 = tpu.memref_squeeze %dma_wait3A_215 : memref<1x64xi32, #tpu.memory_space<vmem>> -> memref<64xi32, #tpu.memory_space<vmem>>
    %dma_wait3A_217 = arith.constant 0 : i32
    %dma_wait3A_218 = tpu.memref_slice %arg18[%dma_wait3A_217] : memref<10240xf32, #tpu.memory_space<vmem_shared>> -> memref<10240xf32, #tpu.memory_space<vmem_shared>>
    tpu.wait_indirect_dma semaphore(%arg26 : memref<!tpu.dma_semaphore, #tpu.memory_space<semaphore_mem>>) src(%dma_wait3A_213 : memref<64xf32, #tpu.memory_space<vmem>>) dst(%dma_wait3A_218 : memref<10240xf32, #tpu.memory_space<vmem_shared>>)
    %dma_wait3A_219 = arith.constant 1 : i32
    %dma_wait3A_220 = arith.constant 1 : i32
    %dma_wait3A_221 = arith.constant 0 : i32
    %dma_wait3A_222 = tpu.memref_slice %arg14[%dma_wait3A_219, %dma_wait3A_221] : memref<3x64xf32, #tpu.memory_space<vmem>> -> memref<1x64xf32, #tpu.memory_space<vmem>>
    %dma_wait3A_223 = tpu.memref_squeeze %dma_wait3A_222 : memref<1x64xf32, #tpu.memory_space<vmem>> -> memref<64xf32, #tpu.memory_space<vmem>>
    %dma_wait3A_224 = arith.constant 0 : i32
    %dma_wait3A_225 = tpu.memref_slice %arg11[%dma_wait3A_220, %dma_wait3A_224] : memref<3x64xi32, #tpu.memory_space<vmem>> -> memref<1x64xi32, #tpu.memory_space<vmem>>
    %dma_wait3A_226 = tpu.memref_squeeze %dma_wait3A_225 : memref<1x64xi32, #tpu.memory_space<vmem>> -> memref<64xi32, #tpu.memory_space<vmem>>
    %dma_wait3A_227 = arith.constant 0 : i32
    %dma_wait3A_228 = tpu.memref_slice %arg18[%dma_wait3A_227] : memref<10240xf32, #tpu.memory_space<vmem_shared>> -> memref<10240xf32, #tpu.memory_space<vmem_shared>>
    tpu.wait_indirect_dma semaphore(%arg27 : memref<!tpu.dma_semaphore, #tpu.memory_space<semaphore_mem>>) src(%dma_wait3A_223 : memref<64xf32, #tpu.memory_space<vmem>>) dst(%dma_wait3A_228 : memref<10240xf32, #tpu.memory_space<vmem_shared>>)
    %dma_wait3A_229 = arith.constant 2 : i32
    %dma_wait3A_230 = arith.constant 2 : i32
    %dma_wait3A_231 = arith.constant 0 : i32
    %dma_wait3A_232 = tpu.memref_slice %arg14[%dma_wait3A_229, %dma_wait3A_231] : memref<3x64xf32, #tpu.memory_space<vmem>> -> memref<1x64xf32, #tpu.memory_space<vmem>>
    %dma_wait3A_233 = tpu.memref_squeeze %dma_wait3A_232 : memref<1x64xf32, #tpu.memory_space<vmem>> -> memref<64xf32, #tpu.memory_space<vmem>>
    %dma_wait3A_234 = arith.constant 0 : i32
    %dma_wait3A_235 = tpu.memref_slice %arg11[%dma_wait3A_230, %dma_wait3A_234] : memref<3x64xi32, #tpu.memory_space<vmem>> -> memref<1x64xi32, #tpu.memory_space<vmem>>
    %dma_wait3A_236 = tpu.memref_squeeze %dma_wait3A_235 : memref<1x64xi32, #tpu.memory_space<vmem>> -> memref<64xi32, #tpu.memory_space<vmem>>
    %dma_wait3A_237 = arith.constant 0 : i32
    %dma_wait3A_238 = tpu.memref_slice %arg18[%dma_wait3A_237] : memref<10240xf32, #tpu.memory_space<vmem_shared>> -> memref<10240xf32, #tpu.memory_space<vmem_shared>>
    tpu.wait_indirect_dma semaphore(%arg28 : memref<!tpu.dma_semaphore, #tpu.memory_space<semaphore_mem>>) src(%dma_wait3A_233 : memref<64xf32, #tpu.memory_space<vmem>>) dst(%dma_wait3A_238 : memref<10240xf32, #tpu.memory_space<vmem_shared>>)
    %barrier3A_239 = arith.constant 0 : index
    tpu.barrier barrier_id(%barrier3A_239)
    %mul3A_240 = arith.constant 640 : i32
    %mul3A_241 = arith.muli %arg1, %mul3A_240 : i32
    %add3A_242 = arith.constant 0 : i32
    %add3A_243 = arith.addi %mul3A_241, %add3A_242 : i32
    %run_scoped3A_244 = arith.constant 0 : i32
    "tpu.region"() ({
      %run_scoped3A_304 = tpu.sem_alloc : memref<!tpu.dma_semaphore, #tpu.memory_space<semaphore_mem>>
      %dma_start3A_305 = arith.constant 0 : i32
      %dma_start3A_306 = arith.constant 0 : i32
      %dma_start3A_307 = tpu.memref_slice %arg15[%run_scoped3A_244, %dma_start3A_305, %dma_start3A_306] : memref<3x64x128xf32, #tpu.memory_space<vmem>> -> memref<1x64x128xf32, #tpu.memory_space<vmem>>
      %dma_start3A_308 = tpu.memref_squeeze %dma_start3A_307 : memref<1x64x128xf32, #tpu.memory_space<vmem>> -> memref<64x128xf32, #tpu.memory_space<vmem>>
      %dma_start3A_309 = arith.constant 0 : i32
      %dma_start3A_310 = tpu.memref_slice %arg17[%add3A_243, %dma_start3A_309] : memref<10240x128xf32, #tpu.memory_space<vmem_shared>> -> memref<64x128xf32, #tpu.memory_space<vmem_shared>>
      %dma_start3A_311 = arith.constant 0 : i32
      %dma_start3A_312 = arith.constant 0 : i32
      %dma_start3A_313 = tpu.memref_slice %arg15[%run_scoped3A_244, %dma_start3A_311, %dma_start3A_312] : memref<3x64x128xf32, #tpu.memory_space<vmem>> -> memref<1x64x128xf32, #tpu.memory_space<vmem>>
      %dma_start3A_314 = tpu.memref_squeeze %dma_start3A_313 : memref<1x64x128xf32, #tpu.memory_space<vmem>> -> memref<64x128xf32, #tpu.memory_space<vmem>>
      %dma_start3A_315 = arith.constant 0 : i32
      %dma_start3A_316 = tpu.memref_slice %arg17[%add3A_243, %dma_start3A_315] : memref<10240x128xf32, #tpu.memory_space<vmem_shared>> -> memref<64x128xf32, #tpu.memory_space<vmem_shared>>
      tpu.enqueue_dma source(%dma_start3A_316 : memref<64x128xf32, #tpu.memory_space<vmem_shared>>) target(%dma_start3A_314 : memref<64x128xf32, #tpu.memory_space<vmem>>) target_semaphore(%run_scoped3A_304 : memref<!tpu.dma_semaphore, #tpu.memory_space<semaphore_mem>>)
      %dma_wait3A_317 = arith.constant 0 : i32
      %dma_wait3A_318 = arith.constant 0 : i32
      %dma_wait3A_319 = tpu.memref_slice %arg15[%run_scoped3A_244, %dma_wait3A_317, %dma_wait3A_318] : memref<3x64x128xf32, #tpu.memory_space<vmem>> -> memref<1x64x128xf32, #tpu.memory_space<vmem>>
      %dma_wait3A_320 = tpu.memref_squeeze %dma_wait3A_319 : memref<1x64x128xf32, #tpu.memory_space<vmem>> -> memref<64x128xf32, #tpu.memory_space<vmem>>
      %dma_wait3A_321 = arith.constant 0 : i32
      %dma_wait3A_322 = tpu.memref_slice %arg17[%add3A_243, %dma_wait3A_321] : memref<10240x128xf32, #tpu.memory_space<vmem_shared>> -> memref<64x128xf32, #tpu.memory_space<vmem_shared>>
      %dma_wait3A_323 = arith.constant 0 : i32
      %dma_wait3A_324 = arith.constant 0 : i32
      %dma_wait3A_325 = tpu.memref_slice %arg15[%run_scoped3A_244, %dma_wait3A_323, %dma_wait3A_324] : memref<3x64x128xf32, #tpu.memory_space<vmem>> -> memref<1x64x128xf32, #tpu.memory_space<vmem>>
      %dma_wait3A_326 = tpu.memref_squeeze %dma_wait3A_325 : memref<1x64x128xf32, #tpu.memory_space<vmem>> -> memref<64x128xf32, #tpu.memory_space<vmem>>
      %dma_wait3A_327 = arith.constant 0 : i32
      %dma_wait3A_328 = tpu.memref_slice %arg17[%add3A_243, %dma_wait3A_327] : memref<10240x128xf32, #tpu.memory_space<vmem_shared>> -> memref<64x128xf32, #tpu.memory_space<vmem_shared>>
      tpu.wait_dma2 semaphore(%run_scoped3A_304 : memref<!tpu.dma_semaphore, #tpu.memory_space<semaphore_mem>>) src(%dma_wait3A_328 : memref<64x128xf32, #tpu.memory_space<vmem_shared>>) dst(%dma_wait3A_326 : memref<64x128xf32, #tpu.memory_space<vmem>>)
      tpu.yield
    }) : () -> ()
    %run_scoped3A_245 = arith.constant 0 : i32
    "tpu.region"() ({
      %run_scoped3A_304 = tpu.sem_alloc : memref<!tpu.dma_semaphore, #tpu.memory_space<semaphore_mem>>
      %dma_start3A_305 = arith.constant 0 : i32
      %dma_start3A_306 = arith.constant 0 : i32
      %dma_start3A_307 = tpu.memref_slice %arg15[%run_scoped3A_245, %dma_start3A_305, %dma_start3A_306] : memref<3x64x128xf32, #tpu.memory_space<vmem>> -> memref<1x64x128xf32, #tpu.memory_space<vmem>>
      %dma_start3A_308 = tpu.memref_squeeze %dma_start3A_307 : memref<1x64x128xf32, #tpu.memory_space<vmem>> -> memref<64x128xf32, #tpu.memory_space<vmem>>
      %dma_start3A_309 = arith.constant 0 : i32
      %dma_start3A_310 = tpu.memref_slice %arg7[%arg0, %add3A_243, %dma_start3A_309] : memref<2x10240x128xf32, #tpu.memory_space<hbm>> -> memref<1x64x128xf32, #tpu.memory_space<hbm>>
      %dma_start3A_311 = tpu.memref_squeeze %dma_start3A_310 : memref<1x64x128xf32, #tpu.memory_space<hbm>> -> memref<64x128xf32, #tpu.memory_space<hbm>>
      %dma_start3A_312 = arith.constant 0 : i32
      %dma_start3A_313 = tpu.memref_slice %arg7[%arg0, %add3A_243, %dma_start3A_312] : memref<2x10240x128xf32, #tpu.memory_space<hbm>> -> memref<1x64x128xf32, #tpu.memory_space<hbm>>
      %dma_start3A_314 = tpu.memref_squeeze %dma_start3A_313 : memref<1x64x128xf32, #tpu.memory_space<hbm>> -> memref<64x128xf32, #tpu.memory_space<hbm>>
      %dma_start3A_315 = arith.constant 0 : i32
      %dma_start3A_316 = arith.constant 0 : i32
      %dma_start3A_317 = tpu.memref_slice %arg15[%run_scoped3A_245, %dma_start3A_315, %dma_start3A_316] : memref<3x64x128xf32, #tpu.memory_space<vmem>> -> memref<1x64x128xf32, #tpu.memory_space<vmem>>
      %dma_start3A_318 = tpu.memref_squeeze %dma_start3A_317 : memref<1x64x128xf32, #tpu.memory_space<vmem>> -> memref<64x128xf32, #tpu.memory_space<vmem>>
      tpu.enqueue_dma source(%dma_start3A_318 : memref<64x128xf32, #tpu.memory_space<vmem>>) target(%dma_start3A_314 : memref<64x128xf32, #tpu.memory_space<hbm>>) target_semaphore(%run_scoped3A_304 : memref<!tpu.dma_semaphore, #tpu.memory_space<semaphore_mem>>)
      %dma_wait3A_319 = arith.constant 0 : i32
      %dma_wait3A_320 = arith.constant 0 : i32
      %dma_wait3A_321 = tpu.memref_slice %arg15[%run_scoped3A_245, %dma_wait3A_319, %dma_wait3A_320] : memref<3x64x128xf32, #tpu.memory_space<vmem>> -> memref<1x64x128xf32, #tpu.memory_space<vmem>>
      %dma_wait3A_322 = tpu.memref_squeeze %dma_wait3A_321 : memref<1x64x128xf32, #tpu.memory_space<vmem>> -> memref<64x128xf32, #tpu.memory_space<vmem>>
      %dma_wait3A_323 = arith.constant 0 : i32
      %dma_wait3A_324 = tpu.memref_slice %arg7[%arg0, %add3A_243, %dma_wait3A_323] : memref<2x10240x128xf32, #tpu.memory_space<hbm>> -> memref<1x64x128xf32, #tpu.memory_space<hbm>>
      %dma_wait3A_325 = tpu.memref_squeeze %dma_wait3A_324 : memref<1x64x128xf32, #tpu.memory_space<hbm>> -> memref<64x128xf32, #tpu.memory_space<hbm>>
      %dma_wait3A_326 = arith.constant 0 : i32
      %dma_wait3A_327 = tpu.memref_slice %arg7[%arg0, %add3A_243, %dma_wait3A_326] : memref<2x10240x128xf32, #tpu.memory_space<hbm>> -> memref<1x64x128xf32, #tpu.memory_space<hbm>>
      %dma_wait3A_328 = tpu.memref_squeeze %dma_wait3A_327 : memref<1x64x128xf32, #tpu.memory_space<hbm>> -> memref<64x128xf32, #tpu.memory_space<hbm>>
      %dma_wait3A_329 = arith.constant 0 : i32
      %dma_wait3A_330 = arith.constant 0 : i32
      %dma_wait3A_331 = tpu.memref_slice %arg15[%run_scoped3A_245, %dma_wait3A_329, %dma_wait3A_330] : memref<3x64x128xf32, #tpu.memory_space<vmem>> -> memref<1x64x128xf32, #tpu.memory_space<vmem>>
      %dma_wait3A_332 = tpu.memref_squeeze %dma_wait3A_331 : memref<1x64x128xf32, #tpu.memory_space<vmem>> -> memref<64x128xf32, #tpu.memory_space<vmem>>
      tpu.wait_dma2 semaphore(%run_scoped3A_304 : memref<!tpu.dma_semaphore, #tpu.memory_space<semaphore_mem>>) src(%dma_wait3A_332 : memref<64x128xf32, #tpu.memory_space<vmem>>) dst(%dma_wait3A_328 : memref<64x128xf32, #tpu.memory_space<hbm>>)
      tpu.yield
    }) : () -> ()
    %mul3A_246 = arith.constant 640 : i32
    %mul3A_247 = arith.muli %arg1, %mul3A_246 : i32
    %add3A_248 = arith.constant 64 : i32
    %add3A_249 = arith.addi %mul3A_247, %add3A_248 : i32
    %run_scoped3A_250 = arith.constant 0 : i32
    "tpu.region"() ({
      %run_scoped3A_304 = tpu.sem_alloc : memref<!tpu.dma_semaphore, #tpu.memory_space<semaphore_mem>>
      %dma_start3A_305 = arith.constant 0 : i32
      %dma_start3A_306 = arith.constant 0 : i32
      %dma_start3A_307 = tpu.memref_slice %arg15[%run_scoped3A_250, %dma_start3A_305, %dma_start3A_306] : memref<3x64x128xf32, #tpu.memory_space<vmem>> -> memref<1x64x128xf32, #tpu.memory_space<vmem>>
      %dma_start3A_308 = tpu.memref_squeeze %dma_start3A_307 : memref<1x64x128xf32, #tpu.memory_space<vmem>> -> memref<64x128xf32, #tpu.memory_space<vmem>>
      %dma_start3A_309 = arith.constant 0 : i32
      %dma_start3A_310 = tpu.memref_slice %arg17[%add3A_249, %dma_start3A_309] : memref<10240x128xf32, #tpu.memory_space<vmem_shared>> -> memref<64x128xf32, #tpu.memory_space<vmem_shared>>
      %dma_start3A_311 = arith.constant 0 : i32
      %dma_start3A_312 = arith.constant 0 : i32
      %dma_start3A_313 = tpu.memref_slice %arg15[%run_scoped3A_250, %dma_start3A_311, %dma_start3A_312] : memref<3x64x128xf32, #tpu.memory_space<vmem>> -> memref<1x64x128xf32, #tpu.memory_space<vmem>>
      %dma_start3A_314 = tpu.memref_squeeze %dma_start3A_313 : memref<1x64x128xf32, #tpu.memory_space<vmem>> -> memref<64x128xf32, #tpu.memory_space<vmem>>
      %dma_start3A_315 = arith.constant 0 : i32
      %dma_start3A_316 = tpu.memref_slice %arg17[%add3A_249, %dma_start3A_315] : memref<10240x128xf32, #tpu.memory_space<vmem_shared>> -> memref<64x128xf32, #tpu.memory_space<vmem_shared>>
      tpu.enqueue_dma source(%dma_start3A_316 : memref<64x128xf32, #tpu.memory_space<vmem_shared>>) target(%dma_start3A_314 : memref<64x128xf32, #tpu.memory_space<vmem>>) target_semaphore(%run_scoped3A_304 : memref<!tpu.dma_semaphore, #tpu.memory_space<semaphore_mem>>)
      %dma_wait3A_317 = arith.constant 0 : i32
      %dma_wait3A_318 = arith.constant 0 : i32
      %dma_wait3A_319 = tpu.memref_slice %arg15[%run_scoped3A_250, %dma_wait3A_317, %dma_wait3A_318] : memref<3x64x128xf32, #tpu.memory_space<vmem>> -> memref<1x64x128xf32, #tpu.memory_space<vmem>>
      %dma_wait3A_320 = tpu.memref_squeeze %dma_wait3A_319 : memref<1x64x128xf32, #tpu.memory_space<vmem>> -> memref<64x128xf32, #tpu.memory_space<vmem>>
      %dma_wait3A_321 = arith.constant 0 : i32
      %dma_wait3A_322 = tpu.memref_slice %arg17[%add3A_249, %dma_wait3A_321] : memref<10240x128xf32, #tpu.memory_space<vmem_shared>> -> memref<64x128xf32, #tpu.memory_space<vmem_shared>>
      %dma_wait3A_323 = arith.constant 0 : i32
      %dma_wait3A_324 = arith.constant 0 : i32
      %dma_wait3A_325 = tpu.memref_slice %arg15[%run_scoped3A_250, %dma_wait3A_323, %dma_wait3A_324] : memref<3x64x128xf32, #tpu.memory_space<vmem>> -> memref<1x64x128xf32, #tpu.memory_space<vmem>>
      %dma_wait3A_326 = tpu.memref_squeeze %dma_wait3A_325 : memref<1x64x128xf32, #tpu.memory_space<vmem>> -> memref<64x128xf32, #tpu.memory_space<vmem>>
      %dma_wait3A_327 = arith.constant 0 : i32
      %dma_wait3A_328 = tpu.memref_slice %arg17[%add3A_249, %dma_wait3A_327] : memref<10240x128xf32, #tpu.memory_space<vmem_shared>> -> memref<64x128xf32, #tpu.memory_space<vmem_shared>>
      tpu.wait_dma2 semaphore(%run_scoped3A_304 : memref<!tpu.dma_semaphore, #tpu.memory_space<semaphore_mem>>) src(%dma_wait3A_328 : memref<64x128xf32, #tpu.memory_space<vmem_shared>>) dst(%dma_wait3A_326 : memref<64x128xf32, #tpu.memory_space<vmem>>)
      tpu.yield
    }) : () -> ()
    %run_scoped3A_251 = arith.constant 0 : i32
    "tpu.region"() ({
      %run_scoped3A_304 = tpu.sem_alloc : memref<!tpu.dma_semaphore, #tpu.memory_space<semaphore_mem>>
      %dma_start3A_305 = arith.constant 0 : i32
      %dma_start3A_306 = arith.constant 0 : i32
      %dma_start3A_307 = tpu.memref_slice %arg15[%run_scoped3A_251, %dma_start3A_305, %dma_start3A_306] : memref<3x64x128xf32, #tpu.memory_space<vmem>> -> memref<1x64x128xf32, #tpu.memory_space<vmem>>
      %dma_start3A_308 = tpu.memref_squeeze %dma_start3A_307 : memref<1x64x128xf32, #tpu.memory_space<vmem>> -> memref<64x128xf32, #tpu.memory_space<vmem>>
      %dma_start3A_309 = arith.constant 0 : i32
      %dma_start3A_310 = tpu.memref_slice %arg7[%arg0, %add3A_249, %dma_start3A_309] : memref<2x10240x128xf32, #tpu.memory_space<hbm>> -> memref<1x64x128xf32, #tpu.memory_space<hbm>>
      %dma_start3A_311 = tpu.memref_squeeze %dma_start3A_310 : memref<1x64x128xf32, #tpu.memory_space<hbm>> -> memref<64x128xf32, #tpu.memory_space<hbm>>
      %dma_start3A_312 = arith.constant 0 : i32
      %dma_start3A_313 = tpu.memref_slice %arg7[%arg0, %add3A_249, %dma_start3A_312] : memref<2x10240x128xf32, #tpu.memory_space<hbm>> -> memref<1x64x128xf32, #tpu.memory_space<hbm>>
      %dma_start3A_314 = tpu.memref_squeeze %dma_start3A_313 : memref<1x64x128xf32, #tpu.memory_space<hbm>> -> memref<64x128xf32, #tpu.memory_space<hbm>>
      %dma_start3A_315 = arith.constant 0 : i32
      %dma_start3A_316 = arith.constant 0 : i32
      %dma_start3A_317 = tpu.memref_slice %arg15[%run_scoped3A_251, %dma_start3A_315, %dma_start3A_316] : memref<3x64x128xf32, #tpu.memory_space<vmem>> -> memref<1x64x128xf32, #tpu.memory_space<vmem>>
      %dma_start3A_318 = tpu.memref_squeeze %dma_start3A_317 : memref<1x64x128xf32, #tpu.memory_space<vmem>> -> memref<64x128xf32, #tpu.memory_space<vmem>>
      tpu.enqueue_dma source(%dma_start3A_318 : memref<64x128xf32, #tpu.memory_space<vmem>>) target(%dma_start3A_314 : memref<64x128xf32, #tpu.memory_space<hbm>>) target_semaphore(%run_scoped3A_304 : memref<!tpu.dma_semaphore, #tpu.memory_space<semaphore_mem>>)
      %dma_wait3A_319 = arith.constant 0 : i32
      %dma_wait3A_320 = arith.constant 0 : i32
      %dma_wait3A_321 = tpu.memref_slice %arg15[%run_scoped3A_251, %dma_wait3A_319, %dma_wait3A_320] : memref<3x64x128xf32, #tpu.memory_space<vmem>> -> memref<1x64x128xf32, #tpu.memory_space<vmem>>
      %dma_wait3A_322 = tpu.memref_squeeze %dma_wait3A_321 : memref<1x64x128xf32, #tpu.memory_space<vmem>> -> memref<64x128xf32, #tpu.memory_space<vmem>>
      %dma_wait3A_323 = arith.constant 0 : i32
      %dma_wait3A_324 = tpu.memref_slice %arg7[%arg0, %add3A_249, %dma_wait3A_323] : memref<2x10240x128xf32, #tpu.memory_space<hbm>> -> memref<1x64x128xf32, #tpu.memory_space<hbm>>
      %dma_wait3A_325 = tpu.memref_squeeze %dma_wait3A_324 : memref<1x64x128xf32, #tpu.memory_space<hbm>> -> memref<64x128xf32, #tpu.memory_space<hbm>>
      %dma_wait3A_326 = arith.constant 0 : i32
      %dma_wait3A_327 = tpu.memref_slice %arg7[%arg0, %add3A_249, %dma_wait3A_326] : memref<2x10240x128xf32, #tpu.memory_space<hbm>> -> memref<1x64x128xf32, #tpu.memory_space<hbm>>
      %dma_wait3A_328 = tpu.memref_squeeze %dma_wait3A_327 : memref<1x64x128xf32, #tpu.memory_space<hbm>> -> memref<64x128xf32, #tpu.memory_space<hbm>>
      %dma_wait3A_329 = arith.constant 0 : i32
      %dma_wait3A_330 = arith.constant 0 : i32
      %dma_wait3A_331 = tpu.memref_slice %arg15[%run_scoped3A_251, %dma_wait3A_329, %dma_wait3A_330] : memref<3x64x128xf32, #tpu.memory_space<vmem>> -> memref<1x64x128xf32, #tpu.memory_space<vmem>>
      %dma_wait3A_332 = tpu.memref_squeeze %dma_wait3A_331 : memref<1x64x128xf32, #tpu.memory_space<vmem>> -> memref<64x128xf32, #tpu.memory_space<vmem>>
      tpu.wait_dma2 semaphore(%run_scoped3A_304 : memref<!tpu.dma_semaphore, #tpu.memory_space<semaphore_mem>>) src(%dma_wait3A_332 : memref<64x128xf32, #tpu.memory_space<vmem>>) dst(%dma_wait3A_328 : memref<64x128xf32, #tpu.memory_space<hbm>>)
      tpu.yield
    }) : () -> ()
    %mul3A_252 = arith.constant 640 : i32
    %mul3A_253 = arith.muli %arg1, %mul3A_252 : i32
    %add3A_254 = arith.constant 128 : i32
    %add3A_255 = arith.addi %mul3A_253, %add3A_254 : i32
    %run_scoped3A_256 = arith.constant 0 : i32
    "tpu.region"() ({
      %run_scoped3A_304 = tpu.sem_alloc : memref<!tpu.dma_semaphore, #tpu.memory_space<semaphore_mem>>
      %dma_start3A_305 = arith.constant 0 : i32
      %dma_start3A_306 = arith.constant 0 : i32
      %dma_start3A_307 = tpu.memref_slice %arg15[%run_scoped3A_256, %dma_start3A_305, %dma_start3A_306] : memref<3x64x128xf32, #tpu.memory_space<vmem>> -> memref<1x64x128xf32, #tpu.memory_space<vmem>>
      %dma_start3A_308 = tpu.memref_squeeze %dma_start3A_307 : memref<1x64x128xf32, #tpu.memory_space<vmem>> -> memref<64x128xf32, #tpu.memory_space<vmem>>
      %dma_start3A_309 = arith.constant 0 : i32
      %dma_start3A_310 = tpu.memref_slice %arg17[%add3A_255, %dma_start3A_309] : memref<10240x128xf32, #tpu.memory_space<vmem_shared>> -> memref<64x128xf32, #tpu.memory_space<vmem_shared>>
      %dma_start3A_311 = arith.constant 0 : i32
      %dma_start3A_312 = arith.constant 0 : i32
      %dma_start3A_313 = tpu.memref_slice %arg15[%run_scoped3A_256, %dma_start3A_311, %dma_start3A_312] : memref<3x64x128xf32, #tpu.memory_space<vmem>> -> memref<1x64x128xf32, #tpu.memory_space<vmem>>
      %dma_start3A_314 = tpu.memref_squeeze %dma_start3A_313 : memref<1x64x128xf32, #tpu.memory_space<vmem>> -> memref<64x128xf32, #tpu.memory_space<vmem>>
      %dma_start3A_315 = arith.constant 0 : i32
      %dma_start3A_316 = tpu.memref_slice %arg17[%add3A_255, %dma_start3A_315] : memref<10240x128xf32, #tpu.memory_space<vmem_shared>> -> memref<64x128xf32, #tpu.memory_space<vmem_shared>>
      tpu.enqueue_dma source(%dma_start3A_316 : memref<64x128xf32, #tpu.memory_space<vmem_shared>>) target(%dma_start3A_314 : memref<64x128xf32, #tpu.memory_space<vmem>>) target_semaphore(%run_scoped3A_304 : memref<!tpu.dma_semaphore, #tpu.memory_space<semaphore_mem>>)
      %dma_wait3A_317 = arith.constant 0 : i32
      %dma_wait3A_318 = arith.constant 0 : i32
      %dma_wait3A_319 = tpu.memref_slice %arg15[%run_scoped3A_256, %dma_wait3A_317, %dma_wait3A_318] : memref<3x64x128xf32, #tpu.memory_space<vmem>> -> memref<1x64x128xf32, #tpu.memory_space<vmem>>
      %dma_wait3A_320 = tpu.memref_squeeze %dma_wait3A_319 : memref<1x64x128xf32, #tpu.memory_space<vmem>> -> memref<64x128xf32, #tpu.memory_space<vmem>>
      %dma_wait3A_321 = arith.constant 0 : i32
      %dma_wait3A_322 = tpu.memref_slice %arg17[%add3A_255, %dma_wait3A_321] : memref<10240x128xf32, #tpu.memory_space<vmem_shared>> -> memref<64x128xf32, #tpu.memory_space<vmem_shared>>
      %dma_wait3A_323 = arith.constant 0 : i32
      %dma_wait3A_324 = arith.constant 0 : i32
      %dma_wait3A_325 = tpu.memref_slice %arg15[%run_scoped3A_256, %dma_wait3A_323, %dma_wait3A_324] : memref<3x64x128xf32, #tpu.memory_space<vmem>> -> memref<1x64x128xf32, #tpu.memory_space<vmem>>
      %dma_wait3A_326 = tpu.memref_squeeze %dma_wait3A_325 : memref<1x64x128xf32, #tpu.memory_space<vmem>> -> memref<64x128xf32, #tpu.memory_space<vmem>>
      %dma_wait3A_327 = arith.constant 0 : i32
      %dma_wait3A_328 = tpu.memref_slice %arg17[%add3A_255, %dma_wait3A_327] : memref<10240x128xf32, #tpu.memory_space<vmem_shared>> -> memref<64x128xf32, #tpu.memory_space<vmem_shared>>
      tpu.wait_dma2 semaphore(%run_scoped3A_304 : memref<!tpu.dma_semaphore, #tpu.memory_space<semaphore_mem>>) src(%dma_wait3A_328 : memref<64x128xf32, #tpu.memory_space<vmem_shared>>) dst(%dma_wait3A_326 : memref<64x128xf32, #tpu.memory_space<vmem>>)
      tpu.yield
    }) : () -> ()
    %run_scoped3A_257 = arith.constant 0 : i32
    "tpu.region"() ({
      %run_scoped3A_304 = tpu.sem_alloc : memref<!tpu.dma_semaphore, #tpu.memory_space<semaphore_mem>>
      %dma_start3A_305 = arith.constant 0 : i32
      %dma_start3A_306 = arith.constant 0 : i32
      %dma_start3A_307 = tpu.memref_slice %arg15[%run_scoped3A_257, %dma_start3A_305, %dma_start3A_306] : memref<3x64x128xf32, #tpu.memory_space<vmem>> -> memref<1x64x128xf32, #tpu.memory_space<vmem>>
      %dma_start3A_308 = tpu.memref_squeeze %dma_start3A_307 : memref<1x64x128xf32, #tpu.memory_space<vmem>> -> memref<64x128xf32, #tpu.memory_space<vmem>>
      %dma_start3A_309 = arith.constant 0 : i32
      %dma_start3A_310 = tpu.memref_slice %arg7[%arg0, %add3A_255, %dma_start3A_309] : memref<2x10240x128xf32, #tpu.memory_space<hbm>> -> memref<1x64x128xf32, #tpu.memory_space<hbm>>
      %dma_start3A_311 = tpu.memref_squeeze %dma_start3A_310 : memref<1x64x128xf32, #tpu.memory_space<hbm>> -> memref<64x128xf32, #tpu.memory_space<hbm>>
      %dma_start3A_312 = arith.constant 0 : i32
      %dma_start3A_313 = tpu.memref_slice %arg7[%arg0, %add3A_255, %dma_start3A_312] : memref<2x10240x128xf32, #tpu.memory_space<hbm>> -> memref<1x64x128xf32, #tpu.memory_space<hbm>>
      %dma_start3A_314 = tpu.memref_squeeze %dma_start3A_313 : memref<1x64x128xf32, #tpu.memory_space<hbm>> -> memref<64x128xf32, #tpu.memory_space<hbm>>
      %dma_start3A_315 = arith.constant 0 : i32
      %dma_start3A_316 = arith.constant 0 : i32
      %dma_start3A_317 = tpu.memref_slice %arg15[%run_scoped3A_257, %dma_start3A_315, %dma_start3A_316] : memref<3x64x128xf32, #tpu.memory_space<vmem>> -> memref<1x64x128xf32, #tpu.memory_space<vmem>>
      %dma_start3A_318 = tpu.memref_squeeze %dma_start3A_317 : memref<1x64x128xf32, #tpu.memory_space<vmem>> -> memref<64x128xf32, #tpu.memory_space<vmem>>
      tpu.enqueue_dma source(%dma_start3A_318 : memref<64x128xf32, #tpu.memory_space<vmem>>) target(%dma_start3A_314 : memref<64x128xf32, #tpu.memory_space<hbm>>) target_semaphore(%run_scoped3A_304 : memref<!tpu.dma_semaphore, #tpu.memory_space<semaphore_mem>>)
      %dma_wait3A_319 = arith.constant 0 : i32
      %dma_wait3A_320 = arith.constant 0 : i32
      %dma_wait3A_321 = tpu.memref_slice %arg15[%run_scoped3A_257, %dma_wait3A_319, %dma_wait3A_320] : memref<3x64x128xf32, #tpu.memory_space<vmem>> -> memref<1x64x128xf32, #tpu.memory_space<vmem>>
      %dma_wait3A_322 = tpu.memref_squeeze %dma_wait3A_321 : memref<1x64x128xf32, #tpu.memory_space<vmem>> -> memref<64x128xf32, #tpu.memory_space<vmem>>
      %dma_wait3A_323 = arith.constant 0 : i32
      %dma_wait3A_324 = tpu.memref_slice %arg7[%arg0, %add3A_255, %dma_wait3A_323] : memref<2x10240x128xf32, #tpu.memory_space<hbm>> -> memref<1x64x128xf32, #tpu.memory_space<hbm>>
      %dma_wait3A_325 = tpu.memref_squeeze %dma_wait3A_324 : memref<1x64x128xf32, #tpu.memory_space<hbm>> -> memref<64x128xf32, #tpu.memory_space<hbm>>
      %dma_wait3A_326 = arith.constant 0 : i32
      %dma_wait3A_327 = tpu.memref_slice %arg7[%arg0, %add3A_255, %dma_wait3A_326] : memref<2x10240x128xf32, #tpu.memory_space<hbm>> -> memref<1x64x128xf32, #tpu.memory_space<hbm>>
      %dma_wait3A_328 = tpu.memref_squeeze %dma_wait3A_327 : memref<1x64x128xf32, #tpu.memory_space<hbm>> -> memref<64x128xf32, #tpu.memory_space<hbm>>
      %dma_wait3A_329 = arith.constant 0 : i32
      %dma_wait3A_330 = arith.constant 0 : i32
      %dma_wait3A_331 = tpu.memref_slice %arg15[%run_scoped3A_257, %dma_wait3A_329, %dma_wait3A_330] : memref<3x64x128xf32, #tpu.memory_space<vmem>> -> memref<1x64x128xf32, #tpu.memory_space<vmem>>
      %dma_wait3A_332 = tpu.memref_squeeze %dma_wait3A_331 : memref<1x64x128xf32, #tpu.memory_space<vmem>> -> memref<64x128xf32, #tpu.memory_space<vmem>>
      tpu.wait_dma2 semaphore(%run_scoped3A_304 : memref<!tpu.dma_semaphore, #tpu.memory_space<semaphore_mem>>) src(%dma_wait3A_332 : memref<64x128xf32, #tpu.memory_space<vmem>>) dst(%dma_wait3A_328 : memref<64x128xf32, #tpu.memory_space<hbm>>)
      tpu.yield
    }) : () -> ()
    %mul3A_258 = arith.constant 640 : i32
    %mul3A_259 = arith.muli %arg1, %mul3A_258 : i32
    %add3A_260 = arith.constant 192 : i32
    %add3A_261 = arith.addi %mul3A_259, %add3A_260 : i32
    %run_scoped3A_262 = arith.constant 0 : i32
    "tpu.region"() ({
      %run_scoped3A_304 = tpu.sem_alloc : memref<!tpu.dma_semaphore, #tpu.memory_space<semaphore_mem>>
      %dma_start3A_305 = arith.constant 0 : i32
      %dma_start3A_306 = arith.constant 0 : i32
      %dma_start3A_307 = tpu.memref_slice %arg15[%run_scoped3A_262, %dma_start3A_305, %dma_start3A_306] : memref<3x64x128xf32, #tpu.memory_space<vmem>> -> memref<1x64x128xf32, #tpu.memory_space<vmem>>
      %dma_start3A_308 = tpu.memref_squeeze %dma_start3A_307 : memref<1x64x128xf32, #tpu.memory_space<vmem>> -> memref<64x128xf32, #tpu.memory_space<vmem>>
      %dma_start3A_309 = arith.constant 0 : i32
      %dma_start3A_310 = tpu.memref_slice %arg17[%add3A_261, %dma_start3A_309] : memref<10240x128xf32, #tpu.memory_space<vmem_shared>> -> memref<64x128xf32, #tpu.memory_space<vmem_shared>>
      %dma_start3A_311 = arith.constant 0 : i32
      %dma_start3A_312 = arith.constant 0 : i32
      %dma_start3A_313 = tpu.memref_slice %arg15[%run_scoped3A_262, %dma_start3A_311, %dma_start3A_312] : memref<3x64x128xf32, #tpu.memory_space<vmem>> -> memref<1x64x128xf32, #tpu.memory_space<vmem>>
      %dma_start3A_314 = tpu.memref_squeeze %dma_start3A_313 : memref<1x64x128xf32, #tpu.memory_space<vmem>> -> memref<64x128xf32, #tpu.memory_space<vmem>>
      %dma_start3A_315 = arith.constant 0 : i32
      %dma_start3A_316 = tpu.memref_slice %arg17[%add3A_261, %dma_start3A_315] : memref<10240x128xf32, #tpu.memory_space<vmem_shared>> -> memref<64x128xf32, #tpu.memory_space<vmem_shared>>
      tpu.enqueue_dma source(%dma_start3A_316 : memref<64x128xf32, #tpu.memory_space<vmem_shared>>) target(%dma_start3A_314 : memref<64x128xf32, #tpu.memory_space<vmem>>) target_semaphore(%run_scoped3A_304 : memref<!tpu.dma_semaphore, #tpu.memory_space<semaphore_mem>>)
      %dma_wait3A_317 = arith.constant 0 : i32
      %dma_wait3A_318 = arith.constant 0 : i32
      %dma_wait3A_319 = tpu.memref_slice %arg15[%run_scoped3A_262, %dma_wait3A_317, %dma_wait3A_318] : memref<3x64x128xf32, #tpu.memory_space<vmem>> -> memref<1x64x128xf32, #tpu.memory_space<vmem>>
      %dma_wait3A_320 = tpu.memref_squeeze %dma_wait3A_319 : memref<1x64x128xf32, #tpu.memory_space<vmem>> -> memref<64x128xf32, #tpu.memory_space<vmem>>
      %dma_wait3A_321 = arith.constant 0 : i32
      %dma_wait3A_322 = tpu.memref_slice %arg17[%add3A_261, %dma_wait3A_321] : memref<10240x128xf32, #tpu.memory_space<vmem_shared>> -> memref<64x128xf32, #tpu.memory_space<vmem_shared>>
      %dma_wait3A_323 = arith.constant 0 : i32
      %dma_wait3A_324 = arith.constant 0 : i32
      %dma_wait3A_325 = tpu.memref_slice %arg15[%run_scoped3A_262, %dma_wait3A_323, %dma_wait3A_324] : memref<3x64x128xf32, #tpu.memory_space<vmem>> -> memref<1x64x128xf32, #tpu.memory_space<vmem>>
      %dma_wait3A_326 = tpu.memref_squeeze %dma_wait3A_325 : memref<1x64x128xf32, #tpu.memory_space<vmem>> -> memref<64x128xf32, #tpu.memory_space<vmem>>
      %dma_wait3A_327 = arith.constant 0 : i32
      %dma_wait3A_328 = tpu.memref_slice %arg17[%add3A_261, %dma_wait3A_327] : memref<10240x128xf32, #tpu.memory_space<vmem_shared>> -> memref<64x128xf32, #tpu.memory_space<vmem_shared>>
      tpu.wait_dma2 semaphore(%run_scoped3A_304 : memref<!tpu.dma_semaphore, #tpu.memory_space<semaphore_mem>>) src(%dma_wait3A_328 : memref<64x128xf32, #tpu.memory_space<vmem_shared>>) dst(%dma_wait3A_326 : memref<64x128xf32, #tpu.memory_space<vmem>>)
      tpu.yield
    }) : () -> ()
    %run_scoped3A_263 = arith.constant 0 : i32
    "tpu.region"() ({
      %run_scoped3A_304 = tpu.sem_alloc : memref<!tpu.dma_semaphore, #tpu.memory_space<semaphore_mem>>
      %dma_start3A_305 = arith.constant 0 : i32
      %dma_start3A_306 = arith.constant 0 : i32
      %dma_start3A_307 = tpu.memref_slice %arg15[%run_scoped3A_263, %dma_start3A_305, %dma_start3A_306] : memref<3x64x128xf32, #tpu.memory_space<vmem>> -> memref<1x64x128xf32, #tpu.memory_space<vmem>>
      %dma_start3A_308 = tpu.memref_squeeze %dma_start3A_307 : memref<1x64x128xf32, #tpu.memory_space<vmem>> -> memref<64x128xf32, #tpu.memory_space<vmem>>
      %dma_start3A_309 = arith.constant 0 : i32
      %dma_start3A_310 = tpu.memref_slice %arg7[%arg0, %add3A_261, %dma_start3A_309] : memref<2x10240x128xf32, #tpu.memory_space<hbm>> -> memref<1x64x128xf32, #tpu.memory_space<hbm>>
      %dma_start3A_311 = tpu.memref_squeeze %dma_start3A_310 : memref<1x64x128xf32, #tpu.memory_space<hbm>> -> memref<64x128xf32, #tpu.memory_space<hbm>>
      %dma_start3A_312 = arith.constant 0 : i32
      %dma_start3A_313 = tpu.memref_slice %arg7[%arg0, %add3A_261, %dma_start3A_312] : memref<2x10240x128xf32, #tpu.memory_space<hbm>> -> memref<1x64x128xf32, #tpu.memory_space<hbm>>
      %dma_start3A_314 = tpu.memref_squeeze %dma_start3A_313 : memref<1x64x128xf32, #tpu.memory_space<hbm>> -> memref<64x128xf32, #tpu.memory_space<hbm>>
      %dma_start3A_315 = arith.constant 0 : i32
      %dma_start3A_316 = arith.constant 0 : i32
      %dma_start3A_317 = tpu.memref_slice %arg15[%run_scoped3A_263, %dma_start3A_315, %dma_start3A_316] : memref<3x64x128xf32, #tpu.memory_space<vmem>> -> memref<1x64x128xf32, #tpu.memory_space<vmem>>
      %dma_start3A_318 = tpu.memref_squeeze %dma_start3A_317 : memref<1x64x128xf32, #tpu.memory_space<vmem>> -> memref<64x128xf32, #tpu.memory_space<vmem>>
      tpu.enqueue_dma source(%dma_start3A_318 : memref<64x128xf32, #tpu.memory_space<vmem>>) target(%dma_start3A_314 : memref<64x128xf32, #tpu.memory_space<hbm>>) target_semaphore(%run_scoped3A_304 : memref<!tpu.dma_semaphore, #tpu.memory_space<semaphore_mem>>)
      %dma_wait3A_319 = arith.constant 0 : i32
      %dma_wait3A_320 = arith.constant 0 : i32
      %dma_wait3A_321 = tpu.memref_slice %arg15[%run_scoped3A_263, %dma_wait3A_319, %dma_wait3A_320] : memref<3x64x128xf32, #tpu.memory_space<vmem>> -> memref<1x64x128xf32, #tpu.memory_space<vmem>>
      %dma_wait3A_322 = tpu.memref_squeeze %dma_wait3A_321 : memref<1x64x128xf32, #tpu.memory_space<vmem>> -> memref<64x128xf32, #tpu.memory_space<vmem>>
      %dma_wait3A_323 = arith.constant 0 : i32
      %dma_wait3A_324 = tpu.memref_slice %arg7[%arg0, %add3A_261, %dma_wait3A_323] : memref<2x10240x128xf32, #tpu.memory_space<hbm>> -> memref<1x64x128xf32, #tpu.memory_space<hbm>>
      %dma_wait3A_325 = tpu.memref_squeeze %dma_wait3A_324 : memref<1x64x128xf32, #tpu.memory_space<hbm>> -> memref<64x128xf32, #tpu.memory_space<hbm>>
      %dma_wait3A_326 = arith.constant 0 : i32
      %dma_wait3A_327 = tpu.memref_slice %arg7[%arg0, %add3A_261, %dma_wait3A_326] : memref<2x10240x128xf32, #tpu.memory_space<hbm>> -> memref<1x64x128xf32, #tpu.memory_space<hbm>>
      %dma_wait3A_328 = tpu.memref_squeeze %dma_wait3A_327 : memref<1x64x128xf32, #tpu.memory_space<hbm>> -> memref<64x128xf32, #tpu.memory_space<hbm>>
      %dma_wait3A_329 = arith.constant 0 : i32
      %dma_wait3A_330 = arith.constant 0 : i32
      %dma_wait3A_331 = tpu.memref_slice %arg15[%run_scoped3A_263, %dma_wait3A_329, %dma_wait3A_330] : memref<3x64x128xf32, #tpu.memory_space<vmem>> -> memref<1x64x128xf32, #tpu.memory_space<vmem>>
      %dma_wait3A_332 = tpu.memref_squeeze %dma_wait3A_331 : memref<1x64x128xf32, #tpu.memory_space<vmem>> -> memref<64x128xf32, #tpu.memory_space<vmem>>
      tpu.wait_dma2 semaphore(%run_scoped3A_304 : memref<!tpu.dma_semaphore, #tpu.memory_space<semaphore_mem>>) src(%dma_wait3A_332 : memref<64x128xf32, #tpu.memory_space<vmem>>) dst(%dma_wait3A_328 : memref<64x128xf32, #tpu.memory_space<hbm>>)
      tpu.yield
    }) : () -> ()
    %mul3A_264 = arith.constant 640 : i32
    %mul3A_265 = arith.muli %arg1, %mul3A_264 : i32
    %add3A_266 = arith.constant 256 : i32
    %add3A_267 = arith.addi %mul3A_265, %add3A_266 : i32
    %run_scoped3A_268 = arith.constant 0 : i32
    "tpu.region"() ({
      %run_scoped3A_304 = tpu.sem_alloc : memref<!tpu.dma_semaphore, #tpu.memory_space<semaphore_mem>>
      %dma_start3A_305 = arith.constant 0 : i32
      %dma_start3A_306 = arith.constant 0 : i32
      %dma_start3A_307 = tpu.memref_slice %arg15[%run_scoped3A_268, %dma_start3A_305, %dma_start3A_306] : memref<3x64x128xf32, #tpu.memory_space<vmem>> -> memref<1x64x128xf32, #tpu.memory_space<vmem>>
      %dma_start3A_308 = tpu.memref_squeeze %dma_start3A_307 : memref<1x64x128xf32, #tpu.memory_space<vmem>> -> memref<64x128xf32, #tpu.memory_space<vmem>>
      %dma_start3A_309 = arith.constant 0 : i32
      %dma_start3A_310 = tpu.memref_slice %arg17[%add3A_267, %dma_start3A_309] : memref<10240x128xf32, #tpu.memory_space<vmem_shared>> -> memref<64x128xf32, #tpu.memory_space<vmem_shared>>
      %dma_start3A_311 = arith.constant 0 : i32
      %dma_start3A_312 = arith.constant 0 : i32
      %dma_start3A_313 = tpu.memref_slice %arg15[%run_scoped3A_268, %dma_start3A_311, %dma_start3A_312] : memref<3x64x128xf32, #tpu.memory_space<vmem>> -> memref<1x64x128xf32, #tpu.memory_space<vmem>>
      %dma_start3A_314 = tpu.memref_squeeze %dma_start3A_313 : memref<1x64x128xf32, #tpu.memory_space<vmem>> -> memref<64x128xf32, #tpu.memory_space<vmem>>
      %dma_start3A_315 = arith.constant 0 : i32
      %dma_start3A_316 = tpu.memref_slice %arg17[%add3A_267, %dma_start3A_315] : memref<10240x128xf32, #tpu.memory_space<vmem_shared>> -> memref<64x128xf32, #tpu.memory_space<vmem_shared>>
      tpu.enqueue_dma source(%dma_start3A_316 : memref<64x128xf32, #tpu.memory_space<vmem_shared>>) target(%dma_start3A_314 : memref<64x128xf32, #tpu.memory_space<vmem>>) target_semaphore(%run_scoped3A_304 : memref<!tpu.dma_semaphore, #tpu.memory_space<semaphore_mem>>)
      %dma_wait3A_317 = arith.constant 0 : i32
      %dma_wait3A_318 = arith.constant 0 : i32
      %dma_wait3A_319 = tpu.memref_slice %arg15[%run_scoped3A_268, %dma_wait3A_317, %dma_wait3A_318] : memref<3x64x128xf32, #tpu.memory_space<vmem>> -> memref<1x64x128xf32, #tpu.memory_space<vmem>>
      %dma_wait3A_320 = tpu.memref_squeeze %dma_wait3A_319 : memref<1x64x128xf32, #tpu.memory_space<vmem>> -> memref<64x128xf32, #tpu.memory_space<vmem>>
      %dma_wait3A_321 = arith.constant 0 : i32
      %dma_wait3A_322 = tpu.memref_slice %arg17[%add3A_267, %dma_wait3A_321] : memref<10240x128xf32, #tpu.memory_space<vmem_shared>> -> memref<64x128xf32, #tpu.memory_space<vmem_shared>>
      %dma_wait3A_323 = arith.constant 0 : i32
      %dma_wait3A_324 = arith.constant 0 : i32
      %dma_wait3A_325 = tpu.memref_slice %arg15[%run_scoped3A_268, %dma_wait3A_323, %dma_wait3A_324] : memref<3x64x128xf32, #tpu.memory_space<vmem>> -> memref<1x64x128xf32, #tpu.memory_space<vmem>>
      %dma_wait3A_326 = tpu.memref_squeeze %dma_wait3A_325 : memref<1x64x128xf32, #tpu.memory_space<vmem>> -> memref<64x128xf32, #tpu.memory_space<vmem>>
      %dma_wait3A_327 = arith.constant 0 : i32
      %dma_wait3A_328 = tpu.memref_slice %arg17[%add3A_267, %dma_wait3A_327] : memref<10240x128xf32, #tpu.memory_space<vmem_shared>> -> memref<64x128xf32, #tpu.memory_space<vmem_shared>>
      tpu.wait_dma2 semaphore(%run_scoped3A_304 : memref<!tpu.dma_semaphore, #tpu.memory_space<semaphore_mem>>) src(%dma_wait3A_328 : memref<64x128xf32, #tpu.memory_space<vmem_shared>>) dst(%dma_wait3A_326 : memref<64x128xf32, #tpu.memory_space<vmem>>)
      tpu.yield
    }) : () -> ()
    %run_scoped3A_269 = arith.constant 0 : i32
    "tpu.region"() ({
      %run_scoped3A_304 = tpu.sem_alloc : memref<!tpu.dma_semaphore, #tpu.memory_space<semaphore_mem>>
      %dma_start3A_305 = arith.constant 0 : i32
      %dma_start3A_306 = arith.constant 0 : i32
      %dma_start3A_307 = tpu.memref_slice %arg15[%run_scoped3A_269, %dma_start3A_305, %dma_start3A_306] : memref<3x64x128xf32, #tpu.memory_space<vmem>> -> memref<1x64x128xf32, #tpu.memory_space<vmem>>
      %dma_start3A_308 = tpu.memref_squeeze %dma_start3A_307 : memref<1x64x128xf32, #tpu.memory_space<vmem>> -> memref<64x128xf32, #tpu.memory_space<vmem>>
      %dma_start3A_309 = arith.constant 0 : i32
      %dma_start3A_310 = tpu.memref_slice %arg7[%arg0, %add3A_267, %dma_start3A_309] : memref<2x10240x128xf32, #tpu.memory_space<hbm>> -> memref<1x64x128xf32, #tpu.memory_space<hbm>>
      %dma_start3A_311 = tpu.memref_squeeze %dma_start3A_310 : memref<1x64x128xf32, #tpu.memory_space<hbm>> -> memref<64x128xf32, #tpu.memory_space<hbm>>
      %dma_start3A_312 = arith.constant 0 : i32
      %dma_start3A_313 = tpu.memref_slice %arg7[%arg0, %add3A_267, %dma_start3A_312] : memref<2x10240x128xf32, #tpu.memory_space<hbm>> -> memref<1x64x128xf32, #tpu.memory_space<hbm>>
      %dma_start3A_314 = tpu.memref_squeeze %dma_start3A_313 : memref<1x64x128xf32, #tpu.memory_space<hbm>> -> memref<64x128xf32, #tpu.memory_space<hbm>>
      %dma_start3A_315 = arith.constant 0 : i32
      %dma_start3A_316 = arith.constant 0 : i32
      %dma_start3A_317 = tpu.memref_slice %arg15[%run_scoped3A_269, %dma_start3A_315, %dma_start3A_316] : memref<3x64x128xf32, #tpu.memory_space<vmem>> -> memref<1x64x128xf32, #tpu.memory_space<vmem>>
      %dma_start3A_318 = tpu.memref_squeeze %dma_start3A_317 : memref<1x64x128xf32, #tpu.memory_space<vmem>> -> memref<64x128xf32, #tpu.memory_space<vmem>>
      tpu.enqueue_dma source(%dma_start3A_318 : memref<64x128xf32, #tpu.memory_space<vmem>>) target(%dma_start3A_314 : memref<64x128xf32, #tpu.memory_space<hbm>>) target_semaphore(%run_scoped3A_304 : memref<!tpu.dma_semaphore, #tpu.memory_space<semaphore_mem>>)
      %dma_wait3A_319 = arith.constant 0 : i32
      %dma_wait3A_320 = arith.constant 0 : i32
      %dma_wait3A_321 = tpu.memref_slice %arg15[%run_scoped3A_269, %dma_wait3A_319, %dma_wait3A_320] : memref<3x64x128xf32, #tpu.memory_space<vmem>> -> memref<1x64x128xf32, #tpu.memory_space<vmem>>
      %dma_wait3A_322 = tpu.memref_squeeze %dma_wait3A_321 : memref<1x64x128xf32, #tpu.memory_space<vmem>> -> memref<64x128xf32, #tpu.memory_space<vmem>>
      %dma_wait3A_323 = arith.constant 0 : i32
      %dma_wait3A_324 = tpu.memref_slice %arg7[%arg0, %add3A_267, %dma_wait3A_323] : memref<2x10240x128xf32, #tpu.memory_space<hbm>> -> memref<1x64x128xf32, #tpu.memory_space<hbm>>
      %dma_wait3A_325 = tpu.memref_squeeze %dma_wait3A_324 : memref<1x64x128xf32, #tpu.memory_space<hbm>> -> memref<64x128xf32, #tpu.memory_space<hbm>>
      %dma_wait3A_326 = arith.constant 0 : i32
      %dma_wait3A_327 = tpu.memref_slice %arg7[%arg0, %add3A_267, %dma_wait3A_326] : memref<2x10240x128xf32, #tpu.memory_space<hbm>> -> memref<1x64x128xf32, #tpu.memory_space<hbm>>
      %dma_wait3A_328 = tpu.memref_squeeze %dma_wait3A_327 : memref<1x64x128xf32, #tpu.memory_space<hbm>> -> memref<64x128xf32, #tpu.memory_space<hbm>>
      %dma_wait3A_329 = arith.constant 0 : i32
      %dma_wait3A_330 = arith.constant 0 : i32
      %dma_wait3A_331 = tpu.memref_slice %arg15[%run_scoped3A_269, %dma_wait3A_329, %dma_wait3A_330] : memref<3x64x128xf32, #tpu.memory_space<vmem>> -> memref<1x64x128xf32, #tpu.memory_space<vmem>>
      %dma_wait3A_332 = tpu.memref_squeeze %dma_wait3A_331 : memref<1x64x128xf32, #tpu.memory_space<vmem>> -> memref<64x128xf32, #tpu.memory_space<vmem>>
      tpu.wait_dma2 semaphore(%run_scoped3A_304 : memref<!tpu.dma_semaphore, #tpu.memory_space<semaphore_mem>>) src(%dma_wait3A_332 : memref<64x128xf32, #tpu.memory_space<vmem>>) dst(%dma_wait3A_328 : memref<64x128xf32, #tpu.memory_space<hbm>>)
      tpu.yield
    }) : () -> ()
    %mul3A_270 = arith.constant 640 : i32
    %mul3A_271 = arith.muli %arg1, %mul3A_270 : i32
    %add3A_272 = arith.constant 320 : i32
    %add3A_273 = arith.addi %mul3A_271, %add3A_272 : i32
    %run_scoped3A_274 = arith.constant 0 : i32
    "tpu.region"() ({
      %run_scoped3A_304 = tpu.sem_alloc : memref<!tpu.dma_semaphore, #tpu.memory_space<semaphore_mem>>
      %dma_start3A_305 = arith.constant 0 : i32
      %dma_start3A_306 = arith.constant 0 : i32
      %dma_start3A_307 = tpu.memref_slice %arg15[%run_scoped3A_274, %dma_start3A_305, %dma_start3A_306] : memref<3x64x128xf32, #tpu.memory_space<vmem>> -> memref<1x64x128xf32, #tpu.memory_space<vmem>>
      %dma_start3A_308 = tpu.memref_squeeze %dma_start3A_307 : memref<1x64x128xf32, #tpu.memory_space<vmem>> -> memref<64x128xf32, #tpu.memory_space<vmem>>
      %dma_start3A_309 = arith.constant 0 : i32
      %dma_start3A_310 = tpu.memref_slice %arg17[%add3A_273, %dma_start3A_309] : memref<10240x128xf32, #tpu.memory_space<vmem_shared>> -> memref<64x128xf32, #tpu.memory_space<vmem_shared>>
      %dma_start3A_311 = arith.constant 0 : i32
      %dma_start3A_312 = arith.constant 0 : i32
      %dma_start3A_313 = tpu.memref_slice %arg15[%run_scoped3A_274, %dma_start3A_311, %dma_start3A_312] : memref<3x64x128xf32, #tpu.memory_space<vmem>> -> memref<1x64x128xf32, #tpu.memory_space<vmem>>
      %dma_start3A_314 = tpu.memref_squeeze %dma_start3A_313 : memref<1x64x128xf32, #tpu.memory_space<vmem>> -> memref<64x128xf32, #tpu.memory_space<vmem>>
      %dma_start3A_315 = arith.constant 0 : i32
      %dma_start3A_316 = tpu.memref_slice %arg17[%add3A_273, %dma_start3A_315] : memref<10240x128xf32, #tpu.memory_space<vmem_shared>> -> memref<64x128xf32, #tpu.memory_space<vmem_shared>>
      tpu.enqueue_dma source(%dma_start3A_316 : memref<64x128xf32, #tpu.memory_space<vmem_shared>>) target(%dma_start3A_314 : memref<64x128xf32, #tpu.memory_space<vmem>>) target_semaphore(%run_scoped3A_304 : memref<!tpu.dma_semaphore, #tpu.memory_space<semaphore_mem>>)
      %dma_wait3A_317 = arith.constant 0 : i32
      %dma_wait3A_318 = arith.constant 0 : i32
      %dma_wait3A_319 = tpu.memref_slice %arg15[%run_scoped3A_274, %dma_wait3A_317, %dma_wait3A_318] : memref<3x64x128xf32, #tpu.memory_space<vmem>> -> memref<1x64x128xf32, #tpu.memory_space<vmem>>
      %dma_wait3A_320 = tpu.memref_squeeze %dma_wait3A_319 : memref<1x64x128xf32, #tpu.memory_space<vmem>> -> memref<64x128xf32, #tpu.memory_space<vmem>>
      %dma_wait3A_321 = arith.constant 0 : i32
      %dma_wait3A_322 = tpu.memref_slice %arg17[%add3A_273, %dma_wait3A_321] : memref<10240x128xf32, #tpu.memory_space<vmem_shared>> -> memref<64x128xf32, #tpu.memory_space<vmem_shared>>
      %dma_wait3A_323 = arith.constant 0 : i32
      %dma_wait3A_324 = arith.constant 0 : i32
      %dma_wait3A_325 = tpu.memref_slice %arg15[%run_scoped3A_274, %dma_wait3A_323, %dma_wait3A_324] : memref<3x64x128xf32, #tpu.memory_space<vmem>> -> memref<1x64x128xf32, #tpu.memory_space<vmem>>
      %dma_wait3A_326 = tpu.memref_squeeze %dma_wait3A_325 : memref<1x64x128xf32, #tpu.memory_space<vmem>> -> memref<64x128xf32, #tpu.memory_space<vmem>>
      %dma_wait3A_327 = arith.constant 0 : i32
      %dma_wait3A_328 = tpu.memref_slice %arg17[%add3A_273, %dma_wait3A_327] : memref<10240x128xf32, #tpu.memory_space<vmem_shared>> -> memref<64x128xf32, #tpu.memory_space<vmem_shared>>
      tpu.wait_dma2 semaphore(%run_scoped3A_304 : memref<!tpu.dma_semaphore, #tpu.memory_space<semaphore_mem>>) src(%dma_wait3A_328 : memref<64x128xf32, #tpu.memory_space<vmem_shared>>) dst(%dma_wait3A_326 : memref<64x128xf32, #tpu.memory_space<vmem>>)
      tpu.yield
    }) : () -> ()
    %run_scoped3A_275 = arith.constant 0 : i32
    "tpu.region"() ({
      %run_scoped3A_304 = tpu.sem_alloc : memref<!tpu.dma_semaphore, #tpu.memory_space<semaphore_mem>>
      %dma_start3A_305 = arith.constant 0 : i32
      %dma_start3A_306 = arith.constant 0 : i32
      %dma_start3A_307 = tpu.memref_slice %arg15[%run_scoped3A_275, %dma_start3A_305, %dma_start3A_306] : memref<3x64x128xf32, #tpu.memory_space<vmem>> -> memref<1x64x128xf32, #tpu.memory_space<vmem>>
      %dma_start3A_308 = tpu.memref_squeeze %dma_start3A_307 : memref<1x64x128xf32, #tpu.memory_space<vmem>> -> memref<64x128xf32, #tpu.memory_space<vmem>>
      %dma_start3A_309 = arith.constant 0 : i32
      %dma_start3A_310 = tpu.memref_slice %arg7[%arg0, %add3A_273, %dma_start3A_309] : memref<2x10240x128xf32, #tpu.memory_space<hbm>> -> memref<1x64x128xf32, #tpu.memory_space<hbm>>
      %dma_start3A_311 = tpu.memref_squeeze %dma_start3A_310 : memref<1x64x128xf32, #tpu.memory_space<hbm>> -> memref<64x128xf32, #tpu.memory_space<hbm>>
      %dma_start3A_312 = arith.constant 0 : i32
      %dma_start3A_313 = tpu.memref_slice %arg7[%arg0, %add3A_273, %dma_start3A_312] : memref<2x10240x128xf32, #tpu.memory_space<hbm>> -> memref<1x64x128xf32, #tpu.memory_space<hbm>>
      %dma_start3A_314 = tpu.memref_squeeze %dma_start3A_313 : memref<1x64x128xf32, #tpu.memory_space<hbm>> -> memref<64x128xf32, #tpu.memory_space<hbm>>
      %dma_start3A_315 = arith.constant 0 : i32
      %dma_start3A_316 = arith.constant 0 : i32
      %dma_start3A_317 = tpu.memref_slice %arg15[%run_scoped3A_275, %dma_start3A_315, %dma_start3A_316] : memref<3x64x128xf32, #tpu.memory_space<vmem>> -> memref<1x64x128xf32, #tpu.memory_space<vmem>>
      %dma_start3A_318 = tpu.memref_squeeze %dma_start3A_317 : memref<1x64x128xf32, #tpu.memory_space<vmem>> -> memref<64x128xf32, #tpu.memory_space<vmem>>
      tpu.enqueue_dma source(%dma_start3A_318 : memref<64x128xf32, #tpu.memory_space<vmem>>) target(%dma_start3A_314 : memref<64x128xf32, #tpu.memory_space<hbm>>) target_semaphore(%run_scoped3A_304 : memref<!tpu.dma_semaphore, #tpu.memory_space<semaphore_mem>>)
      %dma_wait3A_319 = arith.constant 0 : i32
      %dma_wait3A_320 = arith.constant 0 : i32
      %dma_wait3A_321 = tpu.memref_slice %arg15[%run_scoped3A_275, %dma_wait3A_319, %dma_wait3A_320] : memref<3x64x128xf32, #tpu.memory_space<vmem>> -> memref<1x64x128xf32, #tpu.memory_space<vmem>>
      %dma_wait3A_322 = tpu.memref_squeeze %dma_wait3A_321 : memref<1x64x128xf32, #tpu.memory_space<vmem>> -> memref<64x128xf32, #tpu.memory_space<vmem>>
      %dma_wait3A_323 = arith.constant 0 : i32
      %dma_wait3A_324 = tpu.memref_slice %arg7[%arg0, %add3A_273, %dma_wait3A_323] : memref<2x10240x128xf32, #tpu.memory_space<hbm>> -> memref<1x64x128xf32, #tpu.memory_space<hbm>>
      %dma_wait3A_325 = tpu.memref_squeeze %dma_wait3A_324 : memref<1x64x128xf32, #tpu.memory_space<hbm>> -> memref<64x128xf32, #tpu.memory_space<hbm>>
      %dma_wait3A_326 = arith.constant 0 : i32
      %dma_wait3A_327 = tpu.memref_slice %arg7[%arg0, %add3A_273, %dma_wait3A_326] : memref<2x10240x128xf32, #tpu.memory_space<hbm>> -> memref<1x64x128xf32, #tpu.memory_space<hbm>>
      %dma_wait3A_328 = tpu.memref_squeeze %dma_wait3A_327 : memref<1x64x128xf32, #tpu.memory_space<hbm>> -> memref<64x128xf32, #tpu.memory_space<hbm>>
      %dma_wait3A_329 = arith.constant 0 : i32
      %dma_wait3A_330 = arith.constant 0 : i32
      %dma_wait3A_331 = tpu.memref_slice %arg15[%run_scoped3A_275, %dma_wait3A_329, %dma_wait3A_330] : memref<3x64x128xf32, #tpu.memory_space<vmem>> -> memref<1x64x128xf32, #tpu.memory_space<vmem>>
      %dma_wait3A_332 = tpu.memref_squeeze %dma_wait3A_331 : memref<1x64x128xf32, #tpu.memory_space<vmem>> -> memref<64x128xf32, #tpu.memory_space<vmem>>
      tpu.wait_dma2 semaphore(%run_scoped3A_304 : memref<!tpu.dma_semaphore, #tpu.memory_space<semaphore_mem>>) src(%dma_wait3A_332 : memref<64x128xf32, #tpu.memory_space<vmem>>) dst(%dma_wait3A_328 : memref<64x128xf32, #tpu.memory_space<hbm>>)
      tpu.yield
    }) : () -> ()
    %mul3A_276 = arith.constant 640 : i32
    %mul3A_277 = arith.muli %arg1, %mul3A_276 : i32
    %add3A_278 = arith.constant 384 : i32
    %add3A_279 = arith.addi %mul3A_277, %add3A_278 : i32
    %run_scoped3A_280 = arith.constant 0 : i32
    "tpu.region"() ({
      %run_scoped3A_304 = tpu.sem_alloc : memref<!tpu.dma_semaphore, #tpu.memory_space<semaphore_mem>>
      %dma_start3A_305 = arith.constant 0 : i32
      %dma_start3A_306 = arith.constant 0 : i32
      %dma_start3A_307 = tpu.memref_slice %arg15[%run_scoped3A_280, %dma_start3A_305, %dma_start3A_306] : memref<3x64x128xf32, #tpu.memory_space<vmem>> -> memref<1x64x128xf32, #tpu.memory_space<vmem>>
      %dma_start3A_308 = tpu.memref_squeeze %dma_start3A_307 : memref<1x64x128xf32, #tpu.memory_space<vmem>> -> memref<64x128xf32, #tpu.memory_space<vmem>>
      %dma_start3A_309 = arith.constant 0 : i32
      %dma_start3A_310 = tpu.memref_slice %arg17[%add3A_279, %dma_start3A_309] : memref<10240x128xf32, #tpu.memory_space<vmem_shared>> -> memref<64x128xf32, #tpu.memory_space<vmem_shared>>
      %dma_start3A_311 = arith.constant 0 : i32
      %dma_start3A_312 = arith.constant 0 : i32
      %dma_start3A_313 = tpu.memref_slice %arg15[%run_scoped3A_280, %dma_start3A_311, %dma_start3A_312] : memref<3x64x128xf32, #tpu.memory_space<vmem>> -> memref<1x64x128xf32, #tpu.memory_space<vmem>>
      %dma_start3A_314 = tpu.memref_squeeze %dma_start3A_313 : memref<1x64x128xf32, #tpu.memory_space<vmem>> -> memref<64x128xf32, #tpu.memory_space<vmem>>
      %dma_start3A_315 = arith.constant 0 : i32
      %dma_start3A_316 = tpu.memref_slice %arg17[%add3A_279, %dma_start3A_315] : memref<10240x128xf32, #tpu.memory_space<vmem_shared>> -> memref<64x128xf32, #tpu.memory_space<vmem_shared>>
      tpu.enqueue_dma source(%dma_start3A_316 : memref<64x128xf32, #tpu.memory_space<vmem_shared>>) target(%dma_start3A_314 : memref<64x128xf32, #tpu.memory_space<vmem>>) target_semaphore(%run_scoped3A_304 : memref<!tpu.dma_semaphore, #tpu.memory_space<semaphore_mem>>)
      %dma_wait3A_317 = arith.constant 0 : i32
      %dma_wait3A_318 = arith.constant 0 : i32
      %dma_wait3A_319 = tpu.memref_slice %arg15[%run_scoped3A_280, %dma_wait3A_317, %dma_wait3A_318] : memref<3x64x128xf32, #tpu.memory_space<vmem>> -> memref<1x64x128xf32, #tpu.memory_space<vmem>>
      %dma_wait3A_320 = tpu.memref_squeeze %dma_wait3A_319 : memref<1x64x128xf32, #tpu.memory_space<vmem>> -> memref<64x128xf32, #tpu.memory_space<vmem>>
      %dma_wait3A_321 = arith.constant 0 : i32
      %dma_wait3A_322 = tpu.memref_slice %arg17[%add3A_279, %dma_wait3A_321] : memref<10240x128xf32, #tpu.memory_space<vmem_shared>> -> memref<64x128xf32, #tpu.memory_space<vmem_shared>>
      %dma_wait3A_323 = arith.constant 0 : i32
      %dma_wait3A_324 = arith.constant 0 : i32
      %dma_wait3A_325 = tpu.memref_slice %arg15[%run_scoped3A_280, %dma_wait3A_323, %dma_wait3A_324] : memref<3x64x128xf32, #tpu.memory_space<vmem>> -> memref<1x64x128xf32, #tpu.memory_space<vmem>>
      %dma_wait3A_326 = tpu.memref_squeeze %dma_wait3A_325 : memref<1x64x128xf32, #tpu.memory_space<vmem>> -> memref<64x128xf32, #tpu.memory_space<vmem>>
      %dma_wait3A_327 = arith.constant 0 : i32
      %dma_wait3A_328 = tpu.memref_slice %arg17[%add3A_279, %dma_wait3A_327] : memref<10240x128xf32, #tpu.memory_space<vmem_shared>> -> memref<64x128xf32, #tpu.memory_space<vmem_shared>>
      tpu.wait_dma2 semaphore(%run_scoped3A_304 : memref<!tpu.dma_semaphore, #tpu.memory_space<semaphore_mem>>) src(%dma_wait3A_328 : memref<64x128xf32, #tpu.memory_space<vmem_shared>>) dst(%dma_wait3A_326 : memref<64x128xf32, #tpu.memory_space<vmem>>)
      tpu.yield
    }) : () -> ()
    %run_scoped3A_281 = arith.constant 0 : i32
    "tpu.region"() ({
      %run_scoped3A_304 = tpu.sem_alloc : memref<!tpu.dma_semaphore, #tpu.memory_space<semaphore_mem>>
      %dma_start3A_305 = arith.constant 0 : i32
      %dma_start3A_306 = arith.constant 0 : i32
      %dma_start3A_307 = tpu.memref_slice %arg15[%run_scoped3A_281, %dma_start3A_305, %dma_start3A_306] : memref<3x64x128xf32, #tpu.memory_space<vmem>> -> memref<1x64x128xf32, #tpu.memory_space<vmem>>
      %dma_start3A_308 = tpu.memref_squeeze %dma_start3A_307 : memref<1x64x128xf32, #tpu.memory_space<vmem>> -> memref<64x128xf32, #tpu.memory_space<vmem>>
      %dma_start3A_309 = arith.constant 0 : i32
      %dma_start3A_310 = tpu.memref_slice %arg7[%arg0, %add3A_279, %dma_start3A_309] : memref<2x10240x128xf32, #tpu.memory_space<hbm>> -> memref<1x64x128xf32, #tpu.memory_space<hbm>>
      %dma_start3A_311 = tpu.memref_squeeze %dma_start3A_310 : memref<1x64x128xf32, #tpu.memory_space<hbm>> -> memref<64x128xf32, #tpu.memory_space<hbm>>
      %dma_start3A_312 = arith.constant 0 : i32
      %dma_start3A_313 = tpu.memref_slice %arg7[%arg0, %add3A_279, %dma_start3A_312] : memref<2x10240x128xf32, #tpu.memory_space<hbm>> -> memref<1x64x128xf32, #tpu.memory_space<hbm>>
      %dma_start3A_314 = tpu.memref_squeeze %dma_start3A_313 : memref<1x64x128xf32, #tpu.memory_space<hbm>> -> memref<64x128xf32, #tpu.memory_space<hbm>>
      %dma_start3A_315 = arith.constant 0 : i32
      %dma_start3A_316 = arith.constant 0 : i32
      %dma_start3A_317 = tpu.memref_slice %arg15[%run_scoped3A_281, %dma_start3A_315, %dma_start3A_316] : memref<3x64x128xf32, #tpu.memory_space<vmem>> -> memref<1x64x128xf32, #tpu.memory_space<vmem>>
      %dma_start3A_318 = tpu.memref_squeeze %dma_start3A_317 : memref<1x64x128xf32, #tpu.memory_space<vmem>> -> memref<64x128xf32, #tpu.memory_space<vmem>>
      tpu.enqueue_dma source(%dma_start3A_318 : memref<64x128xf32, #tpu.memory_space<vmem>>) target(%dma_start3A_314 : memref<64x128xf32, #tpu.memory_space<hbm>>) target_semaphore(%run_scoped3A_304 : memref<!tpu.dma_semaphore, #tpu.memory_space<semaphore_mem>>)
      %dma_wait3A_319 = arith.constant 0 : i32
      %dma_wait3A_320 = arith.constant 0 : i32
      %dma_wait3A_321 = tpu.memref_slice %arg15[%run_scoped3A_281, %dma_wait3A_319, %dma_wait3A_320] : memref<3x64x128xf32, #tpu.memory_space<vmem>> -> memref<1x64x128xf32, #tpu.memory_space<vmem>>
      %dma_wait3A_322 = tpu.memref_squeeze %dma_wait3A_321 : memref<1x64x128xf32, #tpu.memory_space<vmem>> -> memref<64x128xf32, #tpu.memory_space<vmem>>
      %dma_wait3A_323 = arith.constant 0 : i32
      %dma_wait3A_324 = tpu.memref_slice %arg7[%arg0, %add3A_279, %dma_wait3A_323] : memref<2x10240x128xf32, #tpu.memory_space<hbm>> -> memref<1x64x128xf32, #tpu.memory_space<hbm>>
      %dma_wait3A_325 = tpu.memref_squeeze %dma_wait3A_324 : memref<1x64x128xf32, #tpu.memory_space<hbm>> -> memref<64x128xf32, #tpu.memory_space<hbm>>
      %dma_wait3A_326 = arith.constant 0 : i32
      %dma_wait3A_327 = tpu.memref_slice %arg7[%arg0, %add3A_279, %dma_wait3A_326] : memref<2x10240x128xf32, #tpu.memory_space<hbm>> -> memref<1x64x128xf32, #tpu.memory_space<hbm>>
      %dma_wait3A_328 = tpu.memref_squeeze %dma_wait3A_327 : memref<1x64x128xf32, #tpu.memory_space<hbm>> -> memref<64x128xf32, #tpu.memory_space<hbm>>
      %dma_wait3A_329 = arith.constant 0 : i32
      %dma_wait3A_330 = arith.constant 0 : i32
      %dma_wait3A_331 = tpu.memref_slice %arg15[%run_scoped3A_281, %dma_wait3A_329, %dma_wait3A_330] : memref<3x64x128xf32, #tpu.memory_space<vmem>> -> memref<1x64x128xf32, #tpu.memory_space<vmem>>
      %dma_wait3A_332 = tpu.memref_squeeze %dma_wait3A_331 : memref<1x64x128xf32, #tpu.memory_space<vmem>> -> memref<64x128xf32, #tpu.memory_space<vmem>>
      tpu.wait_dma2 semaphore(%run_scoped3A_304 : memref<!tpu.dma_semaphore, #tpu.memory_space<semaphore_mem>>) src(%dma_wait3A_332 : memref<64x128xf32, #tpu.memory_space<vmem>>) dst(%dma_wait3A_328 : memref<64x128xf32, #tpu.memory_space<hbm>>)
      tpu.yield
    }) : () -> ()
    %mul3A_282 = arith.constant 640 : i32
    %mul3A_283 = arith.muli %arg1, %mul3A_282 : i32
    %add3A_284 = arith.constant 448 : i32
    %add3A_285 = arith.addi %mul3A_283, %add3A_284 : i32
    %run_scoped3A_286 = arith.constant 0 : i32
    "tpu.region"() ({
      %run_scoped3A_304 = tpu.sem_alloc : memref<!tpu.dma_semaphore, #tpu.memory_space<semaphore_mem>>
      %dma_start3A_305 = arith.constant 0 : i32
      %dma_start3A_306 = arith.constant 0 : i32
      %dma_start3A_307 = tpu.memref_slice %arg15[%run_scoped3A_286, %dma_start3A_305, %dma_start3A_306] : memref<3x64x128xf32, #tpu.memory_space<vmem>> -> memref<1x64x128xf32, #tpu.memory_space<vmem>>
      %dma_start3A_308 = tpu.memref_squeeze %dma_start3A_307 : memref<1x64x128xf32, #tpu.memory_space<vmem>> -> memref<64x128xf32, #tpu.memory_space<vmem>>
      %dma_start3A_309 = arith.constant 0 : i32
      %dma_start3A_310 = tpu.memref_slice %arg17[%add3A_285, %dma_start3A_309] : memref<10240x128xf32, #tpu.memory_space<vmem_shared>> -> memref<64x128xf32, #tpu.memory_space<vmem_shared>>
      %dma_start3A_311 = arith.constant 0 : i32
      %dma_start3A_312 = arith.constant 0 : i32
      %dma_start3A_313 = tpu.memref_slice %arg15[%run_scoped3A_286, %dma_start3A_311, %dma_start3A_312] : memref<3x64x128xf32, #tpu.memory_space<vmem>> -> memref<1x64x128xf32, #tpu.memory_space<vmem>>
      %dma_start3A_314 = tpu.memref_squeeze %dma_start3A_313 : memref<1x64x128xf32, #tpu.memory_space<vmem>> -> memref<64x128xf32, #tpu.memory_space<vmem>>
      %dma_start3A_315 = arith.constant 0 : i32
      %dma_start3A_316 = tpu.memref_slice %arg17[%add3A_285, %dma_start3A_315] : memref<10240x128xf32, #tpu.memory_space<vmem_shared>> -> memref<64x128xf32, #tpu.memory_space<vmem_shared>>
      tpu.enqueue_dma source(%dma_start3A_316 : memref<64x128xf32, #tpu.memory_space<vmem_shared>>) target(%dma_start3A_314 : memref<64x128xf32, #tpu.memory_space<vmem>>) target_semaphore(%run_scoped3A_304 : memref<!tpu.dma_semaphore, #tpu.memory_space<semaphore_mem>>)
      %dma_wait3A_317 = arith.constant 0 : i32
      %dma_wait3A_318 = arith.constant 0 : i32
      %dma_wait3A_319 = tpu.memref_slice %arg15[%run_scoped3A_286, %dma_wait3A_317, %dma_wait3A_318] : memref<3x64x128xf32, #tpu.memory_space<vmem>> -> memref<1x64x128xf32, #tpu.memory_space<vmem>>
      %dma_wait3A_320 = tpu.memref_squeeze %dma_wait3A_319 : memref<1x64x128xf32, #tpu.memory_space<vmem>> -> memref<64x128xf32, #tpu.memory_space<vmem>>
      %dma_wait3A_321 = arith.constant 0 : i32
      %dma_wait3A_322 = tpu.memref_slice %arg17[%add3A_285, %dma_wait3A_321] : memref<10240x128xf32, #tpu.memory_space<vmem_shared>> -> memref<64x128xf32, #tpu.memory_space<vmem_shared>>
      %dma_wait3A_323 = arith.constant 0 : i32
      %dma_wait3A_324 = arith.constant 0 : i32
      %dma_wait3A_325 = tpu.memref_slice %arg15[%run_scoped3A_286, %dma_wait3A_323, %dma_wait3A_324] : memref<3x64x128xf32, #tpu.memory_space<vmem>> -> memref<1x64x128xf32, #tpu.memory_space<vmem>>
      %dma_wait3A_326 = tpu.memref_squeeze %dma_wait3A_325 : memref<1x64x128xf32, #tpu.memory_space<vmem>> -> memref<64x128xf32, #tpu.memory_space<vmem>>
      %dma_wait3A_327 = arith.constant 0 : i32
      %dma_wait3A_328 = tpu.memref_slice %arg17[%add3A_285, %dma_wait3A_327] : memref<10240x128xf32, #tpu.memory_space<vmem_shared>> -> memref<64x128xf32, #tpu.memory_space<vmem_shared>>
      tpu.wait_dma2 semaphore(%run_scoped3A_304 : memref<!tpu.dma_semaphore, #tpu.memory_space<semaphore_mem>>) src(%dma_wait3A_328 : memref<64x128xf32, #tpu.memory_space<vmem_shared>>) dst(%dma_wait3A_326 : memref<64x128xf32, #tpu.memory_space<vmem>>)
      tpu.yield
    }) : () -> ()
    %run_scoped3A_287 = arith.constant 0 : i32
    "tpu.region"() ({
      %run_scoped3A_304 = tpu.sem_alloc : memref<!tpu.dma_semaphore, #tpu.memory_space<semaphore_mem>>
      %dma_start3A_305 = arith.constant 0 : i32
      %dma_start3A_306 = arith.constant 0 : i32
      %dma_start3A_307 = tpu.memref_slice %arg15[%run_scoped3A_287, %dma_start3A_305, %dma_start3A_306] : memref<3x64x128xf32, #tpu.memory_space<vmem>> -> memref<1x64x128xf32, #tpu.memory_space<vmem>>
      %dma_start3A_308 = tpu.memref_squeeze %dma_start3A_307 : memref<1x64x128xf32, #tpu.memory_space<vmem>> -> memref<64x128xf32, #tpu.memory_space<vmem>>
      %dma_start3A_309 = arith.constant 0 : i32
      %dma_start3A_310 = tpu.memref_slice %arg7[%arg0, %add3A_285, %dma_start3A_309] : memref<2x10240x128xf32, #tpu.memory_space<hbm>> -> memref<1x64x128xf32, #tpu.memory_space<hbm>>
      %dma_start3A_311 = tpu.memref_squeeze %dma_start3A_310 : memref<1x64x128xf32, #tpu.memory_space<hbm>> -> memref<64x128xf32, #tpu.memory_space<hbm>>
      %dma_start3A_312 = arith.constant 0 : i32
      %dma_start3A_313 = tpu.memref_slice %arg7[%arg0, %add3A_285, %dma_start3A_312] : memref<2x10240x128xf32, #tpu.memory_space<hbm>> -> memref<1x64x128xf32, #tpu.memory_space<hbm>>
      %dma_start3A_314 = tpu.memref_squeeze %dma_start3A_313 : memref<1x64x128xf32, #tpu.memory_space<hbm>> -> memref<64x128xf32, #tpu.memory_space<hbm>>
      %dma_start3A_315 = arith.constant 0 : i32
      %dma_start3A_316 = arith.constant 0 : i32
      %dma_start3A_317 = tpu.memref_slice %arg15[%run_scoped3A_287, %dma_start3A_315, %dma_start3A_316] : memref<3x64x128xf32, #tpu.memory_space<vmem>> -> memref<1x64x128xf32, #tpu.memory_space<vmem>>
      %dma_start3A_318 = tpu.memref_squeeze %dma_start3A_317 : memref<1x64x128xf32, #tpu.memory_space<vmem>> -> memref<64x128xf32, #tpu.memory_space<vmem>>
      tpu.enqueue_dma source(%dma_start3A_318 : memref<64x128xf32, #tpu.memory_space<vmem>>) target(%dma_start3A_314 : memref<64x128xf32, #tpu.memory_space<hbm>>) target_semaphore(%run_scoped3A_304 : memref<!tpu.dma_semaphore, #tpu.memory_space<semaphore_mem>>)
      %dma_wait3A_319 = arith.constant 0 : i32
      %dma_wait3A_320 = arith.constant 0 : i32
      %dma_wait3A_321 = tpu.memref_slice %arg15[%run_scoped3A_287, %dma_wait3A_319, %dma_wait3A_320] : memref<3x64x128xf32, #tpu.memory_space<vmem>> -> memref<1x64x128xf32, #tpu.memory_space<vmem>>
      %dma_wait3A_322 = tpu.memref_squeeze %dma_wait3A_321 : memref<1x64x128xf32, #tpu.memory_space<vmem>> -> memref<64x128xf32, #tpu.memory_space<vmem>>
      %dma_wait3A_323 = arith.constant 0 : i32
      %dma_wait3A_324 = tpu.memref_slice %arg7[%arg0, %add3A_285, %dma_wait3A_323] : memref<2x10240x128xf32, #tpu.memory_space<hbm>> -> memref<1x64x128xf32, #tpu.memory_space<hbm>>
      %dma_wait3A_325 = tpu.memref_squeeze %dma_wait3A_324 : memref<1x64x128xf32, #tpu.memory_space<hbm>> -> memref<64x128xf32, #tpu.memory_space<hbm>>
      %dma_wait3A_326 = arith.constant 0 : i32
      %dma_wait3A_327 = tpu.memref_slice %arg7[%arg0, %add3A_285, %dma_wait3A_326] : memref<2x10240x128xf32, #tpu.memory_space<hbm>> -> memref<1x64x128xf32, #tpu.memory_space<hbm>>
      %dma_wait3A_328 = tpu.memref_squeeze %dma_wait3A_327 : memref<1x64x128xf32, #tpu.memory_space<hbm>> -> memref<64x128xf32, #tpu.memory_space<hbm>>
      %dma_wait3A_329 = arith.constant 0 : i32
      %dma_wait3A_330 = arith.constant 0 : i32
      %dma_wait3A_331 = tpu.memref_slice %arg15[%run_scoped3A_287, %dma_wait3A_329, %dma_wait3A_330] : memref<3x64x128xf32, #tpu.memory_space<vmem>> -> memref<1x64x128xf32, #tpu.memory_space<vmem>>
      %dma_wait3A_332 = tpu.memref_squeeze %dma_wait3A_331 : memref<1x64x128xf32, #tpu.memory_space<vmem>> -> memref<64x128xf32, #tpu.memory_space<vmem>>
      tpu.wait_dma2 semaphore(%run_scoped3A_304 : memref<!tpu.dma_semaphore, #tpu.memory_space<semaphore_mem>>) src(%dma_wait3A_332 : memref<64x128xf32, #tpu.memory_space<vmem>>) dst(%dma_wait3A_328 : memref<64x128xf32, #tpu.memory_space<hbm>>)
      tpu.yield
    }) : () -> ()
    %mul3A_288 = arith.constant 640 : i32
    %mul3A_289 = arith.muli %arg1, %mul3A_288 : i32
    %add3A_290 = arith.constant 512 : i32
    %add3A_291 = arith.addi %mul3A_289, %add3A_290 : i32
    %run_scoped3A_292 = arith.constant 0 : i32
    "tpu.region"() ({
      %run_scoped3A_304 = tpu.sem_alloc : memref<!tpu.dma_semaphore, #tpu.memory_space<semaphore_mem>>
      %dma_start3A_305 = arith.constant 0 : i32
      %dma_start3A_306 = arith.constant 0 : i32
      %dma_start3A_307 = tpu.memref_slice %arg15[%run_scoped3A_292, %dma_start3A_305, %dma_start3A_306] : memref<3x64x128xf32, #tpu.memory_space<vmem>> -> memref<1x64x128xf32, #tpu.memory_space<vmem>>
      %dma_start3A_308 = tpu.memref_squeeze %dma_start3A_307 : memref<1x64x128xf32, #tpu.memory_space<vmem>> -> memref<64x128xf32, #tpu.memory_space<vmem>>
      %dma_start3A_309 = arith.constant 0 : i32
      %dma_start3A_310 = tpu.memref_slice %arg17[%add3A_291, %dma_start3A_309] : memref<10240x128xf32, #tpu.memory_space<vmem_shared>> -> memref<64x128xf32, #tpu.memory_space<vmem_shared>>
      %dma_start3A_311 = arith.constant 0 : i32
      %dma_start3A_312 = arith.constant 0 : i32
      %dma_start3A_313 = tpu.memref_slice %arg15[%run_scoped3A_292, %dma_start3A_311, %dma_start3A_312] : memref<3x64x128xf32, #tpu.memory_space<vmem>> -> memref<1x64x128xf32, #tpu.memory_space<vmem>>
      %dma_start3A_314 = tpu.memref_squeeze %dma_start3A_313 : memref<1x64x128xf32, #tpu.memory_space<vmem>> -> memref<64x128xf32, #tpu.memory_space<vmem>>
      %dma_start3A_315 = arith.constant 0 : i32
      %dma_start3A_316 = tpu.memref_slice %arg17[%add3A_291, %dma_start3A_315] : memref<10240x128xf32, #tpu.memory_space<vmem_shared>> -> memref<64x128xf32, #tpu.memory_space<vmem_shared>>
      tpu.enqueue_dma source(%dma_start3A_316 : memref<64x128xf32, #tpu.memory_space<vmem_shared>>) target(%dma_start3A_314 : memref<64x128xf32, #tpu.memory_space<vmem>>) target_semaphore(%run_scoped3A_304 : memref<!tpu.dma_semaphore, #tpu.memory_space<semaphore_mem>>)
      %dma_wait3A_317 = arith.constant 0 : i32
      %dma_wait3A_318 = arith.constant 0 : i32
      %dma_wait3A_319 = tpu.memref_slice %arg15[%run_scoped3A_292, %dma_wait3A_317, %dma_wait3A_318] : memref<3x64x128xf32, #tpu.memory_space<vmem>> -> memref<1x64x128xf32, #tpu.memory_space<vmem>>
      %dma_wait3A_320 = tpu.memref_squeeze %dma_wait3A_319 : memref<1x64x128xf32, #tpu.memory_space<vmem>> -> memref<64x128xf32, #tpu.memory_space<vmem>>
      %dma_wait3A_321 = arith.constant 0 : i32
      %dma_wait3A_322 = tpu.memref_slice %arg17[%add3A_291, %dma_wait3A_321] : memref<10240x128xf32, #tpu.memory_space<vmem_shared>> -> memref<64x128xf32, #tpu.memory_space<vmem_shared>>
      %dma_wait3A_323 = arith.constant 0 : i32
      %dma_wait3A_324 = arith.constant 0 : i32
      %dma_wait3A_325 = tpu.memref_slice %arg15[%run_scoped3A_292, %dma_wait3A_323, %dma_wait3A_324] : memref<3x64x128xf32, #tpu.memory_space<vmem>> -> memref<1x64x128xf32, #tpu.memory_space<vmem>>
      %dma_wait3A_326 = tpu.memref_squeeze %dma_wait3A_325 : memref<1x64x128xf32, #tpu.memory_space<vmem>> -> memref<64x128xf32, #tpu.memory_space<vmem>>
      %dma_wait3A_327 = arith.constant 0 : i32
      %dma_wait3A_328 = tpu.memref_slice %arg17[%add3A_291, %dma_wait3A_327] : memref<10240x128xf32, #tpu.memory_space<vmem_shared>> -> memref<64x128xf32, #tpu.memory_space<vmem_shared>>
      tpu.wait_dma2 semaphore(%run_scoped3A_304 : memref<!tpu.dma_semaphore, #tpu.memory_space<semaphore_mem>>) src(%dma_wait3A_328 : memref<64x128xf32, #tpu.memory_space<vmem_shared>>) dst(%dma_wait3A_326 : memref<64x128xf32, #tpu.memory_space<vmem>>)
      tpu.yield
    }) : () -> ()
    %run_scoped3A_293 = arith.constant 0 : i32
    "tpu.region"() ({
      %run_scoped3A_304 = tpu.sem_alloc : memref<!tpu.dma_semaphore, #tpu.memory_space<semaphore_mem>>
      %dma_start3A_305 = arith.constant 0 : i32
      %dma_start3A_306 = arith.constant 0 : i32
      %dma_start3A_307 = tpu.memref_slice %arg15[%run_scoped3A_293, %dma_start3A_305, %dma_start3A_306] : memref<3x64x128xf32, #tpu.memory_space<vmem>> -> memref<1x64x128xf32, #tpu.memory_space<vmem>>
      %dma_start3A_308 = tpu.memref_squeeze %dma_start3A_307 : memref<1x64x128xf32, #tpu.memory_space<vmem>> -> memref<64x128xf32, #tpu.memory_space<vmem>>
      %dma_start3A_309 = arith.constant 0 : i32
      %dma_start3A_310 = tpu.memref_slice %arg7[%arg0, %add3A_291, %dma_start3A_309] : memref<2x10240x128xf32, #tpu.memory_space<hbm>> -> memref<1x64x128xf32, #tpu.memory_space<hbm>>
      %dma_start3A_311 = tpu.memref_squeeze %dma_start3A_310 : memref<1x64x128xf32, #tpu.memory_space<hbm>> -> memref<64x128xf32, #tpu.memory_space<hbm>>
      %dma_start3A_312 = arith.constant 0 : i32
      %dma_start3A_313 = tpu.memref_slice %arg7[%arg0, %add3A_291, %dma_start3A_312] : memref<2x10240x128xf32, #tpu.memory_space<hbm>> -> memref<1x64x128xf32, #tpu.memory_space<hbm>>
      %dma_start3A_314 = tpu.memref_squeeze %dma_start3A_313 : memref<1x64x128xf32, #tpu.memory_space<hbm>> -> memref<64x128xf32, #tpu.memory_space<hbm>>
      %dma_start3A_315 = arith.constant 0 : i32
      %dma_start3A_316 = arith.constant 0 : i32
      %dma_start3A_317 = tpu.memref_slice %arg15[%run_scoped3A_293, %dma_start3A_315, %dma_start3A_316] : memref<3x64x128xf32, #tpu.memory_space<vmem>> -> memref<1x64x128xf32, #tpu.memory_space<vmem>>
      %dma_start3A_318 = tpu.memref_squeeze %dma_start3A_317 : memref<1x64x128xf32, #tpu.memory_space<vmem>> -> memref<64x128xf32, #tpu.memory_space<vmem>>
      tpu.enqueue_dma source(%dma_start3A_318 : memref<64x128xf32, #tpu.memory_space<vmem>>) target(%dma_start3A_314 : memref<64x128xf32, #tpu.memory_space<hbm>>) target_semaphore(%run_scoped3A_304 : memref<!tpu.dma_semaphore, #tpu.memory_space<semaphore_mem>>)
      %dma_wait3A_319 = arith.constant 0 : i32
      %dma_wait3A_320 = arith.constant 0 : i32
      %dma_wait3A_321 = tpu.memref_slice %arg15[%run_scoped3A_293, %dma_wait3A_319, %dma_wait3A_320] : memref<3x64x128xf32, #tpu.memory_space<vmem>> -> memref<1x64x128xf32, #tpu.memory_space<vmem>>
      %dma_wait3A_322 = tpu.memref_squeeze %dma_wait3A_321 : memref<1x64x128xf32, #tpu.memory_space<vmem>> -> memref<64x128xf32, #tpu.memory_space<vmem>>
      %dma_wait3A_323 = arith.constant 0 : i32
      %dma_wait3A_324 = tpu.memref_slice %arg7[%arg0, %add3A_291, %dma_wait3A_323] : memref<2x10240x128xf32, #tpu.memory_space<hbm>> -> memref<1x64x128xf32, #tpu.memory_space<hbm>>
      %dma_wait3A_325 = tpu.memref_squeeze %dma_wait3A_324 : memref<1x64x128xf32, #tpu.memory_space<hbm>> -> memref<64x128xf32, #tpu.memory_space<hbm>>
      %dma_wait3A_326 = arith.constant 0 : i32
      %dma_wait3A_327 = tpu.memref_slice %arg7[%arg0, %add3A_291, %dma_wait3A_326] : memref<2x10240x128xf32, #tpu.memory_space<hbm>> -> memref<1x64x128xf32, #tpu.memory_space<hbm>>
      %dma_wait3A_328 = tpu.memref_squeeze %dma_wait3A_327 : memref<1x64x128xf32, #tpu.memory_space<hbm>> -> memref<64x128xf32, #tpu.memory_space<hbm>>
      %dma_wait3A_329 = arith.constant 0 : i32
      %dma_wait3A_330 = arith.constant 0 : i32
      %dma_wait3A_331 = tpu.memref_slice %arg15[%run_scoped3A_293, %dma_wait3A_329, %dma_wait3A_330] : memref<3x64x128xf32, #tpu.memory_space<vmem>> -> memref<1x64x128xf32, #tpu.memory_space<vmem>>
      %dma_wait3A_332 = tpu.memref_squeeze %dma_wait3A_331 : memref<1x64x128xf32, #tpu.memory_space<vmem>> -> memref<64x128xf32, #tpu.memory_space<vmem>>
      tpu.wait_dma2 semaphore(%run_scoped3A_304 : memref<!tpu.dma_semaphore, #tpu.memory_space<semaphore_mem>>) src(%dma_wait3A_332 : memref<64x128xf32, #tpu.memory_space<vmem>>) dst(%dma_wait3A_328 : memref<64x128xf32, #tpu.memory_space<hbm>>)
      tpu.yield
    }) : () -> ()
    %mul3A_294 = arith.constant 640 : i32
    %mul3A_295 = arith.muli %arg1, %mul3A_294 : i32
    %add3A_296 = arith.constant 576 : i32
    %add3A_297 = arith.addi %mul3A_295, %add3A_296 : i32
    %run_scoped3A_298 = arith.constant 0 : i32
    "tpu.region"() ({
      %run_scoped3A_304 = tpu.sem_alloc : memref<!tpu.dma_semaphore, #tpu.memory_space<semaphore_mem>>
      %dma_start3A_305 = arith.constant 0 : i32
      %dma_start3A_306 = arith.constant 0 : i32
      %dma_start3A_307 = tpu.memref_slice %arg15[%run_scoped3A_298, %dma_start3A_305, %dma_start3A_306] : memref<3x64x128xf32, #tpu.memory_space<vmem>> -> memref<1x64x128xf32, #tpu.memory_space<vmem>>
      %dma_start3A_308 = tpu.memref_squeeze %dma_start3A_307 : memref<1x64x128xf32, #tpu.memory_space<vmem>> -> memref<64x128xf32, #tpu.memory_space<vmem>>
      %dma_start3A_309 = arith.constant 0 : i32
      %dma_start3A_310 = tpu.memref_slice %arg17[%add3A_297, %dma_start3A_309] : memref<10240x128xf32, #tpu.memory_space<vmem_shared>> -> memref<64x128xf32, #tpu.memory_space<vmem_shared>>
      %dma_start3A_311 = arith.constant 0 : i32
      %dma_start3A_312 = arith.constant 0 : i32
      %dma_start3A_313 = tpu.memref_slice %arg15[%run_scoped3A_298, %dma_start3A_311, %dma_start3A_312] : memref<3x64x128xf32, #tpu.memory_space<vmem>> -> memref<1x64x128xf32, #tpu.memory_space<vmem>>
      %dma_start3A_314 = tpu.memref_squeeze %dma_start3A_313 : memref<1x64x128xf32, #tpu.memory_space<vmem>> -> memref<64x128xf32, #tpu.memory_space<vmem>>
      %dma_start3A_315 = arith.constant 0 : i32
      %dma_start3A_316 = tpu.memref_slice %arg17[%add3A_297, %dma_start3A_315] : memref<10240x128xf32, #tpu.memory_space<vmem_shared>> -> memref<64x128xf32, #tpu.memory_space<vmem_shared>>
      tpu.enqueue_dma source(%dma_start3A_316 : memref<64x128xf32, #tpu.memory_space<vmem_shared>>) target(%dma_start3A_314 : memref<64x128xf32, #tpu.memory_space<vmem>>) target_semaphore(%run_scoped3A_304 : memref<!tpu.dma_semaphore, #tpu.memory_space<semaphore_mem>>)
      %dma_wait3A_317 = arith.constant 0 : i32
      %dma_wait3A_318 = arith.constant 0 : i32
      %dma_wait3A_319 = tpu.memref_slice %arg15[%run_scoped3A_298, %dma_wait3A_317, %dma_wait3A_318] : memref<3x64x128xf32, #tpu.memory_space<vmem>> -> memref<1x64x128xf32, #tpu.memory_space<vmem>>
      %dma_wait3A_320 = tpu.memref_squeeze %dma_wait3A_319 : memref<1x64x128xf32, #tpu.memory_space<vmem>> -> memref<64x128xf32, #tpu.memory_space<vmem>>
      %dma_wait3A_321 = arith.constant 0 : i32
      %dma_wait3A_322 = tpu.memref_slice %arg17[%add3A_297, %dma_wait3A_321] : memref<10240x128xf32, #tpu.memory_space<vmem_shared>> -> memref<64x128xf32, #tpu.memory_space<vmem_shared>>
      %dma_wait3A_323 = arith.constant 0 : i32
      %dma_wait3A_324 = arith.constant 0 : i32
      %dma_wait3A_325 = tpu.memref_slice %arg15[%run_scoped3A_298, %dma_wait3A_323, %dma_wait3A_324] : memref<3x64x128xf32, #tpu.memory_space<vmem>> -> memref<1x64x128xf32, #tpu.memory_space<vmem>>
      %dma_wait3A_326 = tpu.memref_squeeze %dma_wait3A_325 : memref<1x64x128xf32, #tpu.memory_space<vmem>> -> memref<64x128xf32, #tpu.memory_space<vmem>>
      %dma_wait3A_327 = arith.constant 0 : i32
      %dma_wait3A_328 = tpu.memref_slice %arg17[%add3A_297, %dma_wait3A_327] : memref<10240x128xf32, #tpu.memory_space<vmem_shared>> -> memref<64x128xf32, #tpu.memory_space<vmem_shared>>
      tpu.wait_dma2 semaphore(%run_scoped3A_304 : memref<!tpu.dma_semaphore, #tpu.memory_space<semaphore_mem>>) src(%dma_wait3A_328 : memref<64x128xf32, #tpu.memory_space<vmem_shared>>) dst(%dma_wait3A_326 : memref<64x128xf32, #tpu.memory_space<vmem>>)
      tpu.yield
    }) : () -> ()
    %run_scoped3A_299 = arith.constant 0 : i32
    "tpu.region"() ({
      %run_scoped3A_304 = tpu.sem_alloc : memref<!tpu.dma_semaphore, #tpu.memory_space<semaphore_mem>>
      %dma_start3A_305 = arith.constant 0 : i32
      %dma_start3A_306 = arith.constant 0 : i32
      %dma_start3A_307 = tpu.memref_slice %arg15[%run_scoped3A_299, %dma_start3A_305, %dma_start3A_306] : memref<3x64x128xf32, #tpu.memory_space<vmem>> -> memref<1x64x128xf32, #tpu.memory_space<vmem>>
      %dma_start3A_308 = tpu.memref_squeeze %dma_start3A_307 : memref<1x64x128xf32, #tpu.memory_space<vmem>> -> memref<64x128xf32, #tpu.memory_space<vmem>>
      %dma_start3A_309 = arith.constant 0 : i32
      %dma_start3A_310 = tpu.memref_slice %arg7[%arg0, %add3A_297, %dma_start3A_309] : memref<2x10240x128xf32, #tpu.memory_space<hbm>> -> memref<1x64x128xf32, #tpu.memory_space<hbm>>
      %dma_start3A_311 = tpu.memref_squeeze %dma_start3A_310 : memref<1x64x128xf32, #tpu.memory_space<hbm>> -> memref<64x128xf32, #tpu.memory_space<hbm>>
      %dma_start3A_312 = arith.constant 0 : i32
      %dma_start3A_313 = tpu.memref_slice %arg7[%arg0, %add3A_297, %dma_start3A_312] : memref<2x10240x128xf32, #tpu.memory_space<hbm>> -> memref<1x64x128xf32, #tpu.memory_space<hbm>>
      %dma_start3A_314 = tpu.memref_squeeze %dma_start3A_313 : memref<1x64x128xf32, #tpu.memory_space<hbm>> -> memref<64x128xf32, #tpu.memory_space<hbm>>
      %dma_start3A_315 = arith.constant 0 : i32
      %dma_start3A_316 = arith.constant 0 : i32
      %dma_start3A_317 = tpu.memref_slice %arg15[%run_scoped3A_299, %dma_start3A_315, %dma_start3A_316] : memref<3x64x128xf32, #tpu.memory_space<vmem>> -> memref<1x64x128xf32, #tpu.memory_space<vmem>>
      %dma_start3A_318 = tpu.memref_squeeze %dma_start3A_317 : memref<1x64x128xf32, #tpu.memory_space<vmem>> -> memref<64x128xf32, #tpu.memory_space<vmem>>
      tpu.enqueue_dma source(%dma_start3A_318 : memref<64x128xf32, #tpu.memory_space<vmem>>) target(%dma_start3A_314 : memref<64x128xf32, #tpu.memory_space<hbm>>) target_semaphore(%run_scoped3A_304 : memref<!tpu.dma_semaphore, #tpu.memory_space<semaphore_mem>>)
      %dma_wait3A_319 = arith.constant 0 : i32
      %dma_wait3A_320 = arith.constant 0 : i32
      %dma_wait3A_321 = tpu.memref_slice %arg15[%run_scoped3A_299, %dma_wait3A_319, %dma_wait3A_320] : memref<3x64x128xf32, #tpu.memory_space<vmem>> -> memref<1x64x128xf32, #tpu.memory_space<vmem>>
      %dma_wait3A_322 = tpu.memref_squeeze %dma_wait3A_321 : memref<1x64x128xf32, #tpu.memory_space<vmem>> -> memref<64x128xf32, #tpu.memory_space<vmem>>
      %dma_wait3A_323 = arith.constant 0 : i32
      %dma_wait3A_324 = tpu.memref_slice %arg7[%arg0, %add3A_297, %dma_wait3A_323] : memref<2x10240x128xf32, #tpu.memory_space<hbm>> -> memref<1x64x128xf32, #tpu.memory_space<hbm>>
      %dma_wait3A_325 = tpu.memref_squeeze %dma_wait3A_324 : memref<1x64x128xf32, #tpu.memory_space<hbm>> -> memref<64x128xf32, #tpu.memory_space<hbm>>
      %dma_wait3A_326 = arith.constant 0 : i32
      %dma_wait3A_327 = tpu.memref_slice %arg7[%arg0, %add3A_297, %dma_wait3A_326] : memref<2x10240x128xf32, #tpu.memory_space<hbm>> -> memref<1x64x128xf32, #tpu.memory_space<hbm>>
      %dma_wait3A_328 = tpu.memref_squeeze %dma_wait3A_327 : memref<1x64x128xf32, #tpu.memory_space<hbm>> -> memref<64x128xf32, #tpu.memory_space<hbm>>
      %dma_wait3A_329 = arith.constant 0 : i32
      %dma_wait3A_330 = arith.constant 0 : i32
      %dma_wait3A_331 = tpu.memref_slice %arg15[%run_scoped3A_299, %dma_wait3A_329, %dma_wait3A_330] : memref<3x64x128xf32, #tpu.memory_space<vmem>> -> memref<1x64x128xf32, #tpu.memory_space<vmem>>
      %dma_wait3A_332 = tpu.memref_squeeze %dma_wait3A_331 : memref<1x64x128xf32, #tpu.memory_space<vmem>> -> memref<64x128xf32, #tpu.memory_space<vmem>>
      tpu.wait_dma2 semaphore(%run_scoped3A_304 : memref<!tpu.dma_semaphore, #tpu.memory_space<semaphore_mem>>) src(%dma_wait3A_332 : memref<64x128xf32, #tpu.memory_space<vmem>>) dst(%dma_wait3A_328 : memref<64x128xf32, #tpu.memory_space<hbm>>)
      tpu.yield
    }) : () -> ()
    %mul3A_300 = arith.constant 640 : i32
    %mul3A_301 = arith.muli %arg1, %mul3A_300 : i32
    "tpu.region"() ({
      %run_scoped3A_304 = tpu.sem_alloc : memref<!tpu.dma_semaphore, #tpu.memory_space<semaphore_mem>>
      %dma_start3A_305 = tpu.memref_slice %arg18[%mul3A_301] : memref<10240xf32, #tpu.memory_space<vmem_shared>> -> memref<640xf32, #tpu.memory_space<vmem_shared>>
      %dma_start3A_306 = tpu.memref_slice %arg18[%mul3A_301] : memref<10240xf32, #tpu.memory_space<vmem_shared>> -> memref<640xf32, #tpu.memory_space<vmem_shared>>
      tpu.enqueue_dma source(%dma_start3A_306 : memref<640xf32, #tpu.memory_space<vmem_shared>>) target(%arg16 : memref<640xf32, #tpu.memory_space<vmem>>) target_semaphore(%run_scoped3A_304 : memref<!tpu.dma_semaphore, #tpu.memory_space<semaphore_mem>>)
      %dma_wait3A_307 = tpu.memref_slice %arg18[%mul3A_301] : memref<10240xf32, #tpu.memory_space<vmem_shared>> -> memref<640xf32, #tpu.memory_space<vmem_shared>>
      %dma_wait3A_308 = tpu.memref_slice %arg18[%mul3A_301] : memref<10240xf32, #tpu.memory_space<vmem_shared>> -> memref<640xf32, #tpu.memory_space<vmem_shared>>
      tpu.wait_dma2 semaphore(%run_scoped3A_304 : memref<!tpu.dma_semaphore, #tpu.memory_space<semaphore_mem>>) src(%dma_wait3A_308 : memref<640xf32, #tpu.memory_space<vmem_shared>>) dst(%arg16 : memref<640xf32, #tpu.memory_space<vmem>>)
      tpu.yield
    }) : () -> ()
    %mul3A_302 = arith.constant 640 : i32
    %mul3A_303 = arith.muli %arg1, %mul3A_302 : i32
    "tpu.region"() ({
      %run_scoped3A_304 = tpu.sem_alloc : memref<!tpu.dma_semaphore, #tpu.memory_space<semaphore_mem>>
      %dma_start3A_305 = tpu.memref_slice %arg8[%arg0, %mul3A_303] : memref<2x10240xf32, #tpu.memory_space<hbm>> -> memref<1x640xf32, #tpu.memory_space<hbm>>
      %dma_start3A_306 = tpu.memref_squeeze %dma_start3A_305 : memref<1x640xf32, #tpu.memory_space<hbm>> -> memref<640xf32, #tpu.memory_space<hbm>>
      %dma_start3A_307 = tpu.memref_slice %arg8[%arg0, %mul3A_303] : memref<2x10240xf32, #tpu.memory_space<hbm>> -> memref<1x640xf32, #tpu.memory_space<hbm>>
      %dma_start3A_308 = tpu.memref_squeeze %dma_start3A_307 : memref<1x640xf32, #tpu.memory_space<hbm>> -> memref<640xf32, #tpu.memory_space<hbm>>
      tpu.enqueue_dma source(%arg16 : memref<640xf32, #tpu.memory_space<vmem>>) target(%dma_start3A_308 : memref<640xf32, #tpu.memory_space<hbm>>) target_semaphore(%run_scoped3A_304 : memref<!tpu.dma_semaphore, #tpu.memory_space<semaphore_mem>>)
      %dma_wait3A_309 = tpu.memref_slice %arg8[%arg0, %mul3A_303] : memref<2x10240xf32, #tpu.memory_space<hbm>> -> memref<1x640xf32, #tpu.memory_space<hbm>>
      %dma_wait3A_310 = tpu.memref_squeeze %dma_wait3A_309 : memref<1x640xf32, #tpu.memory_space<hbm>> -> memref<640xf32, #tpu.memory_space<hbm>>
      %dma_wait3A_311 = tpu.memref_slice %arg8[%arg0, %mul3A_303] : memref<2x10240xf32, #tpu.memory_space<hbm>> -> memref<1x640xf32, #tpu.memory_space<hbm>>
      %dma_wait3A_312 = tpu.memref_squeeze %dma_wait3A_311 : memref<1x640xf32, #tpu.memory_space<hbm>> -> memref<640xf32, #tpu.memory_space<hbm>>
      tpu.wait_dma2 semaphore(%run_scoped3A_304 : memref<!tpu.dma_semaphore, #tpu.memory_space<semaphore_mem>>) src(%arg16 : memref<640xf32, #tpu.memory_space<vmem>>) dst(%dma_wait3A_312 : memref<640xf32, #tpu.memory_space<hbm>>)
      tpu.yield
    }) : () -> ()
    return
  }
}

module attributes {stable_mosaic.version = 14 : i64} {
  func.func @_k1_body(%arg0: i32, %arg1: memref<1000x128xf32, #tpu.memory_space<vmem>>, %arg2: memref<1000x128xf32, #tpu.memory_space<vmem>>, %arg3: memref<128x128xf32, #tpu.memory_space<vmem>>, %arg4: memref<128x128xf32, #tpu.memory_space<vmem>>, %arg5: memref<1x128xf32, #tpu.memory_space<vmem>>, %arg6: memref<1x128xf32, #tpu.memory_space<vmem>>, %arg7: memref<1000x128xf32, #tpu.memory_space<vmem>>, %arg8: memref<1000x1xf32, #tpu.memory_space<vmem>>, %arg9: memref<1000x1xf32, #tpu.memory_space<vmem>>) attributes {dimension_semantics = [#tpu.dimension_semantics<arbitrary>], iteration_bounds = array<i64: 10>, scalar_prefetch = 0 : i64, scratch_operands = 0 : i64, tpu.core_type = #tpu.core_type<tc>, window_params = [{transform_indices = @transform_0, window_bounds = array<i64: 1000, 128>}, {transform_indices = @transform_1, window_bounds = array<i64: 1000, 128>}, {pipeline_mode = #tpu.pipeline_mode<synchronous>, transform_indices = @transform_2, window_bounds = array<i64: 128, 128>}, {pipeline_mode = #tpu.pipeline_mode<synchronous>, transform_indices = @transform_3, window_bounds = array<i64: 128, 128>}, {pipeline_mode = #tpu.pipeline_mode<synchronous>, transform_indices = @transform_4, window_bounds = array<i64: 1, 128>}, {pipeline_mode = #tpu.pipeline_mode<synchronous>, transform_indices = @transform_5, window_bounds = array<i64: 1, 128>}, {transform_indices = @transform_6, window_bounds = array<i64: 1000, 128>}, {transform_indices = @transform_7, window_bounds = array<i64: 1000, 1>}, {transform_indices = @transform_8, window_bounds = array<i64: 1000, 1>}]} {
    %get3A = arith.constant 0 : index
    %get3A_0 = arith.constant 0 : index
    %get3A_1 = vector.load %arg1[%get3A, %get3A_0] : memref<1000x128xf32, #tpu.memory_space<vmem>>, vector<1000x128xf32>
    %get3A_2 = arith.constant 0 : index
    %get3A_3 = arith.constant 0 : index
    %get3A_4 = vector.load %arg3[%get3A_2, %get3A_3] : memref<128x128xf32, #tpu.memory_space<vmem>>, vector<128x128xf32>
    %dot_general3A = arith.constant dense<0.000000e+00> : vector<1000x128xf32>
    %dot_general3A_5 = tpu.matmul %get3A_1, %get3A_4, %dot_general3A {dimension_numbers = #tpu.dot_dimension_numbers<[1], [0], [0], [1], [0, 0, 1, 1], [], []>, transpose_lhs_hint = false} : vector<1000x128xf32>, vector<128x128xf32>, vector<1000x128xf32> -> vector<1000x128xf32>
    %swap3A = arith.constant 0 : index
    %swap3A_6 = arith.constant 0 : index
    %swap3A_7 = vector.load %arg7[%swap3A, %swap3A_6] : memref<1000x128xf32, #tpu.memory_space<vmem>>, vector<1000x128xf32>
    tpu.vector_store %arg7[%swap3A, %swap3A_6], %dot_general3A_5 {strides = array<i32>} : memref<1000x128xf32, #tpu.memory_space<vmem>>, vector<1000x128xf32>,
    %get3A_8 = arith.constant 0 : index
    %get3A_9 = arith.constant 0 : index
    %get3A_10 = vector.load %arg5[%get3A_8, %get3A_9] : memref<1x128xf32, #tpu.memory_space<vmem>>, vector<1x128xf32>
    %mul3A = vector.broadcast %get3A_10 : vector<1x128xf32> to vector<1000x128xf32>
    %mul3A_11 = arith.mulf %dot_general3A_5, %mul3A : vector<1000x128xf32>
    %reduce_sum3A = arith.constant dense<0.000000e+00> : vector<1000xf32>
    %reduce_sum3A_12 = vector.multi_reduction <add>, %mul3A_11, %reduce_sum3A [1] : vector<1000x128xf32> to vector<1000xf32>
    %broadcast_in_dim3A = vector.shape_cast %reduce_sum3A_12 : vector<1000xf32> to vector<1000x1xf32>
    %swap3A_13 = arith.constant 0 : index
    %swap3A_14 = arith.constant 0 : index
    %swap3A_15 = vector.load %arg8[%swap3A_13, %swap3A_14] : memref<1000x1xf32, #tpu.memory_space<vmem>>, vector<1000x1xf32>
    tpu.vector_store %arg8[%swap3A_13, %swap3A_14], %broadcast_in_dim3A {strides = array<i32>} : memref<1000x1xf32, #tpu.memory_space<vmem>>, vector<1000x1xf32>,
    %get3A_16 = arith.constant 0 : index
    %get3A_17 = arith.constant 0 : index
    %get3A_18 = vector.load %arg2[%get3A_16, %get3A_17] : memref<1000x128xf32, #tpu.memory_space<vmem>>, vector<1000x128xf32>
    %get3A_19 = arith.constant 0 : index
    %get3A_20 = arith.constant 0 : index
    %get3A_21 = vector.load %arg4[%get3A_19, %get3A_20] : memref<128x128xf32, #tpu.memory_space<vmem>>, vector<128x128xf32>
    %dot_general3A_22 = arith.constant dense<0.000000e+00> : vector<1000x128xf32>
    %dot_general3A_23 = tpu.matmul %get3A_18, %get3A_21, %dot_general3A_22 {dimension_numbers = #tpu.dot_dimension_numbers<[1], [0], [0], [1], [0, 0, 1, 1], [], []>, transpose_lhs_hint = false} : vector<1000x128xf32>, vector<128x128xf32>, vector<1000x128xf32> -> vector<1000x128xf32>
    %get3A_24 = arith.constant 0 : index
    %get3A_25 = arith.constant 0 : index
    %get3A_26 = vector.load %arg6[%get3A_24, %get3A_25] : memref<1x128xf32, #tpu.memory_space<vmem>>, vector<1x128xf32>
    %mul3A_27 = vector.broadcast %get3A_26 : vector<1x128xf32> to vector<1000x128xf32>
    %mul3A_28 = arith.mulf %dot_general3A_23, %mul3A_27 : vector<1000x128xf32>
    %reduce_sum3A_29 = arith.constant dense<0.000000e+00> : vector<1000xf32>
    %reduce_sum3A_30 = vector.multi_reduction <add>, %mul3A_28, %reduce_sum3A_29 [1] : vector<1000x128xf32> to vector<1000xf32>
    %broadcast_in_dim3A_31 = vector.shape_cast %reduce_sum3A_30 : vector<1000xf32> to vector<1000x1xf32>
    %swap3A_32 = arith.constant 0 : index
    %swap3A_33 = arith.constant 0 : index
    %swap3A_34 = vector.load %arg9[%swap3A_32, %swap3A_33] : memref<1000x1xf32, #tpu.memory_space<vmem>>, vector<1000x1xf32>
    tpu.vector_store %arg9[%swap3A_32, %swap3A_33], %broadcast_in_dim3A_31 {strides = array<i32>} : memref<1000x1xf32, #tpu.memory_space<vmem>>, vector<1000x1xf32>,
    return
  }
  func.func @transform_0(%arg0: i32) -> (i32, i32) {
    %c0_i32 = arith.constant 0 : i32
    %c0_i32_0 = arith.constant 0 : i32
    return %arg0, %c0_i32 : i32, i32
  }
  func.func @transform_1(%arg0: i32) -> (i32, i32) {
    %c0_i32 = arith.constant 0 : i32
    %c0_i32_0 = arith.constant 0 : i32
    return %arg0, %c0_i32 : i32, i32
  }
  func.func @transform_2(%arg0: i32) -> (i32, i32) {
    %c0_i32 = arith.constant 0 : i32
    %c0_i32_0 = arith.constant 0 : i32
    %c0_i32_1 = arith.constant 0 : i32
    return %c0_i32, %c0_i32_0 : i32, i32
  }
  func.func @transform_3(%arg0: i32) -> (i32, i32) {
    %c0_i32 = arith.constant 0 : i32
    %c0_i32_0 = arith.constant 0 : i32
    %c0_i32_1 = arith.constant 0 : i32
    return %c0_i32, %c0_i32_0 : i32, i32
  }
  func.func @transform_4(%arg0: i32) -> (i32, i32) {
    %c0_i32 = arith.constant 0 : i32
    %c0_i32_0 = arith.constant 0 : i32
    %c0_i32_1 = arith.constant 0 : i32
    return %c0_i32, %c0_i32_0 : i32, i32
  }
  func.func @transform_5(%arg0: i32) -> (i32, i32) {
    %c0_i32 = arith.constant 0 : i32
    %c0_i32_0 = arith.constant 0 : i32
    %c0_i32_1 = arith.constant 0 : i32
    return %c0_i32, %c0_i32_0 : i32, i32
  }
  func.func @transform_6(%arg0: i32) -> (i32, i32) {
    %c0_i32 = arith.constant 0 : i32
    %c0_i32_0 = arith.constant 0 : i32
    return %arg0, %c0_i32 : i32, i32
  }
  func.func @transform_7(%arg0: i32) -> (i32, i32) {
    %c0_i32 = arith.constant 0 : i32
    %c0_i32_0 = arith.constant 0 : i32
    return %arg0, %c0_i32 : i32, i32
  }
  func.func @transform_8(%arg0: i32) -> (i32, i32) {
    %c0_i32 = arith.constant 0 : i32
    %c0_i32_0 = arith.constant 0 : i32
    return %arg0, %c0_i32 : i32, i32
  }
}

module attributes {stable_mosaic.version = 14 : i64} {
  func.func @_k3_body(%arg0: i32, %arg1: memref<2x1000x128xf32, #tpu.memory_space<vmem>>, %arg2: memref<2x1000x1xf32, #tpu.memory_space<vmem>>, %arg3: memref<1x128xf32, #tpu.memory_space<vmem>>, %arg4: memref<128x128xf32, #tpu.memory_space<vmem>>, %arg5: memref<1x128xf32, #tpu.memory_space<vmem>>, %arg6: memref<1000x128xf32, #tpu.memory_space<vmem>>) attributes {dimension_semantics = [#tpu.dimension_semantics<arbitrary>], iteration_bounds = array<i64: 10>, scalar_prefetch = 0 : i64, scratch_operands = 0 : i64, tpu.core_type = #tpu.core_type<tc>, window_params = [{transform_indices = @transform_0, window_bounds = array<i64: 2, 1000, 128>}, {transform_indices = @transform_1, window_bounds = array<i64: 2, 1000, 1>}, {pipeline_mode = #tpu.pipeline_mode<synchronous>, transform_indices = @transform_2, window_bounds = array<i64: 1, 128>}, {pipeline_mode = #tpu.pipeline_mode<synchronous>, transform_indices = @transform_3, window_bounds = array<i64: 128, 128>}, {pipeline_mode = #tpu.pipeline_mode<synchronous>, transform_indices = @transform_4, window_bounds = array<i64: 1, 128>}, {transform_indices = @transform_5, window_bounds = array<i64: 1000, 128>}]} {
    %get3A = arith.constant 0 : index
    %get3A_0 = arith.constant 0 : index
    %get3A_1 = arith.constant 0 : index
    %get3A_2 = vector.load %arg2[%get3A, %get3A_0, %get3A_1] : memref<2x1000x1xf32, #tpu.memory_space<vmem>>, vector<1x1000x1xf32>
    %get3A_3 = vector.shape_cast %get3A_2 : vector<1x1000x1xf32> to vector<1000x1xf32>
    %get3A_4 = arith.constant 1 : index
    %get3A_5 = arith.constant 0 : index
    %get3A_6 = arith.constant 0 : index
    %get3A_7 = vector.load %arg2[%get3A_4, %get3A_5, %get3A_6] : memref<2x1000x1xf32, #tpu.memory_space<vmem>>, vector<1x1000x1xf32>
    %get3A_8 = vector.shape_cast %get3A_7 : vector<1x1000x1xf32> to vector<1000x1xf32>
    %add3A = arith.addf %get3A_3, %get3A_8 : vector<1000x1xf32>
    %add3A_9 = arith.constant 1.000000e-16 : f32
    %add3A_10 = vector.broadcast %add3A_9 : f32 to vector<1000x1xf32>
    %add3A_11 = arith.addf %add3A, %add3A_10 : vector<1000x1xf32>
    %get3A_12 = arith.constant 0 : index
    %get3A_13 = arith.constant 0 : index
    %get3A_14 = arith.constant 0 : index
    %get3A_15 = vector.load %arg1[%get3A_12, %get3A_13, %get3A_14] : memref<2x1000x128xf32, #tpu.memory_space<vmem>>, vector<1x1000x128xf32>
    %get3A_16 = vector.shape_cast %get3A_15 : vector<1x1000x128xf32> to vector<1000x128xf32>
    %get3A_17 = arith.constant 1 : index
    %get3A_18 = arith.constant 0 : index
    %get3A_19 = arith.constant 0 : index
    %get3A_20 = vector.load %arg1[%get3A_17, %get3A_18, %get3A_19] : memref<2x1000x128xf32, #tpu.memory_space<vmem>>, vector<1x1000x128xf32>
    %get3A_21 = vector.shape_cast %get3A_20 : vector<1x1000x128xf32> to vector<1000x128xf32>
    %add3A_22 = arith.addf %get3A_16, %get3A_21 : vector<1000x128xf32>
    %div3A = vector.broadcast %add3A_11 : vector<1000x1xf32> to vector<1000x128xf32>
    %div3A_23 = arith.divf %add3A_22, %div3A : vector<1000x128xf32>
    %get3A_24 = arith.constant 0 : index
    %get3A_25 = arith.constant 0 : index
    %get3A_26 = vector.load %arg3[%get3A_24, %get3A_25] : memref<1x128xf32, #tpu.memory_space<vmem>>, vector<1x128xf32>
    %add3A_27 = vector.broadcast %get3A_26 : vector<1x128xf32> to vector<1000x128xf32>
    %add3A_28 = arith.addf %div3A_23, %add3A_27 : vector<1000x128xf32>
    %max3A = arith.constant 0.000000e+00 : f32
    %max3A_29 = vector.broadcast %max3A : f32 to vector<1000x128xf32>
    %max3A_30 = arith.maximumf %add3A_28, %max3A_29 : vector<1000x128xf32>
    %get3A_31 = arith.constant 0 : index
    %get3A_32 = arith.constant 0 : index
    %get3A_33 = vector.load %arg4[%get3A_31, %get3A_32] : memref<128x128xf32, #tpu.memory_space<vmem>>, vector<128x128xf32>
    %dot_general3A = arith.constant dense<0.000000e+00> : vector<1000x128xf32>
    %dot_general3A_34 = tpu.matmul %max3A_30, %get3A_33, %dot_general3A {dimension_numbers = #tpu.dot_dimension_numbers<[1], [0], [0], [1], [0, 0, 1, 1], [], []>, transpose_lhs_hint = false} : vector<1000x128xf32>, vector<128x128xf32>, vector<1000x128xf32> -> vector<1000x128xf32>
    %get3A_35 = arith.constant 0 : index
    %get3A_36 = arith.constant 0 : index
    %get3A_37 = vector.load %arg5[%get3A_35, %get3A_36] : memref<1x128xf32, #tpu.memory_space<vmem>>, vector<1x128xf32>
    %add3A_38 = vector.broadcast %get3A_37 : vector<1x128xf32> to vector<1000x128xf32>
    %add3A_39 = arith.addf %dot_general3A_34, %add3A_38 : vector<1000x128xf32>
    %swap3A = arith.constant 0 : index
    %swap3A_40 = arith.constant 0 : index
    %swap3A_41 = vector.load %arg6[%swap3A, %swap3A_40] : memref<1000x128xf32, #tpu.memory_space<vmem>>, vector<1000x128xf32>
    tpu.vector_store %arg6[%swap3A, %swap3A_40], %add3A_39 {strides = array<i32>} : memref<1000x128xf32, #tpu.memory_space<vmem>>, vector<1000x128xf32>,
    return
  }
  func.func @transform_0(%arg0: i32) -> (i32, i32, i32) {
    %c0_i32 = arith.constant 0 : i32
    %c0_i32_0 = arith.constant 0 : i32
    %c0_i32_1 = arith.constant 0 : i32
    return %c0_i32, %arg0, %c0_i32_0 : i32, i32, i32
  }
  func.func @transform_1(%arg0: i32) -> (i32, i32, i32) {
    %c0_i32 = arith.constant 0 : i32
    %c0_i32_0 = arith.constant 0 : i32
    %c0_i32_1 = arith.constant 0 : i32
    return %c0_i32, %arg0, %c0_i32_0 : i32, i32, i32
  }
  func.func @transform_2(%arg0: i32) -> (i32, i32) {
    %c0_i32 = arith.constant 0 : i32
    %c0_i32_0 = arith.constant 0 : i32
    %c0_i32_1 = arith.constant 0 : i32
    return %c0_i32, %c0_i32_0 : i32, i32
  }
  func.func @transform_3(%arg0: i32) -> (i32, i32) {
    %c0_i32 = arith.constant 0 : i32
    %c0_i32_0 = arith.constant 0 : i32
    %c0_i32_1 = arith.constant 0 : i32
    return %c0_i32, %c0_i32_0 : i32, i32
  }
  func.func @transform_4(%arg0: i32) -> (i32, i32) {
    %c0_i32 = arith.constant 0 : i32
    %c0_i32_0 = arith.constant 0 : i32
    %c0_i32_1 = arith.constant 0 : i32
    return %c0_i32, %c0_i32_0 : i32, i32
  }
  func.func @transform_5(%arg0: i32) -> (i32, i32) {
    %c0_i32 = arith.constant 0 : i32
    %c0_i32_0 = arith.constant 0 : i32
    return %arg0, %c0_i32 : i32, i32
  }
}

</mosaic_0001>

<sc_bundles>
// kernel: kernel.5.cloned.1.call-start
scs
__scs_entry_jumppad:
0x0: {  	(pc) =	sbr.rel $0x88, $3  }
0x1: {  	(tag) =	ssettag $0x0;
	lr =	simm.s32 $0x1  }
0x2: {  	[smem:$0x3F97] =	sst lr;
	_ =	strace $0xD0000000  }
0x3: {  	_ = 	snop  }
0x4: {  	_ = 	snop  }
0x5: {  	_ = 	snop  }
0x6: {  	_ = 	snop  }
0x7: {  	_ = 	snop  }
__scs_overlays_trampoline_lowered:
0x8: {  	[smem:$0x3FA6] =	sst s0  }
0x9: {  	[smem:$0x3FA7] =	sst s1  }
0xa: {  	[smem:$0x3FA8] =	sst s2  }
0xb: {  	[smem:$0x3FA9] =	sst s3  }
0xc: {  	[smem:$0x3FAA] =	sst s4  }
0xd: {  	[smem:$0x3FAB] =	sst s5  }
0xe: {  	[smem:$0x3FAC] =	sst s6  }
0xf: {  	[smem:$0x3FAD] =	sst s7  }
0x10: {  	[smem:$0x3FAE] =	sst s8  }
0x11: {  	[smem:$0x3FAF] =	sst s9;
	s0 =	simm.s32 @!p0 $0x0  }
0x12: {  	s1 =	sld [smem:$0x3F95];
	s0 =	simm.s32 @p0 $0x1  }
0x13: {  	[smem:$0x3FB0] =	sst s0;
	s0 =	simm.s32 @!p1 $0x0  }
0x14: {  	s2 =	sld [smem:$0x3F94];
	s0 =	simm.s32 @p1 $0x1  }
0x15: {  	[smem:$0x3FB1] =	sst s0;
	s0 =	simm.s32 @!p2 $0x0  }
0x16: {  	s3 =	sld [smem:$0x3FDB];
	s0 =	simm.s32 @p2 $0x1  }
0x17: {  	s4 =	simm.s32 $0x1BF5;
	[smem:$0x3FB3] =	sst s0  }
0x18: {  	s0 =	sld [smem:$0x3F96];
	_ =	swait.ge [sflag:s4], $0x0  }
0x19: {  	s7 =	sld [smem:$0x3F97]  }
0x1a: {  	s8 =	sadd.s32 $0xFFFFE003, lr  }
0x1b: {  	s9 =	sadd.s32 $0xFFFFFEF7, lr;
	s5 =	simm.s32 $0xFFFFFFFF;
	p2 =	slt.u32 s8, $0xFFFFF086  }
0x1c: {  	p1 =	slt.u32 s9, $0xF7A;
	s5 =	simm.s32 @!p2 $0x0  }
0x1d: {  	s5 =	simm.s32 @p1 $0x1;
	p0 =	seq.s32 s7, s2  }
0x1e: {  	s7 =	smul.u32 @!p0 $0xF7A, s2;
	p2 =	seq.s32 @!p0 s5, $0x0  }
0x1f: {  	s9 =	smul.u32 $0xF7A, s1;
	s8 =	simm.s32 @!p0 $0x1BF5;
	p2 =	por !p2, p0  }
0x20: {  	[sflag:s8] =	ssyncset.s32 @!p0 $0xFFFFF086;
	s6 =	sadd.s32 @!p0 s3, s7;
	s7 =	simm.s32 @!p0 $0x108  }
0x21: {  	s3 =	sadd.s32 s3, s9;
	s6 =	sadd.s32 @!p0 $0x88, s6;
	s7 =	simm.s32 @p2 $0x1082  }
0x22: {  	[simem:s7], [sflag:s8] =	dma.local @!p0 [hbm:s6], $0xF7A  }
0x23: {  	s9 =	sor.u32 $0xD0000000, s2;
	s6 =	simm.s32 $0x108;
	_ =	swait.ge @!p0 [sflag:s8], $0x0  }
0x24: {  	s3 =	sadd.s32 $0x88, s3;
	s6 =	simm.s32 @!p1 $0x1082;
	[sflag:s4] =	ssyncset.s32 $0xFFFFF086  }
0x25: {  	[simem:s6], [sflag:s4] =	dma.local [hbm:s3], $0xF7A  }
0x26: {  	[smem:$0x3F97] =	sst s1;
	(tag) =	ssettag s2;
	_ =	strace s9  }
0x27: {  	s1 =	sld [smem:$0x3FA7]  }
0x28: {  	s2 =	sld [smem:$0x3FA8]  }
0x29: {  	s4 =	sld [smem:$0x3FAA]  }
0x2a: {  	p0 =	seq.s32 s5, $0x0;
	s5 =	sld [smem:$0x3FAB]  }
0x2b: {  	s6 =	sld [smem:$0x3FAC]  }
0x2c: {  	s7 =	sld [smem:$0x3FAD]  }
0x2d: {  	s3 =	simm.s32 $0x108;
	s8 =	sld [smem:$0x3FAE]  }
0x2e: {  	s3 =	simm.s32 @!p0 $0x1082;
	s9 =	sld [smem:$0x3FAF]  }
0x2f: {  	lr =	sadd.s32 s0, s3;
	s0 =	sld [smem:$0x3FA6]  }
0x30: {  	s3 =	sld [smem:$0x3FA9]  }
0x31: {  	[smem:$0x3FB2] =	sst s10  }
0x32: {  	s10 =	sld [smem:$0x3FB0];
	_ =	sdelay $0x3  }
0x33: {  	p0 =	seq.s32 s10, $0x1;
	s10 =	sld [smem:$0x3FB2];
	_ =	sdelay $0x3  }
0x34: {  	[smem:$0x3FB2] =	sst s10  }
0x35: {  	s10 =	sld [smem:$0x3FB1];
	_ =	sdelay $0x3  }
0x36: {  	p1 =	seq.s32 s10, $0x1;
	s10 =	sld [smem:$0x3FB2];
	_ =	sdelay $0x3  }
0x37: {  	[smem:$0x3FB2] =	sst s10  }
0x38: {  	s10 =	sld [smem:$0x3FB3]  }
0x39: {  	_ = 	snop;
	(pc) =	sbr.ind lr, $3  }
0x3a: {  	_ = 	snop  }
0x3b: {  	_ = 	snop  }
0x3c: {  	p2 =	seq.s32 s10, $0x1;
	s10 =	sld [smem:$0x3FB2]  }
0x3d: {  	_ =	shalt  }
0x3e: {  	_ =	shalt  }
0x3f: {  	_ =	shalt  }
0x40: {  	_ =	shalt  }
0x41: {  	_ =	shalt  }
0x42: {  	_ =	shalt  }
0x43: {  	_ =	shalt  }
0x44: {  	_ =	shalt  }
0x45: {  	_ =	shalt  }
0x46: {  	_ =	shalt  }
0x47: {  	_ =	shalt  }
0x48: {  	_ =	shalt  }
0x49: {  	_ =	shalt  }
0x4a: {  	_ =	shalt  }
0x4b: {  	_ =	shalt  }
0x4c: {  	_ =	shalt  }
0x4d: {  	_ =	shalt  }
0x4e: {  	_ =	shalt  }
0x4f: {  	_ =	shalt  }
0x50: {  	_ =	shalt  }
0x51: {  	_ =	shalt  }
0x52: {  	_ =	shalt  }
0x53: {  	_ =	shalt  }
0x54: {  	_ =	shalt  }
0x55: {  	_ =	shalt  }
0x56: {  	_ =	shalt  }
0x57: {  	_ =	shalt  }
0x58: {  	_ =	shalt  }
0x59: {  	_ =	shalt  }
0x5a: {  	_ =	shalt  }
0x5b: {  	_ =	shalt  }
0x5c: {  	_ =	shalt  }
0x5d: {  	_ =	shalt  }
0x5e: {  	_ =	shalt  }
0x5f: {  	_ =	shalt  }
0x60: {  	_ =	shalt  }
0x61: {  	_ =	shalt  }
0x62: {  	_ =	shalt  }
0x63: {  	_ =	shalt  }
0x64: {  	_ =	shalt  }
0x65: {  	_ =	shalt  }
0x66: {  	_ =	shalt  }
0x67: {  	_ =	shalt  }
0x68: {  	_ =	shalt  }
0x69: {  	_ =	shalt  }
0x6a: {  	_ =	shalt  }
0x6b: {  	_ =	shalt  }
0x6c: {  	_ =	shalt  }
0x6d: {  	_ =	shalt  }
0x6e: {  	_ =	shalt  }
0x6f: {  	_ =	shalt  }
0x70: {  	_ =	shalt  }
0x71: {  	_ =	shalt  }
0x72: {  	_ =	shalt  }
0x73: {  	_ =	shalt  }
0x74: {  	_ =	shalt  }
0x75: {  	_ =	shalt  }
0x76: {  	_ =	shalt  }
0x77: {  	_ =	shalt  }
0x78: {  	_ =	shalt  }
0x79: {  	_ =	shalt  }
0x7a: {  	_ =	shalt  }
0x7b: {  	_ =	shalt  }
0x7c: {  	_ =	shalt  }
0x7d: {  	_ =	shalt  }
0x7e: {  	_ =	shalt  }
0x7f: {  	_ =	shalt  }
0x80: {  	_ =	shalt  }
0x81: {  	_ =	shalt  }
0x82: {  	_ =	shalt  }
0x83: {  	_ =	shalt  }
0x84: {  	_ =	shalt  }
0x85: {  	_ =	shalt  }
0x86: {  	_ =	shalt  }
0x87: {  	_ =	shalt  }
.Lfunc_end0:
.L_simem_size_0:
called_computation_lowered:
.L_overlay_start_0:
0x88: {  	s2 =	sld [smem:$0x3FD9]  }
0x89: {  	s3 =	sld [smem:$0x3FFE];
	_ =	sdelay $0x1  }
0x8a: {  	s1 =	srdreg.scid  }
0x8b: {  	s0 =	sand.u32 $0x1, s1  }
0x8c: {  	s17 =	sshll.u32 s0, $0xA;
	s2 =	sadd.s32 s3, s2  }
0x8d: {  	s2 =	sadd.s32 s2, s17  }
0x8e: {  	[smem:$0x3FBE] =	sst s2  }
0x8f: {  	_ = 	snop  }
0x90: {  	s2 =	sld [smem:$0x3FD0];
	(tm) =	ssettm $0x1  }
0x91: {  	s18 =	sld [smem:$0x3FFB];
	_ =	sdelay $0x3  }
0x92: {  	_ =	strace s18  }
0x93: {  	s3 =	sld [smem:$0x3FFC];
	_ =	sdelay $0x3  }
0x94: {  	_ =	strace s3  }
0x95: {  	s3 =	sld [smem:$0x3FFD];
	_ =	sdelay $0x3  }
0x96: {  	_ =	strace s3  }
0x97: {  	_ =	strace $0x8FFFFFFF  }
0x98: {  	s19 =	sld [smem:$0x3FDB];
	_ =	sdelay $0x1  }
0x99: {  	s4 =	simm.s32 $_scs_section_size  }
0x9a: {  	s5 =	simm.s32 $_size__tile_overlayer_lowered;
	s6 =	simm.s32 $_tile_overlayer_lowered  }
0x9b: {  	s22 =	simm.s32 $0x1BFF;
	s21 =	sshll.u32 s6, $0x1;
	s3 =	sadd.s32 s4, s19  }
0x9c: {  	s7 =	simm.s32 $0x0;
	s20 =	sshll.u32 s5, $0x1;
	s5 =	sadd.s32 s21, s3  }
0x9d: {  	[timem:s7], [sflag:s22] =	dma.local [hbm:s5], s20  }
0x9e: {  	_ =	swait.ge [sflag:s22], s20  }
0x9f: {  	s4 =	ssub.s32 $0x0, s20;
	[sflag:s22] =	ssyncset.done $0x0  }
0xa0: {  	[sflag:s22] =	ssyncadd.s32 s4;
	_ =	sdelay $0x1  }
0xa1: {  	s23 =	simm.s32 $0x1B8B  }
0xa2: {  	_ =	swait.ge [sflag:s23], $0x1  }
0xa3: {  	[sflag:s23] =	ssyncset.done $0x0  }
0xa4: {  	s25 =	simm.s32 $0x1B8E;
	s24 =	sld [smem:$0x3FFE];
	[sflag:s23] =	ssyncadd.s32 $0xFFFFFFFF  }
0xa5: {  	s26 =	simm.s32 $execute0_lowered;
	[smem:$0x3FD2] =	sst s25  }
0xa6: {  	s5 =	sshll.u32 s26, $0x1;
	_ =	strace $0x80000046;
	[dreg:$0x1] =	wrdreg $0xFFFFFFFF  }
0xa7: {  	s28 =	simm.s32 $_size_execute0_lowered;
	s3 =	sadd.s32 s3, s5;
	[dreg:$0x0] =	wrdreg $0x0  }
0xa8: {  	s5 =	sshll.u32 s28, $0x1;
	[dreg:$0x2] =	wrdreg s3  }
0xa9: {  	[dreg:$0x3] =	wrdreg s5  }
0xaa: {  	[dreg:$0x4] =	wrdreg $0xC0  }
0xab: {  	_ =	task [dreg:s7], $0x5FFFF  }
0xac: {  	[dreg:$0x1] =	wrdreg $0xFFFFFFFF  }
0xad: {  	[dreg:$0x0] =	wrdreg $0x60  }
0xae: {  	[dreg:$0x2] =	wrdreg s2  }
0xaf: {  	[dreg:$0x3] =	wrdreg s24  }
0xb0: {  	[dreg:$0x4] =	wrdreg $0xB9800  }
0xb1: {  	[dreg:$0x5] =	wrdreg $0x1F9800  }
0xb2: {  	[dreg:$0x6] =	wrdreg $0x9  }
0xb3: {  	_ =	task.clear_ibuf [dreg:s7], $0x7FFFF;
	_ =	strace $0x90000046  }
0xb4: {  	s29 =	simm.s32 $0x9;
	_ =	strace $0x80000048  }
0xb5: {  	_ =	swait.ge [sflag:s29], $0x1  }
0xb6: {  	[sflag:s29] =	ssyncadd.s32 $0xFFFFFFFF  }
0xb7: {  	_ =	strace $0x90000048  }
0xb8: {  	_ =	sfence  }
0xb9: {  	s30 =	sld [smem:$0x0];
	_ =	sdelay $0x2  }
0xba: {  	s31 =	sshll.u32 s1, $0xD;
	s1 =	sshrl.u32 s1, $0x2  }
0xbb: {  	s3 =	sand.u32 $0x4000, s31;
	s1 =	sadd.s32 s1, s30  }
0xbc: {  	s0 =	sor.u32 s3, s0;
	s1 =	sshll.u32 s1, $0x11  }
0xbd: {  	s0 =	sor.u32 s1, s0  }
0xbe: {  	s0 =	sadd.s32 $0x8F2B, s0  }
0xbf: {  	[sflag:s0] =	ssyncadd.remote.s32 $0x1  }
0xc0: {  	_ =	sfence.sel $0xFFFF  }
0xc1: {  	[dreg:$0x0] =	wrdreg $0xFFFFFFFF;
	(pc) =	sbr.abs _section_cstart, $3  }
0xc2: {  	[dreg:$0x1] =	wrdreg $0xFFFFFFFF  }
0xc3: {  	_ =	task.clear_ibuf [dreg:s7], $0x2FFFF;
	_ =	strace $0x9FFFFFFF  }
0xc4: {  	(tm) =	ssettm $0x7FFFFFFF  }
0xc5: {  	_ =	shalt  }
tec
execute0_lowered:
.L_overlay_start_1:
0x0: {  	(tag) =	ssettag $0x1  }
0x1: {  	s4 =	rddreg [dreg:$0x1]  }
0x2: {  	s1 =	simm.s32 $0x0;
	s0 =	srdreg.scid;
	s16 =	stileid.u32  }
0x3: {  	[smem:$0x7FF] =	sst s1;
	s19 =	smul.u32 $0x500, s16  }
0x4: {  	s5 =	sand.u32 $0x1, s0;
	s2 =	smul.u32 $0x280, s16;
	s7 =	sadd.s32 $0x2C800, s4  }
0x5: {  	s21 =	sshll.u32 s16, $0x1;
	s3 =	sshll.u32 s5, $0x7;
	s6 =	ssub.s32 $0x2, s5  }
0x6: {  	s10 =	smul.u32 $0x14000, s16;
	s8 =	sor.u32 s3, s19;
	s20 =	sshrl.u32 s6, $0x1  }
0x7: {  	s22 =	sshll.u32 s2, $0x7;
	s3 =	sor.u32 s5, s21;
	s5 =	smul.u32 $0x140000, s5  }
0x8: {  	s0 =	ssub.s32 s6, s20;
	s9 =	sor.u32 $0x2000, s22;
	s11 =	sadd.s32 $0x4000, s22  }
0x9: {  	s12 =	sadd.s32 $0x6000, s22;
	s15 =	sadd.s32 $0x8000, s22;
	s18 =	sadd.s32 $0xA000, s22  }
0xa: {  	s19 =	sadd.s32 $0xC000, s22;
	s20 =	sadd.s32 $0xE000, s22;
	s21 =	sadd.s32 $0x10000, s22  }
0xb: {  	s6 =	sadd.s32 $0x12000, s22;
	s10 =	sadd.s32 s10, s5;
	s13 =	sadd.s32 s5, s9  }
0xc: {  	s24 =	sadd.s32 s5, s11;
	s26 =	sadd.s32 s5, s12;
	s14 =	sadd.s32 s5, s15  }
0xd: {  	s22 =	sadd.s32 s5, s18;
	s10 =	sshrl.u32 s10, $0x3;
	s23 =	sshrl.u32 s13, $0x3  }
0xe: {  	s25 =	sshrl.u32 s24, $0x3;
	s13 =	sshrl.u32 s26, $0x3;
	s10 =	sadd.s32 s7, s10  }
0xf: {  	s17 =	sshrl.u32 s14, $0x3;
	[dreg:$0x5] =	wrdreg s10;
	s10 =	sadd.s32 s7, s23  }
0x10: {  	s24 =	sadd.s32 s5, s19;
	[dreg:$0x6] =	wrdreg s10;
	s10 =	sadd.s32 s7, s25  }
0x11: {  	s23 =	sshrl.u32 s22, $0x3;
	[dreg:$0x7] =	wrdreg s10;
	s10 =	sadd.s32 s7, s13  }
0x12: {  	s25 =	sshrl.u32 s24, $0x3;
	[dreg:$0x8] =	wrdreg s10;
	s10 =	sadd.s32 s7, s17  }
0x13: {  	s17 =	sadd.s32 s5, s21;
	[dreg:$0x9] =	wrdreg s10;
	s10 =	sadd.s32 s7, s23  }
0x14: {  	s13 =	sshrl.u32 s17, $0x3;
	[dreg:$0xa] =	wrdreg s10;
	s10 =	sadd.s32 s7, s25  }
0x15: {  	s16 =	smul.u32 $0x50000, s16;
	s13 =	sadd.s32 s7, s13;
	[dreg:$0xb] =	wrdreg s10  }
0x16: {  	s26 =	sadd.s32 s5, s20;
	s5 =	sadd.s32 s5, s6;
	[dreg:$0xd] =	wrdreg s13  }
0x17: {  	s14 =	sshrl.u32 s26, $0x3;
	s5 =	sshrl.u32 s5, $0x3;
	s13 =	rddreg [dreg:$0x2]  }
0x18: {  	s5 =	sadd.s32 s7, s5;
	s10 =	sadd.s32 s7, s14;
	s14 =	rddreg [dreg:$0x3]  }
0x19: {  	s22 =	sshrl.u32 s8, $0x3;
	s24 =	sadd.s32 $0x2B200, s4;
	[dreg:$0xe] =	wrdreg s5  }
0x1a: {  	s23 =	sshrl.u32 s16, $0x2;
	s16 =	sadd.s32 $0x16200, s4;
	[dreg:$0xc] =	wrdreg s10  }
0x1b: {  	s17 =	sadd.s32 $0x1200, s4;
	s5 =	sadd.s32 s22, s4;
	s10 =	rddreg [dreg:$0x0]  }
0x1c: {  	s4 =	sadd.s32 $0x2B800, s4;
	_ =	strace $0x80000047;
	[dreg:$0xf] =	wrdreg s24  }
0x1d: {  	s25 =	sadd.s32 s15, s13;
	[dreg:$0x10] =	wrdreg s4  }
0x1e: {  	s26 =	sadd.s32 s18, s13;
	[dreg:$0x15] =	wrdreg s25  }
0x1f: {  	s7 =	sadd.s32 s19, s13;
	[dreg:$0x16] =	wrdreg s26  }
0x20: {  	s22 =	sadd.s32 s11, s13;
	s11 =	sadd.s32 s20, s13;
	[dreg:$0x17] =	wrdreg s7  }
0x21: {  	s28 =	simm.s32 $0x5580;
	s15 =	sadd.s32 s21, s13;
	[dreg:$0x18] =	wrdreg s11  }
0x22: {  	s29 =	simm.s32 $0x3;
	s6 =	sadd.s32 s6, s13;
	[dreg:$0x19] =	wrdreg s15  }
0x23: {  	s30 =	simm.s32 $0x5;
	s2 =	sadd.s32 s2, s14;
	[dreg:$0x1a] =	wrdreg s6  }
0x24: {  	s8 =	sadd.s32 s23, s13;
	s23 =	sadd.s32 $0x2BE00, s5;
	[dreg:$0x1b] =	wrdreg s2  }
0x25: {  	s31 =	simm.s32 $0xA;
	s0 =	smax.u32 s0, $0x1;
	[smem:$0x7FA] =	sst s23  }
0x26: {  	s9 =	sadd.s32 s9, s13;
	s12 =	sadd.s32 s12, s13;
	[smem:$0x7FB] =	sst s0  }
0x27: {  	s5 =	simm.s32 $0x40;
	s24 =	smul.u32 $0x5400, s3;
	[dreg:$0x11] =	wrdreg s8  }
0x28: {  	s3 =	smul.u32 $0x2880, s3;
	s11 =	simm.s32 $0x600;
	[dreg:$0x12] =	wrdreg s9  }
0x29: {  	s15 =	simm.s32 $0x2D80;
	s23 =	simm.s32 $0x5500;
	[dreg:$0x13] =	wrdreg s22  }
0x2a: {  	s7 =	simm.s32 $0x5600;
	s6 =	simm.s32 $0x6;
	[dreg:$0x14] =	wrdreg s12  }
0x2b: {  	s18 =	sshrl.u32 s24, $0x3;
	s25 =	sor.u32 $0x40, s3;
	[dreg:$0x1e] =	wrdreg s3  }
0x2c: {  	s26 =	sadd.s32 $0x80, s3;
	s3 =	simm.s32 $0x0;
	[smem:$0x7FC] =	sst s25  }
0x2d: {  	s19 =	sadd.s32 s16, s18;
	s20 =	sadd.s32 s17, s18;
	[smem:$0x7FD] =	sst s26  }
.Ltmp0:
0x2e: {  	s21 =	sor.u32 $0x10, s18;
	[dreg:$0x1c] =	wrdreg s19;
	(pc) =	sbr.rel .LBB2_1-.Ltmp0, $4  }
0x2f: {  	s18 =	simm.s32 $0x5700;
	s25 =	simm.s32 $0xB700;
	[dreg:$0x1d] =	wrdreg s20  }
0x30: {  	s4 =	sadd.s32 s16, s21;
	s2 =	sadd.s32 s17, s21;
	s19 =	simm.s32 $0xB  }
0x31: {  	s20 =	simm.s32 $0x100;
	s21 =	simm.s32 $0x4;
	[dreg:$0x1f] =	wrdreg s4  }
0x32: {  	v0 =	vimm.f32 $0.0e+00;
	[smem:$0x7F9] =	sst s2;
	s2 =	simm.s32 $0x2;
	s4 =	simm.s32 $0x1  }
.LBB2_18:
0x33: {  	s0 =	simm.s32 $0x9700;
	s3 =	simm.s32 $0x500;
	s12 =	simm.s32 $0x7  }
0x34: {  	[spmem:s13] =	stream.indirect.scatter.add.f32 [tilespmem:s0], [sflag:$0x7], $0x80, s3, s5, $0xb8;
	[tilespmem:$0x1FC00] =	vst v63  }
0x35: {  	_ =	swait.ge [sflag:s12], $0x2000  }
0x36: {  	[sflag:s12] =	ssyncset.done $0x0  }
0x37: {  	s22 =	simm.s32 $0x8;
	[sflag:s12] =	ssyncadd.s32 $0xFFFFE000  }
0x38: {  	_ =	swait.ge [sflag:s22], $0x40  }
0x39: {  	[sflag:s22] =	ssyncset.done $0x0  }
0x3a: {  	s25 =	simm.s32 $0x9;
	[sflag:s22] =	ssyncadd.s32 $0xFFFFFFC0  }
0x3b: {  	_ =	swait.ge [sflag:s25], $0x40  }
0x3c: {  	[sflag:s25] =	ssyncset.done $0x0  }
0x3d: {  	[sflag:s25] =	ssyncadd.s32 $0xFFFFFFC0  }
0x3e: {  	_ =	swait.ge [sflag:s31], $0x40  }
0x3f: {  	[sflag:s31] =	ssyncset.done $0x0  }
0x40: {  	[sflag:s31] =	ssyncadd.s32 $0xFFFFFFC0  }
0x41: {  	[bflag:$0x0] =	sbarrier.arrive $0xFFFF  }
0x42: {  	s8 =	rddreg [dreg:$0x11]  }
0x43: {  	[tilespmem:s18], [sflag:$0xB] =	stream.linear.gather [spmem:s8], $0x2000, $0x38;
	[tilespmem:$0x1FC00] =	vst v63  }
0x44: {  	_ =	swait.ge [sflag:s19], $0x2000  }
0x45: {  	[sflag:s19] =	ssyncset.done $0x0  }
0x46: {  	s26 =	rddreg [dreg:$0x5];
	[sflag:s19] =	ssyncadd.s32 $0xFFFFE000  }
0x47: {  	[hbm4b:s26+s1] =	stream.linear.scatter [tilespmem:s18], [sflag:$0xB], $0x2000, $0x38;
	[tilespmem:$0x1FC00] =	vst v63  }
0x48: {  	_ =	swait.ge [sflag:s19], $0x2000  }
0x49: {  	[sflag:s19] =	ssyncset.done $0x0  }
0x4a: {  	s9 =	rddreg [dreg:$0x12];
	[sflag:s19] =	ssyncadd.s32 $0xFFFFE000  }
0x4b: {  	[tilespmem:s18], [sflag:$0xB] =	stream.linear.gather [spmem:s9], $0x2000, $0x38;
	[tilespmem:$0x1FC00] =	vst v63  }
0x4c: {  	_ =	swait.ge [sflag:s19], $0x2000  }
0x4d: {  	[sflag:s19] =	ssyncset.done $0x0  }
0x4e: {  	s3 =	rddreg [dreg:$0x6];
	[sflag:s19] =	ssyncadd.s32 $0xFFFFE000  }
0x4f: {  	[hbm4b:s3+s1] =	stream.linear.scatter [tilespmem:s18], [sflag:$0xB], $0x2000, $0x38;
	[tilespmem:$0x1FC00] =	vst v63  }
0x50: {  	_ =	swait.ge [sflag:s19], $0x2000  }
0x51: {  	[sflag:s19] =	ssyncset.done $0x0  }
0x52: {  	s22 =	rddreg [dreg:$0x13];
	[sflag:s19] =	ssyncadd.s32 $0xFFFFE000  }
0x53: {  	[tilespmem:s18], [sflag:$0xB] =	stream.linear.gather [spmem:s22], $0x2000, $0x38;
	[tilespmem:$0x1FC00] =	vst v63  }
0x54: {  	_ =	swait.ge [sflag:s19], $0x2000  }
0x55: {  	[sflag:s19] =	ssyncset.done $0x0  }
0x56: {  	s12 =	rddreg [dreg:$0x7];
	[sflag:s19] =	ssyncadd.s32 $0xFFFFE000  }
0x57: {  	[hbm4b:s12+s1] =	stream.linear.scatter [tilespmem:s18], [sflag:$0xB], $0x2000, $0x38;
	[tilespmem:$0x1FC00] =	vst v63  }
0x58: {  	_ =	swait.ge [sflag:s19], $0x2000  }
0x59: {  	[sflag:s19] =	ssyncset.done $0x0  }
0x5a: {  	s12 =	rddreg [dreg:$0x14];
	[sflag:s19] =	ssyncadd.s32 $0xFFFFE000  }
0x5b: {  	[tilespmem:s18], [sflag:$0xB] =	stream.linear.gather [spmem:s12], $0x2000, $0x38;
	[tilespmem:$0x1FC00] =	vst v63  }
0x5c: {  	_ =	swait.ge [sflag:s19], $0x2000  }
0x5d: {  	[sflag:s19] =	ssyncset.done $0x0  }
0x5e: {  	s25 =	rddreg [dreg:$0x8];
	[sflag:s19] =	ssyncadd.s32 $0xFFFFE000  }
0x5f: {  	[hbm4b:s25+s1] =	stream.linear.scatter [tilespmem:s18], [sflag:$0xB], $0x2000, $0x38;
	[tilespmem:$0x1FC00] =	vst v63  }
0x60: {  	_ =	swait.ge [sflag:s19], $0x2000  }
0x61: {  	[sflag:s19] =	ssyncset.done $0x0  }
0x62: {  	s26 =	rddreg [dreg:$0x15];
	[sflag:s19] =	ssyncadd.s32 $0xFFFFE000  }
0x63: {  	[tilespmem:s18], [sflag:$0xB] =	stream.linear.gather [spmem:s26], $0x2000, $0x38;
	[tilespmem:$0x1FC00] =	vst v63  }
0x64: {  	_ =	swait.ge [sflag:s19], $0x2000  }
0x65: {  	[sflag:s19] =	ssyncset.done $0x0  }
0x66: {  	s3 =	rddreg [dreg:$0x9];
	[sflag:s19] =	ssyncadd.s32 $0xFFFFE000  }
0x67: {  	[hbm4b:s3+s1] =	stream.linear.scatter [tilespmem:s18], [sflag:$0xB], $0x2000, $0x38;
	[tilespmem:$0x1FC00] =	vst v63  }
0x68: {  	_ =	swait.ge [sflag:s19], $0x2000  }
0x69: {  	[sflag:s19] =	ssyncset.done $0x0  }
0x6a: {  	s25 =	rddreg [dreg:$0x16];
	[sflag:s19] =	ssyncadd.s32 $0xFFFFE000  }
0x6b: {  	[tilespmem:s18], [sflag:$0xB] =	stream.linear.gather [spmem:s25], $0x2000, $0x38;
	[tilespmem:$0x1FC00] =	vst v63  }
0x6c: {  	_ =	swait.ge [sflag:s19], $0x2000  }
0x6d: {  	[sflag:s19] =	ssyncset.done $0x0  }
0x6e: {  	s26 =	rddreg [dreg:$0xa];
	[sflag:s19] =	ssyncadd.s32 $0xFFFFE000  }
0x6f: {  	[hbm4b:s26+s1] =	stream.linear.scatter [tilespmem:s18], [sflag:$0xB], $0x2000, $0x38;
	[tilespmem:$0x1FC00] =	vst v63  }
0x70: {  	_ =	swait.ge [sflag:s19], $0x2000  }
0x71: {  	[sflag:s19] =	ssyncset.done $0x0  }
0x72: {  	s3 =	rddreg [dreg:$0x17];
	[sflag:s19] =	ssyncadd.s32 $0xFFFFE000  }
0x73: {  	[tilespmem:s18], [sflag:$0xB] =	stream.linear.gather [spmem:s3], $0x2000, $0x38;
	[tilespmem:$0x1FC00] =	vst v63  }
0x74: {  	_ =	swait.ge [sflag:s19], $0x2000  }
0x75: {  	[sflag:s19] =	ssyncset.done $0x0  }
0x76: {  	s25 =	rddreg [dreg:$0xb];
	[sflag:s19] =	ssyncadd.s32 $0xFFFFE000  }
0x77: {  	[hbm4b:s25+s1] =	stream.linear.scatter [tilespmem:s18], [sflag:$0xB], $0x2000, $0x38;
	[tilespmem:$0x1FC00] =	vst v63  }
0x78: {  	_ =	swait.ge [sflag:s19], $0x2000  }
0x79: {  	[sflag:s19] =	ssyncset.done $0x0  }
0x7a: {  	s26 =	rddreg [dreg:$0x18];
	[sflag:s19] =	ssyncadd.s32 $0xFFFFE000  }
0x7b: {  	[tilespmem:s18], [sflag:$0xB] =	stream.linear.gather [spmem:s26], $0x2000, $0x38;
	[tilespmem:$0x1FC00] =	vst v63  }
0x7c: {  	_ =	swait.ge [sflag:s19], $0x2000  }
0x7d: {  	[sflag:s19] =	ssyncset.done $0x0  }
0x7e: {  	s3 =	rddreg [dreg:$0xc];
	[sflag:s19] =	ssyncadd.s32 $0xFFFFE000  }
0x7f: {  	[hbm4b:s3+s1] =	stream.linear.scatter [tilespmem:s18], [sflag:$0xB], $0x2000, $0x38;
	[tilespmem:$0x1FC00] =	vst v63  }
0x80: {  	_ =	swait.ge [sflag:s19], $0x2000  }
0x81: {  	[sflag:s19] =	ssyncset.done $0x0  }
0x82: {  	s25 =	rddreg [dreg:$0x19];
	[sflag:s19] =	ssyncadd.s32 $0xFFFFE000  }
0x83: {  	[tilespmem:s18], [sflag:$0xB] =	stream.linear.gather [spmem:s25], $0x2000, $0x38;
	[tilespmem:$0x1FC00] =	vst v63  }
0x84: {  	_ =	swait.ge [sflag:s19], $0x2000  }
0x85: {  	[sflag:s19] =	ssyncset.done $0x0  }
0x86: {  	s26 =	rddreg [dreg:$0xd];
	[sflag:s19] =	ssyncadd.s32 $0xFFFFE000  }
0x87: {  	[hbm4b:s26+s1] =	stream.linear.scatter [tilespmem:s18], [sflag:$0xB], $0x2000, $0x38;
	[tilespmem:$0x1FC00] =	vst v63  }
0x88: {  	_ =	swait.ge [sflag:s19], $0x2000  }
0x89: {  	[sflag:s19] =	ssyncset.done $0x0  }
0x8a: {  	s3 =	rddreg [dreg:$0x1a];
	[sflag:s19] =	ssyncadd.s32 $0xFFFFE000  }
0x8b: {  	[tilespmem:s18], [sflag:$0xB] =	stream.linear.gather [spmem:s3], $0x2000, $0x38;
	[tilespmem:$0x1FC00] =	vst v63  }
0x8c: {  	_ =	swait.ge [sflag:s19], $0x2000  }
0x8d: {  	[sflag:s19] =	ssyncset.done $0x0  }
0x8e: {  	s25 =	rddreg [dreg:$0xe];
	[sflag:s19] =	ssyncadd.s32 $0xFFFFE000  }
0x8f: {  	[hbm4b:s25+s1] =	stream.linear.scatter [tilespmem:s18], [sflag:$0xB], $0x2000, $0x38;
	[tilespmem:$0x1FC00] =	vst v63  }
0x90: {  	_ =	swait.ge [sflag:s19], $0x2000  }
0x91: {  	[sflag:s19] =	ssyncset.done $0x0  }
0x92: {  	s3 =	simm.s32 $0xB700;
	s26 =	rddreg [dreg:$0x1b];
	[sflag:s19] =	ssyncadd.s32 $0xFFFFE000  }
0x93: {  	[tilespmem:s3], [sflag:$0xB] =	stream.linear.gather [spmem:s26], $0x280, $0x38;
	[tilespmem:$0x1FC00] =	vst v63  }
0x94: {  	_ =	swait.ge [sflag:s19], $0x280  }
0x95: {  	s0 =	sld [smem:$0x7FA]  }
0x96: {  	[sflag:s19] =	ssyncset.done $0x0  }
0x97: {  	s26 =	simm.s32 $0x80;
	[sflag:s19] =	ssyncadd.s32 $0xFFFFFD80  }
0x98: {  	[hbm4b:s0+s26] =	stream.strided.scatter [tilespmem:s3], [sflag:$0xB], $0x280, s20, s26, $0x38;
	[tilespmem:$0x1FC00] =	vst v63  }
0x99: {  	_ =	swait.ge [sflag:s19], $0x280  }
0x9a: {  	s0 =	sld [smem:$0x7F8]  }
0x9b: {  	s26 =	sld [smem:$0x7FB];
	_ =	sdelay $0x1  }
0x9c: {  	s3 =	sadd.s32 $0x1, s0  }
0x9d: {  	p0 =	sne.s32 s3, s26  }
.Ltmp1:
0x9e: {  	_ = 	snop;
	(pc) =	sbr.rel @!p0 .LBB2_19-.Ltmp1, $3  }
0x9f: {  	_ =	sdelay $0x1  }
0xa0: {  	[sflag:s19] =	ssyncset.done $0x0  }
0xa1: {  	s25 =	simm.s32 $0xB700;
	[sflag:s19] =	ssyncadd.s32 $0xFFFFFD80  }
.LBB2_1:
0xa2: {  	[smem:$0x7F8] =	sst s3  }
0xa3: {  	s0 =	rddreg [dreg:$0xf]  }
0xa4: {  	[tilespmem:s11], [sflag:$0x2] =	stream.linear.gather [hbm4b:s0+s1], $0x2780, $0x38;
	[tilespmem:$0x1FC00] =	vst v63  }
0xa5: {  	s26 =	rddreg [dreg:$0x10];
	s3 =	simm.s32 $0x200;
	s0 =	simm.s32 $0x0  }
0xa6: {  	[tilespmem:s15], [sflag:$0x2] =	stream.linear.gather [hbm4b:s26+s1], $0x2780, $0x38;
	[tilespmem:$0x1FC00] =	vst v63  }
.LBB2_2:
0xa7: {  	p0 =	sne.s32 s3, $0x7E00;
	[tilespmem:s0+$0x5770] =	vst v0  }
0xa8: {  	[tilespmem:s0+$0x5700] =	vst v0  }
0xa9: {  	[tilespmem:s0+$0x5710] =	vst v0  }
.Ltmp2:
0xaa: {  	[tilespmem:s0+$0x5720] =	vst v0;
	(pc) =	sbr.rel @p0 .LBB2_2-.Ltmp2, $4  }
0xab: {  	[tilespmem:s0+$0x5730] =	vst v0  }
0xac: {  	[tilespmem:s0+$0x5740] =	vst v0  }
0xad: {  	[tilespmem:s0+$0x5750] =	vst v0  }
0xae: {  	[tilespmem:s0+$0x5760] =	vst v0;
	s0 =	sshra.s32 s3, $0x2;
	s3 =	sadd.s32 $0x200, s3  }
0xaf: {  	[tilespmem:s0+$0x5770] =	vst v0  }
0xb0: {  	[tilespmem:s0+$0x5700] =	vst v0  }
0xb1: {  	[tilespmem:s0+$0x5710] =	vst v0  }
0xb2: {  	[tilespmem:s0+$0x5720] =	vst v0  }
0xb3: {  	[tilespmem:s0+$0x5730] =	vst v0  }
0xb4: {  	[tilespmem:s0+$0x5740] =	vst v0  }
0xb5: {  	[tilespmem:s0+$0x5750] =	vst v0  }
0xb6: {  	[tilespmem:s0+$0x5760] =	vst v0;
	s0 =	simm.s32 $0x40;
	s3 =	simm.s32 $0x0  }
.LBB2_4:
0xb7: {  	p0 =	sne.s32 s0, $0x9C0;
	[tilespmem:s3+$0xB700] =	vst v0;
	s3 =	smov.u32 s0;
	s0 =	sadd.s32 $0x40, s0  }
.Ltmp3:
0xb8: {  	(pc) =	sbr.rel @p0 .LBB2_4-.Ltmp3, $2  }
0xb9: {  	_ =	sdelay $0x2  }
0xba: {  	s3 =	sshra.s32 s3, $0x2  }
0xbb: {  	[tilespmem:s3+$0xB700] =	vst v0  }
0xbc: {  	[spmem:s8] =	stream.linear.scatter [tilespmem:s18], [sflag:$0xB], $0x2000, $0x38;
	[tilespmem:$0x1FC00] =	vst v63  }
0xbd: {  	_ =	swait.ge [sflag:s19], $0x2000  }
0xbe: {  	[sflag:s19] =	ssyncset.done $0x0  }
0xbf: {  	[sflag:s19] =	ssyncadd.s32 $0xFFFFE000  }
0xc0: {  	[spmem:s9] =	stream.linear.scatter [tilespmem:s18], [sflag:$0xB], $0x2000, $0x38;
	[tilespmem:$0x1FC00] =	vst v63  }
0xc1: {  	_ =	swait.ge [sflag:s19], $0x2000  }
0xc2: {  	[sflag:s19] =	ssyncset.done $0x0  }
0xc3: {  	[sflag:s19] =	ssyncadd.s32 $0xFFFFE000  }
0xc4: {  	[spmem:s22] =	stream.linear.scatter [tilespmem:s18], [sflag:$0xB], $0x2000, $0x38;
	[tilespmem:$0x1FC00] =	vst v63  }
0xc5: {  	_ =	swait.ge [sflag:s19], $0x2000  }
0xc6: {  	[sflag:s19] =	ssyncset.done $0x0  }
0xc7: {  	[sflag:s19] =	ssyncadd.s32 $0xFFFFE000  }
0xc8: {  	[spmem:s12] =	stream.linear.scatter [tilespmem:s18], [sflag:$0xB], $0x2000, $0x38;
	[tilespmem:$0x1FC00] =	vst v63  }
0xc9: {  	_ =	swait.ge [sflag:s19], $0x2000  }
0xca: {  	[sflag:s19] =	ssyncset.done $0x0  }
0xcb: {  	s0 =	rddreg [dreg:$0x15];
	[sflag:s19] =	ssyncadd.s32 $0xFFFFE000  }
0xcc: {  	[spmem:s0] =	stream.linear.scatter [tilespmem:s18], [sflag:$0xB], $0x2000, $0x38;
	[tilespmem:$0x1FC00] =	vst v63  }
0xcd: {  	_ =	swait.ge [sflag:s19], $0x2000  }
0xce: {  	[sflag:s19] =	ssyncset.done $0x0  }
0xcf: {  	s22 =	rddreg [dreg:$0x16];
	[sflag:s19] =	ssyncadd.s32 $0xFFFFE000  }
0xd0: {  	[spmem:s22] =	stream.linear.scatter [tilespmem:s18], [sflag:$0xB], $0x2000, $0x38;
	[tilespmem:$0x1FC00] =	vst v63  }
0xd1: {  	_ =	swait.ge [sflag:s19], $0x2000  }
0xd2: {  	[sflag:s19] =	ssyncset.done $0x0  }
0xd3: {  	s26 =	rddreg [dreg:$0x17];
	[sflag:s19] =	ssyncadd.s32 $0xFFFFE000  }
0xd4: {  	[spmem:s26] =	stream.linear.scatter [tilespmem:s18], [sflag:$0xB], $0x2000, $0x38;
	[tilespmem:$0x1FC00] =	vst v63  }
0xd5: {  	_ =	swait.ge [sflag:s19], $0x2000  }
0xd6: {  	[sflag:s19] =	ssyncset.done $0x0  }
0xd7: {  	s3 =	rddreg [dreg:$0x18];
	[sflag:s19] =	ssyncadd.s32 $0xFFFFE000  }
0xd8: {  	[spmem:s3] =	stream.linear.scatter [tilespmem:s18], [sflag:$0xB], $0x2000, $0x38;
	[tilespmem:$0x1FC00] =	vst v63  }
0xd9: {  	_ =	swait.ge [sflag:s19], $0x2000  }
0xda: {  	[sflag:s19] =	ssyncset.done $0x0  }
0xdb: {  	s8 =	rddreg [dreg:$0x19];
	[sflag:s19] =	ssyncadd.s32 $0xFFFFE000  }
0xdc: {  	[spmem:s8] =	stream.linear.scatter [tilespmem:s18], [sflag:$0xB], $0x2000, $0x38;
	[tilespmem:$0x1FC00] =	vst v63  }
0xdd: {  	_ =	swait.ge [sflag:s19], $0x2000  }
0xde: {  	[sflag:s19] =	ssyncset.done $0x0  }
0xdf: {  	s9 =	rddreg [dreg:$0x1a];
	[sflag:s19] =	ssyncadd.s32 $0xFFFFE000  }
0xe0: {  	[spmem:s9] =	stream.linear.scatter [tilespmem:s18], [sflag:$0xB], $0x2000, $0x38;
	[tilespmem:$0x1FC00] =	vst v63  }
0xe1: {  	_ =	swait.ge [sflag:s19], $0x2000  }
0xe2: {  	[sflag:s19] =	ssyncset.done $0x0  }
0xe3: {  	s12 =	rddreg [dreg:$0x1b];
	[sflag:s19] =	ssyncadd.s32 $0xFFFFE000  }
0xe4: {  	[spmem:s12] =	stream.linear.scatter [tilespmem:s25], [sflag:$0xB], $0x280, $0x38;
	[tilespmem:$0x1FC00] =	vst v63  }
0xe5: {  	_ =	swait.ge [sflag:s19], $0x280  }
0xe6: {  	[sflag:s19] =	ssyncset.done $0x0  }
0xe7: {  	[sflag:s19] =	ssyncadd.s32 $0xFFFFFD80  }
0xe8: {  	_ =	swait.ge [sflag:s2], $0x2780  }
0xe9: {  	[sflag:s2] =	ssyncset.done $0x0  }
0xea: {  	[sflag:s2] =	ssyncadd.s32 $0xFFFFD880  }
0xeb: {  	_ =	swait.ge [sflag:s2], $0x2780  }
0xec: {  	[sflag:s2] =	ssyncset.done $0x0  }
0xed: {  	[sflag:s2] =	ssyncadd.s32 $0xFFFFD880  }
0xee: {  	[bflag:$0x0] =	sbarrier.arrive $0xFFFF  }
0xef: {  	s9 =	simm.s32 $0x0;
	s22 =	rddreg [dreg:$0x1c]  }
0xf0: {  	[tilespmem:s9], [sflag:$0x1] =	stream.linear.gather [hbm4b:s22+s9], $0x80, $0x38;
	[tilespmem:$0x1FC00] =	vst v63  }
0xf1: {  	s26 =	simm.s32 $0x200;
	s25 =	rddreg [dreg:$0x1d]  }
0xf2: {  	[tilespmem:s26], [sflag:$0x1] =	stream.linear.gather [hbm4b:s25+s9], $0x80, $0x38;
	[tilespmem:$0x1FC00] =	vst v63  }
0xf3: {  	_ =	swait.ge [sflag:s4], $0x80  }
0xf4: {  	[sflag:s4] =	ssyncset.done $0x0  }
0xf5: {  	[sflag:s4] =	ssyncadd.s32 $0xFFFFFF80  }
0xf6: {  	_ =	swait.ge [sflag:s4], $0x80  }
0xf7: {  	[sflag:s4] =	ssyncset.done $0x0  }
0xf8: {  	s8 =	rddreg [dreg:$0x1f];
	[sflag:s4] =	ssyncadd.s32 $0xFFFFFF80  }
0xf9: {  	[tilespmem:s18], [sflag:$0x2] =	stream.indirect.gather [hbm4b:s10+s5], $0x80, s9, s5, $0xb8;
	[tilespmem:$0x1FC00] =	vst v63  }
0xfa: {  	s12 =	simm.s32 $0x80;
	s22 =	sld [smem:$0x7F9]  }
0xfb: {  	[tilespmem:s12], [sflag:$0x1] =	stream.linear.gather [hbm4b:s8+s9], $0x80, $0x38;
	[tilespmem:$0x1FC00] =	vst v63  }
0xfc: {  	s25 =	simm.s32 $0x280  }
0xfd: {  	[tilespmem:s25], [sflag:$0x1] =	stream.linear.gather [hbm4b:s22+s9], $0x80, $0x38;
	[tilespmem:$0x1FC00] =	vst v63  }
0xfe: {  	_ =	swait.ge [sflag:s4], $0x80  }
0xff: {  	[sflag:s4] =	ssyncset.done $0x0  }
0x100: {  	[sflag:s4] =	ssyncadd.s32 $0xFFFFFF80  }
0x101: {  	_ =	swait.ge [sflag:s4], $0x80  }
0x102: {  	[sflag:s4] =	ssyncset.done $0x0  }
0x103: {  	s26 =	simm.s32 $0x7700;
	s8 =	simm.s32 $0x0;
	[sflag:s4] =	ssyncadd.s32 $0xFFFFFF80  }
0x104: {  	[tilespmem:s26], [sflag:$0x3] =	stream.indirect.gather [hbm4b:s10+s5], $0x80, s12, s5, $0xb8;
	[tilespmem:$0x1FC00] =	vst v63  }
.LBB2_6:
0x105: {  	s3 =	smul.u32 $0x180, s8;
	_ =	sdelay $0x1  }
0x106: {  	s0 =	sadd.s32 $0x100, s3  }
0x107: {  	s9 =	sand.u32 $0xFC00, s0  }
0x108: {  	s0 =	sand.u32 $0x380, s0;
	s9 =	sadd.s32 s24, s9  }
0x109: {  	s0 =	sor.u32 s0, s9  }
0x10a: {  	s0 =	sshrl.u32 s0, $0x3  }
0x10b: {  	s12 =	sadd.s32 s16, s0  }
0x10c: {  	[tilespmem:s20], [sflag:$0x1] =	stream.linear.gather [hbm4b:s12+s1], $0x80, $0x38;
	[tilespmem:$0x1FC00] =	vst v63  }
0x10d: {  	s22 =	simm.s32 $0x300;
	p0 =	seq.s32 s8, $0x0;
	s0 =	sadd.s32 s17, s0  }
0x10e: {  	[tilespmem:s22], [sflag:$0x1] =	stream.linear.gather [hbm4b:s0+s1], $0x80, $0x38;
	[tilespmem:$0x1FC00] =	vst v63  }
0x10f: {  	s0 =	simm.s32 @!p0 $0x8  }
0x110: {  	_ =	swait.ge @!p0 [sflag:s0], $0x40  }
0x111: {  	[sflag:s0] =	ssyncset.done @!p0 $0x0  }
0x112: {  	[sflag:s0] =	ssyncadd.s32 @!p0 $0xFFFFFFC0  }
0x113: {  	v1 =	vld [tilespmem:$0x0]  }
0x114: {  	v2 =	vld [tilespmem:$0x200];
	_ =	sdelay $0x6  }
0x115: {  	v1 =	vld.idx.msk [tilespmem:v1+s11+$0x0], $0xffff  }
0x116: {  	v3 =	vld.idx.msk [tilespmem:v2+s15+$0x0], $0xffff;
	_ =	sdelay $0x4  }
0x117: {  	v1 =	vadd.f32 v3, v1;
	_ =	sdelay $0x1  }
0x118: {  	v3 =	vmul.f32 $2.000000030e-01, v1  }
0x119: {  	vm0 =	vgt.f32 v1, $0.0e+00  }
0x11a: {  	v1 =	vsel vm0, v1, v3  }
0x11b: {  	v1 =	vmul.f32 $1.442695020e+00, v1;
	_ =	sdelay $0x1  }
0x11c: {  	(erf) = vpow2.f32 v1;
	_ =	sdelay $0x3  }
0x11d: {  	v1 =	vld [tilespmem:$0x10]  }
0x11e: {  	v3 =	vld [tilespmem:$0x210]  }
0x11f: {  	s9 =	smul.u32 $0xC0, s8  }
0x120: {  	s25 =	rddreg [dreg:$0x1e]  }
0x121: {  	s0 =	sadd.s32 s25, s9  }
0x122: {  	p1 =	slt.u32 s0, $0x4E200;
	v4 =	vpop (erf)  }
0x123: {  	[tilespmem:$0x400] =	vst v2;
	v4 =	vpsel !p1, $0x0, v4  }
0x124: {  	[tilespmem:$0x5500] =	vst v4  }
0x125: {  	v1 =	vld.idx.msk [tilespmem:v1+s11+$0x0], $0xffff  }
0x126: {  	v2 =	vld.idx.msk [tilespmem:v3+s15+$0x0], $0xffff;
	_ =	sdelay $0x4  }
0x127: {  	v1 =	vadd.f32 v2, v1;
	_ =	sdelay $0x1  }
0x128: {  	v2 =	vmul.f32 $2.000000030e-01, v1  }
0x129: {  	vm13 =	vgt.f32 v1, $0.0e+00  }
0x12a: {  	v1 =	vsel vm13, v1, v2  }
0x12b: {  	v1 =	vmul.f32 $1.442695020e+00, v1;
	_ =	sdelay $0x1  }
0x12c: {  	(erf) = vpow2.f32 v1;
	_ =	sdelay $0x3  }
0x12d: {  	v1 =	vld [tilespmem:$0x20]  }
0x12e: {  	v2 =	vld [tilespmem:$0x220];
	_ =	sdelay $0x2  }
0x12f: {  	s22 =	sor.u32 $0x10, s0  }
0x130: {  	p4 =	slt.u32 s22, $0x4E200;
	v4 =	vpop (erf)  }
0x131: {  	[tilespmem:$0x410] =	vst v3;
	v4 =	vpsel !p4, $0x0, v4  }
0x132: {  	[tilespmem:$0x5510] =	vst v4  }
0x133: {  	v1 =	vld.idx.msk [tilespmem:v1+s11+$0x0], $0xffff  }
0x134: {  	v3 =	vld.idx.msk [tilespmem:v2+s15+$0x0], $0xffff;
	_ =	sdelay $0x4  }
0x135: {  	v1 =	vadd.f32 v3, v1;
	_ =	sdelay $0x1  }
0x136: {  	v3 =	vmul.f32 $2.000000030e-01, v1  }
0x137: {  	vm14 =	vgt.f32 v1, $0.0e+00  }
0x138: {  	v1 =	vsel vm14, v1, v3  }
0x139: {  	v1 =	vmul.f32 $1.442695020e+00, v1;
	_ =	sdelay $0x1  }
0x13a: {  	(erf) = vpow2.f32 v1;
	_ =	sdelay $0x3  }
0x13b: {  	v1 =	vld [tilespmem:$0x30]  }
0x13c: {  	v3 =	vld [tilespmem:$0x230];
	_ =	sdelay $0x2  }
0x13d: {  	s26 =	sor.u32 $0x20, s0  }
0x13e: {  	p5 =	slt.u32 s26, $0x4E200;
	v4 =	vpop (erf)  }
0x13f: {  	[tilespmem:$0x420] =	vst v2;
	v4 =	vpsel !p5, $0x0, v4  }
0x140: {  	[tilespmem:$0x5520] =	vst v4  }
0x141: {  	v1 =	vld.idx.msk [tilespmem:v1+s11+$0x0], $0xffff  }
0x142: {  	v2 =	vld.idx.msk [tilespmem:v3+s15+$0x0], $0xffff;
	_ =	sdelay $0x4  }
0x143: {  	v1 =	vadd.f32 v2, v1;
	_ =	sdelay $0x1  }
0x144: {  	v2 =	vmul.f32 $2.000000030e-01, v1  }
0x145: {  	vm15 =	vgt.f32 v1, $0.0e+00  }
0x146: {  	v1 =	vsel vm15, v1, v2  }
0x147: {  	v1 =	vmul.f32 $1.442695020e+00, v1;
	_ =	sdelay $0x1  }
0x148: {  	(erf) = vpow2.f32 v1;
	_ =	sdelay $0x7  }
0x149: {  	s0 =	sor.u32 $0x30, s0  }
0x14a: {  	p6 =	slt.u32 s0, $0x4E200;
	v1 =	vpop (erf)  }
0x14b: {  	[tilespmem:$0x430] =	vst v3;
	v1 =	vpsel !p6, $0x0, v1  }
0x14c: {  	s12 =	simm.s32 $0x0;
	s25 =	simm.s32 $0x400;
	s22 =	simm.s32 $0x2;
	[tilespmem:$0x5530] =	vst v1  }
0x14d: {  	v2 =	vmov s12;
	[spmem:s14] =	stream.indirect.scatter.add.f32 [tilespmem:s23], [sflag:$0x8], $0x1, s25, s5, $0xb8;
	[tilespmem:$0x1FC00] =	vst v63  }
0x14e: {  	v4 =	vmov s22;
	v2 =	vand.u32 $0xFFFFFFFC, v2;
	_ =	swait.ge [sflag:s2], $0x2000  }
0x14f: {  	v1 =	vbroadcast v2, $0x0;
	v2 =	vand.u32 $0xFFFFFFFE, v4;
	[sflag:s2] =	ssyncset.done $0x0  }
0x150: {  	s0 =	simm.s32 $0x5800;
	v2 =	vbroadcast v2, $0x0;
	[sflag:s2] =	ssyncadd.s32 $0xFFFFE000  }
0x151: {  	v4 =	vld [tilespmem:s0+$0x70]  }
0x152: {  	s26 =	simm.s32 $0x1;
	v5 =	vld [tilespmem:s0+$0xFFFFFF00]  }
0x153: {  	v3 =	vmov s26;
	v6 =	vld [tilespmem:s0+$0xFFFFFF10]  }
0x154: {  	v3 =	vand.u32 $0xFFFFFFFD, v3;
	v7 =	vld [tilespmem:s0+$0xFFFFFF20]  }
0x155: {  	v3 =	vbroadcast v3, $0x0;
	v1 =	vld.idx.msk [tilespmem:v1+s23+$0x0], $0xffff  }
0x156: {  	v2 =	vld.idx.msk [tilespmem:v2+s23+$0x0], $0xffff  }
0x157: {  	v8 =	vld [tilespmem:s0+$0xFFFFFF30]  }
0x158: {  	v9 =	vld [tilespmem:s0+$0xFFFFFF40]  }
0x159: {  	v10 =	vld [tilespmem:s0+$0xFFFFFF50]  }
0x15a: {  	v11 =	vld [tilespmem:s0+$0xFFFFFF60];
	v5 =	vmul.f32 v5, v1  }
0x15b: {  	v3 =	vld.idx.msk [tilespmem:v3+s23+$0x0], $0xffff;
	v4 =	vmul.f32 v4, v2  }
0x15c: {  	v13 =	vld [tilespmem:s0+$0x40];
	[tilespmem:s0+$0xFFFFFF00] =	vst v5;
	v5 =	vmul.f32 v6, v1  }
0x15d: {  	v6 =	vld [tilespmem:s0+$0xFFFFFF70];
	[tilespmem:s0+$0x70] =	vst v4;
	v4 =	vmul.f32 v7, v1  }
0x15e: {  	v7 =	vld [tilespmem:s0+$0xFFFFFF80];
	[tilespmem:s0+$0xFFFFFF10] =	vst v5;
	v5 =	vmul.f32 v8, v1  }
0x15f: {  	v8 =	vld [tilespmem:s0+$0xFFFFFF90];
	[tilespmem:s0+$0xFFFFFF20] =	vst v4;
	v4 =	vmul.f32 v9, v1  }
0x160: {  	v9 =	vld [tilespmem:s0+$0xFFFFFFA0];
	[tilespmem:s0+$0xFFFFFF30] =	vst v5;
	v5 =	vmul.f32 v10, v1  }
0x161: {  	v10 =	vld [tilespmem:s0+$0xFFFFFFB0];
	[tilespmem:s0+$0xFFFFFF40] =	vst v4;
	v4 =	vmul.f32 v11, v1  }
0x162: {  	v11 =	vld [tilespmem:s0+$0xFFFFFFC0];
	v6 =	vmul.f32 v6, v1;
	[tilespmem:s0+$0xFFFFFF50] =	vst v5  }
0x163: {  	v5 =	vmul.f32 v7, v3;
	v7 =	vld [tilespmem:s0+$0xFFFFFFD0];
	[tilespmem:s0+$0xFFFFFF60] =	vst v4  }
0x164: {  	s12 =	simm.s32 $0x3;
	v4 =	vld [tilespmem:s0+$0xFFFFFFE0];
	v8 =	vmul.f32 v8, v3;
	[tilespmem:s0+$0xFFFFFF70] =	vst v6  }
0x165: {  	v12 =	vmov s12;
	v6 =	vld [tilespmem:s0+$0xFFFFFFF0];
	[tilespmem:s0+$0xFFFFFF80] =	vst v5;
	v5 =	vmul.f32 v9, v3  }
0x166: {  	v9 =	vld [tilespmem:s0+$0x0];
	[tilespmem:s0+$0xFFFFFF90] =	vst v8;
	v8 =	vmul.f32 v10, v3  }
0x167: {  	v10 =	vld [tilespmem:s0+$0x10];
	[tilespmem:s0+$0xFFFFFFA0] =	vst v5;
	v5 =	vmul.f32 v11, v3  }
0x168: {  	[tilespmem:s0+$0xFFFFFFB0] =	vst v8;
	v7 =	vmul.f32 v7, v3;
	v8 =	vld [tilespmem:s0+$0x20]  }
0x169: {  	v11 =	vld [tilespmem:s0+$0x30];
	[tilespmem:s0+$0xFFFFFFC0] =	vst v5;
	v4 =	vmul.f32 v4, v3  }
0x16a: {  	v1 =	vld.idx.msk [tilespmem:v12+s23+$0x0], $0xffff;
	v3 =	vmul.f32 v6, v3;
	[tilespmem:s0+$0xFFFFFFD0] =	vst v7  }
0x16b: {  	v5 =	vmul.f32 v9, v2;
	[tilespmem:s0+$0xFFFFFFE0] =	vst v4;
	v4 =	vld [tilespmem:s0+$0x50]  }
0x16c: {  	s25 =	simm.s32 $0x4;
	[tilespmem:s0+$0xFFFFFFF0] =	vst v3;
	v6 =	vmul.f32 v10, v2;
	v3 =	vld [tilespmem:s0+$0x60]  }
0x16d: {  	s26 =	simm.s32 $0x7;
	v7 =	vmov s25;
	[tilespmem:s0+$0x0] =	vst v5;
	v9 =	vmul.f32 v8, v2;
	v8 =	vld [tilespmem:s0+$0x80]  }
0x16e: {  	s25 =	simm.s32 $0x5;
	v12 =	vand.u32 $0xFFFFFFFC, v7;
	v7 =	vld [tilespmem:s0+$0x90];
	v5 =	vmov s26;
	v10 =	vmul.f32 v11, v2;
	[tilespmem:s0+$0x10] =	vst v6  }
0x16f: {  	s22 =	simm.s32 $0x5800;
	s26 =	simm.s32 $0x6;
	v11 =	vmul.f32 v13, v2;
	v6 =	vbroadcast v12, $0x0;
	v12 =	vmov s25;
	s25 =	simm.s32 $0x8;
	[tilespmem:s0+$0x20] =	vst v9;
	v9 =	vld [tilespmem:s0+$0xA0]  }
.LBB2_7:
0x170: {  	p1 =	slt.u32 s25, $0x3C;
	v12 =	vand.u32 $0xFFFFFFFD, v12;
	v13 =	vmov s26;
	[tilespmem:s0+$0x30] =	vst v10;
	v4 =	vmul.f32 v4, v2;
	v10 =	vld [tilespmem:s0+$0xB0]  }
0x171: {  	v12 =	vbroadcast v12, $0x0;
	v13 =	vand.u32 $0xFFFFFFFE, v13;
	[tilespmem:s0+$0x40] =	vst v11;
	v2 =	vmul.f32 v3, v2;
	v3 =	vld [tilespmem:s0+$0xC0]  }
0x172: {  	v11 =	vbroadcast v13, $0x0;
	[tilespmem:s0+$0x50] =	vst v4;
	v4 =	vmul.f32 v8, v1;
	v8 =	vld [tilespmem:s0+$0xD0]  }
0x173: {  	[tilespmem:s0+$0x60] =	vst v2;
	v2 =	vmul.f32 v7, v1;
	v7 =	vld [tilespmem:s0+$0xE0]  }
0x174: {  	[tilespmem:s0+$0x80] =	vst v4;
	v4 =	vmul.f32 v9, v1;
	v9 =	vld [tilespmem:s0+$0xF0]  }
0x175: {  	v5 =	vld.idx.msk [tilespmem:v5+s23+$0x0], $0xffff;
	[tilespmem:s0+$0x90] =	vst v2;
	v2 =	vmul.f32 v10, v1  }
0x176: {  	v6 =	vld.idx.msk [tilespmem:v6+s23+$0x0], $0xffff;
	[tilespmem:s0+$0xA0] =	vst v4;
	v3 =	vmul.f32 v3, v1  }
0x177: {  	v4 =	vld.idx.msk [tilespmem:v12+s23+$0x0], $0xffff;
	[tilespmem:s0+$0xB0] =	vst v2;
	v8 =	vmul.f32 v8, v1  }
0x178: {  	s0 =	sadd.s32 $0x200, s0;
	v2 =	vld.idx.msk [tilespmem:v11+s23+$0x0], $0xffff;
	[tilespmem:s22+$0xC0] =	vst v3;
	v3 =	vmul.f32 v7, v1  }
0x179: {  	v7 =	vld [tilespmem:s0+$0x70];
	[tilespmem:s22+$0xD0] =	vst v8;
	v9 =	vmul.f32 v9, v1  }
0x17a: {  	v8 =	vld [tilespmem:s0+$0xFFFFFF00];
	[tilespmem:s22+$0xE0] =	vst v3  }
0x17b: {  	v1 =	vmov v5;
	v3 =	vld [tilespmem:s0+$0xFFFFFF10];
	[tilespmem:s22+$0xF0] =	vst v9;
	s22 =	smov.u32 s0  }
0x17c: {  	v5 =	vld [tilespmem:s0+$0xFFFFFF20]  }
0x17d: {  	v9 =	vld [tilespmem:s0+$0xFFFFFF30]  }
0x17e: {  	v10 =	vld [tilespmem:s0+$0xFFFFFF40];
	v7 =	vmul.f32 v7, v2  }
0x17f: {  	v8 =	vmul.f32 v8, v6;
	v11 =	vld [tilespmem:s0+$0xFFFFFF50]  }
0x180: {  	v3 =	vmul.f32 v3, v6;
	v12 =	vld [tilespmem:s0+$0xFFFFFF60];
	[tilespmem:s0+$0x70] =	vst v7  }
0x181: {  	[tilespmem:s0+$0xFFFFFF00] =	vst v8;
	v5 =	vmul.f32 v5, v6;
	v7 =	vld [tilespmem:s0+$0xFFFFFF70]  }
0x182: {  	[tilespmem:s0+$0xFFFFFF10] =	vst v3;
	v3 =	vmul.f32 v9, v6;
	v8 =	vld [tilespmem:s0+$0xFFFFFF80]  }
0x183: {  	[tilespmem:s0+$0xFFFFFF20] =	vst v5;
	v5 =	vmul.f32 v10, v6;
	v9 =	vld [tilespmem:s0+$0xFFFFFF90]  }
0x184: {  	[tilespmem:s0+$0xFFFFFF30] =	vst v3;
	v3 =	vmul.f32 v11, v6;
	v10 =	vld [tilespmem:s0+$0xFFFFFFA0]  }
0x185: {  	[tilespmem:s0+$0xFFFFFF40] =	vst v5;
	v5 =	vmul.f32 v12, v6;
	v11 =	vld [tilespmem:s0+$0xFFFFFFB0]  }
0x186: {  	[tilespmem:s0+$0xFFFFFF50] =	vst v3;
	v3 =	vmul.f32 v7, v6;
	v6 =	vld [tilespmem:s0+$0xFFFFFFC0]  }
0x187: {  	[tilespmem:s0+$0xFFFFFF60] =	vst v5;
	v5 =	vmul.f32 v8, v4;
	v7 =	vld [tilespmem:s0+$0xFFFFFFD0]  }
0x188: {  	[tilespmem:s0+$0xFFFFFF70] =	vst v3;
	v3 =	vmul.f32 v9, v4;
	v8 =	vld [tilespmem:s0+$0xFFFFFFE0]  }
0x189: {  	[tilespmem:s0+$0xFFFFFF80] =	vst v5;
	v5 =	vmul.f32 v10, v4;
	v9 =	vld [tilespmem:s0+$0xFFFFFFF0]  }
0x18a: {  	[tilespmem:s0+$0xFFFFFF90] =	vst v3;
	v3 =	vmul.f32 v11, v4;
	v10 =	vld [tilespmem:s0+$0x0]  }
0x18b: {  	[tilespmem:s0+$0xFFFFFFA0] =	vst v5;
	v5 =	vmul.f32 v6, v4;
	v6 =	vld [tilespmem:s0+$0x10]  }
0x18c: {  	[tilespmem:s0+$0xFFFFFFB0] =	vst v3;
	v3 =	vmul.f32 v7, v4;
	v7 =	vld [tilespmem:s0+$0x20]  }
0x18d: {  	[tilespmem:s0+$0xFFFFFFC0] =	vst v5;
	v5 =	vmul.f32 v8, v4;
	v11 =	vld [tilespmem:s0+$0x30]  }
0x18e: {  	[tilespmem:s0+$0xFFFFFFD0] =	vst v3;
	v3 =	vmul.f32 v9, v4;
	v9 =	vld [tilespmem:s0+$0x40]  }
.Ltmp4:
0x18f: {  	[tilespmem:s0+$0xFFFFFFE0] =	vst v5;
	v5 =	vmul.f32 v10, v2;
	v4 =	vld [tilespmem:s0+$0x50];
	(pc) =	sbr.rel @p1 .LBB2_7-.Ltmp4, $4  }
0x190: {  	[tilespmem:s0+$0xFFFFFFF0] =	vst v3;
	v6 =	vmul.f32 v6, v2;
	v3 =	vld [tilespmem:s0+$0x60]  }
0x191: {  	s26 =	sadd.s32 $0x3, s25;
	v10 =	vmov s25;
	[tilespmem:s0+$0x0] =	vst v5;
	v13 =	vmul.f32 v7, v2;
	v8 =	vld [tilespmem:s0+$0x80]  }
0x192: {  	s12 =	sadd.s32 $0x1, s25;
	v12 =	vand.u32 $0xFFFFFFFC, v10;
	v5 =	vmov s26;
	[tilespmem:s0+$0x10] =	vst v6;
	v10 =	vmul.f32 v11, v2;
	v7 =	vld [tilespmem:s0+$0x90]  }
0x193: {  	s26 =	sadd.s32 $0x2, s25;
	s25 =	sadd.s32 $0x4, s25;
	v6 =	vbroadcast v12, $0x0;
	v12 =	vmov s12;
	[tilespmem:s0+$0x20] =	vst v13;
	v11 =	vmul.f32 v9, v2;
	v9 =	vld [tilespmem:s0+$0xA0]  }
0x194: {  	v13 =	vld [tilespmem:s0+$0xB0]  }
0x195: {  	v15 =	vld [tilespmem:s0+$0xC0]  }
0x196: {  	v14 =	vmov s26;
	v16 =	vld [tilespmem:s0+$0xD0]  }
0x197: {  	v17 =	vld [tilespmem:s0+$0xE0];
	[tilespmem:s0+$0x30] =	vst v10;
	v4 =	vmul.f32 v4, v2;
	v14 =	vand.u32 $0xFFFFFFFE, v14  }
0x198: {  	v12 =	vand.u32 $0xFFFFFFFD, v12;
	v5 =	vld.idx.msk [tilespmem:v5+s23+$0x0], $0xffff;
	[tilespmem:s0+$0x40] =	vst v11;
	v2 =	vmul.f32 v3, v2;
	v14 =	vbroadcast v14, $0x0  }
0x199: {  	s25 =	sadd.s32 $0x200, s0;
	v12 =	vbroadcast v12, $0x0;
	v3 =	vld.idx.msk [tilespmem:v6+s23+$0x0], $0xffff;
	v8 =	vmul.f32 v8, v1;
	[tilespmem:s0+$0x50] =	vst v4  }
0x19a: {  	v10 =	vld [tilespmem:s25+$0xFFFFFF00];
	v4 =	vmul.f32 v7, v1;
	[tilespmem:s0+$0x60] =	vst v2  }
0x19b: {  	[tilespmem:s0+$0x80] =	vst v8;
	v8 =	vld [tilespmem:s0+$0xF0];
	v2 =	vmul.f32 v9, v1  }
0x19c: {  	v11 =	vld [tilespmem:s25+$0xFFFFFF10];
	[tilespmem:s0+$0x90] =	vst v4;
	v4 =	vmul.f32 v13, v1  }
0x19d: {  	v9 =	vld [tilespmem:s25+$0x70];
	[tilespmem:s0+$0xA0] =	vst v2;
	v2 =	vmul.f32 v15, v1  }
0x19e: {  	[tilespmem:s0+$0xB0] =	vst v4;
	v4 =	vmul.f32 v16, v1;
	v7 =	vld.idx.msk [tilespmem:v14+s23+$0x0], $0xffff  }
0x19f: {  	v6 =	vld.idx.msk [tilespmem:v12+s23+$0x0], $0xffff;
	[tilespmem:s22+$0xC0] =	vst v2;
	v2 =	vmul.f32 v17, v1  }
0x1a0: {  	v12 =	vld [tilespmem:s25+$0xFFFFFF20];
	[tilespmem:s22+$0xD0] =	vst v4;
	v1 =	vmul.f32 v8, v1  }
0x1a1: {  	v4 =	vld [tilespmem:s25+$0xFFFFFF30];
	[tilespmem:s22+$0xE0] =	vst v2  }
0x1a2: {  	v2 =	vld [tilespmem:s25+$0xFFFFFF40];
	[tilespmem:s22+$0xF0] =	vst v1;
	v1 =	vmul.f32 v10, v3  }
0x1a3: {  	v8 =	vmul.f32 v9, v7;
	v9 =	vld [tilespmem:s25+$0xFFFFFF50]  }
0x1a4: {  	v10 =	vmul.f32 v11, v3;
	v11 =	vld [tilespmem:s25+$0xFFFFFF60];
	[tilespmem:s25+$0xFFFFFF00] =	vst v1  }
0x1a5: {  	v1 =	vmul.f32 v12, v3;
	[tilespmem:s25+$0x70] =	vst v8;
	v8 =	vld [tilespmem:s25+$0xFFFFFF70]  }
0x1a6: {  	[tilespmem:s25+$0xFFFFFF10] =	vst v10;
	v10 =	vld [tilespmem:s25+$0xFFFFFF80];
	v4 =	vmul.f32 v4, v3  }
0x1a7: {  	[tilespmem:s25+$0xFFFFFF20] =	vst v1;
	v1 =	vmul.f32 v2, v3;
	v2 =	vld [tilespmem:s25+$0xFFFFFF90]  }
0x1a8: {  	[tilespmem:s25+$0xFFFFFF30] =	vst v4;
	v4 =	vmul.f32 v9, v3;
	v9 =	vld [tilespmem:s25+$0xFFFFFFA0]  }
0x1a9: {  	[tilespmem:s25+$0xFFFFFF40] =	vst v1;
	v1 =	vmul.f32 v11, v3;
	v11 =	vld [tilespmem:s25+$0xFFFFFFB0]  }
0x1aa: {  	[tilespmem:s25+$0xFFFFFF50] =	vst v4;
	v3 =	vmul.f32 v8, v3;
	v4 =	vld [tilespmem:s25+$0xFFFFFFC0]  }
0x1ab: {  	[tilespmem:s25+$0xFFFFFF60] =	vst v1;
	v1 =	vmul.f32 v10, v6;
	v8 =	vld [tilespmem:s25+$0xFFFFFFD0]  }
0x1ac: {  	v2 =	vmul.f32 v2, v6;
	[tilespmem:s25+$0xFFFFFF70] =	vst v3;
	v3 =	vld [tilespmem:s25+$0xFFFFFFE0]  }
0x1ad: {  	[tilespmem:s25+$0xFFFFFF80] =	vst v1;
	v1 =	vmul.f32 v9, v6;
	v9 =	vld [tilespmem:s25+$0xFFFFFFF0]  }
0x1ae: {  	v10 =	vld [tilespmem:s25+$0x0];
	[tilespmem:s25+$0xFFFFFF90] =	vst v2;
	v2 =	vmul.f32 v11, v6  }
0x1af: {  	[tilespmem:s25+$0xFFFFFFA0] =	vst v1;
	v1 =	vmul.f32 v4, v6;
	v4 =	vld [tilespmem:s25+$0x10]  }
0x1b0: {  	[tilespmem:s25+$0xFFFFFFB0] =	vst v2;
	v2 =	vmul.f32 v8, v6;
	v8 =	vld [tilespmem:s25+$0x20]  }
0x1b1: {  	[tilespmem:s25+$0xFFFFFFC0] =	vst v1;
	v1 =	vmul.f32 v3, v6;
	v3 =	vld [tilespmem:s25+$0x30]  }
0x1b2: {  	[tilespmem:s25+$0xFFFFFFD0] =	vst v2;
	v2 =	vmul.f32 v9, v6;
	v6 =	vld [tilespmem:s25+$0x40]  }
0x1b3: {  	v9 =	vld [tilespmem:s25+$0x50];
	[tilespmem:s25+$0xFFFFFFE0] =	vst v1;
	v1 =	vmul.f32 v10, v7  }
0x1b4: {  	[tilespmem:s25+$0xFFFFFFF0] =	vst v2;
	v2 =	vmul.f32 v4, v7;
	v4 =	vld [tilespmem:s25+$0x60]  }
0x1b5: {  	[tilespmem:s25+$0x0] =	vst v1;
	v1 =	vmul.f32 v8, v7;
	v8 =	vld [tilespmem:s25+$0x80]  }
0x1b6: {  	[tilespmem:s25+$0x10] =	vst v2;
	v2 =	vmul.f32 v3, v7;
	v3 =	vld [tilespmem:s25+$0x90]  }
0x1b7: {  	[tilespmem:s25+$0x20] =	vst v1;
	v1 =	vmul.f32 v6, v7;
	v6 =	vld [tilespmem:s25+$0xA0]  }
0x1b8: {  	[tilespmem:s25+$0x30] =	vst v2;
	v2 =	vmul.f32 v9, v7;
	v9 =	vld [tilespmem:s25+$0xB0]  }
0x1b9: {  	[tilespmem:s25+$0x40] =	vst v1;
	v1 =	vmul.f32 v4, v7;
	v4 =	vld [tilespmem:s25+$0xC0]  }
0x1ba: {  	v7 =	vld [tilespmem:s25+$0xD0];
	[tilespmem:s25+$0x50] =	vst v2;
	v2 =	vmul.f32 v8, v5  }
0x1bb: {  	[tilespmem:s25+$0x60] =	vst v1;
	v1 =	vmul.f32 v3, v5;
	v3 =	vld [tilespmem:s25+$0xE0]  }
0x1bc: {  	[tilespmem:s25+$0x80] =	vst v2;
	v2 =	vmul.f32 v6, v5;
	v6 =	vld [tilespmem:s25+$0xF0]  }
0x1bd: {  	[tilespmem:s25+$0x90] =	vst v1;
	v1 =	vmul.f32 v9, v5  }
0x1be: {  	[tilespmem:s25+$0xA0] =	vst v2;
	v2 =	vmul.f32 v4, v5  }
0x1bf: {  	[tilespmem:s25+$0xB0] =	vst v1;
	v1 =	vmul.f32 v7, v5  }
0x1c0: {  	[tilespmem:s25+$0xC0] =	vst v2;
	v2 =	vmul.f32 v3, v5  }
0x1c1: {  	[tilespmem:s25+$0xD0] =	vst v1;
	v1 =	vmul.f32 v6, v5  }
0x1c2: {  	[tilespmem:s25+$0xE0] =	vst v2  }
0x1c3: {  	s0 =	simm.s32 @!p0 $0x7;
	[tilespmem:s25+$0xF0] =	vst v1  }
0x1c4: {  	_ =	swait.ge @!p0 [sflag:s0], $0x2000  }
0x1c5: {  	[sflag:s0] =	ssyncset.done @!p0 $0x0  }
0x1c6: {  	[sflag:s0] =	ssyncadd.s32 @!p0 $0xFFFFE000  }
0x1c7: {  	_ =	swait.ge [sflag:s4], $0x80  }
0x1c8: {  	p1 =	seq.s32 s8, $0x35;
	[sflag:s4] =	ssyncset.done $0x0  }
0x1c9: {  	s0 =	sadd.s32 @!p1 $0x180, s3;
	[sflag:s4] =	ssyncadd.s32 $0xFFFFFF80  }
0x1ca: {  	s12 =	sand.u32 @!p1 $0xFC00, s0;
	_ =	swait.ge [sflag:s4], $0x80  }
0x1cb: {  	s0 =	sand.u32 @!p1 $0x380, s0;
	s12 =	sadd.s32 @!p1 s24, s12;
	[sflag:s4] =	ssyncset.done $0x0  }
0x1cc: {  	s25 =	simm.s32 $0x9700;
	s0 =	sor.u32 @!p1 s0, s12;
	[sflag:s4] =	ssyncadd.s32 $0xFFFFFF80  }
0x1cd: {  	[tilespmem:s25], [sflag:$0x4] =	stream.indirect.gather [hbm4b:s10+s5], $0x80, s20, s5, $0xb8;
	[tilespmem:$0x1FC00] =	vst v63  }
0x1ce: {  	s26 =	simm.s32 $0x400;
	s0 =	sshrl.u32 @!p1 s0, $0x3  }
0x1cf: {  	[spmem:s13] =	stream.indirect.scatter.add.f32 [tilespmem:s18], [sflag:$0x5], $0x80, s26, s5, $0xb8;
	[tilespmem:$0x1FC00] =	vst v63  }
0x1d0: {  	p2 =	seq.s32 @!p1 s8, $0x0;
	s22 =	simm.s32 @!p1 $0x0;
	s12 =	sadd.s32 @!p1 s16, s0  }
0x1d1: {  	[tilespmem:s22], [sflag:$0x1] =	stream.linear.gather @!p1 [hbm4b:s12+s22], $0x80, $0x38;
	[tilespmem:$0x1FC00] =	vst v63  }
0x1d2: {  	p2 =	por p1, !p2;
	s0 =	sadd.s32 @!p1 s17, s0;
	s12 =	simm.s32 @!p1 $0x200  }
0x1d3: {  	[tilespmem:s12], [sflag:$0x1] =	stream.linear.gather @!p1 [hbm4b:s0+s22], $0x80, $0x38;
	[tilespmem:$0x1FC00] =	vst v63  }
0x1d4: {  	s0 =	simm.s32 @p2 $0x9  }
0x1d5: {  	_ =	swait.ge @p2 [sflag:s0], $0x40  }
0x1d6: {  	[sflag:s0] =	ssyncset.done @p2 $0x0  }
0x1d7: {  	[sflag:s0] =	ssyncadd.s32 @p2 $0xFFFFFFC0  }
0x1d8: {  	v1 =	vld [tilespmem:$0x80]  }
0x1d9: {  	v2 =	vld [tilespmem:$0x280];
	_ =	sdelay $0x6  }
0x1da: {  	v1 =	vld.idx.msk [tilespmem:v1+s11+$0x0], $0xffff  }
0x1db: {  	v3 =	vld.idx.msk [tilespmem:v2+s15+$0x0], $0xffff;
	_ =	sdelay $0x4  }
0x1dc: {  	v1 =	vadd.f32 v3, v1;
	_ =	sdelay $0x1  }
0x1dd: {  	v3 =	vmul.f32 $2.000000030e-01, v1  }
0x1de: {  	vm0 =	vgt.f32 v1, $0.0e+00  }
0x1df: {  	v1 =	vsel vm0, v1, v3  }
0x1e0: {  	v1 =	vmul.f32 $1.442695020e+00, v1;
	_ =	sdelay $0x1  }
0x1e1: {  	(erf) = vpow2.f32 v1;
	_ =	sdelay $0x3  }
0x1e2: {  	v1 =	vld [tilespmem:$0x90]  }
0x1e3: {  	s12 =	sld [smem:$0x7FC];
	v3 =	vld [tilespmem:$0x290];
	_ =	sdelay $0x2  }
0x1e4: {  	s0 =	sadd.s32 s12, s9  }
0x1e5: {  	p3 =	slt.u32 s0, $0x4E200;
	v4 =	vpop (erf)  }
0x1e6: {  	[tilespmem:$0x480] =	vst v2;
	v4 =	vpsel !p3, $0x0, v4  }
0x1e7: {  	[tilespmem:$0x5580] =	vst v4  }
0x1e8: {  	v1 =	vld.idx.msk [tilespmem:v1+s11+$0x0], $0xffff  }
0x1e9: {  	v2 =	vld.idx.msk [tilespmem:v3+s15+$0x0], $0xffff;
	_ =	sdelay $0x4  }
0x1ea: {  	v1 =	vadd.f32 v2, v1;
	_ =	sdelay $0x1  }
0x1eb: {  	v2 =	vmul.f32 $2.000000030e-01, v1  }
0x1ec: {  	vm13 =	vgt.f32 v1, $0.0e+00  }
0x1ed: {  	v1 =	vsel vm13, v1, v2  }
0x1ee: {  	v1 =	vmul.f32 $1.442695020e+00, v1;
	_ =	sdelay $0x1  }
0x1ef: {  	(erf) = vpow2.f32 v1;
	_ =	sdelay $0x3  }
0x1f0: {  	v1 =	vld [tilespmem:$0xA0]  }
0x1f1: {  	v2 =	vld [tilespmem:$0x2A0];
	_ =	sdelay $0x2  }
0x1f2: {  	s22 =	sor.u32 $0x10, s0  }
0x1f3: {  	p4 =	slt.u32 s22, $0x4E200;
	v4 =	vpop (erf)  }
0x1f4: {  	[tilespmem:$0x490] =	vst v3;
	v4 =	vpsel !p4, $0x0, v4  }
0x1f5: {  	[tilespmem:$0x5590] =	vst v4  }
0x1f6: {  	v1 =	vld.idx.msk [tilespmem:v1+s11+$0x0], $0xffff  }
0x1f7: {  	v3 =	vld.idx.msk [tilespmem:v2+s15+$0x0], $0xffff;
	_ =	sdelay $0x4  }
0x1f8: {  	v1 =	vadd.f32 v3, v1;
	_ =	sdelay $0x1  }
0x1f9: {  	v3 =	vmul.f32 $2.000000030e-01, v1  }
0x1fa: {  	vm14 =	vgt.f32 v1, $0.0e+00  }
0x1fb: {  	v1 =	vsel vm14, v1, v3  }
0x1fc: {  	v1 =	vmul.f32 $1.442695020e+00, v1;
	_ =	sdelay $0x1  }
0x1fd: {  	(erf) = vpow2.f32 v1;
	_ =	sdelay $0x3  }
0x1fe: {  	v1 =	vld [tilespmem:$0xB0]  }
0x1ff: {  	v3 =	vld [tilespmem:$0x2B0];
	_ =	sdelay $0x2  }
0x200: {  	s25 =	sor.u32 $0x20, s0  }
0x201: {  	p5 =	slt.u32 s25, $0x4E200;
	v4 =	vpop (erf)  }
0x202: {  	[tilespmem:$0x4A0] =	vst v2;
	v4 =	vpsel !p5, $0x0, v4  }
0x203: {  	[tilespmem:$0x55A0] =	vst v4  }
0x204: {  	v1 =	vld.idx.msk [tilespmem:v1+s11+$0x0], $0xffff  }
0x205: {  	v2 =	vld.idx.msk [tilespmem:v3+s15+$0x0], $0xffff;
	_ =	sdelay $0x4  }
0x206: {  	v1 =	vadd.f32 v2, v1;
	_ =	sdelay $0x1  }
0x207: {  	v2 =	vmul.f32 $2.000000030e-01, v1  }
0x208: {  	vm15 =	vgt.f32 v1, $0.0e+00  }
0x209: {  	v1 =	vsel vm15, v1, v2  }
0x20a: {  	v1 =	vmul.f32 $1.442695020e+00, v1;
	_ =	sdelay $0x1  }
0x20b: {  	(erf) = vpow2.f32 v1;
	_ =	sdelay $0x7  }
0x20c: {  	s0 =	sor.u32 $0x30, s0  }
0x20d: {  	p6 =	slt.u32 s0, $0x4E200;
	v1 =	vpop (erf)  }
0x20e: {  	[tilespmem:$0x4B0] =	vst v3;
	v1 =	vpsel !p6, $0x0, v1  }
0x20f: {  	s26 =	simm.s32 $0x0;
	s12 =	simm.s32 $0x2;
	s22 =	simm.s32 $0x480;
	[tilespmem:$0x55B0] =	vst v1  }
0x210: {  	v2 =	vmov s26;
	[spmem:s14] =	stream.indirect.scatter.add.f32 [tilespmem:s28], [sflag:$0x9], $0x1, s22, s5, $0xb8;
	[tilespmem:$0x1FC00] =	vst v63  }
0x211: {  	v4 =	vmov s12;
	v2 =	vand.u32 $0xFFFFFFFC, v2;
	_ =	swait.ge [sflag:s29], $0x2000  }
0x212: {  	v1 =	vbroadcast v2, $0x0;
	v2 =	vand.u32 $0xFFFFFFFE, v4;
	[sflag:s29] =	ssyncset.done $0x0  }
0x213: {  	s0 =	simm.s32 $0x78F0;
	v2 =	vbroadcast v2, $0x0;
	[sflag:s29] =	ssyncadd.s32 $0xFFFFE000  }
0x214: {  	v4 =	vld [tilespmem:s0+$0xFFFFFF80]  }
0x215: {  	s25 =	simm.s32 $0x1;
	v5 =	vld [tilespmem:s0+$0xFFFFFE10]  }
0x216: {  	v3 =	vmov s25;
	v6 =	vld [tilespmem:s0+$0xFFFFFE20]  }
0x217: {  	v3 =	vand.u32 $0xFFFFFFFD, v3;
	v7 =	vld [tilespmem:s0+$0xFFFFFE30]  }
0x218: {  	v3 =	vbroadcast v3, $0x0;
	v1 =	vld.idx.msk [tilespmem:v1+s28+$0x0], $0xffff  }
0x219: {  	v2 =	vld.idx.msk [tilespmem:v2+s28+$0x0], $0xffff  }
0x21a: {  	v8 =	vld [tilespmem:s0+$0xFFFFFE40]  }
0x21b: {  	v9 =	vld [tilespmem:s0+$0xFFFFFE50]  }
0x21c: {  	v10 =	vld [tilespmem:s0+$0xFFFFFE60]  }
0x21d: {  	v11 =	vld [tilespmem:s0+$0xFFFFFE70];
	v5 =	vmul.f32 v5, v1  }
0x21e: {  	v3 =	vld.idx.msk [tilespmem:v3+s28+$0x0], $0xffff;
	v4 =	vmul.f32 v4, v2  }
0x21f: {  	v13 =	vld [tilespmem:s0+$0xFFFFFF50];
	[tilespmem:s0+$0xFFFFFE10] =	vst v5;
	v5 =	vmul.f32 v6, v1  }
0x220: {  	v6 =	vld [tilespmem:s0+$0xFFFFFE80];
	[tilespmem:s0+$0xFFFFFF80] =	vst v4;
	v4 =	vmul.f32 v7, v1  }
0x221: {  	v7 =	vld [tilespmem:s0+$0xFFFFFE90];
	[tilespmem:s0+$0xFFFFFE20] =	vst v5;
	v5 =	vmul.f32 v8, v1  }
0x222: {  	v8 =	vld [tilespmem:s0+$0xFFFFFEA0];
	[tilespmem:s0+$0xFFFFFE30] =	vst v4;
	v4 =	vmul.f32 v9, v1  }
0x223: {  	v9 =	vld [tilespmem:s0+$0xFFFFFEB0];
	[tilespmem:s0+$0xFFFFFE40] =	vst v5;
	v5 =	vmul.f32 v10, v1  }
0x224: {  	v10 =	vld [tilespmem:s0+$0xFFFFFEC0];
	[tilespmem:s0+$0xFFFFFE50] =	vst v4;
	v4 =	vmul.f32 v11, v1  }
0x225: {  	v11 =	vld [tilespmem:s0+$0xFFFFFED0];
	v6 =	vmul.f32 v6, v1;
	[tilespmem:s0+$0xFFFFFE60] =	vst v5  }
0x226: {  	v5 =	vmul.f32 v7, v3;
	v7 =	vld [tilespmem:s0+$0xFFFFFEE0];
	[tilespmem:s0+$0xFFFFFE70] =	vst v4  }
0x227: {  	s26 =	simm.s32 $0x3;
	v4 =	vld [tilespmem:s0+$0xFFFFFEF0];
	v8 =	vmul.f32 v8, v3;
	[tilespmem:s0+$0xFFFFFE80] =	vst v6  }
0x228: {  	v12 =	vmov s26;
	v6 =	vld [tilespmem:s0+$0xFFFFFF00];
	[tilespmem:s0+$0xFFFFFE90] =	vst v5;
	v5 =	vmul.f32 v9, v3  }
0x229: {  	v9 =	vld [tilespmem:s0+$0xFFFFFF10];
	[tilespmem:s0+$0xFFFFFEA0] =	vst v8;
	v8 =	vmul.f32 v10, v3  }
0x22a: {  	v10 =	vld [tilespmem:s0+$0xFFFFFF20];
	[tilespmem:s0+$0xFFFFFEB0] =	vst v5;
	v5 =	vmul.f32 v11, v3  }
0x22b: {  	[tilespmem:s0+$0xFFFFFEC0] =	vst v8;
	v7 =	vmul.f32 v7, v3;
	v8 =	vld [tilespmem:s0+$0xFFFFFF30]  }
0x22c: {  	v11 =	vld [tilespmem:s0+$0xFFFFFF40];
	[tilespmem:s0+$0xFFFFFED0] =	vst v5;
	v4 =	vmul.f32 v4, v3  }
0x22d: {  	v1 =	vld.idx.msk [tilespmem:v12+s28+$0x0], $0xffff;
	v3 =	vmul.f32 v6, v3;
	[tilespmem:s0+$0xFFFFFEE0] =	vst v7  }
0x22e: {  	v5 =	vmul.f32 v9, v2;
	[tilespmem:s0+$0xFFFFFEF0] =	vst v4;
	v4 =	vld [tilespmem:s0+$0xFFFFFF60]  }
0x22f: {  	s22 =	simm.s32 $0x4;
	[tilespmem:s0+$0xFFFFFF00] =	vst v3;
	v6 =	vmul.f32 v10, v2;
	v3 =	vld [tilespmem:s0+$0xFFFFFF70]  }
0x230: {  	s25 =	simm.s32 $0x7;
	v7 =	vmov s22;
	[tilespmem:s0+$0xFFFFFF10] =	vst v5;
	v9 =	vmul.f32 v8, v2;
	v8 =	vld [tilespmem:s0+$0xFFFFFF90]  }
0x231: {  	s26 =	simm.s32 $0x5;
	v12 =	vand.u32 $0xFFFFFFFC, v7;
	v7 =	vld [tilespmem:s0+$0xFFFFFFA0];
	v5 =	vmov s25;
	v10 =	vmul.f32 v11, v2;
	[tilespmem:s0+$0xFFFFFF20] =	vst v6  }
0x232: {  	s22 =	simm.s32 $0x78F0;
	s25 =	simm.s32 $0x8;
	v11 =	vmul.f32 v13, v2;
	v6 =	vbroadcast v12, $0x0;
	v12 =	vmov s26;
	s26 =	simm.s32 $0x6;
	[tilespmem:s0+$0xFFFFFF30] =	vst v9;
	v9 =	vld [tilespmem:s0+$0xFFFFFFB0]  }
.LBB2_9:
0x233: {  	p2 =	slt.u32 s25, $0x3C;
	v12 =	vand.u32 $0xFFFFFFFD, v12;
	v13 =	vmov s26;
	[tilespmem:s0+$0xFFFFFF40] =	vst v10;
	v4 =	vmul.f32 v4, v2;
	v10 =	vld [tilespmem:s0+$0xFFFFFFC0]  }
0x234: {  	v12 =	vbroadcast v12, $0x0;
	v13 =	vand.u32 $0xFFFFFFFE, v13;
	[tilespmem:s0+$0xFFFFFF50] =	vst v11;
	v2 =	vmul.f32 v3, v2;
	v3 =	vld [tilespmem:s0+$0xFFFFFFD0]  }
0x235: {  	v11 =	vbroadcast v13, $0x0;
	[tilespmem:s0+$0xFFFFFF60] =	vst v4;
	v4 =	vmul.f32 v8, v1;
	v8 =	vld [tilespmem:s0+$0xFFFFFFE0]  }
0x236: {  	[tilespmem:s0+$0xFFFFFF70] =	vst v2;
	v2 =	vmul.f32 v7, v1;
	v7 =	vld [tilespmem:s0+$0xFFFFFFF0]  }
0x237: {  	[tilespmem:s0+$0xFFFFFF90] =	vst v4;
	v4 =	vmul.f32 v9, v1;
	v9 =	vld [tilespmem:s0+$0x0]  }
0x238: {  	v5 =	vld.idx.msk [tilespmem:v5+s28+$0x0], $0xffff;
	[tilespmem:s0+$0xFFFFFFA0] =	vst v2;
	v2 =	vmul.f32 v10, v1  }
0x239: {  	v6 =	vld.idx.msk [tilespmem:v6+s28+$0x0], $0xffff;
	[tilespmem:s0+$0xFFFFFFB0] =	vst v4;
	v3 =	vmul.f32 v3, v1  }
0x23a: {  	v4 =	vld.idx.msk [tilespmem:v12+s28+$0x0], $0xffff;
	[tilespmem:s0+$0xFFFFFFC0] =	vst v2;
	v8 =	vmul.f32 v8, v1  }
0x23b: {  	s0 =	sadd.s32 $0x200, s0;
	v2 =	vld.idx.msk [tilespmem:v11+s28+$0x0], $0xffff;
	[tilespmem:s22+$0xFFFFFFD0] =	vst v3;
	v3 =	vmul.f32 v7, v1  }
0x23c: {  	v7 =	vld [tilespmem:s0+$0xFFFFFF80];
	[tilespmem:s22+$0xFFFFFFE0] =	vst v8;
	v9 =	vmul.f32 v9, v1  }
0x23d: {  	v8 =	vld [tilespmem:s0+$0xFFFFFE10];
	[tilespmem:s22+$0xFFFFFFF0] =	vst v3  }
0x23e: {  	v1 =	vmov v5;
	v3 =	vld [tilespmem:s0+$0xFFFFFE20];
	[tilespmem:s22+$0x0] =	vst v9;
	s22 =	smov.u32 s0  }
0x23f: {  	v5 =	vld [tilespmem:s0+$0xFFFFFE30]  }
0x240: {  	v9 =	vld [tilespmem:s0+$0xFFFFFE40]  }
0x241: {  	v10 =	vld [tilespmem:s0+$0xFFFFFE50];
	v7 =	vmul.f32 v7, v2  }
0x242: {  	v8 =	vmul.f32 v8, v6;
	v11 =	vld [tilespmem:s0+$0xFFFFFE60]  }
0x243: {  	v3 =	vmul.f32 v3, v6;
	v12 =	vld [tilespmem:s0+$0xFFFFFE70];
	[tilespmem:s0+$0xFFFFFF80] =	vst v7  }
0x244: {  	[tilespmem:s0+$0xFFFFFE10] =	vst v8;
	v5 =	vmul.f32 v5, v6;
	v7 =	vld [tilespmem:s0+$0xFFFFFE80]  }
0x245: {  	[tilespmem:s0+$0xFFFFFE20] =	vst v3;
	v3 =	vmul.f32 v9, v6;
	v8 =	vld [tilespmem:s0+$0xFFFFFE90]  }
0x246: {  	[tilespmem:s0+$0xFFFFFE30] =	vst v5;
	v5 =	vmul.f32 v10, v6;
	v9 =	vld [tilespmem:s0+$0xFFFFFEA0]  }
0x247: {  	[tilespmem:s0+$0xFFFFFE40] =	vst v3;
	v3 =	vmul.f32 v11, v6;
	v10 =	vld [tilespmem:s0+$0xFFFFFEB0]  }
0x248: {  	[tilespmem:s0+$0xFFFFFE50] =	vst v5;
	v5 =	vmul.f32 v12, v6;
	v11 =	vld [tilespmem:s0+$0xFFFFFEC0]  }
0x249: {  	[tilespmem:s0+$0xFFFFFE60] =	vst v3;
	v3 =	vmul.f32 v7, v6;
	v6 =	vld [tilespmem:s0+$0xFFFFFED0]  }
0x24a: {  	[tilespmem:s0+$0xFFFFFE70] =	vst v5;
	v5 =	vmul.f32 v8, v4;
	v7 =	vld [tilespmem:s0+$0xFFFFFEE0]  }
0x24b: {  	[tilespmem:s0+$0xFFFFFE80] =	vst v3;
	v3 =	vmul.f32 v9, v4;
	v8 =	vld [tilespmem:s0+$0xFFFFFEF0]  }
0x24c: {  	[tilespmem:s0+$0xFFFFFE90] =	vst v5;
	v5 =	vmul.f32 v10, v4;
	v9 =	vld [tilespmem:s0+$0xFFFFFF00]  }
0x24d: {  	[tilespmem:s0+$0xFFFFFEA0] =	vst v3;
	v3 =	vmul.f32 v11, v4;
	v10 =	vld [tilespmem:s0+$0xFFFFFF10]  }
0x24e: {  	[tilespmem:s0+$0xFFFFFEB0] =	vst v5;
	v5 =	vmul.f32 v6, v4;
	v6 =	vld [tilespmem:s0+$0xFFFFFF20]  }
0x24f: {  	[tilespmem:s0+$0xFFFFFEC0] =	vst v3;
	v3 =	vmul.f32 v7, v4;
	v7 =	vld [tilespmem:s0+$0xFFFFFF30]  }
0x250: {  	[tilespmem:s0+$0xFFFFFED0] =	vst v5;
	v5 =	vmul.f32 v8, v4;
	v11 =	vld [tilespmem:s0+$0xFFFFFF40]  }
0x251: {  	[tilespmem:s0+$0xFFFFFEE0] =	vst v3;
	v3 =	vmul.f32 v9, v4;
	v9 =	vld [tilespmem:s0+$0xFFFFFF50]  }
.Ltmp5:
0x252: {  	[tilespmem:s0+$0xFFFFFEF0] =	vst v5;
	v5 =	vmul.f32 v10, v2;
	v4 =	vld [tilespmem:s0+$0xFFFFFF60];
	(pc) =	sbr.rel @p2 .LBB2_9-.Ltmp5, $4  }
0x253: {  	[tilespmem:s0+$0xFFFFFF00] =	vst v3;
	v6 =	vmul.f32 v6, v2;
	v3 =	vld [tilespmem:s0+$0xFFFFFF70]  }
0x254: {  	s12 =	sadd.s32 $0x3, s25;
	v10 =	vmov s25;
	[tilespmem:s0+$0xFFFFFF10] =	vst v5;
	v13 =	vmul.f32 v7, v2;
	v8 =	vld [tilespmem:s0+$0xFFFFFF90]  }
0x255: {  	s26 =	sadd.s32 $0x1, s25;
	v12 =	vand.u32 $0xFFFFFFFC, v10;
	v5 =	vmov s12;
	[tilespmem:s0+$0xFFFFFF20] =	vst v6;
	v10 =	vmul.f32 v11, v2;
	v7 =	vld [tilespmem:s0+$0xFFFFFFA0]  }
0x256: {  	v6 =	vbroadcast v12, $0x0;
	v12 =	vmov s26;
	s26 =	sadd.s32 $0x2, s25;
	s25 =	sadd.s32 $0x4, s25;
	[tilespmem:s0+$0xFFFFFF30] =	vst v13;
	v11 =	vmul.f32 v9, v2;
	v9 =	vld [tilespmem:s0+$0xFFFFFFB0]  }
0x257: {  	v13 =	vld [tilespmem:s0+$0xFFFFFFC0]  }
0x258: {  	v15 =	vld [tilespmem:s0+$0xFFFFFFD0]  }
0x259: {  	v16 =	vld [tilespmem:s0+$0xFFFFFFE0]  }
0x25a: {  	v17 =	vld [tilespmem:s0+$0xFFFFFFF0]  }
0x25b: {  	v29 =	vld [tilespmem:s0+$0x0];
	[tilespmem:s0+$0xFFFFFF40] =	vst v10;
	v4 =	vmul.f32 v4, v2  }
0x25c: {  	v5 =	vld.idx.msk [tilespmem:v5+s28+$0x0], $0xffff;
	[tilespmem:s0+$0xFFFFFF50] =	vst v11;
	v2 =	vmul.f32 v3, v2  }
0x25d: {  	s25 =	sadd.s32 $0x200, s0;
	v3 =	vld.idx.msk [tilespmem:v6+s28+$0x0], $0xffff;
	v8 =	vmul.f32 v8, v1;
	[tilespmem:s0+$0xFFFFFF60] =	vst v4  }
0x25e: {  	v14 =	vmov s26;
	v34 =	vld [tilespmem:s25+$0xFFFFFF80];
	v30 =	vmul.f32 v7, v1;
	[tilespmem:s0+$0xFFFFFF70] =	vst v2  }
0x25f: {  	v14 =	vand.u32 $0xFFFFFFFE, v14;
	v35 =	vld [tilespmem:s25+$0xFFFFFE10];
	[tilespmem:s0+$0xFFFFFF90] =	vst v8;
	v2 =	vmul.f32 v9, v1  }
0x260: {  	v37 =	vld [tilespmem:s25+$0xFFFFFE20];
	v14 =	vbroadcast v14, $0x0;
	[tilespmem:s0+$0xFFFFFFA0] =	vst v30;
	v33 =	vmul.f32 v13, v1  }
0x261: {  	v38 =	vld [tilespmem:s25+$0xFFFFFE30];
	[tilespmem:s0+$0xFFFFFFB0] =	vst v2;
	v2 =	vmul.f32 v15, v1  }
0x262: {  	v12 =	vand.u32 $0xFFFFFFFD, v12;
	v39 =	vld [tilespmem:s25+$0xFFFFFE40];
	v36 =	vmul.f32 v16, v1;
	[tilespmem:s0+$0xFFFFFFC0] =	vst v33  }
0x263: {  	v12 =	vbroadcast v12, $0x0;
	v41 =	vld [tilespmem:s25+$0xFFFFFE60];
	[tilespmem:s22+$0xFFFFFFD0] =	vst v2;
	v2 =	vmul.f32 v17, v1  }
0x264: {  	v43 =	vld [tilespmem:s25+$0xFFFFFE70];
	[tilespmem:s22+$0xFFFFFFE0] =	vst v36;
	v1 =	vmul.f32 v29, v1  }
0x265: {  	v42 =	vmul.f32 v37, v3;
	[tilespmem:s22+$0xFFFFFFF0] =	vst v2;
	v2 =	vld [tilespmem:s25+$0xFFFFFE50]  }
0x266: {  	v32 =	vld.idx.msk [tilespmem:v14+s28+$0x0], $0xffff;
	[tilespmem:s22+$0x0] =	vst v1;
	v1 =	vmul.f32 v35, v3  }
0x267: {  	v44 =	vld [tilespmem:s25+$0xFFFFFE80];
	v4 =	vmul.f32 v39, v3;
	[tilespmem:s25+$0xFFFFFE20] =	vst v42  }
0x268: {  	v45 =	vld [tilespmem:s25+$0xFFFFFE90];
	[tilespmem:s25+$0xFFFFFE10] =	vst v1;
	v1 =	vmul.f32 v38, v3  }
0x269: {  	v46 =	vmul.f32 v41, v3;
	v31 =	vld.idx.msk [tilespmem:v12+s28+$0x0], $0xffff;
	[tilespmem:s25+$0xFFFFFE40] =	vst v4  }
0x26a: {  	[tilespmem:s25+$0xFFFFFE30] =	vst v1;
	v1 =	vmul.f32 v2, v3;
	v2 =	vld [tilespmem:s25+$0xFFFFFEA0]  }
0x26b: {  	v47 =	vld [tilespmem:s25+$0xFFFFFEB0];
	[tilespmem:s25+$0xFFFFFE60] =	vst v46;
	v40 =	vmul.f32 v34, v32  }
0x26c: {  	v48 =	vld [tilespmem:s25+$0xFFFFFEC0];
	[tilespmem:s25+$0xFFFFFE50] =	vst v1;
	v1 =	vmul.f32 v43, v3  }
0x26d: {  	v49 =	vld [tilespmem:s25+$0xFFFFFED0];
	[tilespmem:s25+$0xFFFFFF80] =	vst v40;
	v3 =	vmul.f32 v44, v3  }
0x26e: {  	v50 =	vld [tilespmem:s25+$0xFFFFFEE0];
	[tilespmem:s25+$0xFFFFFE70] =	vst v1;
	v1 =	vmul.f32 v45, v31  }
0x26f: {  	[tilespmem:s25+$0xFFFFFE80] =	vst v3;
	v3 =	vld [tilespmem:s25+$0xFFFFFEF0];
	v2 =	vmul.f32 v2, v31  }
0x270: {  	v51 =	vld [tilespmem:s25+$0xFFFFFF00];
	[tilespmem:s25+$0xFFFFFE90] =	vst v1;
	v1 =	vmul.f32 v47, v31  }
0x271: {  	v52 =	vld [tilespmem:s25+$0xFFFFFF10];
	[tilespmem:s25+$0xFFFFFEA0] =	vst v2;
	v2 =	vmul.f32 v48, v31  }
0x272: {  	v53 =	vld [tilespmem:s25+$0xFFFFFF20];
	[tilespmem:s25+$0xFFFFFEB0] =	vst v1;
	v1 =	vmul.f32 v49, v31  }
0x273: {  	v54 =	vld [tilespmem:s25+$0xFFFFFF30];
	[tilespmem:s25+$0xFFFFFEC0] =	vst v2;
	v2 =	vmul.f32 v50, v31  }
0x274: {  	[tilespmem:s25+$0xFFFFFED0] =	vst v1;
	v1 =	vmul.f32 v3, v31;
	v3 =	vld [tilespmem:s25+$0xFFFFFF40]  }
0x275: {  	v55 =	vld [tilespmem:s25+$0xFFFFFF50];
	[tilespmem:s25+$0xFFFFFEE0] =	vst v2;
	v2 =	vmul.f32 v51, v31  }
0x276: {  	v56 =	vld [tilespmem:s25+$0xFFFFFF60];
	[tilespmem:s25+$0xFFFFFEF0] =	vst v1;
	v1 =	vmul.f32 v52, v32  }
0x277: {  	v57 =	vld [tilespmem:s25+$0xFFFFFF70];
	[tilespmem:s25+$0xFFFFFF00] =	vst v2;
	v2 =	vmul.f32 v53, v32  }
0x278: {  	v58 =	vld [tilespmem:s25+$0xFFFFFF90];
	[tilespmem:s25+$0xFFFFFF10] =	vst v1;
	v1 =	vmul.f32 v54, v32  }
0x279: {  	[tilespmem:s25+$0xFFFFFF20] =	vst v2;
	v2 =	vmul.f32 v3, v32;
	v3 =	vld [tilespmem:s25+$0xFFFFFFA0]  }
0x27a: {  	v59 =	vld [tilespmem:s25+$0xFFFFFFB0];
	[tilespmem:s25+$0xFFFFFF30] =	vst v1;
	v1 =	vmul.f32 v55, v32  }
0x27b: {  	v60 =	vld [tilespmem:s25+$0xFFFFFFC0];
	[tilespmem:s25+$0xFFFFFF40] =	vst v2;
	v2 =	vmul.f32 v56, v32  }
0x27c: {  	v61 =	vld [tilespmem:s25+$0xFFFFFFD0];
	[tilespmem:s25+$0xFFFFFF50] =	vst v1;
	v1 =	vmul.f32 v57, v32  }
0x27d: {  	v62 =	vld [tilespmem:s25+$0xFFFFFFE0];
	[tilespmem:s25+$0xFFFFFF60] =	vst v2;
	v2 =	vmul.f32 v58, v5  }
0x27e: {  	[tilespmem:s25+$0xFFFFFF70] =	vst v1;
	v1 =	vmul.f32 v3, v5;
	v3 =	vld [tilespmem:s25+$0xFFFFFFF0]  }
0x27f: {  	v63 =	vld [tilespmem:s25+$0x0];
	[tilespmem:s25+$0xFFFFFF90] =	vst v2;
	v2 =	vmul.f32 v59, v5  }
0x280: {  	[tilespmem:s25+$0xFFFFFFA0] =	vst v1;
	v1 =	vmul.f32 v60, v5  }
0x281: {  	[tilespmem:s25+$0xFFFFFFB0] =	vst v2;
	v2 =	vmul.f32 v61, v5  }
0x282: {  	[tilespmem:s25+$0xFFFFFFC0] =	vst v1;
	v1 =	vmul.f32 v62, v5  }
0x283: {  	[tilespmem:s25+$0xFFFFFFD0] =	vst v2;
	v2 =	vmul.f32 v3, v5  }
0x284: {  	p2 =	sne.s32 s8, $0x35;
	[tilespmem:s25+$0xFFFFFFE0] =	vst v1;
	v1 =	vmul.f32 v63, v5  }
.Ltmp6:
0x285: {  	[tilespmem:s25+$0xFFFFFFF0] =	vst v2;
	(pc) =	sbr.rel @p2 .LBB2_12-.Ltmp6, $4  }
0x286: {  	[tilespmem:s25+$0x0] =	vst v1  }
0x287: {  	_ =	swait.ge [sflag:s30], $0x2000  }
0x288: {  	[sflag:s30] =	ssyncset.done $0x0  }
0x289: {  	[sflag:s30] =	ssyncadd.s32 $0xFFFFE000  }
.Ltmp7:
0x28a: {  	(pc) =	sbr.rel .LBB2_13-.Ltmp7, $3  }
0x28b: {  	_ =	sdelay $0x1  }
0x28c: {  	s0 =	simm.s32 $0x7700;
	s3 =	simm.s32 $0x480  }
0x28d: {  	[spmem:s13] =	stream.indirect.scatter.add.f32 [tilespmem:s0], [sflag:$0x6], $0x80, s3, s5, $0xb8;
	[tilespmem:$0x1FC00] =	vst v63  }
.LBB2_12:
0x28e: {  	_ =	swait.ge [sflag:s4], $0x80  }
0x28f: {  	[sflag:s4] =	ssyncset.done $0x0  }
0x290: {  	[sflag:s4] =	ssyncadd.s32 $0xFFFFFF80  }
0x291: {  	_ =	swait.ge [sflag:s4], $0x80  }
0x292: {  	[sflag:s4] =	ssyncset.done $0x0  }
0x293: {  	[sflag:s4] =	ssyncadd.s32 $0xFFFFFF80  }
0x294: {  	[tilespmem:s18], [sflag:$0x2] =	stream.indirect.gather [hbm4b:s10+s5], $0x80, s1, s5, $0xb8;
	[tilespmem:$0x1FC00] =	vst v63  }
0x295: {  	s0 =	simm.s32 $0x7700;
	s12 =	simm.s32 $0x480  }
0x296: {  	[spmem:s13] =	stream.indirect.scatter.add.f32 [tilespmem:s0], [sflag:$0x6], $0x80, s12, s5, $0xb8;
	[tilespmem:$0x1FC00] =	vst v63  }
0x297: {  	s12 =	sadd.s32 $0x200, s3  }
0x298: {  	s3 =	sand.u32 $0xFC00, s12  }
0x299: {  	s0 =	sand.u32 $0x380, s12;
	s3 =	sadd.s32 s24, s3  }
0x29a: {  	s0 =	sor.u32 s0, s3  }
.Ltmp8:
0x29b: {  	s0 =	sshrl.u32 s0, $0x3;
	(pc) =	sbr.rel @p0 .LBB2_14-.Ltmp8, $4  }
0x29c: {  	s25 =	simm.s32 $0x80;
	s22 =	sadd.s32 s16, s0  }
0x29d: {  	[tilespmem:s25], [sflag:$0x1] =	stream.linear.gather [hbm4b:s22+s1], $0x80, $0x38;
	[tilespmem:$0x1FC00] =	vst v63  }
0x29e: {  	s26 =	simm.s32 $0x280;
	s0 =	sadd.s32 s17, s0  }
0x29f: {  	[tilespmem:s26], [sflag:$0x1] =	stream.linear.gather [hbm4b:s0+s1], $0x80, $0x38;
	[tilespmem:$0x1FC00] =	vst v63  }
.LBB2_13:
0x2a0: {  	_ =	swait.ge [sflag:s31], $0x40  }
0x2a1: {  	[sflag:s31] =	ssyncset.done $0x0  }
0x2a2: {  	[sflag:s31] =	ssyncadd.s32 $0xFFFFFFC0  }
.LBB2_14:
0x2a3: {  	v1 =	vld [tilespmem:$0x100]  }
0x2a4: {  	v2 =	vld [tilespmem:$0x300];
	_ =	sdelay $0x6  }
0x2a5: {  	v1 =	vld.idx.msk [tilespmem:v1+s11+$0x0], $0xffff  }
0x2a6: {  	v3 =	vld.idx.msk [tilespmem:v2+s15+$0x0], $0xffff;
	_ =	sdelay $0x4  }
0x2a7: {  	v1 =	vadd.f32 v3, v1;
	_ =	sdelay $0x1  }
0x2a8: {  	v3 =	vmul.f32 $2.000000030e-01, v1  }
0x2a9: {  	vm0 =	vgt.f32 v1, $0.0e+00  }
0x2aa: {  	v1 =	vsel vm0, v1, v3  }
0x2ab: {  	v1 =	vmul.f32 $1.442695020e+00, v1;
	_ =	sdelay $0x1  }
0x2ac: {  	(erf) = vpow2.f32 v1;
	_ =	sdelay $0x3  }
0x2ad: {  	v1 =	vld [tilespmem:$0x110]  }
0x2ae: {  	s0 =	sld [smem:$0x7FD];
	v3 =	vld [tilespmem:$0x310];
	_ =	sdelay $0x2  }
0x2af: {  	s0 =	sadd.s32 s0, s9  }
0x2b0: {  	p0 =	slt.u32 s0, $0x4E200;
	v4 =	vpop (erf)  }
0x2b1: {  	[tilespmem:$0x500] =	vst v2;
	v4 =	vpsel !p0, $0x0, v4  }
0x2b2: {  	[tilespmem:$0x5600] =	vst v4  }
0x2b3: {  	v1 =	vld.idx.msk [tilespmem:v1+s11+$0x0], $0xffff  }
0x2b4: {  	v2 =	vld.idx.msk [tilespmem:v3+s15+$0x0], $0xffff;
	_ =	sdelay $0x4  }
0x2b5: {  	v1 =	vadd.f32 v2, v1;
	_ =	sdelay $0x1  }
0x2b6: {  	v2 =	vmul.f32 $2.000000030e-01, v1  }
0x2b7: {  	vm13 =	vgt.f32 v1, $0.0e+00  }
0x2b8: {  	v1 =	vsel vm13, v1, v2  }
0x2b9: {  	v1 =	vmul.f32 $1.442695020e+00, v1;
	_ =	sdelay $0x1  }
0x2ba: {  	(erf) = vpow2.f32 v1;
	_ =	sdelay $0x3  }
0x2bb: {  	v1 =	vld [tilespmem:$0x120]  }
0x2bc: {  	v2 =	vld [tilespmem:$0x320];
	_ =	sdelay $0x2  }
0x2bd: {  	s3 =	sor.u32 $0x10, s0  }
0x2be: {  	p4 =	slt.u32 s3, $0x4E200;
	v4 =	vpop (erf)  }
0x2bf: {  	[tilespmem:$0x510] =	vst v3;
	v4 =	vpsel !p4, $0x0, v4  }
0x2c0: {  	[tilespmem:$0x5610] =	vst v4  }
0x2c1: {  	v1 =	vld.idx.msk [tilespmem:v1+s11+$0x0], $0xffff  }
0x2c2: {  	v3 =	vld.idx.msk [tilespmem:v2+s15+$0x0], $0xffff;
	_ =	sdelay $0x4  }
0x2c3: {  	v1 =	vadd.f32 v3, v1;
	_ =	sdelay $0x1  }
0x2c4: {  	v3 =	vmul.f32 $2.000000030e-01, v1  }
0x2c5: {  	vm14 =	vgt.f32 v1, $0.0e+00  }
0x2c6: {  	v1 =	vsel vm14, v1, v3  }
0x2c7: {  	v1 =	vmul.f32 $1.442695020e+00, v1;
	_ =	sdelay $0x1  }
0x2c8: {  	(erf) = vpow2.f32 v1;
	_ =	sdelay $0x3  }
0x2c9: {  	v1 =	vld [tilespmem:$0x130]  }
0x2ca: {  	v3 =	vld [tilespmem:$0x330];
	_ =	sdelay $0x2  }
0x2cb: {  	s22 =	sor.u32 $0x20, s0  }
0x2cc: {  	p5 =	slt.u32 s22, $0x4E200;
	v4 =	vpop (erf)  }
0x2cd: {  	[tilespmem:$0x520] =	vst v2;
	v4 =	vpsel !p5, $0x0, v4  }
0x2ce: {  	[tilespmem:$0x5620] =	vst v4  }
0x2cf: {  	v1 =	vld.idx.msk [tilespmem:v1+s11+$0x0], $0xffff  }
0x2d0: {  	v2 =	vld.idx.msk [tilespmem:v3+s15+$0x0], $0xffff;
	_ =	sdelay $0x4  }
0x2d1: {  	v1 =	vadd.f32 v2, v1;
	_ =	sdelay $0x1  }
0x2d2: {  	v2 =	vmul.f32 $2.000000030e-01, v1  }
0x2d3: {  	vm15 =	vgt.f32 v1, $0.0e+00  }
0x2d4: {  	v1 =	vsel vm15, v1, v2  }
0x2d5: {  	v1 =	vmul.f32 $1.442695020e+00, v1;
	_ =	sdelay $0x1  }
0x2d6: {  	(erf) = vpow2.f32 v1;
	_ =	sdelay $0x7  }
0x2d7: {  	s0 =	sor.u32 $0x30, s0  }
0x2d8: {  	p6 =	slt.u32 s0, $0x4E200;
	v1 =	vpop (erf)  }
0x2d9: {  	[tilespmem:$0x530] =	vst v3;
	v1 =	vpsel !p6, $0x0, v1  }
0x2da: {  	s25 =	simm.s32 $0x0;
	s26 =	simm.s32 $0x2;
	s3 =	simm.s32 $0x500;
	[tilespmem:$0x5630] =	vst v1  }
0x2db: {  	v2 =	vmov s25;
	[spmem:s14] =	stream.indirect.scatter.add.f32 [tilespmem:s7], [sflag:$0xA], $0x1, s3, s5, $0xb8;
	[tilespmem:$0x1FC00] =	vst v63  }
0x2dc: {  	v4 =	vmov s26;
	v2 =	vand.u32 $0xFFFFFFFC, v2;
	_ =	swait.ge [sflag:s21], $0x2000  }
0x2dd: {  	v1 =	vbroadcast v2, $0x0;
	v2 =	vand.u32 $0xFFFFFFFE, v4;
	[sflag:s21] =	ssyncset.done $0x0  }
0x2de: {  	s0 =	simm.s32 $0x98F0;
	v2 =	vbroadcast v2, $0x0;
	[sflag:s21] =	ssyncadd.s32 $0xFFFFE000  }
0x2df: {  	v4 =	vld [tilespmem:s0+$0xFFFFFF80]  }
0x2e0: {  	s9 =	simm.s32 $0x1;
	v5 =	vld [tilespmem:s0+$0xFFFFFE10]  }
0x2e1: {  	v3 =	vmov s9;
	v6 =	vld [tilespmem:s0+$0xFFFFFE20]  }
0x2e2: {  	v3 =	vand.u32 $0xFFFFFFFD, v3;
	v7 =	vld [tilespmem:s0+$0xFFFFFE30]  }
0x2e3: {  	v3 =	vbroadcast v3, $0x0;
	v1 =	vld.idx.msk [tilespmem:v1+s7+$0x0], $0xffff  }
0x2e4: {  	v2 =	vld.idx.msk [tilespmem:v2+s7+$0x0], $0xffff  }
0x2e5: {  	v8 =	vld [tilespmem:s0+$0xFFFFFE40]  }
0x2e6: {  	v9 =	vld [tilespmem:s0+$0xFFFFFE50]  }
0x2e7: {  	v10 =	vld [tilespmem:s0+$0xFFFFFE60]  }
0x2e8: {  	v11 =	vld [tilespmem:s0+$0xFFFFFE70];
	v5 =	vmul.f32 v5, v1  }
0x2e9: {  	v3 =	vld.idx.msk [tilespmem:v3+s7+$0x0], $0xffff;
	v4 =	vmul.f32 v4, v2  }
0x2ea: {  	v13 =	vld [tilespmem:s0+$0xFFFFFF50];
	[tilespmem:s0+$0xFFFFFE10] =	vst v5;
	v5 =	vmul.f32 v6, v1  }
0x2eb: {  	v6 =	vld [tilespmem:s0+$0xFFFFFE80];
	[tilespmem:s0+$0xFFFFFF80] =	vst v4;
	v4 =	vmul.f32 v7, v1  }
0x2ec: {  	v7 =	vld [tilespmem:s0+$0xFFFFFE90];
	[tilespmem:s0+$0xFFFFFE20] =	vst v5;
	v5 =	vmul.f32 v8, v1  }
0x2ed: {  	v8 =	vld [tilespmem:s0+$0xFFFFFEA0];
	[tilespmem:s0+$0xFFFFFE30] =	vst v4;
	v4 =	vmul.f32 v9, v1  }
0x2ee: {  	v9 =	vld [tilespmem:s0+$0xFFFFFEB0];
	[tilespmem:s0+$0xFFFFFE40] =	vst v5;
	v5 =	vmul.f32 v10, v1  }
0x2ef: {  	v10 =	vld [tilespmem:s0+$0xFFFFFEC0];
	[tilespmem:s0+$0xFFFFFE50] =	vst v4;
	v4 =	vmul.f32 v11, v1  }
0x2f0: {  	v11 =	vld [tilespmem:s0+$0xFFFFFED0];
	v6 =	vmul.f32 v6, v1;
	[tilespmem:s0+$0xFFFFFE60] =	vst v5  }
0x2f1: {  	v5 =	vmul.f32 v7, v3;
	v7 =	vld [tilespmem:s0+$0xFFFFFEE0];
	[tilespmem:s0+$0xFFFFFE70] =	vst v4  }
0x2f2: {  	s12 =	simm.s32 $0x3;
	v4 =	vld [tilespmem:s0+$0xFFFFFEF0];
	v8 =	vmul.f32 v8, v3;
	[tilespmem:s0+$0xFFFFFE80] =	vst v6  }
0x2f3: {  	v12 =	vmov s12;
	v6 =	vld [tilespmem:s0+$0xFFFFFF00];
	[tilespmem:s0+$0xFFFFFE90] =	vst v5;
	v5 =	vmul.f32 v9, v3  }
0x2f4: {  	v9 =	vld [tilespmem:s0+$0xFFFFFF10];
	[tilespmem:s0+$0xFFFFFEA0] =	vst v8;
	v8 =	vmul.f32 v10, v3  }
0x2f5: {  	v10 =	vld [tilespmem:s0+$0xFFFFFF20];
	[tilespmem:s0+$0xFFFFFEB0] =	vst v5;
	v5 =	vmul.f32 v11, v3  }
0x2f6: {  	[tilespmem:s0+$0xFFFFFEC0] =	vst v8;
	v7 =	vmul.f32 v7, v3;
	v8 =	vld [tilespmem:s0+$0xFFFFFF30]  }
0x2f7: {  	v11 =	vld [tilespmem:s0+$0xFFFFFF40];
	[tilespmem:s0+$0xFFFFFED0] =	vst v5;
	v4 =	vmul.f32 v4, v3  }
0x2f8: {  	v1 =	vld.idx.msk [tilespmem:v12+s7+$0x0], $0xffff;
	v3 =	vmul.f32 v6, v3;
	[tilespmem:s0+$0xFFFFFEE0] =	vst v7  }
0x2f9: {  	v5 =	vmul.f32 v9, v2;
	[tilespmem:s0+$0xFFFFFEF0] =	vst v4;
	v4 =	vld [tilespmem:s0+$0xFFFFFF60]  }
0x2fa: {  	s22 =	simm.s32 $0x4;
	[tilespmem:s0+$0xFFFFFF00] =	vst v3;
	v6 =	vmul.f32 v10, v2;
	v3 =	vld [tilespmem:s0+$0xFFFFFF70]  }
0x2fb: {  	s25 =	simm.s32 $0x7;
	v7 =	vmov s22;
	[tilespmem:s0+$0xFFFFFF10] =	vst v5;
	v9 =	vmul.f32 v8, v2;
	v8 =	vld [tilespmem:s0+$0xFFFFFF90]  }
0x2fc: {  	s26 =	simm.s32 $0x5;
	v12 =	vand.u32 $0xFFFFFFFC, v7;
	v7 =	vld [tilespmem:s0+$0xFFFFFFA0];
	v5 =	vmov s25;
	v10 =	vmul.f32 v11, v2;
	[tilespmem:s0+$0xFFFFFF20] =	vst v6  }
0x2fd: {  	s9 =	simm.s32 $0x8;
	s3 =	simm.s32 $0x98F0;
	s22 =	simm.s32 $0x6;
	v11 =	vmul.f32 v13, v2;
	v6 =	vbroadcast v12, $0x0;
	v12 =	vmov s26;
	[tilespmem:s0+$0xFFFFFF30] =	vst v9;
	v9 =	vld [tilespmem:s0+$0xFFFFFFB0]  }
.LBB2_15:
0x2fe: {  	p0 =	slt.u32 s9, $0x3C;
	v12 =	vand.u32 $0xFFFFFFFD, v12;
	v13 =	vmov s22;
	[tilespmem:s0+$0xFFFFFF40] =	vst v10;
	v4 =	vmul.f32 v4, v2;
	v10 =	vld [tilespmem:s0+$0xFFFFFFC0]  }
0x2ff: {  	v12 =	vbroadcast v12, $0x0;
	v13 =	vand.u32 $0xFFFFFFFE, v13;
	[tilespmem:s0+$0xFFFFFF50] =	vst v11;
	v2 =	vmul.f32 v3, v2;
	v3 =	vld [tilespmem:s0+$0xFFFFFFD0]  }
0x300: {  	v11 =	vbroadcast v13, $0x0;
	[tilespmem:s0+$0xFFFFFF60] =	vst v4;
	v4 =	vmul.f32 v8, v1;
	v8 =	vld [tilespmem:s0+$0xFFFFFFE0]  }
0x301: {  	[tilespmem:s0+$0xFFFFFF70] =	vst v2;
	v2 =	vmul.f32 v7, v1;
	v7 =	vld [tilespmem:s0+$0xFFFFFFF0]  }
0x302: {  	[tilespmem:s0+$0xFFFFFF90] =	vst v4;
	v4 =	vmul.f32 v9, v1;
	v9 =	vld [tilespmem:s0+$0x0]  }
0x303: {  	v5 =	vld.idx.msk [tilespmem:v5+s7+$0x0], $0xffff;
	[tilespmem:s0+$0xFFFFFFA0] =	vst v2;
	v2 =	vmul.f32 v10, v1  }
0x304: {  	v6 =	vld.idx.msk [tilespmem:v6+s7+$0x0], $0xffff;
	[tilespmem:s0+$0xFFFFFFB0] =	vst v4;
	v3 =	vmul.f32 v3, v1  }
0x305: {  	v4 =	vld.idx.msk [tilespmem:v12+s7+$0x0], $0xffff;
	[tilespmem:s0+$0xFFFFFFC0] =	vst v2;
	v8 =	vmul.f32 v8, v1  }
0x306: {  	s0 =	sadd.s32 $0x200, s0;
	v2 =	vld.idx.msk [tilespmem:v11+s7+$0x0], $0xffff;
	[tilespmem:s3+$0xFFFFFFD0] =	vst v3;
	v3 =	vmul.f32 v7, v1  }
0x307: {  	v7 =	vld [tilespmem:s0+$0xFFFFFF80];
	[tilespmem:s3+$0xFFFFFFE0] =	vst v8;
	v9 =	vmul.f32 v9, v1  }
0x308: {  	v8 =	vld [tilespmem:s0+$0xFFFFFE10];
	[tilespmem:s3+$0xFFFFFFF0] =	vst v3  }
0x309: {  	v1 =	vmov v5;
	v3 =	vld [tilespmem:s0+$0xFFFFFE20];
	[tilespmem:s3+$0x0] =	vst v9;
	s3 =	smov.u32 s0  }
0x30a: {  	v5 =	vld [tilespmem:s0+$0xFFFFFE30]  }
0x30b: {  	v9 =	vld [tilespmem:s0+$0xFFFFFE40]  }
0x30c: {  	v10 =	vld [tilespmem:s0+$0xFFFFFE50];
	v7 =	vmul.f32 v7, v2  }
0x30d: {  	v8 =	vmul.f32 v8, v6;
	v11 =	vld [tilespmem:s0+$0xFFFFFE60]  }
0x30e: {  	v3 =	vmul.f32 v3, v6;
	v12 =	vld [tilespmem:s0+$0xFFFFFE70];
	[tilespmem:s0+$0xFFFFFF80] =	vst v7  }
0x30f: {  	[tilespmem:s0+$0xFFFFFE10] =	vst v8;
	v5 =	vmul.f32 v5, v6;
	v7 =	vld [tilespmem:s0+$0xFFFFFE80]  }
0x310: {  	[tilespmem:s0+$0xFFFFFE20] =	vst v3;
	v3 =	vmul.f32 v9, v6;
	v8 =	vld [tilespmem:s0+$0xFFFFFE90]  }
0x311: {  	[tilespmem:s0+$0xFFFFFE30] =	vst v5;
	v5 =	vmul.f32 v10, v6;
	v9 =	vld [tilespmem:s0+$0xFFFFFEA0]  }
0x312: {  	[tilespmem:s0+$0xFFFFFE40] =	vst v3;
	v3 =	vmul.f32 v11, v6;
	v10 =	vld [tilespmem:s0+$0xFFFFFEB0]  }
0x313: {  	[tilespmem:s0+$0xFFFFFE50] =	vst v5;
	v5 =	vmul.f32 v12, v6;
	v11 =	vld [tilespmem:s0+$0xFFFFFEC0]  }
0x314: {  	[tilespmem:s0+$0xFFFFFE60] =	vst v3;
	v3 =	vmul.f32 v7, v6;
	v6 =	vld [tilespmem:s0+$0xFFFFFED0]  }
0x315: {  	[tilespmem:s0+$0xFFFFFE70] =	vst v5;
	v5 =	vmul.f32 v8, v4;
	v7 =	vld [tilespmem:s0+$0xFFFFFEE0]  }
0x316: {  	[tilespmem:s0+$0xFFFFFE80] =	vst v3;
	v3 =	vmul.f32 v9, v4;
	v8 =	vld [tilespmem:s0+$0xFFFFFEF0]  }
0x317: {  	[tilespmem:s0+$0xFFFFFE90] =	vst v5;
	v5 =	vmul.f32 v10, v4;
	v9 =	vld [tilespmem:s0+$0xFFFFFF00]  }
0x318: {  	[tilespmem:s0+$0xFFFFFEA0] =	vst v3;
	v3 =	vmul.f32 v11, v4;
	v10 =	vld [tilespmem:s0+$0xFFFFFF10]  }
0x319: {  	[tilespmem:s0+$0xFFFFFEB0] =	vst v5;
	v5 =	vmul.f32 v6, v4;
	v6 =	vld [tilespmem:s0+$0xFFFFFF20]  }
0x31a: {  	[tilespmem:s0+$0xFFFFFEC0] =	vst v3;
	v3 =	vmul.f32 v7, v4;
	v7 =	vld [tilespmem:s0+$0xFFFFFF30]  }
0x31b: {  	[tilespmem:s0+$0xFFFFFED0] =	vst v5;
	v5 =	vmul.f32 v8, v4;
	v11 =	vld [tilespmem:s0+$0xFFFFFF40]  }
0x31c: {  	[tilespmem:s0+$0xFFFFFEE0] =	vst v3;
	v3 =	vmul.f32 v9, v4;
	v9 =	vld [tilespmem:s0+$0xFFFFFF50]  }
.Ltmp9:
0x31d: {  	[tilespmem:s0+$0xFFFFFEF0] =	vst v5;
	v5 =	vmul.f32 v10, v2;
	v4 =	vld [tilespmem:s0+$0xFFFFFF60];
	(pc) =	sbr.rel @p0 .LBB2_15-.Ltmp9, $4  }
0x31e: {  	[tilespmem:s0+$0xFFFFFF00] =	vst v3;
	v6 =	vmul.f32 v6, v2;
	v3 =	vld [tilespmem:s0+$0xFFFFFF70]  }
0x31f: {  	s12 =	sadd.s32 $0x3, s9;
	v10 =	vmov s9;
	[tilespmem:s0+$0xFFFFFF10] =	vst v5;
	v13 =	vmul.f32 v7, v2;
	v8 =	vld [tilespmem:s0+$0xFFFFFF90]  }
0x320: {  	s22 =	sadd.s32 $0x1, s9;
	v12 =	vand.u32 $0xFFFFFFFC, v10;
	v5 =	vmov s12;
	[tilespmem:s0+$0xFFFFFF20] =	vst v6;
	v10 =	vmul.f32 v11, v2;
	v7 =	vld [tilespmem:s0+$0xFFFFFFA0]  }
0x321: {  	v6 =	vbroadcast v12, $0x0;
	v12 =	vmov s22;
	s22 =	sadd.s32 $0x2, s9;
	s9 =	sadd.s32 $0x4, s9;
	[tilespmem:s0+$0xFFFFFF30] =	vst v13;
	v11 =	vmul.f32 v9, v2;
	v9 =	vld [tilespmem:s0+$0xFFFFFFB0]  }
0x322: {  	v13 =	vld [tilespmem:s0+$0xFFFFFFC0]  }
0x323: {  	v15 =	vld [tilespmem:s0+$0xFFFFFFD0]  }
0x324: {  	v16 =	vld [tilespmem:s0+$0xFFFFFFE0]  }
0x325: {  	v17 =	vld [tilespmem:s0+$0xFFFFFFF0]  }
0x326: {  	v29 =	vld [tilespmem:s0+$0x0];
	[tilespmem:s0+$0xFFFFFF40] =	vst v10;
	v4 =	vmul.f32 v4, v2  }
0x327: {  	v5 =	vld.idx.msk [tilespmem:v5+s7+$0x0], $0xffff;
	[tilespmem:s0+$0xFFFFFF50] =	vst v11;
	v2 =	vmul.f32 v3, v2  }
0x328: {  	s9 =	sadd.s32 $0x200, s0;
	v3 =	vld.idx.msk [tilespmem:v6+s7+$0x0], $0xffff;
	v8 =	vmul.f32 v8, v1;
	[tilespmem:s0+$0xFFFFFF60] =	vst v4  }
0x329: {  	v14 =	vmov s22;
	v34 =	vld [tilespmem:s9+$0xFFFFFF80];
	v30 =	vmul.f32 v7, v1;
	[tilespmem:s0+$0xFFFFFF70] =	vst v2  }
0x32a: {  	v14 =	vand.u32 $0xFFFFFFFE, v14;
	v35 =	vld [tilespmem:s9+$0xFFFFFE10];
	[tilespmem:s0+$0xFFFFFF90] =	vst v8;
	v2 =	vmul.f32 v9, v1  }
0x32b: {  	v37 =	vld [tilespmem:s9+$0xFFFFFE20];
	v14 =	vbroadcast v14, $0x0;
	[tilespmem:s0+$0xFFFFFFA0] =	vst v30;
	v33 =	vmul.f32 v13, v1  }
0x32c: {  	v38 =	vld [tilespmem:s9+$0xFFFFFE30];
	[tilespmem:s0+$0xFFFFFFB0] =	vst v2;
	v2 =	vmul.f32 v15, v1  }
0x32d: {  	v12 =	vand.u32 $0xFFFFFFFD, v12;
	v39 =	vld [tilespmem:s9+$0xFFFFFE40];
	v36 =	vmul.f32 v16, v1;
	[tilespmem:s0+$0xFFFFFFC0] =	vst v33  }
0x32e: {  	v12 =	vbroadcast v12, $0x0;
	v41 =	vld [tilespmem:s9+$0xFFFFFE60];
	[tilespmem:s3+$0xFFFFFFD0] =	vst v2;
	v2 =	vmul.f32 v17, v1  }
0x32f: {  	v43 =	vld [tilespmem:s9+$0xFFFFFE70];
	[tilespmem:s3+$0xFFFFFFE0] =	vst v36;
	v1 =	vmul.f32 v29, v1  }
0x330: {  	v42 =	vmul.f32 v37, v3;
	[tilespmem:s3+$0xFFFFFFF0] =	vst v2;
	v2 =	vld [tilespmem:s9+$0xFFFFFE50]  }
0x331: {  	v32 =	vld.idx.msk [tilespmem:v14+s7+$0x0], $0xffff;
	[tilespmem:s3+$0x0] =	vst v1;
	v1 =	vmul.f32 v35, v3  }
0x332: {  	v44 =	vld [tilespmem:s9+$0xFFFFFE80];
	v4 =	vmul.f32 v39, v3;
	[tilespmem:s9+$0xFFFFFE20] =	vst v42  }
0x333: {  	v45 =	vld [tilespmem:s9+$0xFFFFFE90];
	[tilespmem:s9+$0xFFFFFE10] =	vst v1;
	v1 =	vmul.f32 v38, v3  }
0x334: {  	v46 =	vmul.f32 v41, v3;
	v31 =	vld.idx.msk [tilespmem:v12+s7+$0x0], $0xffff;
	[tilespmem:s9+$0xFFFFFE40] =	vst v4  }
0x335: {  	[tilespmem:s9+$0xFFFFFE30] =	vst v1;
	v1 =	vmul.f32 v2, v3;
	v2 =	vld [tilespmem:s9+$0xFFFFFEA0]  }
0x336: {  	v47 =	vld [tilespmem:s9+$0xFFFFFEB0];
	[tilespmem:s9+$0xFFFFFE60] =	vst v46;
	v40 =	vmul.f32 v34, v32  }
0x337: {  	v48 =	vld [tilespmem:s9+$0xFFFFFEC0];
	[tilespmem:s9+$0xFFFFFE50] =	vst v1;
	v1 =	vmul.f32 v43, v3  }
0x338: {  	v49 =	vld [tilespmem:s9+$0xFFFFFED0];
	[tilespmem:s9+$0xFFFFFF80] =	vst v40;
	v3 =	vmul.f32 v44, v3  }
0x339: {  	v50 =	vld [tilespmem:s9+$0xFFFFFEE0];
	[tilespmem:s9+$0xFFFFFE70] =	vst v1;
	v1 =	vmul.f32 v45, v31  }
0x33a: {  	[tilespmem:s9+$0xFFFFFE80] =	vst v3;
	v3 =	vld [tilespmem:s9+$0xFFFFFEF0];
	v2 =	vmul.f32 v2, v31  }
0x33b: {  	v51 =	vld [tilespmem:s9+$0xFFFFFF00];
	[tilespmem:s9+$0xFFFFFE90] =	vst v1;
	v1 =	vmul.f32 v47, v31  }
0x33c: {  	v52 =	vld [tilespmem:s9+$0xFFFFFF10];
	[tilespmem:s9+$0xFFFFFEA0] =	vst v2;
	v2 =	vmul.f32 v48, v31  }
0x33d: {  	v53 =	vld [tilespmem:s9+$0xFFFFFF20];
	[tilespmem:s9+$0xFFFFFEB0] =	vst v1;
	v1 =	vmul.f32 v49, v31  }
0x33e: {  	v54 =	vld [tilespmem:s9+$0xFFFFFF30];
	[tilespmem:s9+$0xFFFFFEC0] =	vst v2;
	v2 =	vmul.f32 v50, v31  }
0x33f: {  	[tilespmem:s9+$0xFFFFFED0] =	vst v1;
	v1 =	vmul.f32 v3, v31;
	v3 =	vld [tilespmem:s9+$0xFFFFFF40]  }
0x340: {  	v55 =	vld [tilespmem:s9+$0xFFFFFF50];
	[tilespmem:s9+$0xFFFFFEE0] =	vst v2;
	v2 =	vmul.f32 v51, v31  }
0x341: {  	v56 =	vld [tilespmem:s9+$0xFFFFFF60];
	[tilespmem:s9+$0xFFFFFEF0] =	vst v1;
	v1 =	vmul.f32 v52, v32  }
0x342: {  	v57 =	vld [tilespmem:s9+$0xFFFFFF70];
	[tilespmem:s9+$0xFFFFFF00] =	vst v2;
	v2 =	vmul.f32 v53, v32  }
0x343: {  	v58 =	vld [tilespmem:s9+$0xFFFFFF90];
	[tilespmem:s9+$0xFFFFFF10] =	vst v1;
	v1 =	vmul.f32 v54, v32  }
0x344: {  	[tilespmem:s9+$0xFFFFFF20] =	vst v2;
	v2 =	vmul.f32 v3, v32;
	v3 =	vld [tilespmem:s9+$0xFFFFFFA0]  }
0x345: {  	v59 =	vld [tilespmem:s9+$0xFFFFFFB0];
	[tilespmem:s9+$0xFFFFFF30] =	vst v1;
	v1 =	vmul.f32 v55, v32  }
0x346: {  	v60 =	vld [tilespmem:s9+$0xFFFFFFC0];
	[tilespmem:s9+$0xFFFFFF40] =	vst v2;
	v2 =	vmul.f32 v56, v32  }
0x347: {  	v61 =	vld [tilespmem:s9+$0xFFFFFFD0];
	[tilespmem:s9+$0xFFFFFF50] =	vst v1;
	v1 =	vmul.f32 v57, v32  }
0x348: {  	v62 =	vld [tilespmem:s9+$0xFFFFFFE0];
	[tilespmem:s9+$0xFFFFFF60] =	vst v2;
	v2 =	vmul.f32 v58, v5  }
0x349: {  	[tilespmem:s9+$0xFFFFFF70] =	vst v1;
	v1 =	vmul.f32 v3, v5;
	v3 =	vld [tilespmem:s9+$0xFFFFFFF0]  }
0x34a: {  	v63 =	vld [tilespmem:s9+$0x0];
	[tilespmem:s9+$0xFFFFFF90] =	vst v2;
	v2 =	vmul.f32 v59, v5  }
0x34b: {  	[tilespmem:s9+$0xFFFFFFA0] =	vst v1;
	v1 =	vmul.f32 v60, v5  }
0x34c: {  	[tilespmem:s9+$0xFFFFFFB0] =	vst v2;
	v2 =	vmul.f32 v61, v5  }
0x34d: {  	[tilespmem:s9+$0xFFFFFFC0] =	vst v1;
	v1 =	vmul.f32 v62, v5  }
0x34e: {  	[tilespmem:s9+$0xFFFFFFD0] =	vst v2;
	v2 =	vmul.f32 v3, v5  }
0x34f: {  	[tilespmem:s9+$0xFFFFFFE0] =	vst v1;
	v1 =	vmul.f32 v63, v5  }
.Ltmp10:
0x350: {  	[tilespmem:s9+$0xFFFFFFF0] =	vst v2;
	(pc) =	sbr.rel @p1 .LBB2_18-.Ltmp10, $4  }
0x351: {  	[tilespmem:s9+$0x0] =	vst v1  }
0x352: {  	_ =	swait.ge [sflag:s6], $0x2000  }
0x353: {  	[sflag:s6] =	ssyncset.done $0x0  }
0x354: {  	[sflag:s6] =	ssyncadd.s32 $0xFFFFE000  }
0x355: {  	_ =	swait.ge [sflag:s4], $0x80  }
0x356: {  	[sflag:s4] =	ssyncset.done $0x0  }
0x357: {  	[sflag:s4] =	ssyncadd.s32 $0xFFFFFF80  }
0x358: {  	_ =	swait.ge [sflag:s4], $0x80  }
.Ltmp11:
0x359: {  	[sflag:s4] =	ssyncset.done $0x0;
	(pc) =	sbr.rel .LBB2_6-.Ltmp11, $4  }
0x35a: {  	s0 =	simm.s32 $0x80;
	s3 =	simm.s32 $0x7700;
	[sflag:s4] =	ssyncadd.s32 $0xFFFFFF80  }
0x35b: {  	[tilespmem:s3], [sflag:$0x3] =	stream.indirect.gather [hbm4b:s10+s5], $0x80, s0, s5, $0xb8;
	[tilespmem:$0x1FC00] =	vst v63  }
0x35c: {  	s25 =	simm.s32 $0x9700;
	s26 =	simm.s32 $0x500;
	s8 =	sadd.s32 $0x1, s8  }
0x35d: {  	[spmem:s13] =	stream.indirect.scatter.add.f32 [tilespmem:s25], [sflag:$0x7], $0x80, s26, s5, $0xb8;
	[tilespmem:$0x1FC00] =	vst v63  }
.LBB2_19:
0x35e: {  	_ =	sfence.sel $0x180000  }
0x35f: {  	[bflag:$0x0] =	sbarrier.arrive $0xFFFF  }
0x360: {  	_ =	strace $0x90000047  }
0x361: {  	s0 =	stileid.u32;
	[bflag:$0x2] =	sbarrier.arrive $0xFFFF  }
0x362: {  	p0 =	sne.s32 s0, $0x0;
	s0 =	rddreg [dreg:$0x4]  }
0x363: {  	s0 =	sadd.s32 @!p0 $0x100000, s0  }
0x364: {  	[sflag:s0] =	ssyncadd.tile.s32 @!p0 $0x1;
	_ =	shalt  }
.Lfunc_end2:
_tile_overlayer_lowered:
.L_overlay_start_2:
0x365: {  	(tag) =	ssettag $0x2  }
0x366: {  	s0 =	rddreg [dreg:$0x0];
	s2 =	stileid.u32  }
0x367: {  	s1 =	rddreg [dreg:$0x1];
	p0 =	sne.s32 s2, $0x0  }
0x368: {  	s3 =	rddreg [dreg:$0x2];
	[bflag:$0x3] =	sbarrier.arrive $0xFFFF;
	s2 =	simm.s32 @!p0 $0x1C0B  }
0x369: {  	[timem:s3], [sflag:s2] =	dma.local @!p0 [hbm:s0], s1  }
0x36a: {  	s0 =	simm.s32 @!p0 $0xB  }
0x36b: {  	_ =	swait.ge @!p0 [sflag:s0], s1  }
0x36c: {  	s1 =	ssub.s32 @!p0 $0x0, s1;
	[sflag:s0] =	ssyncset.done @!p0 $0x0  }
0x36d: {  	[sflag:s0] =	ssyncadd.s32 @!p0 s1  }
0x36e: {  	[bflag:$0x3] =	sbarrier.arrive $0xFFFF  }
0x36f: {  	_ =	shalt  }

</sc_bundles>
